<compile_context>
chip_gen: v7x
topology: tpu7x:2x2x1
jax: 0.10.2.dev20260603
libtpu: 0.0.44.dev20260713+nightly
codegen_flags: <defaults>
</compile_context>

<pallas_src>
import jax
import jax.numpy as jnp
from jax import lax
from jax.experimental import pallas as pl
from jax.experimental.pallas import tpu as pltpu
from jax.experimental.pallas import tpu_sc as plsc

_N = 100000
_NPAD = 100352
_D = 16
_LANE = 128
_GRP = 8
_NC, _NS = 2, 16
_NTILE = _NC * _NS
_EROWS = 1600000 // _LANE
_NFULL = _EROWS // _GRP
_TAIL_ROW = _NFULL * _GRP
_TAIL = _EROWS - _TAIL_ROW
_TROWS = _NPAD // _NS
_ZROWS = 98

_sc_mesh = plsc.VectorSubcoreMesh(core_axis_name="c", subcore_axis_name="s")
_sc_params = pltpu.CompilerParams(use_tc_tiling_on_sc=False)


def _make_edge_pass(with_deg):
    outs = [jax.ShapeDtypeStruct((_NC, _NPAD, _D), jnp.float32)]
    scratch = [
        pltpu.VMEM_SHARED((_NPAD, _D), jnp.float32),
        pltpu.VMEM((_GRP, _LANE), jnp.int32),
        pltpu.VMEM((_GRP, _LANE), jnp.int32),
        pltpu.VMEM((_TAIL, _LANE), jnp.int32),
        pltpu.VMEM((_TAIL, _LANE), jnp.int32),
        pltpu.VMEM((_GRP, _LANE, _D), jnp.float32),
        pltpu.VMEM((_ZROWS, _D), jnp.float32),
        pltpu.SemaphoreType.DMA,
        pltpu.SemaphoreType.DMA,
        pltpu.SemaphoreType.DMA,
    ]
    if with_deg:
        outs.append(jax.ShapeDtypeStruct((_NC, _NPAD), jnp.float32))
        scratch += [
            pltpu.VMEM_SHARED((_NPAD,), jnp.float32),
            pltpu.VMEM((_TROWS // 8,), jnp.float32),
            pltpu.VMEM((_LANE,), jnp.float32),
        ]

    def body(edges, table, *rest):
        if with_deg:
            (acc_out, deg_out, acc_sh, src_v, dst_v, src4_v, dst4_v, rows_v,
             zacc_v, sem_a, sem_b, sem_c, deg_sh, zdeg_v, ones_v) = rest
        else:
            (acc_out, acc_sh, src_v, dst_v, src4_v, dst4_v, rows_v,
             zacc_v, sem_a, sem_b, sem_c) = rest
        c = lax.axis_index("c")
        s = lax.axis_index("s")
        w = c * _NS + s
        t0 = s * _TROWS

        def zrow(i, carry):
            zacc_v[i, :] = jnp.zeros((_D,), jnp.float32)
            return carry
        lax.fori_loop(0, _ZROWS, zrow, 0)

        def zcopy(g, carry):
            pltpu.async_copy(
                zacc_v, acc_sh.at[pl.ds(t0 + g * _ZROWS, _ZROWS)], sem_a)
            return carry
        lax.fori_loop(0, _TROWS // _ZROWS, zcopy, 0)

        def zdrain(g, carry):
            pltpu.make_async_copy(
                zacc_v, acc_sh.at[pl.ds(t0 + g * _ZROWS, _ZROWS)],
                sem_a).wait()
            return carry
        lax.fori_loop(0, _TROWS // _ZROWS, zdrain, 0)

        if with_deg:
            def zdrow(i, carry):
                zdeg_v[pl.ds(i * 16, 16)] = jnp.zeros((16,), jnp.float32)
                return carry
            lax.fori_loop(0, _TROWS // 8 // 16, zdrow, 0)

            def zdcopy(g, carry):
                pltpu.async_copy(
                    zdeg_v,
                    deg_sh.at[pl.ds(t0 + g * (_TROWS // 8), _TROWS // 8)],
                    sem_b)
                return carry
            lax.fori_loop(0, 8, zdcopy, 0)

            def zddrain(g, carry):
                pltpu.make_async_copy(
                    zdeg_v,
                    deg_sh.at[pl.ds(t0 + g * (_TROWS // 8), _TROWS // 8)],
                    sem_b).wait()
                return carry
            lax.fori_loop(0, 8, zddrain, 0)

            def orow(i, carry):
                ones_v[pl.ds(i * 16, 16)] = jnp.ones((16,), jnp.float32)
                return carry
            lax.fori_loop(0, _LANE // 16, orow, 0)

        plsc.subcore_barrier()

        ngroups = jnp.where(w < _NFULL % _NTILE, _NFULL // _NTILE + 1,
                            _NFULL // _NTILE)

        half = _GRP // 2

        def group(g, carry):
            r0 = (g * _NTILE + w) * _GRP
            ia = pltpu.async_copy(edges.at[0, pl.ds(r0, _GRP)], src_v, sem_a)
            ib = pltpu.async_copy(edges.at[1, pl.ds(r0, _GRP)], dst_v, sem_b)
            ia.wait()
            ib.wait()
            ga = [
                pltpu.async_copy(table.at[src_v.at[j]], rows_v.at[j], sem_a)
                for j in range(half)
            ]
            gb = [
                pltpu.async_copy(table.at[src_v.at[j]], rows_v.at[j], sem_b)
                for j in range(half, _GRP)
            ]
            sc = []
            for d in ga:
                d.wait()
            for j in range(half):
                sc.append(pltpu.async_copy(
                    rows_v.at[j], acc_sh.at[dst_v.at[j]], sem_c, add=True))
                if with_deg:
                    sc.append(pltpu.async_copy(
                        ones_v, deg_sh.at[dst_v.at[j]], sem_c, add=True))
            for d in gb:
                d.wait()
            for j in range(half, _GRP):
                sc.append(pltpu.async_copy(
                    rows_v.at[j], acc_sh.at[dst_v.at[j]], sem_c, add=True))
                if with_deg:
                    sc.append(pltpu.async_copy(
                        ones_v, deg_sh.at[dst_v.at[j]], sem_c, add=True))
            for d in sc:
                d.wait()
            return carry
        lax.fori_loop(0, ngroups, group, 0)

        @pl.when(w == _NTILE - 1)
        def _tail():
            pltpu.sync_copy(edges.at[0, pl.ds(_TAIL_ROW, _TAIL)], src4_v)
            pltpu.sync_copy(edges.at[1, pl.ds(_TAIL_ROW, _TAIL)], dst4_v)
            descs = [
                pltpu.async_copy(table.at[src4_v.at[j]], rows_v.at[j], sem_a)
                for j in range(_TAIL)
            ]
            for d in descs:
                d.wait()
            for j in range(_TAIL):
                pltpu.sync_copy(rows_v.at[j], acc_sh.at[dst4_v.at[j]],
                                add=True)
            if with_deg:
                for j in range(_TAIL):
                    pltpu.sync_copy(ones_v, deg_sh.at[dst4_v.at[j]],
                                    add=True)

        plsc.subcore_barrier()
        pltpu.sync_copy(acc_sh.at[pl.ds(t0, _TROWS)],
                        acc_out.at[c, pl.ds(t0, _TROWS)])
        if with_deg:
            pltpu.sync_copy(deg_sh.at[pl.ds(t0, _TROWS)],
                            deg_out.at[c, pl.ds(t0, _TROWS)])

    return pl.kernel(
        body,
        out_type=tuple(outs) if with_deg else outs[0],
        mesh=_sc_mesh, scratch_types=scratch, compiler_params=_sc_params)


def _make_dinv_expand():
    npt = _NPAD // _NTILE
    scratch = [
        pltpu.VMEM((npt,), jnp.float32),
        pltpu.VMEM((npt,), jnp.float32),
        pltpu.VMEM((npt * 16,), jnp.float32),
    ]

    def body(degp, out, d0_v, d1_v, out_v):
        c = lax.axis_index("c")
        s = lax.axis_index("s")
        base = (c * _NS + s) * npt
        pltpu.sync_copy(degp.at[0, pl.ds(base, npt)], d0_v)
        pltpu.sync_copy(degp.at[1, pl.ds(base, npt)], d1_v)

        dnums = lax.GatherDimensionNumbers(
            offset_dims=(), collapsed_slice_dims=(0,), start_index_map=(0,))

        def vr(i, carry):
            v = d0_v[pl.ds(i * 16, 16)] + d1_v[pl.ds(i * 16, 16)]
            dinv = 1.0 / jnp.maximum(v, 1.0)
            for lane in range(16):
                idx = jnp.full((16, 1), lane, jnp.int32)
                out_v[pl.ds((i * 16 + lane) * 16, 16)] = lax.gather(
                    dinv, idx, dnums, slice_sizes=(1,),
                    mode=lax.GatherScatterMode.PROMISE_IN_BOUNDS)
            return carry
        lax.fori_loop(0, npt // 16, vr, 0)
        pltpu.sync_copy(out_v, out.at[pl.ds(base * 16, npt * 16)])

    return pl.kernel(
        body, out_type=jax.ShapeDtypeStruct((_NPAD * 16,), jnp.float32),
        mesh=_sc_mesh, scratch_types=scratch, compiler_params=_sc_params)


_PROWS = _NPAD * _D // 128
_XROWS = _N * _D // 128
_PBLK = 256
_PGRID = _PROWS // _PBLK

_edge_pass_deg = _make_edge_pass(True)
_edge_pass = _make_edge_pass(False)
_dinv_expand = _make_dinv_expand()


def _tc1_body(p_ref, dinv_ref, x_ref, k1, b1, k2, b2, g_ref, r_ref):
    mean = (p_ref[0] + p_ref[1]) * dinv_ref[...]
    a = jnp.concatenate([mean, x_ref[...]], axis=1)
    h = jnp.dot(a, k1[...], preferred_element_type=jnp.float32) + b1[...]
    h = jnp.maximum(h, 0.0)
    gr = jnp.dot(h, k2[...], preferred_element_type=jnp.float32)
    g_ref[...] = gr[:, :128]
    r_ref[...] = gr[:, 128:] + b2[...]


def _tc2_body(q_ref, dinv_ref, r_ref, o_ref):
    o_ref[...] = (q_ref[0] + q_ref[1]) * dinv_ref[...] + r_ref[...]


_prow_spec = pl.BlockSpec((_PBLK, 128), lambda i: (i, 0))
_ppart_spec = pl.BlockSpec((_NC, _PBLK, 128), lambda i: (0, i, 0))


def _w_spec(r, c):
    return pl.BlockSpec((r, c), lambda i: (0, 0))


_tc1 = pl.pallas_call(
    _tc1_body,
    grid=(_PGRID,),
    in_specs=[
        _ppart_spec, _prow_spec, _prow_spec,
        _w_spec(256, 256), _w_spec(1, 256),
        _w_spec(256, 256), _w_spec(1, 128),
    ],
    out_specs=[_prow_spec, _prow_spec],
    out_shape=[jax.ShapeDtypeStruct((_PROWS, 128), jnp.float32)] * 2,
)

_tc2 = pl.pallas_call(
    _tc2_body,
    grid=(_PGRID,),
    in_specs=[_ppart_spec, _prow_spec, _prow_spec],
    out_specs=pl.BlockSpec((_PBLK, 128), lambda i: (i, 0)),
    out_shape=jax.ShapeDtypeStruct((_XROWS, 128), jnp.float32),
)


def kernel(x, edge_index, W1_l, b1_l, W1_r, W2_l, b2_l, W2_r):
    edges = edge_index.reshape(2, _EROWS, _LANE)
    x1 = x.reshape(-1)
    eye8 = jnp.eye(8, dtype=jnp.float32)
    k1 = jnp.concatenate(
        [jnp.kron(eye8, W1_l), jnp.kron(eye8, W1_r)], axis=0)
    k2 = jnp.concatenate(
        [jnp.kron(eye8, W2_l), jnp.kron(eye8, W2_r)], axis=1)
    b1t = jnp.tile(b1_l, 8).reshape(1, -1)
    b2t = jnp.tile(b2_l, 8).reshape(1, -1)

    p1, degp = _edge_pass_deg(edges, x1.reshape(_N, _D))
    dinv = _dinv_expand(degp).reshape(_PROWS, 128)
    g, r0 = _tc1(p1.reshape(_NC, _PROWS, 128), dinv,
                 x1.reshape(_XROWS, 128), k1, b1t, k2, b2t)
    p2 = _edge_pass(edges, g.reshape(_NPAD, _D))
    out = _tc2(p2.reshape(_NC, _PROWS, 128), dinv, r0)
    return out.reshape(-1).reshape(_N, _D)

# --- scband reference (transcript-rebuilt; emitter-appended) ---
"""Pipeline reference for scband-gnnmodel-12558484373523 (READ-ONLY COPY).

The authoritative reference and input builder live on the scoring server;
editing this copy changes nothing except your own understanding.
"""

import jax, jax.numpy as jnp
import numpy as np

N = 100000
E = 1600000
D_IN = 16
D_HID = 32
D_OUT = 16


def setup_inputs(seed: int = 0) -> dict:
    key = jax.random.key(seed)
    ks = jax.random.split(key, 9)
    x = jax.random.normal(ks[0], (N, D_IN), dtype=jnp.float32)
    edge_index = jax.random.randint(ks[1], (2, E), 0, N, dtype=jnp.int32)
    # SAGEConv params: lin_l (neighbor aggregate, with bias), lin_r (root, no bias)
    s1 = 1.0 / np.sqrt(D_IN)
    s2 = 1.0 / np.sqrt(D_HID)
    W1_l = jax.random.uniform(ks[2], (D_IN, D_HID), jnp.float32, -s1, s1)
    b1_l = jax.random.uniform(ks[3], (D_HID,), jnp.float32, -s1, s1)
    W1_r = jax.random.uniform(ks[4], (D_IN, D_HID), jnp.float32, -s1, s1)
    W2_l = jax.random.uniform(ks[5], (D_HID, D_OUT), jnp.float32, -s2, s2)
    b2_l = jax.random.uniform(ks[6], (D_OUT,), jnp.float32, -s2, s2)
    W2_r = jax.random.uniform(ks[7], (D_HID, D_OUT), jnp.float32, -s2, s2)
    return {
        "x": x,
        "edge_index": edge_index,
        "W1_l": W1_l,
        "b1_l": b1_l,
        "W1_r": W1_r,
        "W2_l": W2_l,
        "b2_l": b2_l,
        "W2_r": W2_r,
    }


def _sage_conv(x, edge_index, W_l, b_l, W_r, num_nodes):
    # PyG SAGEConv with default mean aggregation:
    # out = lin_l(mean_{j in N(i)} x_j) + lin_r(x_i)
    src = edge_index[0]
    dst = edge_index[1]
    msgs = x[src]
    agg = jax.ops.segment_sum(msgs, dst, num_segments=num_nodes)
    deg = jax.ops.segment_sum(
        jnp.ones((edge_index.shape[1],), dtype=x.dtype), dst, num_segments=num_nodes
    )
    mean = agg / jnp.clip(deg, 1.0)[:, None]
    return mean @ W_l + b_l + x @ W_r


def reference(x, edge_index, W1_l, b1_l, W1_r, W2_l, b2_l, W2_r):
    n = x.shape[0]
    h = _sage_conv(x, edge_index, W1_l, b1_l, W1_r, n)
    h = jax.nn.relu(h)
    out = _sage_conv(h, edge_index, W2_l, b2_l, W2_r, n)
    return out

if __name__ == "__main__":
    import jax
    _d = setup_inputs()
    print(jax.jit(kernel)(*tuple(_d.values())))

</pallas_src>

<mosaic_0001>
#map = affine_map<(d0, d1) -> (0, 0)>
#map1 = affine_map<(d0, d1) -> (0)>
module attributes {stable_mosaic.version = 14 : i64} {
  func.func @body(%arg0: i32, %arg1: i32, %arg2: memref<2x100352xf32, #tpu.memory_space<hbm>>, %arg3: memref<1605632xf32, #tpu.memory_space<hbm>>, %arg4: memref<3136xf32, #tpu.memory_space<vmem>>, %arg5: memref<3136xf32, #tpu.memory_space<vmem>>, %arg6: memref<50176xf32, #tpu.memory_space<vmem>>) attributes {dimension_semantics = [#tpu.dimension_semantics<core_parallel>, #tpu.dimension_semantics<subcore_parallel>], iteration_bounds = array<i64: 2, 16>, scalar_prefetch = 0 : i64, scratch_operands = 3 : i64, tpu.core_type = #tpu.core_type<sc_vector_subcore>, window_params = [{transform_indices = #map}, {transform_indices = #map1}]} {
    %mul3A = arith.constant 16 : i32
    %mul3A_0 = arith.muli %arg0, %mul3A : i32
    %add3A = arith.addi %mul3A_0, %arg1 : i32
    %mul3A_1 = arith.constant 3136 : i32
    %mul3A_2 = arith.muli %add3A, %mul3A_1 : i32
    %run_scoped3A = arith.constant 0 : i32
    "tpu.region"() ({
      %run_scoped3A_11 = tpu.sem_alloc : memref<!tpu.dma_semaphore, #tpu.memory_space<semaphore_mem>>
      %dma_start3A = tpu.memref_slice %arg2[%run_scoped3A, %mul3A_2] : memref<2x100352xf32, #tpu.memory_space<hbm>> -> memref<1x3136xf32, #tpu.memory_space<hbm>>
      %dma_start3A_12 = tpu.memref_squeeze %dma_start3A : memref<1x3136xf32, #tpu.memory_space<hbm>> -> memref<3136xf32, #tpu.memory_space<hbm>>
      %dma_start3A_13 = tpu.memref_slice %arg2[%run_scoped3A, %mul3A_2] : memref<2x100352xf32, #tpu.memory_space<hbm>> -> memref<1x3136xf32, #tpu.memory_space<hbm>>
      %dma_start3A_14 = tpu.memref_squeeze %dma_start3A_13 : memref<1x3136xf32, #tpu.memory_space<hbm>> -> memref<3136xf32, #tpu.memory_space<hbm>>
      tpu.enqueue_dma source(%dma_start3A_14 : memref<3136xf32, #tpu.memory_space<hbm>>) target(%arg4 : memref<3136xf32, #tpu.memory_space<vmem>>) target_semaphore(%run_scoped3A_11 : memref<!tpu.dma_semaphore, #tpu.memory_space<semaphore_mem>>)
      %dma_wait3A = tpu.memref_slice %arg2[%run_scoped3A, %mul3A_2] : memref<2x100352xf32, #tpu.memory_space<hbm>> -> memref<1x3136xf32, #tpu.memory_space<hbm>>
      %dma_wait3A_15 = tpu.memref_squeeze %dma_wait3A : memref<1x3136xf32, #tpu.memory_space<hbm>> -> memref<3136xf32, #tpu.memory_space<hbm>>
      %dma_wait3A_16 = tpu.memref_slice %arg2[%run_scoped3A, %mul3A_2] : memref<2x100352xf32, #tpu.memory_space<hbm>> -> memref<1x3136xf32, #tpu.memory_space<hbm>>
      %dma_wait3A_17 = tpu.memref_squeeze %dma_wait3A_16 : memref<1x3136xf32, #tpu.memory_space<hbm>> -> memref<3136xf32, #tpu.memory_space<hbm>>
      tpu.wait_dma2 semaphore(%run_scoped3A_11 : memref<!tpu.dma_semaphore, #tpu.memory_space<semaphore_mem>>) src(%dma_wait3A_17 : memref<3136xf32, #tpu.memory_space<hbm>>) dst(%arg4 : memref<3136xf32, #tpu.memory_space<vmem>>)
      tpu.yield
    }) : () -> ()
    %run_scoped3A_3 = arith.constant 1 : i32
    "tpu.region"() ({
      %run_scoped3A_11 = tpu.sem_alloc : memref<!tpu.dma_semaphore, #tpu.memory_space<semaphore_mem>>
      %dma_start3A = tpu.memref_slice %arg2[%run_scoped3A_3, %mul3A_2] : memref<2x100352xf32, #tpu.memory_space<hbm>> -> memref<1x3136xf32, #tpu.memory_space<hbm>>
      %dma_start3A_12 = tpu.memref_squeeze %dma_start3A : memref<1x3136xf32, #tpu.memory_space<hbm>> -> memref<3136xf32, #tpu.memory_space<hbm>>
      %dma_start3A_13 = tpu.memref_slice %arg2[%run_scoped3A_3, %mul3A_2] : memref<2x100352xf32, #tpu.memory_space<hbm>> -> memref<1x3136xf32, #tpu.memory_space<hbm>>
      %dma_start3A_14 = tpu.memref_squeeze %dma_start3A_13 : memref<1x3136xf32, #tpu.memory_space<hbm>> -> memref<3136xf32, #tpu.memory_space<hbm>>
      tpu.enqueue_dma source(%dma_start3A_14 : memref<3136xf32, #tpu.memory_space<hbm>>) target(%arg5 : memref<3136xf32, #tpu.memory_space<vmem>>) target_semaphore(%run_scoped3A_11 : memref<!tpu.dma_semaphore, #tpu.memory_space<semaphore_mem>>)
      %dma_wait3A = tpu.memref_slice %arg2[%run_scoped3A_3, %mul3A_2] : memref<2x100352xf32, #tpu.memory_space<hbm>> -> memref<1x3136xf32, #tpu.memory_space<hbm>>
      %dma_wait3A_15 = tpu.memref_squeeze %dma_wait3A : memref<1x3136xf32, #tpu.memory_space<hbm>> -> memref<3136xf32, #tpu.memory_space<hbm>>
      %dma_wait3A_16 = tpu.memref_slice %arg2[%run_scoped3A_3, %mul3A_2] : memref<2x100352xf32, #tpu.memory_space<hbm>> -> memref<1x3136xf32, #tpu.memory_space<hbm>>
      %dma_wait3A_17 = tpu.memref_squeeze %dma_wait3A_16 : memref<1x3136xf32, #tpu.memory_space<hbm>> -> memref<3136xf32, #tpu.memory_space<hbm>>
      tpu.wait_dma2 semaphore(%run_scoped3A_11 : memref<!tpu.dma_semaphore, #tpu.memory_space<semaphore_mem>>) src(%dma_wait3A_17 : memref<3136xf32, #tpu.memory_space<hbm>>) dst(%arg5 : memref<3136xf32, #tpu.memory_space<vmem>>)
      tpu.yield
    }) : () -> ()
    %scan3A = arith.constant 0 : i32
    %scan3A_4 = arith.constant 0 : i32
    %scan3A_5 = arith.constant 196 : i32
    %scan3A_6 = arith.addi %scan3A_4, %scan3A_5 : i32
    %scan3A_7 = arith.constant 1 : i32
    scf.for %scan3A_11 = %scan3A_4 to %scan3A_6 step %scan3A_7  : i32 {
      %mul3A_12 = arith.constant 16 : i32
      %mul3A_13 = arith.muli %scan3A_11, %mul3A_12 : i32
      %get3A = arith.index_cast %mul3A_13 : i32 to index
      %get3A_14 = tpu.vector_load %arg4[%get3A] {strides = array<i32>} : memref<3136xf32, #tpu.memory_space<vmem>>, vector<16xf32>,
      %get3A_15 = vector.shape_cast %get3A_14 : vector<16xf32> to vector<16xf32>
      %mul3A_16 = arith.constant 16 : i32
      %mul3A_17 = arith.muli %scan3A_11, %mul3A_16 : i32
      %get3A_18 = arith.index_cast %mul3A_17 : i32 to index
      %get3A_19 = tpu.vector_load %arg5[%get3A_18] {strides = array<i32>} : memref<3136xf32, #tpu.memory_space<vmem>>, vector<16xf32>,
      %get3A_20 = vector.shape_cast %get3A_19 : vector<16xf32> to vector<16xf32>
      %add3A_21 = arith.addf %get3A_15, %get3A_20 : vector<16xf32>
      %max3A = arith.constant 1.000000e+00 : f32
      %max3A_22 = vector.broadcast %max3A : f32 to vector<16xf32>
      %max3A_23 = arith.maximumf %add3A_21, %max3A_22 : vector<16xf32>
      %div3A = arith.constant 1.000000e+00 : f32
      %div3A_24 = vector.broadcast %div3A : f32 to vector<16xf32>
      %div3A_25 = arith.divf %div3A_24, %max3A_23 : vector<16xf32>
      %broadcast_in_dim3A = arith.constant 0 : i32
      %broadcast_in_dim3A_26 = vector.broadcast %broadcast_in_dim3A : i32 to vector<16x1xi32>
      %gather3A = vector.shape_cast %broadcast_in_dim3A_26 : vector<16x1xi32> to vector<16xi32>
      %gather3A_27 = tpu.dynamic_gather %div3A_25[%gather3A] in [0] : vector<16xf32>, vector<16xi32> -> vector<16xf32>
      %mul3A_28 = arith.constant 16 : i32
      %mul3A_29 = arith.muli %scan3A_11, %mul3A_28 : i32
      %add3A_30 = arith.constant 0 : i32
      %add3A_31 = arith.addi %mul3A_29, %add3A_30 : i32
      %mul3A_32 = arith.constant 16 : i32
      %mul3A_33 = arith.muli %add3A_31, %mul3A_32 : i32
      %swap3A = arith.index_cast %mul3A_33 : i32 to index
      %swap3A_34 = tpu.vector_load %arg6[%swap3A] {strides = array<i32>} : memref<50176xf32, #tpu.memory_space<vmem>>, vector<16xf32>,
      %swap3A_35 = vector.shape_cast %swap3A_34 : vector<16xf32> to vector<16xf32>
      %swap3A_36 = vector.shape_cast %gather3A_27 : vector<16xf32> to vector<16xf32>
      tpu.vector_store %arg6[%swap3A], %swap3A_36 {strides = array<i32>} : memref<50176xf32, #tpu.memory_space<vmem>>, vector<16xf32>,
      %broadcast_in_dim3A_37 = arith.constant 1 : i32
      %broadcast_in_dim3A_38 = vector.broadcast %broadcast_in_dim3A_37 : i32 to vector<16x1xi32>
      %gather3A_39 = vector.shape_cast %broadcast_in_dim3A_38 : vector<16x1xi32> to vector<16xi32>
      %gather3A_40 = tpu.dynamic_gather %div3A_25[%gather3A_39] in [0] : vector<16xf32>, vector<16xi32> -> vector<16xf32>
      %mul3A_41 = arith.constant 16 : i32
      %mul3A_42 = arith.muli %scan3A_11, %mul3A_41 : i32
      %add3A_43 = arith.constant 1 : i32
      %add3A_44 = arith.addi %mul3A_42, %add3A_43 : i32
      %mul3A_45 = arith.constant 16 : i32
      %mul3A_46 = arith.muli %add3A_44, %mul3A_45 : i32
      %swap3A_47 = arith.index_cast %mul3A_46 : i32 to index
      %swap3A_48 = tpu.vector_load %arg6[%swap3A_47] {strides = array<i32>} : memref<50176xf32, #tpu.memory_space<vmem>>, vector<16xf32>,
      %swap3A_49 = vector.shape_cast %swap3A_48 : vector<16xf32> to vector<16xf32>
      %swap3A_50 = vector.shape_cast %gather3A_40 : vector<16xf32> to vector<16xf32>
      tpu.vector_store %arg6[%swap3A_47], %swap3A_50 {strides = array<i32>} : memref<50176xf32, #tpu.memory_space<vmem>>, vector<16xf32>,
      %broadcast_in_dim3A_51 = arith.constant 2 : i32
      %broadcast_in_dim3A_52 = vector.broadcast %broadcast_in_dim3A_51 : i32 to vector<16x1xi32>
      %gather3A_53 = vector.shape_cast %broadcast_in_dim3A_52 : vector<16x1xi32> to vector<16xi32>
      %gather3A_54 = tpu.dynamic_gather %div3A_25[%gather3A_53] in [0] : vector<16xf32>, vector<16xi32> -> vector<16xf32>
      %mul3A_55 = arith.constant 16 : i32
      %mul3A_56 = arith.muli %scan3A_11, %mul3A_55 : i32
      %add3A_57 = arith.constant 2 : i32
      %add3A_58 = arith.addi %mul3A_56, %add3A_57 : i32
      %mul3A_59 = arith.constant 16 : i32
      %mul3A_60 = arith.muli %add3A_58, %mul3A_59 : i32
      %swap3A_61 = arith.index_cast %mul3A_60 : i32 to index
      %swap3A_62 = tpu.vector_load %arg6[%swap3A_61] {strides = array<i32>} : memref<50176xf32, #tpu.memory_space<vmem>>, vector<16xf32>,
      %swap3A_63 = vector.shape_cast %swap3A_62 : vector<16xf32> to vector<16xf32>
      %swap3A_64 = vector.shape_cast %gather3A_54 : vector<16xf32> to vector<16xf32>
      tpu.vector_store %arg6[%swap3A_61], %swap3A_64 {strides = array<i32>} : memref<50176xf32, #tpu.memory_space<vmem>>, vector<16xf32>,
      %broadcast_in_dim3A_65 = arith.constant 3 : i32
      %broadcast_in_dim3A_66 = vector.broadcast %broadcast_in_dim3A_65 : i32 to vector<16x1xi32>
      %gather3A_67 = vector.shape_cast %broadcast_in_dim3A_66 : vector<16x1xi32> to vector<16xi32>
      %gather3A_68 = tpu.dynamic_gather %div3A_25[%gather3A_67] in [0] : vector<16xf32>, vector<16xi32> -> vector<16xf32>
      %mul3A_69 = arith.constant 16 : i32
      %mul3A_70 = arith.muli %scan3A_11, %mul3A_69 : i32
      %add3A_71 = arith.constant 3 : i32
      %add3A_72 = arith.addi %mul3A_70, %add3A_71 : i32
      %mul3A_73 = arith.constant 16 : i32
      %mul3A_74 = arith.muli %add3A_72, %mul3A_73 : i32
      %swap3A_75 = arith.index_cast %mul3A_74 : i32 to index
      %swap3A_76 = tpu.vector_load %arg6[%swap3A_75] {strides = array<i32>} : memref<50176xf32, #tpu.memory_space<vmem>>, vector<16xf32>,
      %swap3A_77 = vector.shape_cast %swap3A_76 : vector<16xf32> to vector<16xf32>
      %swap3A_78 = vector.shape_cast %gather3A_68 : vector<16xf32> to vector<16xf32>
      tpu.vector_store %arg6[%swap3A_75], %swap3A_78 {strides = array<i32>} : memref<50176xf32, #tpu.memory_space<vmem>>, vector<16xf32>,
      %broadcast_in_dim3A_79 = arith.constant 4 : i32
      %broadcast_in_dim3A_80 = vector.broadcast %broadcast_in_dim3A_79 : i32 to vector<16x1xi32>
      %gather3A_81 = vector.shape_cast %broadcast_in_dim3A_80 : vector<16x1xi32> to vector<16xi32>
      %gather3A_82 = tpu.dynamic_gather %div3A_25[%gather3A_81] in [0] : vector<16xf32>, vector<16xi32> -> vector<16xf32>
      %mul3A_83 = arith.constant 16 : i32
      %mul3A_84 = arith.muli %scan3A_11, %mul3A_83 : i32
      %add3A_85 = arith.constant 4 : i32
      %add3A_86 = arith.addi %mul3A_84, %add3A_85 : i32
      %mul3A_87 = arith.constant 16 : i32
      %mul3A_88 = arith.muli %add3A_86, %mul3A_87 : i32
      %swap3A_89 = arith.index_cast %mul3A_88 : i32 to index
      %swap3A_90 = tpu.vector_load %arg6[%swap3A_89] {strides = array<i32>} : memref<50176xf32, #tpu.memory_space<vmem>>, vector<16xf32>,
      %swap3A_91 = vector.shape_cast %swap3A_90 : vector<16xf32> to vector<16xf32>
      %swap3A_92 = vector.shape_cast %gather3A_82 : vector<16xf32> to vector<16xf32>
      tpu.vector_store %arg6[%swap3A_89], %swap3A_92 {strides = array<i32>} : memref<50176xf32, #tpu.memory_space<vmem>>, vector<16xf32>,
      %broadcast_in_dim3A_93 = arith.constant 5 : i32
      %broadcast_in_dim3A_94 = vector.broadcast %broadcast_in_dim3A_93 : i32 to vector<16x1xi32>
      %gather3A_95 = vector.shape_cast %broadcast_in_dim3A_94 : vector<16x1xi32> to vector<16xi32>
      %gather3A_96 = tpu.dynamic_gather %div3A_25[%gather3A_95] in [0] : vector<16xf32>, vector<16xi32> -> vector<16xf32>
      %mul3A_97 = arith.constant 16 : i32
      %mul3A_98 = arith.muli %scan3A_11, %mul3A_97 : i32
      %add3A_99 = arith.constant 5 : i32
      %add3A_100 = arith.addi %mul3A_98, %add3A_99 : i32
      %mul3A_101 = arith.constant 16 : i32
      %mul3A_102 = arith.muli %add3A_100, %mul3A_101 : i32
      %swap3A_103 = arith.index_cast %mul3A_102 : i32 to index
      %swap3A_104 = tpu.vector_load %arg6[%swap3A_103] {strides = array<i32>} : memref<50176xf32, #tpu.memory_space<vmem>>, vector<16xf32>,
      %swap3A_105 = vector.shape_cast %swap3A_104 : vector<16xf32> to vector<16xf32>
      %swap3A_106 = vector.shape_cast %gather3A_96 : vector<16xf32> to vector<16xf32>
      tpu.vector_store %arg6[%swap3A_103], %swap3A_106 {strides = array<i32>} : memref<50176xf32, #tpu.memory_space<vmem>>, vector<16xf32>,
      %broadcast_in_dim3A_107 = arith.constant 6 : i32
      %broadcast_in_dim3A_108 = vector.broadcast %broadcast_in_dim3A_107 : i32 to vector<16x1xi32>
      %gather3A_109 = vector.shape_cast %broadcast_in_dim3A_108 : vector<16x1xi32> to vector<16xi32>
      %gather3A_110 = tpu.dynamic_gather %div3A_25[%gather3A_109] in [0] : vector<16xf32>, vector<16xi32> -> vector<16xf32>
      %mul3A_111 = arith.constant 16 : i32
      %mul3A_112 = arith.muli %scan3A_11, %mul3A_111 : i32
      %add3A_113 = arith.constant 6 : i32
      %add3A_114 = arith.addi %mul3A_112, %add3A_113 : i32
      %mul3A_115 = arith.constant 16 : i32
      %mul3A_116 = arith.muli %add3A_114, %mul3A_115 : i32
      %swap3A_117 = arith.index_cast %mul3A_116 : i32 to index
      %swap3A_118 = tpu.vector_load %arg6[%swap3A_117] {strides = array<i32>} : memref<50176xf32, #tpu.memory_space<vmem>>, vector<16xf32>,
      %swap3A_119 = vector.shape_cast %swap3A_118 : vector<16xf32> to vector<16xf32>
      %swap3A_120 = vector.shape_cast %gather3A_110 : vector<16xf32> to vector<16xf32>
      tpu.vector_store %arg6[%swap3A_117], %swap3A_120 {strides = array<i32>} : memref<50176xf32, #tpu.memory_space<vmem>>, vector<16xf32>,
      %broadcast_in_dim3A_121 = arith.constant 7 : i32
      %broadcast_in_dim3A_122 = vector.broadcast %broadcast_in_dim3A_121 : i32 to vector<16x1xi32>
      %gather3A_123 = vector.shape_cast %broadcast_in_dim3A_122 : vector<16x1xi32> to vector<16xi32>
      %gather3A_124 = tpu.dynamic_gather %div3A_25[%gather3A_123] in [0] : vector<16xf32>, vector<16xi32> -> vector<16xf32>
      %mul3A_125 = arith.constant 16 : i32
      %mul3A_126 = arith.muli %scan3A_11, %mul3A_125 : i32
      %add3A_127 = arith.constant 7 : i32
      %add3A_128 = arith.addi %mul3A_126, %add3A_127 : i32
      %mul3A_129 = arith.constant 16 : i32
      %mul3A_130 = arith.muli %add3A_128, %mul3A_129 : i32
      %swap3A_131 = arith.index_cast %mul3A_130 : i32 to index
      %swap3A_132 = tpu.vector_load %arg6[%swap3A_131] {strides = array<i32>} : memref<50176xf32, #tpu.memory_space<vmem>>, vector<16xf32>,
      %swap3A_133 = vector.shape_cast %swap3A_132 : vector<16xf32> to vector<16xf32>
      %swap3A_134 = vector.shape_cast %gather3A_124 : vector<16xf32> to vector<16xf32>
      tpu.vector_store %arg6[%swap3A_131], %swap3A_134 {strides = array<i32>} : memref<50176xf32, #tpu.memory_space<vmem>>, vector<16xf32>,
      %broadcast_in_dim3A_135 = arith.constant 8 : i32
      %broadcast_in_dim3A_136 = vector.broadcast %broadcast_in_dim3A_135 : i32 to vector<16x1xi32>
      %gather3A_137 = vector.shape_cast %broadcast_in_dim3A_136 : vector<16x1xi32> to vector<16xi32>
      %gather3A_138 = tpu.dynamic_gather %div3A_25[%gather3A_137] in [0] : vector<16xf32>, vector<16xi32> -> vector<16xf32>
      %mul3A_139 = arith.constant 16 : i32
      %mul3A_140 = arith.muli %scan3A_11, %mul3A_139 : i32
      %add3A_141 = arith.constant 8 : i32
      %add3A_142 = arith.addi %mul3A_140, %add3A_141 : i32
      %mul3A_143 = arith.constant 16 : i32
      %mul3A_144 = arith.muli %add3A_142, %mul3A_143 : i32
      %swap3A_145 = arith.index_cast %mul3A_144 : i32 to index
      %swap3A_146 = tpu.vector_load %arg6[%swap3A_145] {strides = array<i32>} : memref<50176xf32, #tpu.memory_space<vmem>>, vector<16xf32>,
      %swap3A_147 = vector.shape_cast %swap3A_146 : vector<16xf32> to vector<16xf32>
      %swap3A_148 = vector.shape_cast %gather3A_138 : vector<16xf32> to vector<16xf32>
      tpu.vector_store %arg6[%swap3A_145], %swap3A_148 {strides = array<i32>} : memref<50176xf32, #tpu.memory_space<vmem>>, vector<16xf32>,
      %broadcast_in_dim3A_149 = arith.constant 9 : i32
      %broadcast_in_dim3A_150 = vector.broadcast %broadcast_in_dim3A_149 : i32 to vector<16x1xi32>
      %gather3A_151 = vector.shape_cast %broadcast_in_dim3A_150 : vector<16x1xi32> to vector<16xi32>
      %gather3A_152 = tpu.dynamic_gather %div3A_25[%gather3A_151] in [0] : vector<16xf32>, vector<16xi32> -> vector<16xf32>
      %mul3A_153 = arith.constant 16 : i32
      %mul3A_154 = arith.muli %scan3A_11, %mul3A_153 : i32
      %add3A_155 = arith.constant 9 : i32
      %add3A_156 = arith.addi %mul3A_154, %add3A_155 : i32
      %mul3A_157 = arith.constant 16 : i32
      %mul3A_158 = arith.muli %add3A_156, %mul3A_157 : i32
      %swap3A_159 = arith.index_cast %mul3A_158 : i32 to index
      %swap3A_160 = tpu.vector_load %arg6[%swap3A_159] {strides = array<i32>} : memref<50176xf32, #tpu.memory_space<vmem>>, vector<16xf32>,
      %swap3A_161 = vector.shape_cast %swap3A_160 : vector<16xf32> to vector<16xf32>
      %swap3A_162 = vector.shape_cast %gather3A_152 : vector<16xf32> to vector<16xf32>
      tpu.vector_store %arg6[%swap3A_159], %swap3A_162 {strides = array<i32>} : memref<50176xf32, #tpu.memory_space<vmem>>, vector<16xf32>,
      %broadcast_in_dim3A_163 = arith.constant 10 : i32
      %broadcast_in_dim3A_164 = vector.broadcast %broadcast_in_dim3A_163 : i32 to vector<16x1xi32>
      %gather3A_165 = vector.shape_cast %broadcast_in_dim3A_164 : vector<16x1xi32> to vector<16xi32>
      %gather3A_166 = tpu.dynamic_gather %div3A_25[%gather3A_165] in [0] : vector<16xf32>, vector<16xi32> -> vector<16xf32>
      %mul3A_167 = arith.constant 16 : i32
      %mul3A_168 = arith.muli %scan3A_11, %mul3A_167 : i32
      %add3A_169 = arith.constant 10 : i32
      %add3A_170 = arith.addi %mul3A_168, %add3A_169 : i32
      %mul3A_171 = arith.constant 16 : i32
      %mul3A_172 = arith.muli %add3A_170, %mul3A_171 : i32
      %swap3A_173 = arith.index_cast %mul3A_172 : i32 to index
      %swap3A_174 = tpu.vector_load %arg6[%swap3A_173] {strides = array<i32>} : memref<50176xf32, #tpu.memory_space<vmem>>, vector<16xf32>,
      %swap3A_175 = vector.shape_cast %swap3A_174 : vector<16xf32> to vector<16xf32>
      %swap3A_176 = vector.shape_cast %gather3A_166 : vector<16xf32> to vector<16xf32>
      tpu.vector_store %arg6[%swap3A_173], %swap3A_176 {strides = array<i32>} : memref<50176xf32, #tpu.memory_space<vmem>>, vector<16xf32>,
      %broadcast_in_dim3A_177 = arith.constant 11 : i32
      %broadcast_in_dim3A_178 = vector.broadcast %broadcast_in_dim3A_177 : i32 to vector<16x1xi32>
      %gather3A_179 = vector.shape_cast %broadcast_in_dim3A_178 : vector<16x1xi32> to vector<16xi32>
      %gather3A_180 = tpu.dynamic_gather %div3A_25[%gather3A_179] in [0] : vector<16xf32>, vector<16xi32> -> vector<16xf32>
      %mul3A_181 = arith.constant 16 : i32
      %mul3A_182 = arith.muli %scan3A_11, %mul3A_181 : i32
      %add3A_183 = arith.constant 11 : i32
      %add3A_184 = arith.addi %mul3A_182, %add3A_183 : i32
      %mul3A_185 = arith.constant 16 : i32
      %mul3A_186 = arith.muli %add3A_184, %mul3A_185 : i32
      %swap3A_187 = arith.index_cast %mul3A_186 : i32 to index
      %swap3A_188 = tpu.vector_load %arg6[%swap3A_187] {strides = array<i32>} : memref<50176xf32, #tpu.memory_space<vmem>>, vector<16xf32>,
      %swap3A_189 = vector.shape_cast %swap3A_188 : vector<16xf32> to vector<16xf32>
      %swap3A_190 = vector.shape_cast %gather3A_180 : vector<16xf32> to vector<16xf32>
      tpu.vector_store %arg6[%swap3A_187], %swap3A_190 {strides = array<i32>} : memref<50176xf32, #tpu.memory_space<vmem>>, vector<16xf32>,
      %broadcast_in_dim3A_191 = arith.constant 12 : i32
      %broadcast_in_dim3A_192 = vector.broadcast %broadcast_in_dim3A_191 : i32 to vector<16x1xi32>
      %gather3A_193 = vector.shape_cast %broadcast_in_dim3A_192 : vector<16x1xi32> to vector<16xi32>
      %gather3A_194 = tpu.dynamic_gather %div3A_25[%gather3A_193] in [0] : vector<16xf32>, vector<16xi32> -> vector<16xf32>
      %mul3A_195 = arith.constant 16 : i32
      %mul3A_196 = arith.muli %scan3A_11, %mul3A_195 : i32
      %add3A_197 = arith.constant 12 : i32
      %add3A_198 = arith.addi %mul3A_196, %add3A_197 : i32
      %mul3A_199 = arith.constant 16 : i32
      %mul3A_200 = arith.muli %add3A_198, %mul3A_199 : i32
      %swap3A_201 = arith.index_cast %mul3A_200 : i32 to index
      %swap3A_202 = tpu.vector_load %arg6[%swap3A_201] {strides = array<i32>} : memref<50176xf32, #tpu.memory_space<vmem>>, vector<16xf32>,
      %swap3A_203 = vector.shape_cast %swap3A_202 : vector<16xf32> to vector<16xf32>
      %swap3A_204 = vector.shape_cast %gather3A_194 : vector<16xf32> to vector<16xf32>
      tpu.vector_store %arg6[%swap3A_201], %swap3A_204 {strides = array<i32>} : memref<50176xf32, #tpu.memory_space<vmem>>, vector<16xf32>,
      %broadcast_in_dim3A_205 = arith.constant 13 : i32
      %broadcast_in_dim3A_206 = vector.broadcast %broadcast_in_dim3A_205 : i32 to vector<16x1xi32>
      %gather3A_207 = vector.shape_cast %broadcast_in_dim3A_206 : vector<16x1xi32> to vector<16xi32>
      %gather3A_208 = tpu.dynamic_gather %div3A_25[%gather3A_207] in [0] : vector<16xf32>, vector<16xi32> -> vector<16xf32>
      %mul3A_209 = arith.constant 16 : i32
      %mul3A_210 = arith.muli %scan3A_11, %mul3A_209 : i32
      %add3A_211 = arith.constant 13 : i32
      %add3A_212 = arith.addi %mul3A_210, %add3A_211 : i32
      %mul3A_213 = arith.constant 16 : i32
      %mul3A_214 = arith.muli %add3A_212, %mul3A_213 : i32
      %swap3A_215 = arith.index_cast %mul3A_214 : i32 to index
      %swap3A_216 = tpu.vector_load %arg6[%swap3A_215] {strides = array<i32>} : memref<50176xf32, #tpu.memory_space<vmem>>, vector<16xf32>,
      %swap3A_217 = vector.shape_cast %swap3A_216 : vector<16xf32> to vector<16xf32>
      %swap3A_218 = vector.shape_cast %gather3A_208 : vector<16xf32> to vector<16xf32>
      tpu.vector_store %arg6[%swap3A_215], %swap3A_218 {strides = array<i32>} : memref<50176xf32, #tpu.memory_space<vmem>>, vector<16xf32>,
      %broadcast_in_dim3A_219 = arith.constant 14 : i32
      %broadcast_in_dim3A_220 = vector.broadcast %broadcast_in_dim3A_219 : i32 to vector<16x1xi32>
      %gather3A_221 = vector.shape_cast %broadcast_in_dim3A_220 : vector<16x1xi32> to vector<16xi32>
      %gather3A_222 = tpu.dynamic_gather %div3A_25[%gather3A_221] in [0] : vector<16xf32>, vector<16xi32> -> vector<16xf32>
      %mul3A_223 = arith.constant 16 : i32
      %mul3A_224 = arith.muli %scan3A_11, %mul3A_223 : i32
      %add3A_225 = arith.constant 14 : i32
      %add3A_226 = arith.addi %mul3A_224, %add3A_225 : i32
      %mul3A_227 = arith.constant 16 : i32
      %mul3A_228 = arith.muli %add3A_226, %mul3A_227 : i32
      %swap3A_229 = arith.index_cast %mul3A_228 : i32 to index
      %swap3A_230 = tpu.vector_load %arg6[%swap3A_229] {strides = array<i32>} : memref<50176xf32, #tpu.memory_space<vmem>>, vector<16xf32>,
      %swap3A_231 = vector.shape_cast %swap3A_230 : vector<16xf32> to vector<16xf32>
      %swap3A_232 = vector.shape_cast %gather3A_222 : vector<16xf32> to vector<16xf32>
      tpu.vector_store %arg6[%swap3A_229], %swap3A_232 {strides = array<i32>} : memref<50176xf32, #tpu.memory_space<vmem>>, vector<16xf32>,
      %broadcast_in_dim3A_233 = arith.constant 15 : i32
      %broadcast_in_dim3A_234 = vector.broadcast %broadcast_in_dim3A_233 : i32 to vector<16x1xi32>
      %gather3A_235 = vector.shape_cast %broadcast_in_dim3A_234 : vector<16x1xi32> to vector<16xi32>
      %gather3A_236 = tpu.dynamic_gather %div3A_25[%gather3A_235] in [0] : vector<16xf32>, vector<16xi32> -> vector<16xf32>
      %mul3A_237 = arith.constant 16 : i32
      %mul3A_238 = arith.muli %scan3A_11, %mul3A_237 : i32
      %add3A_239 = arith.constant 15 : i32
      %add3A_240 = arith.addi %mul3A_238, %add3A_239 : i32
      %mul3A_241 = arith.constant 16 : i32
      %mul3A_242 = arith.muli %add3A_240, %mul3A_241 : i32
      %swap3A_243 = arith.index_cast %mul3A_242 : i32 to index
      %swap3A_244 = tpu.vector_load %arg6[%swap3A_243] {strides = array<i32>} : memref<50176xf32, #tpu.memory_space<vmem>>, vector<16xf32>,
      %swap3A_245 = vector.shape_cast %swap3A_244 : vector<16xf32> to vector<16xf32>
      %swap3A_246 = vector.shape_cast %gather3A_236 : vector<16xf32> to vector<16xf32>
      tpu.vector_store %arg6[%swap3A_243], %swap3A_246 {strides = array<i32>} : memref<50176xf32, #tpu.memory_space<vmem>>, vector<16xf32>,
    }
    %scan3A_8 = arith.constant 196 : i32
    %mul3A_9 = arith.constant 16 : i32
    %mul3A_10 = arith.muli %mul3A_2, %mul3A_9 : i32
    "tpu.region"() ({
      %run_scoped3A_11 = tpu.sem_alloc : memref<!tpu.dma_semaphore, #tpu.memory_space<semaphore_mem>>
      %dma_start3A = tpu.memref_slice %arg3[%mul3A_10] : memref<1605632xf32, #tpu.memory_space<hbm>> -> memref<50176xf32, #tpu.memory_space<hbm>>
      %dma_start3A_12 = tpu.memref_slice %arg3[%mul3A_10] : memref<1605632xf32, #tpu.memory_space<hbm>> -> memref<50176xf32, #tpu.memory_space<hbm>>
      tpu.enqueue_dma source(%arg6 : memref<50176xf32, #tpu.memory_space<vmem>>) target(%dma_start3A_12 : memref<50176xf32, #tpu.memory_space<hbm>>) target_semaphore(%run_scoped3A_11 : memref<!tpu.dma_semaphore, #tpu.memory_space<semaphore_mem>>)
      %dma_wait3A = tpu.memref_slice %arg3[%mul3A_10] : memref<1605632xf32, #tpu.memory_space<hbm>> -> memref<50176xf32, #tpu.memory_space<hbm>>
      %dma_wait3A_13 = tpu.memref_slice %arg3[%mul3A_10] : memref<1605632xf32, #tpu.memory_space<hbm>> -> memref<50176xf32, #tpu.memory_space<hbm>>
      tpu.wait_dma2 semaphore(%run_scoped3A_11 : memref<!tpu.dma_semaphore, #tpu.memory_space<semaphore_mem>>) src(%arg6 : memref<50176xf32, #tpu.memory_space<vmem>>) dst(%dma_wait3A_13 : memref<50176xf32, #tpu.memory_space<hbm>>)
      tpu.yield
    }) : () -> ()
    return
  }
}

#map = affine_map<(d0, d1) -> (0, 0, 0)>
#map1 = affine_map<(d0, d1) -> (0, 0)>
module attributes {stable_mosaic.version = 14 : i64} {
  func.func @body(%arg0: i32, %arg1: i32, %arg2: memref<2x12500x128xi32, #tpu.memory_space<hbm>>, %arg3: memref<100000x16xf32, #tpu.memory_space<hbm>>, %arg4: memref<2x100352x16xf32, #tpu.memory_space<hbm>>, %arg5: memref<2x100352xf32, #tpu.memory_space<hbm>>, %arg6: memref<100352x16xf32, #tpu.memory_space<vmem_shared>>, %arg7: memref<8x128xi32, #tpu.memory_space<vmem>>, %arg8: memref<8x128xi32, #tpu.memory_space<vmem>>, %arg9: memref<4x128xi32, #tpu.memory_space<vmem>>, %arg10: memref<4x128xi32, #tpu.memory_space<vmem>>, %arg11: memref<8x128x16xf32, #tpu.memory_space<vmem>>, %arg12: memref<98x16xf32, #tpu.memory_space<vmem>>, %arg13: memref<!tpu.dma_semaphore, #tpu.memory_space<semaphore_mem>>, %arg14: memref<!tpu.dma_semaphore, #tpu.memory_space<semaphore_mem>>, %arg15: memref<!tpu.dma_semaphore, #tpu.memory_space<semaphore_mem>>, %arg16: memref<100352xf32, #tpu.memory_space<vmem_shared>>, %arg17: memref<784xf32, #tpu.memory_space<vmem>>, %arg18: memref<128xf32, #tpu.memory_space<vmem>>) attributes {dimension_semantics = [#tpu.dimension_semantics<core_parallel>, #tpu.dimension_semantics<subcore_parallel>], iteration_bounds = array<i64: 2, 16>, scalar_prefetch = 0 : i64, scratch_operands = 13 : i64, tpu.core_type = #tpu.core_type<sc_vector_subcore>, window_params = [{transform_indices = #map}, {transform_indices = #map1}, {transform_indices = #map}, {transform_indices = #map1}]} {
    %mul3A = arith.constant 16 : i32
    %mul3A_0 = arith.muli %arg0, %mul3A : i32
    %add3A = arith.addi %mul3A_0, %arg1 : i32
    %mul3A_1 = arith.constant 6272 : i32
    %mul3A_2 = arith.muli %arg1, %mul3A_1 : i32
    %scan3A = arith.constant 0 : i32
    %scan3A_3 = arith.constant 0 : i32
    %scan3A_4 = arith.constant 98 : i32
    %scan3A_5 = arith.addi %scan3A_3, %scan3A_4 : i32
    %scan3A_6 = arith.constant 1 : i32
    scf.for %scan3A_58 = %scan3A_3 to %scan3A_5 step %scan3A_6  : i32 {
      %broadcast_in_dim3A = arith.constant 0.000000e+00 : f32
      %broadcast_in_dim3A_59 = vector.broadcast %broadcast_in_dim3A : f32 to vector<16xf32>
      %swap3A = arith.index_cast %scan3A_58 : i32 to index
      %swap3A_60 = arith.constant 0 : index
      %swap3A_61 = tpu.vector_load %arg12[%swap3A, %swap3A_60] {strides = array<i32>} : memref<98x16xf32, #tpu.memory_space<vmem>>, vector<1x16xf32>,
      %swap3A_62 = vector.shape_cast %swap3A_61 : vector<1x16xf32> to vector<16xf32>
      %swap3A_63 = vector.shape_cast %broadcast_in_dim3A_59 : vector<16xf32> to vector<1x16xf32>
      tpu.vector_store %arg12[%swap3A, %swap3A_60], %swap3A_63 {strides = array<i32>} : memref<98x16xf32, #tpu.memory_space<vmem>>, vector<1x16xf32>,
    }
    %scan3A_7 = arith.constant 98 : i32
    %scan3A_8 = arith.constant 0 : i32
    %scan3A_9 = arith.constant 0 : i32
    %scan3A_10 = arith.constant 64 : i32
    %scan3A_11 = arith.addi %scan3A_9, %scan3A_10 : i32
    %scan3A_12 = arith.constant 1 : i32
    scf.for %scan3A_58 = %scan3A_9 to %scan3A_11 step %scan3A_12  : i32 {
      %mul3A_59 = arith.constant 98 : i32
      %mul3A_60 = arith.muli %scan3A_58, %mul3A_59 : i32
      %add3A_61 = arith.addi %mul3A_2, %mul3A_60 : i32
      %dma_start3A = arith.constant 0 : i32
      %dma_start3A_62 = tpu.memref_slice %arg6[%add3A_61, %dma_start3A] : memref<100352x16xf32, #tpu.memory_space<vmem_shared>> -> memref<98x16xf32, #tpu.memory_space<vmem_shared>>
      %dma_start3A_63 = arith.constant 0 : i32
      %dma_start3A_64 = tpu.memref_slice %arg6[%add3A_61, %dma_start3A_63] : memref<100352x16xf32, #tpu.memory_space<vmem_shared>> -> memref<98x16xf32, #tpu.memory_space<vmem_shared>>
      tpu.enqueue_dma source(%arg12 : memref<98x16xf32, #tpu.memory_space<vmem>>) target(%dma_start3A_64 : memref<98x16xf32, #tpu.memory_space<vmem_shared>>) target_semaphore(%arg13 : memref<!tpu.dma_semaphore, #tpu.memory_space<semaphore_mem>>)
    }
    %scan3A_13 = arith.constant 64 : i32
    %scan3A_14 = arith.constant 0 : i32
    %scan3A_15 = arith.constant 0 : i32
    %scan3A_16 = arith.constant 64 : i32
    %scan3A_17 = arith.addi %scan3A_15, %scan3A_16 : i32
    %scan3A_18 = arith.constant 1 : i32
    scf.for %scan3A_58 = %scan3A_15 to %scan3A_17 step %scan3A_18  : i32 {
      %mul3A_59 = arith.constant 98 : i32
      %mul3A_60 = arith.muli %scan3A_58, %mul3A_59 : i32
      %add3A_61 = arith.addi %mul3A_2, %mul3A_60 : i32
      %dma_wait3A = arith.constant 0 : i32
      %dma_wait3A_62 = tpu.memref_slice %arg6[%add3A_61, %dma_wait3A] : memref<100352x16xf32, #tpu.memory_space<vmem_shared>> -> memref<98x16xf32, #tpu.memory_space<vmem_shared>>
      %dma_wait3A_63 = arith.constant 0 : i32
      %dma_wait3A_64 = tpu.memref_slice %arg6[%add3A_61, %dma_wait3A_63] : memref<100352x16xf32, #tpu.memory_space<vmem_shared>> -> memref<98x16xf32, #tpu.memory_space<vmem_shared>>
      tpu.wait_dma2 semaphore(%arg13 : memref<!tpu.dma_semaphore, #tpu.memory_space<semaphore_mem>>) src(%arg12 : memref<98x16xf32, #tpu.memory_space<vmem>>) dst(%dma_wait3A_64 : memref<98x16xf32, #tpu.memory_space<vmem_shared>>)
    }
    %scan3A_19 = arith.constant 64 : i32
    %scan3A_20 = arith.constant 0 : i32
    %scan3A_21 = arith.constant 0 : i32
    %scan3A_22 = arith.constant 49 : i32
    %scan3A_23 = arith.addi %scan3A_21, %scan3A_22 : i32
    %scan3A_24 = arith.constant 1 : i32
    scf.for %scan3A_58 = %scan3A_21 to %scan3A_23 step %scan3A_24  : i32 {
      %broadcast_in_dim3A = arith.constant 0.000000e+00 : f32
      %broadcast_in_dim3A_59 = vector.broadcast %broadcast_in_dim3A : f32 to vector<16xf32>
      %mul3A_60 = arith.constant 16 : i32
      %mul3A_61 = arith.muli %scan3A_58, %mul3A_60 : i32
      %swap3A = arith.index_cast %mul3A_61 : i32 to index
      %swap3A_62 = tpu.vector_load %arg17[%swap3A] {strides = array<i32>} : memref<784xf32, #tpu.memory_space<vmem>>, vector<16xf32>,
      %swap3A_63 = vector.shape_cast %swap3A_62 : vector<16xf32> to vector<16xf32>
      %swap3A_64 = vector.shape_cast %broadcast_in_dim3A_59 : vector<16xf32> to vector<16xf32>
      tpu.vector_store %arg17[%swap3A], %swap3A_64 {strides = array<i32>} : memref<784xf32, #tpu.memory_space<vmem>>, vector<16xf32>,
    }
    %scan3A_25 = arith.constant 49 : i32
    %scan3A_26 = arith.constant 0 : i32
    %scan3A_27 = arith.constant 0 : i32
    %scan3A_28 = arith.constant 8 : i32
    %scan3A_29 = arith.addi %scan3A_27, %scan3A_28 : i32
    %scan3A_30 = arith.constant 1 : i32
    scf.for %scan3A_58 = %scan3A_27 to %scan3A_29 step %scan3A_30  : i32 {
      %mul3A_59 = arith.constant 784 : i32
      %mul3A_60 = arith.muli %scan3A_58, %mul3A_59 : i32
      %add3A_61 = arith.addi %mul3A_2, %mul3A_60 : i32
      %dma_start3A = tpu.memref_slice %arg16[%add3A_61] : memref<100352xf32, #tpu.memory_space<vmem_shared>> -> memref<784xf32, #tpu.memory_space<vmem_shared>>
      %dma_start3A_62 = tpu.memref_slice %arg16[%add3A_61] : memref<100352xf32, #tpu.memory_space<vmem_shared>> -> memref<784xf32, #tpu.memory_space<vmem_shared>>
      tpu.enqueue_dma source(%arg17 : memref<784xf32, #tpu.memory_space<vmem>>) target(%dma_start3A_62 : memref<784xf32, #tpu.memory_space<vmem_shared>>) target_semaphore(%arg14 : memref<!tpu.dma_semaphore, #tpu.memory_space<semaphore_mem>>)
    }
    %scan3A_31 = arith.constant 8 : i32
    %scan3A_32 = arith.constant 0 : i32
    %scan3A_33 = arith.constant 0 : i32
    %scan3A_34 = arith.constant 8 : i32
    %scan3A_35 = arith.addi %scan3A_33, %scan3A_34 : i32
    %scan3A_36 = arith.constant 1 : i32
    scf.for %scan3A_58 = %scan3A_33 to %scan3A_35 step %scan3A_36  : i32 {
      %mul3A_59 = arith.constant 784 : i32
      %mul3A_60 = arith.muli %scan3A_58, %mul3A_59 : i32
      %add3A_61 = arith.addi %mul3A_2, %mul3A_60 : i32
      %dma_wait3A = tpu.memref_slice %arg16[%add3A_61] : memref<100352xf32, #tpu.memory_space<vmem_shared>> -> memref<784xf32, #tpu.memory_space<vmem_shared>>
      %dma_wait3A_62 = tpu.memref_slice %arg16[%add3A_61] : memref<100352xf32, #tpu.memory_space<vmem_shared>> -> memref<784xf32, #tpu.memory_space<vmem_shared>>
      tpu.wait_dma2 semaphore(%arg14 : memref<!tpu.dma_semaphore, #tpu.memory_space<semaphore_mem>>) src(%arg17 : memref<784xf32, #tpu.memory_space<vmem>>) dst(%dma_wait3A_62 : memref<784xf32, #tpu.memory_space<vmem_shared>>)
    }
    %scan3A_37 = arith.constant 8 : i32
    %scan3A_38 = arith.constant 0 : i32
    %scan3A_39 = arith.constant 0 : i32
    %scan3A_40 = arith.constant 8 : i32
    %scan3A_41 = arith.addi %scan3A_39, %scan3A_40 : i32
    %scan3A_42 = arith.constant 1 : i32
    scf.for %scan3A_58 = %scan3A_39 to %scan3A_41 step %scan3A_42  : i32 {
      %broadcast_in_dim3A = arith.constant 1.000000e+00 : f32
      %broadcast_in_dim3A_59 = vector.broadcast %broadcast_in_dim3A : f32 to vector<16xf32>
      %mul3A_60 = arith.constant 16 : i32
      %mul3A_61 = arith.muli %scan3A_58, %mul3A_60 : i32
      %swap3A = arith.index_cast %mul3A_61 : i32 to index
      %swap3A_62 = tpu.vector_load %arg18[%swap3A] {strides = array<i32>} : memref<128xf32, #tpu.memory_space<vmem>>, vector<16xf32>,
      %swap3A_63 = vector.shape_cast %swap3A_62 : vector<16xf32> to vector<16xf32>
      %swap3A_64 = vector.shape_cast %broadcast_in_dim3A_59 : vector<16xf32> to vector<16xf32>
      tpu.vector_store %arg18[%swap3A], %swap3A_64 {strides = array<i32>} : memref<128xf32, #tpu.memory_space<vmem>>, vector<16xf32>,
    }
    %scan3A_43 = arith.constant 8 : i32
    %barrier3A = arith.constant 0 : index
    tpu.barrier barrier_id(%barrier3A)
    %lt3A = arith.constant 26 : i32
    %lt3A_44 = arith.cmpi slt, %add3A, %lt3A : i32
    %jit3A = arith.constant 49 : i32
    %jit3A_45 = arith.constant 48 : i32
    %select_n3A = arith.select %lt3A_44, %jit3A, %jit3A_45 : i32
    %while3A = arith.constant 0 : i32
    %while3A_46 = arith.constant 0 : i32
    %while3A_47 = arith.subi %select_n3A, %while3A_46 : i32
    %while3A_48 = arith.addi %while3A_46, %while3A_47 : i32
    %while3A_49 = arith.constant 1 : i32
    %while3A_50 = arith.divsi %while3A_47, %while3A_49 : i32
    %while3A_51 = arith.muli %while3A_50, %while3A_49 : i32
    %while3A_52 = arith.addi %while3A_46, %while3A_51 : i32
    %while3A_53 = arith.constant 1 : i32
    scf.for %while3A_58 = %while3A_46 to %while3A_52 step %while3A_53  : i32 {
      %mul3A_59 = arith.constant 32 : i32
      %mul3A_60 = arith.muli %while3A_58, %mul3A_59 : i32
      %add3A_61 = arith.addi %mul3A_60, %add3A : i32
      %mul3A_62 = arith.constant 8 : i32
      %mul3A_63 = arith.muli %add3A_61, %mul3A_62 : i32
      %dma_start3A = arith.constant 0 : i32
      %dma_start3A_64 = arith.constant 0 : i32
      %dma_start3A_65 = tpu.memref_slice %arg2[%dma_start3A, %mul3A_63, %dma_start3A_64] : memref<2x12500x128xi32, #tpu.memory_space<hbm>> -> memref<1x8x128xi32, #tpu.memory_space<hbm>>
      %dma_start3A_66 = tpu.memref_squeeze %dma_start3A_65 : memref<1x8x128xi32, #tpu.memory_space<hbm>> -> memref<8x128xi32, #tpu.memory_space<hbm>>
      %dma_start3A_67 = arith.constant 0 : i32
      %dma_start3A_68 = tpu.memref_slice %arg2[%dma_start3A, %mul3A_63, %dma_start3A_67] : memref<2x12500x128xi32, #tpu.memory_space<hbm>> -> memref<1x8x128xi32, #tpu.memory_space<hbm>>
      %dma_start3A_69 = tpu.memref_squeeze %dma_start3A_68 : memref<1x8x128xi32, #tpu.memory_space<hbm>> -> memref<8x128xi32, #tpu.memory_space<hbm>>
      tpu.enqueue_dma source(%dma_start3A_69 : memref<8x128xi32, #tpu.memory_space<hbm>>) target(%arg7 : memref<8x128xi32, #tpu.memory_space<vmem>>) target_semaphore(%arg13 : memref<!tpu.dma_semaphore, #tpu.memory_space<semaphore_mem>>)
      %dma_start3A_70 = arith.constant 1 : i32
      %dma_start3A_71 = arith.constant 0 : i32
      %dma_start3A_72 = tpu.memref_slice %arg2[%dma_start3A_70, %mul3A_63, %dma_start3A_71] : memref<2x12500x128xi32, #tpu.memory_space<hbm>> -> memref<1x8x128xi32, #tpu.memory_space<hbm>>
      %dma_start3A_73 = tpu.memref_squeeze %dma_start3A_72 : memref<1x8x128xi32, #tpu.memory_space<hbm>> -> memref<8x128xi32, #tpu.memory_space<hbm>>
      %dma_start3A_74 = arith.constant 0 : i32
      %dma_start3A_75 = tpu.memref_slice %arg2[%dma_start3A_70, %mul3A_63, %dma_start3A_74] : memref<2x12500x128xi32, #tpu.memory_space<hbm>> -> memref<1x8x128xi32, #tpu.memory_space<hbm>>
      %dma_start3A_76 = tpu.memref_squeeze %dma_start3A_75 : memref<1x8x128xi32, #tpu.memory_space<hbm>> -> memref<8x128xi32, #tpu.memory_space<hbm>>
      tpu.enqueue_dma source(%dma_start3A_76 : memref<8x128xi32, #tpu.memory_space<hbm>>) target(%arg8 : memref<8x128xi32, #tpu.memory_space<vmem>>) target_semaphore(%arg14 : memref<!tpu.dma_semaphore, #tpu.memory_space<semaphore_mem>>)
      %dma_wait3A = arith.constant 0 : i32
      %dma_wait3A_77 = arith.constant 0 : i32
      %dma_wait3A_78 = tpu.memref_slice %arg2[%dma_wait3A, %mul3A_63, %dma_wait3A_77] : memref<2x12500x128xi32, #tpu.memory_space<hbm>> -> memref<1x8x128xi32, #tpu.memory_space<hbm>>
      %dma_wait3A_79 = tpu.memref_squeeze %dma_wait3A_78 : memref<1x8x128xi32, #tpu.memory_space<hbm>> -> memref<8x128xi32, #tpu.memory_space<hbm>>
      %dma_wait3A_80 = arith.constant 0 : i32
      %dma_wait3A_81 = tpu.memref_slice %arg2[%dma_wait3A, %mul3A_63, %dma_wait3A_80] : memref<2x12500x128xi32, #tpu.memory_space<hbm>> -> memref<1x8x128xi32, #tpu.memory_space<hbm>>
      %dma_wait3A_82 = tpu.memref_squeeze %dma_wait3A_81 : memref<1x8x128xi32, #tpu.memory_space<hbm>> -> memref<8x128xi32, #tpu.memory_space<hbm>>
      tpu.wait_dma2 semaphore(%arg13 : memref<!tpu.dma_semaphore, #tpu.memory_space<semaphore_mem>>) src(%dma_wait3A_82 : memref<8x128xi32, #tpu.memory_space<hbm>>) dst(%arg7 : memref<8x128xi32, #tpu.memory_space<vmem>>)
      %dma_wait3A_83 = arith.constant 1 : i32
      %dma_wait3A_84 = arith.constant 0 : i32
      %dma_wait3A_85 = tpu.memref_slice %arg2[%dma_wait3A_83, %mul3A_63, %dma_wait3A_84] : memref<2x12500x128xi32, #tpu.memory_space<hbm>> -> memref<1x8x128xi32, #tpu.memory_space<hbm>>
      %dma_wait3A_86 = tpu.memref_squeeze %dma_wait3A_85 : memref<1x8x128xi32, #tpu.memory_space<hbm>> -> memref<8x128xi32, #tpu.memory_space<hbm>>
      %dma_wait3A_87 = arith.constant 0 : i32
      %dma_wait3A_88 = tpu.memref_slice %arg2[%dma_wait3A_83, %mul3A_63, %dma_wait3A_87] : memref<2x12500x128xi32, #tpu.memory_space<hbm>> -> memref<1x8x128xi32, #tpu.memory_space<hbm>>
      %dma_wait3A_89 = tpu.memref_squeeze %dma_wait3A_88 : memref<1x8x128xi32, #tpu.memory_space<hbm>> -> memref<8x128xi32, #tpu.memory_space<hbm>>
      tpu.wait_dma2 semaphore(%arg14 : memref<!tpu.dma_semaphore, #tpu.memory_space<semaphore_mem>>) src(%dma_wait3A_89 : memref<8x128xi32, #tpu.memory_space<hbm>>) dst(%arg8 : memref<8x128xi32, #tpu.memory_space<vmem>>)
      %dma_start3A_90 = arith.constant 0 : i32
      %dma_start3A_91 = arith.constant 0 : i32
      %dma_start3A_92 = arith.constant 0 : i32
      %dma_start3A_93 = arith.constant 0 : i32
      %dma_start3A_94 = tpu.memref_slice %arg11[%dma_start3A_91, %dma_start3A_92, %dma_start3A_93] : memref<8x128x16xf32, #tpu.memory_space<vmem>> -> memref<1x128x16xf32, #tpu.memory_space<vmem>>
      %dma_start3A_95 = tpu.memref_squeeze %dma_start3A_94 : memref<1x128x16xf32, #tpu.memory_space<vmem>> -> memref<128x16xf32, #tpu.memory_space<vmem>>
      %dma_start3A_96 = arith.constant 0 : i32
      %dma_start3A_97 = tpu.memref_slice %arg7[%dma_start3A_90, %dma_start3A_96] : memref<8x128xi32, #tpu.memory_space<vmem>> -> memref<1x128xi32, #tpu.memory_space<vmem>>
      %dma_start3A_98 = tpu.memref_squeeze %dma_start3A_97 : memref<1x128xi32, #tpu.memory_space<vmem>> -> memref<128xi32, #tpu.memory_space<vmem>>
      %dma_start3A_99 = arith.constant 0 : i32
      %dma_start3A_100 = arith.constant 0 : i32
      %dma_start3A_101 = tpu.memref_slice %arg3[%dma_start3A_99, %dma_start3A_100] : memref<100000x16xf32, #tpu.memory_space<hbm>> -> memref<100000x16xf32, #tpu.memory_space<hbm>>
      tpu.enqueue_indirect_dma source(%dma_start3A_101 : memref<100000x16xf32, #tpu.memory_space<hbm>>) target(%dma_start3A_95 : memref<128x16xf32, #tpu.memory_space<vmem>>) offsets(%dma_start3A_98 : memref<128xi32, #tpu.memory_space<vmem>>) semaphore(%arg13 : memref<!tpu.dma_semaphore, #tpu.memory_space<semaphore_mem>>)
      %dma_start3A_102 = arith.constant 1 : i32
      %dma_start3A_103 = arith.constant 1 : i32
      %dma_start3A_104 = arith.constant 0 : i32
      %dma_start3A_105 = arith.constant 0 : i32
      %dma_start3A_106 = tpu.memref_slice %arg11[%dma_start3A_103, %dma_start3A_104, %dma_start3A_105] : memref<8x128x16xf32, #tpu.memory_space<vmem>> -> memref<1x128x16xf32, #tpu.memory_space<vmem>>
      %dma_start3A_107 = tpu.memref_squeeze %dma_start3A_106 : memref<1x128x16xf32, #tpu.memory_space<vmem>> -> memref<128x16xf32, #tpu.memory_space<vmem>>
      %dma_start3A_108 = arith.constant 0 : i32
      %dma_start3A_109 = tpu.memref_slice %arg7[%dma_start3A_102, %dma_start3A_108] : memref<8x128xi32, #tpu.memory_space<vmem>> -> memref<1x128xi32, #tpu.memory_space<vmem>>
      %dma_start3A_110 = tpu.memref_squeeze %dma_start3A_109 : memref<1x128xi32, #tpu.memory_space<vmem>> -> memref<128xi32, #tpu.memory_space<vmem>>
      %dma_start3A_111 = arith.constant 0 : i32
      %dma_start3A_112 = arith.constant 0 : i32
      %dma_start3A_113 = tpu.memref_slice %arg3[%dma_start3A_111, %dma_start3A_112] : memref<100000x16xf32, #tpu.memory_space<hbm>> -> memref<100000x16xf32, #tpu.memory_space<hbm>>
      tpu.enqueue_indirect_dma source(%dma_start3A_113 : memref<100000x16xf32, #tpu.memory_space<hbm>>) target(%dma_start3A_107 : memref<128x16xf32, #tpu.memory_space<vmem>>) offsets(%dma_start3A_110 : memref<128xi32, #tpu.memory_space<vmem>>) semaphore(%arg13 : memref<!tpu.dma_semaphore, #tpu.memory_space<semaphore_mem>>)
      %dma_start3A_114 = arith.constant 2 : i32
      %dma_start3A_115 = arith.constant 2 : i32
      %dma_start3A_116 = arith.constant 0 : i32
      %dma_start3A_117 = arith.constant 0 : i32
      %dma_start3A_118 = tpu.memref_slice %arg11[%dma_start3A_115, %dma_start3A_116, %dma_start3A_117] : memref<8x128x16xf32, #tpu.memory_space<vmem>> -> memref<1x128x16xf32, #tpu.memory_space<vmem>>
      %dma_start3A_119 = tpu.memref_squeeze %dma_start3A_118 : memref<1x128x16xf32, #tpu.memory_space<vmem>> -> memref<128x16xf32, #tpu.memory_space<vmem>>
      %dma_start3A_120 = arith.constant 0 : i32
      %dma_start3A_121 = tpu.memref_slice %arg7[%dma_start3A_114, %dma_start3A_120] : memref<8x128xi32, #tpu.memory_space<vmem>> -> memref<1x128xi32, #tpu.memory_space<vmem>>
      %dma_start3A_122 = tpu.memref_squeeze %dma_start3A_121 : memref<1x128xi32, #tpu.memory_space<vmem>> -> memref<128xi32, #tpu.memory_space<vmem>>
      %dma_start3A_123 = arith.constant 0 : i32
      %dma_start3A_124 = arith.constant 0 : i32
      %dma_start3A_125 = tpu.memref_slice %arg3[%dma_start3A_123, %dma_start3A_124] : memref<100000x16xf32, #tpu.memory_space<hbm>> -> memref<100000x16xf32, #tpu.memory_space<hbm>>
      tpu.enqueue_indirect_dma source(%dma_start3A_125 : memref<100000x16xf32, #tpu.memory_space<hbm>>) target(%dma_start3A_119 : memref<128x16xf32, #tpu.memory_space<vmem>>) offsets(%dma_start3A_122 : memref<128xi32, #tpu.memory_space<vmem>>) semaphore(%arg13 : memref<!tpu.dma_semaphore, #tpu.memory_space<semaphore_mem>>)
      %dma_start3A_126 = arith.constant 3 : i32
      %dma_start3A_127 = arith.constant 3 : i32
      %dma_start3A_128 = arith.constant 0 : i32
      %dma_start3A_129 = arith.constant 0 : i32
      %dma_start3A_130 = tpu.memref_slice %arg11[%dma_start3A_127, %dma_start3A_128, %dma_start3A_129] : memref<8x128x16xf32, #tpu.memory_space<vmem>> -> memref<1x128x16xf32, #tpu.memory_space<vmem>>
      %dma_start3A_131 = tpu.memref_squeeze %dma_start3A_130 : memref<1x128x16xf32, #tpu.memory_space<vmem>> -> memref<128x16xf32, #tpu.memory_space<vmem>>
      %dma_start3A_132 = arith.constant 0 : i32
      %dma_start3A_133 = tpu.memref_slice %arg7[%dma_start3A_126, %dma_start3A_132] : memref<8x128xi32, #tpu.memory_space<vmem>> -> memref<1x128xi32, #tpu.memory_space<vmem>>
      %dma_start3A_134 = tpu.memref_squeeze %dma_start3A_133 : memref<1x128xi32, #tpu.memory_space<vmem>> -> memref<128xi32, #tpu.memory_space<vmem>>
      %dma_start3A_135 = arith.constant 0 : i32
      %dma_start3A_136 = arith.constant 0 : i32
      %dma_start3A_137 = tpu.memref_slice %arg3[%dma_start3A_135, %dma_start3A_136] : memref<100000x16xf32, #tpu.memory_space<hbm>> -> memref<100000x16xf32, #tpu.memory_space<hbm>>
      tpu.enqueue_indirect_dma source(%dma_start3A_137 : memref<100000x16xf32, #tpu.memory_space<hbm>>) target(%dma_start3A_131 : memref<128x16xf32, #tpu.memory_space<vmem>>) offsets(%dma_start3A_134 : memref<128xi32, #tpu.memory_space<vmem>>) semaphore(%arg13 : memref<!tpu.dma_semaphore, #tpu.memory_space<semaphore_mem>>)
      %dma_start3A_138 = arith.constant 4 : i32
      %dma_start3A_139 = arith.constant 4 : i32
      %dma_start3A_140 = arith.constant 0 : i32
      %dma_start3A_141 = arith.constant 0 : i32
      %dma_start3A_142 = tpu.memref_slice %arg11[%dma_start3A_139, %dma_start3A_140, %dma_start3A_141] : memref<8x128x16xf32, #tpu.memory_space<vmem>> -> memref<1x128x16xf32, #tpu.memory_space<vmem>>
      %dma_start3A_143 = tpu.memref_squeeze %dma_start3A_142 : memref<1x128x16xf32, #tpu.memory_space<vmem>> -> memref<128x16xf32, #tpu.memory_space<vmem>>
      %dma_start3A_144 = arith.constant 0 : i32
      %dma_start3A_145 = tpu.memref_slice %arg7[%dma_start3A_138, %dma_start3A_144] : memref<8x128xi32, #tpu.memory_space<vmem>> -> memref<1x128xi32, #tpu.memory_space<vmem>>
      %dma_start3A_146 = tpu.memref_squeeze %dma_start3A_145 : memref<1x128xi32, #tpu.memory_space<vmem>> -> memref<128xi32, #tpu.memory_space<vmem>>
      %dma_start3A_147 = arith.constant 0 : i32
      %dma_start3A_148 = arith.constant 0 : i32
      %dma_start3A_149 = tpu.memref_slice %arg3[%dma_start3A_147, %dma_start3A_148] : memref<100000x16xf32, #tpu.memory_space<hbm>> -> memref<100000x16xf32, #tpu.memory_space<hbm>>
      tpu.enqueue_indirect_dma source(%dma_start3A_149 : memref<100000x16xf32, #tpu.memory_space<hbm>>) target(%dma_start3A_143 : memref<128x16xf32, #tpu.memory_space<vmem>>) offsets(%dma_start3A_146 : memref<128xi32, #tpu.memory_space<vmem>>) semaphore(%arg14 : memref<!tpu.dma_semaphore, #tpu.memory_space<semaphore_mem>>)
      %dma_start3A_150 = arith.constant 5 : i32
      %dma_start3A_151 = arith.constant 5 : i32
      %dma_start3A_152 = arith.constant 0 : i32
      %dma_start3A_153 = arith.constant 0 : i32
      %dma_start3A_154 = tpu.memref_slice %arg11[%dma_start3A_151, %dma_start3A_152, %dma_start3A_153] : memref<8x128x16xf32, #tpu.memory_space<vmem>> -> memref<1x128x16xf32, #tpu.memory_space<vmem>>
      %dma_start3A_155 = tpu.memref_squeeze %dma_start3A_154 : memref<1x128x16xf32, #tpu.memory_space<vmem>> -> memref<128x16xf32, #tpu.memory_space<vmem>>
      %dma_start3A_156 = arith.constant 0 : i32
      %dma_start3A_157 = tpu.memref_slice %arg7[%dma_start3A_150, %dma_start3A_156] : memref<8x128xi32, #tpu.memory_space<vmem>> -> memref<1x128xi32, #tpu.memory_space<vmem>>
      %dma_start3A_158 = tpu.memref_squeeze %dma_start3A_157 : memref<1x128xi32, #tpu.memory_space<vmem>> -> memref<128xi32, #tpu.memory_space<vmem>>
      %dma_start3A_159 = arith.constant 0 : i32
      %dma_start3A_160 = arith.constant 0 : i32
      %dma_start3A_161 = tpu.memref_slice %arg3[%dma_start3A_159, %dma_start3A_160] : memref<100000x16xf32, #tpu.memory_space<hbm>> -> memref<100000x16xf32, #tpu.memory_space<hbm>>
      tpu.enqueue_indirect_dma source(%dma_start3A_161 : memref<100000x16xf32, #tpu.memory_space<hbm>>) target(%dma_start3A_155 : memref<128x16xf32, #tpu.memory_space<vmem>>) offsets(%dma_start3A_158 : memref<128xi32, #tpu.memory_space<vmem>>) semaphore(%arg14 : memref<!tpu.dma_semaphore, #tpu.memory_space<semaphore_mem>>)
      %dma_start3A_162 = arith.constant 6 : i32
      %dma_start3A_163 = arith.constant 6 : i32
      %dma_start3A_164 = arith.constant 0 : i32
      %dma_start3A_165 = arith.constant 0 : i32
      %dma_start3A_166 = tpu.memref_slice %arg11[%dma_start3A_163, %dma_start3A_164, %dma_start3A_165] : memref<8x128x16xf32, #tpu.memory_space<vmem>> -> memref<1x128x16xf32, #tpu.memory_space<vmem>>
      %dma_start3A_167 = tpu.memref_squeeze %dma_start3A_166 : memref<1x128x16xf32, #tpu.memory_space<vmem>> -> memref<128x16xf32, #tpu.memory_space<vmem>>
      %dma_start3A_168 = arith.constant 0 : i32
      %dma_start3A_169 = tpu.memref_slice %arg7[%dma_start3A_162, %dma_start3A_168] : memref<8x128xi32, #tpu.memory_space<vmem>> -> memref<1x128xi32, #tpu.memory_space<vmem>>
      %dma_start3A_170 = tpu.memref_squeeze %dma_start3A_169 : memref<1x128xi32, #tpu.memory_space<vmem>> -> memref<128xi32, #tpu.memory_space<vmem>>
      %dma_start3A_171 = arith.constant 0 : i32
      %dma_start3A_172 = arith.constant 0 : i32
      %dma_start3A_173 = tpu.memref_slice %arg3[%dma_start3A_171, %dma_start3A_172] : memref<100000x16xf32, #tpu.memory_space<hbm>> -> memref<100000x16xf32, #tpu.memory_space<hbm>>
      tpu.enqueue_indirect_dma source(%dma_start3A_173 : memref<100000x16xf32, #tpu.memory_space<hbm>>) target(%dma_start3A_167 : memref<128x16xf32, #tpu.memory_space<vmem>>) offsets(%dma_start3A_170 : memref<128xi32, #tpu.memory_space<vmem>>) semaphore(%arg14 : memref<!tpu.dma_semaphore, #tpu.memory_space<semaphore_mem>>)
      %dma_start3A_174 = arith.constant 7 : i32
      %dma_start3A_175 = arith.constant 7 : i32
      %dma_start3A_176 = arith.constant 0 : i32
      %dma_start3A_177 = arith.constant 0 : i32
      %dma_start3A_178 = tpu.memref_slice %arg11[%dma_start3A_175, %dma_start3A_176, %dma_start3A_177] : memref<8x128x16xf32, #tpu.memory_space<vmem>> -> memref<1x128x16xf32, #tpu.memory_space<vmem>>
      %dma_start3A_179 = tpu.memref_squeeze %dma_start3A_178 : memref<1x128x16xf32, #tpu.memory_space<vmem>> -> memref<128x16xf32, #tpu.memory_space<vmem>>
      %dma_start3A_180 = arith.constant 0 : i32
      %dma_start3A_181 = tpu.memref_slice %arg7[%dma_start3A_174, %dma_start3A_180] : memref<8x128xi32, #tpu.memory_space<vmem>> -> memref<1x128xi32, #tpu.memory_space<vmem>>
      %dma_start3A_182 = tpu.memref_squeeze %dma_start3A_181 : memref<1x128xi32, #tpu.memory_space<vmem>> -> memref<128xi32, #tpu.memory_space<vmem>>
      %dma_start3A_183 = arith.constant 0 : i32
      %dma_start3A_184 = arith.constant 0 : i32
      %dma_start3A_185 = tpu.memref_slice %arg3[%dma_start3A_183, %dma_start3A_184] : memref<100000x16xf32, #tpu.memory_space<hbm>> -> memref<100000x16xf32, #tpu.memory_space<hbm>>
      tpu.enqueue_indirect_dma source(%dma_start3A_185 : memref<100000x16xf32, #tpu.memory_space<hbm>>) target(%dma_start3A_179 : memref<128x16xf32, #tpu.memory_space<vmem>>) offsets(%dma_start3A_182 : memref<128xi32, #tpu.memory_space<vmem>>) semaphore(%arg14 : memref<!tpu.dma_semaphore, #tpu.memory_space<semaphore_mem>>)
      %dma_wait3A_186 = arith.constant 0 : i32
      %dma_wait3A_187 = arith.constant 0 : i32
      %dma_wait3A_188 = arith.constant 0 : i32
      %dma_wait3A_189 = arith.constant 0 : i32
      %dma_wait3A_190 = tpu.memref_slice %arg11[%dma_wait3A_187, %dma_wait3A_188, %dma_wait3A_189] : memref<8x128x16xf32, #tpu.memory_space<vmem>> -> memref<1x128x16xf32, #tpu.memory_space<vmem>>
      %dma_wait3A_191 = tpu.memref_squeeze %dma_wait3A_190 : memref<1x128x16xf32, #tpu.memory_space<vmem>> -> memref<128x16xf32, #tpu.memory_space<vmem>>
      %dma_wait3A_192 = arith.constant 0 : i32
      %dma_wait3A_193 = tpu.memref_slice %arg7[%dma_wait3A_186, %dma_wait3A_192] : memref<8x128xi32, #tpu.memory_space<vmem>> -> memref<1x128xi32, #tpu.memory_space<vmem>>
      %dma_wait3A_194 = tpu.memref_squeeze %dma_wait3A_193 : memref<1x128xi32, #tpu.memory_space<vmem>> -> memref<128xi32, #tpu.memory_space<vmem>>
      %dma_wait3A_195 = arith.constant 0 : i32
      %dma_wait3A_196 = arith.constant 0 : i32
      %dma_wait3A_197 = tpu.memref_slice %arg3[%dma_wait3A_195, %dma_wait3A_196] : memref<100000x16xf32, #tpu.memory_space<hbm>> -> memref<100000x16xf32, #tpu.memory_space<hbm>>
      tpu.wait_indirect_dma semaphore(%arg13 : memref<!tpu.dma_semaphore, #tpu.memory_space<semaphore_mem>>) src(%dma_wait3A_197 : memref<100000x16xf32, #tpu.memory_space<hbm>>) dst(%dma_wait3A_191 : memref<128x16xf32, #tpu.memory_space<vmem>>)
      %dma_wait3A_198 = arith.constant 1 : i32
      %dma_wait3A_199 = arith.constant 1 : i32
      %dma_wait3A_200 = arith.constant 0 : i32
      %dma_wait3A_201 = arith.constant 0 : i32
      %dma_wait3A_202 = tpu.memref_slice %arg11[%dma_wait3A_199, %dma_wait3A_200, %dma_wait3A_201] : memref<8x128x16xf32, #tpu.memory_space<vmem>> -> memref<1x128x16xf32, #tpu.memory_space<vmem>>
      %dma_wait3A_203 = tpu.memref_squeeze %dma_wait3A_202 : memref<1x128x16xf32, #tpu.memory_space<vmem>> -> memref<128x16xf32, #tpu.memory_space<vmem>>
      %dma_wait3A_204 = arith.constant 0 : i32
      %dma_wait3A_205 = tpu.memref_slice %arg7[%dma_wait3A_198, %dma_wait3A_204] : memref<8x128xi32, #tpu.memory_space<vmem>> -> memref<1x128xi32, #tpu.memory_space<vmem>>
      %dma_wait3A_206 = tpu.memref_squeeze %dma_wait3A_205 : memref<1x128xi32, #tpu.memory_space<vmem>> -> memref<128xi32, #tpu.memory_space<vmem>>
      %dma_wait3A_207 = arith.constant 0 : i32
      %dma_wait3A_208 = arith.constant 0 : i32
      %dma_wait3A_209 = tpu.memref_slice %arg3[%dma_wait3A_207, %dma_wait3A_208] : memref<100000x16xf32, #tpu.memory_space<hbm>> -> memref<100000x16xf32, #tpu.memory_space<hbm>>
      tpu.wait_indirect_dma semaphore(%arg13 : memref<!tpu.dma_semaphore, #tpu.memory_space<semaphore_mem>>) src(%dma_wait3A_209 : memref<100000x16xf32, #tpu.memory_space<hbm>>) dst(%dma_wait3A_203 : memref<128x16xf32, #tpu.memory_space<vmem>>)
      %dma_wait3A_210 = arith.constant 2 : i32
      %dma_wait3A_211 = arith.constant 2 : i32
      %dma_wait3A_212 = arith.constant 0 : i32
      %dma_wait3A_213 = arith.constant 0 : i32
      %dma_wait3A_214 = tpu.memref_slice %arg11[%dma_wait3A_211, %dma_wait3A_212, %dma_wait3A_213] : memref<8x128x16xf32, #tpu.memory_space<vmem>> -> memref<1x128x16xf32, #tpu.memory_space<vmem>>
      %dma_wait3A_215 = tpu.memref_squeeze %dma_wait3A_214 : memref<1x128x16xf32, #tpu.memory_space<vmem>> -> memref<128x16xf32, #tpu.memory_space<vmem>>
      %dma_wait3A_216 = arith.constant 0 : i32
      %dma_wait3A_217 = tpu.memref_slice %arg7[%dma_wait3A_210, %dma_wait3A_216] : memref<8x128xi32, #tpu.memory_space<vmem>> -> memref<1x128xi32, #tpu.memory_space<vmem>>
      %dma_wait3A_218 = tpu.memref_squeeze %dma_wait3A_217 : memref<1x128xi32, #tpu.memory_space<vmem>> -> memref<128xi32, #tpu.memory_space<vmem>>
      %dma_wait3A_219 = arith.constant 0 : i32
      %dma_wait3A_220 = arith.constant 0 : i32
      %dma_wait3A_221 = tpu.memref_slice %arg3[%dma_wait3A_219, %dma_wait3A_220] : memref<100000x16xf32, #tpu.memory_space<hbm>> -> memref<100000x16xf32, #tpu.memory_space<hbm>>
      tpu.wait_indirect_dma semaphore(%arg13 : memref<!tpu.dma_semaphore, #tpu.memory_space<semaphore_mem>>) src(%dma_wait3A_221 : memref<100000x16xf32, #tpu.memory_space<hbm>>) dst(%dma_wait3A_215 : memref<128x16xf32, #tpu.memory_space<vmem>>)
      %dma_wait3A_222 = arith.constant 3 : i32
      %dma_wait3A_223 = arith.constant 3 : i32
      %dma_wait3A_224 = arith.constant 0 : i32
      %dma_wait3A_225 = arith.constant 0 : i32
      %dma_wait3A_226 = tpu.memref_slice %arg11[%dma_wait3A_223, %dma_wait3A_224, %dma_wait3A_225] : memref<8x128x16xf32, #tpu.memory_space<vmem>> -> memref<1x128x16xf32, #tpu.memory_space<vmem>>
      %dma_wait3A_227 = tpu.memref_squeeze %dma_wait3A_226 : memref<1x128x16xf32, #tpu.memory_space<vmem>> -> memref<128x16xf32, #tpu.memory_space<vmem>>
      %dma_wait3A_228 = arith.constant 0 : i32
      %dma_wait3A_229 = tpu.memref_slice %arg7[%dma_wait3A_222, %dma_wait3A_228] : memref<8x128xi32, #tpu.memory_space<vmem>> -> memref<1x128xi32, #tpu.memory_space<vmem>>
      %dma_wait3A_230 = tpu.memref_squeeze %dma_wait3A_229 : memref<1x128xi32, #tpu.memory_space<vmem>> -> memref<128xi32, #tpu.memory_space<vmem>>
      %dma_wait3A_231 = arith.constant 0 : i32
      %dma_wait3A_232 = arith.constant 0 : i32
      %dma_wait3A_233 = tpu.memref_slice %arg3[%dma_wait3A_231, %dma_wait3A_232] : memref<100000x16xf32, #tpu.memory_space<hbm>> -> memref<100000x16xf32, #tpu.memory_space<hbm>>
      tpu.wait_indirect_dma semaphore(%arg13 : memref<!tpu.dma_semaphore, #tpu.memory_space<semaphore_mem>>) src(%dma_wait3A_233 : memref<100000x16xf32, #tpu.memory_space<hbm>>) dst(%dma_wait3A_227 : memref<128x16xf32, #tpu.memory_space<vmem>>)
      %dma_start3A_234 = arith.constant 0 : i32
      %dma_start3A_235 = arith.constant 0 : i32
      %dma_start3A_236 = arith.constant 0 : i32
      %dma_start3A_237 = arith.constant 0 : i32
      %dma_start3A_238 = tpu.memref_slice %arg11[%dma_start3A_234, %dma_start3A_236, %dma_start3A_237] : memref<8x128x16xf32, #tpu.memory_space<vmem>> -> memref<1x128x16xf32, #tpu.memory_space<vmem>>
      %dma_start3A_239 = tpu.memref_squeeze %dma_start3A_238 : memref<1x128x16xf32, #tpu.memory_space<vmem>> -> memref<128x16xf32, #tpu.memory_space<vmem>>
      %dma_start3A_240 = arith.constant 0 : i32
      %dma_start3A_241 = tpu.memref_slice %arg8[%dma_start3A_235, %dma_start3A_240] : memref<8x128xi32, #tpu.memory_space<vmem>> -> memref<1x128xi32, #tpu.memory_space<vmem>>
      %dma_start3A_242 = tpu.memref_squeeze %dma_start3A_241 : memref<1x128xi32, #tpu.memory_space<vmem>> -> memref<128xi32, #tpu.memory_space<vmem>>
      %dma_start3A_243 = arith.constant 0 : i32
      %dma_start3A_244 = arith.constant 0 : i32
      %dma_start3A_245 = tpu.memref_slice %arg6[%dma_start3A_243, %dma_start3A_244] : memref<100352x16xf32, #tpu.memory_space<vmem_shared>> -> memref<100352x16xf32, #tpu.memory_space<vmem_shared>>
      tpu.enqueue_indirect_dma source(%dma_start3A_239 : memref<128x16xf32, #tpu.memory_space<vmem>>) target(%dma_start3A_245 : memref<100352x16xf32, #tpu.memory_space<vmem_shared>>) offsets(%dma_start3A_242 : memref<128xi32, #tpu.memory_space<vmem>>) semaphore(%arg15 : memref<!tpu.dma_semaphore, #tpu.memory_space<semaphore_mem>>) {add = true}
      %dma_start3A_246 = arith.constant 0 : i32
      %dma_start3A_247 = arith.constant 0 : i32
      %dma_start3A_248 = tpu.memref_slice %arg8[%dma_start3A_246, %dma_start3A_247] : memref<8x128xi32, #tpu.memory_space<vmem>> -> memref<1x128xi32, #tpu.memory_space<vmem>>
      %dma_start3A_249 = tpu.memref_squeeze %dma_start3A_248 : memref<1x128xi32, #tpu.memory_space<vmem>> -> memref<128xi32, #tpu.memory_space<vmem>>
      %dma_start3A_250 = arith.constant 0 : i32
      %dma_start3A_251 = tpu.memref_slice %arg16[%dma_start3A_250] : memref<100352xf32, #tpu.memory_space<vmem_shared>> -> memref<100352xf32, #tpu.memory_space<vmem_shared>>
      tpu.enqueue_indirect_dma source(%arg18 : memref<128xf32, #tpu.memory_space<vmem>>) target(%dma_start3A_251 : memref<100352xf32, #tpu.memory_space<vmem_shared>>) offsets(%dma_start3A_249 : memref<128xi32, #tpu.memory_space<vmem>>) semaphore(%arg15 : memref<!tpu.dma_semaphore, #tpu.memory_space<semaphore_mem>>) {add = true}
      %dma_start3A_252 = arith.constant 1 : i32
      %dma_start3A_253 = arith.constant 1 : i32
      %dma_start3A_254 = arith.constant 0 : i32
      %dma_start3A_255 = arith.constant 0 : i32
      %dma_start3A_256 = tpu.memref_slice %arg11[%dma_start3A_252, %dma_start3A_254, %dma_start3A_255] : memref<8x128x16xf32, #tpu.memory_space<vmem>> -> memref<1x128x16xf32, #tpu.memory_space<vmem>>
      %dma_start3A_257 = tpu.memref_squeeze %dma_start3A_256 : memref<1x128x16xf32, #tpu.memory_space<vmem>> -> memref<128x16xf32, #tpu.memory_space<vmem>>
      %dma_start3A_258 = arith.constant 0 : i32
      %dma_start3A_259 = tpu.memref_slice %arg8[%dma_start3A_253, %dma_start3A_258] : memref<8x128xi32, #tpu.memory_space<vmem>> -> memref<1x128xi32, #tpu.memory_space<vmem>>
      %dma_start3A_260 = tpu.memref_squeeze %dma_start3A_259 : memref<1x128xi32, #tpu.memory_space<vmem>> -> memref<128xi32, #tpu.memory_space<vmem>>
      %dma_start3A_261 = arith.constant 0 : i32
      %dma_start3A_262 = arith.constant 0 : i32
      %dma_start3A_263 = tpu.memref_slice %arg6[%dma_start3A_261, %dma_start3A_262] : memref<100352x16xf32, #tpu.memory_space<vmem_shared>> -> memref<100352x16xf32, #tpu.memory_space<vmem_shared>>
      tpu.enqueue_indirect_dma source(%dma_start3A_257 : memref<128x16xf32, #tpu.memory_space<vmem>>) target(%dma_start3A_263 : memref<100352x16xf32, #tpu.memory_space<vmem_shared>>) offsets(%dma_start3A_260 : memref<128xi32, #tpu.memory_space<vmem>>) semaphore(%arg15 : memref<!tpu.dma_semaphore, #tpu.memory_space<semaphore_mem>>) {add = true}
      %dma_start3A_264 = arith.constant 1 : i32
      %dma_start3A_265 = arith.constant 0 : i32
      %dma_start3A_266 = tpu.memref_slice %arg8[%dma_start3A_264, %dma_start3A_265] : memref<8x128xi32, #tpu.memory_space<vmem>> -> memref<1x128xi32, #tpu.memory_space<vmem>>
      %dma_start3A_267 = tpu.memref_squeeze %dma_start3A_266 : memref<1x128xi32, #tpu.memory_space<vmem>> -> memref<128xi32, #tpu.memory_space<vmem>>
      %dma_start3A_268 = arith.constant 0 : i32
      %dma_start3A_269 = tpu.memref_slice %arg16[%dma_start3A_268] : memref<100352xf32, #tpu.memory_space<vmem_shared>> -> memref<100352xf32, #tpu.memory_space<vmem_shared>>
      tpu.enqueue_indirect_dma source(%arg18 : memref<128xf32, #tpu.memory_space<vmem>>) target(%dma_start3A_269 : memref<100352xf32, #tpu.memory_space<vmem_shared>>) offsets(%dma_start3A_267 : memref<128xi32, #tpu.memory_space<vmem>>) semaphore(%arg15 : memref<!tpu.dma_semaphore, #tpu.memory_space<semaphore_mem>>) {add = true}
      %dma_start3A_270 = arith.constant 2 : i32
      %dma_start3A_271 = arith.constant 2 : i32
      %dma_start3A_272 = arith.constant 0 : i32
      %dma_start3A_273 = arith.constant 0 : i32
      %dma_start3A_274 = tpu.memref_slice %arg11[%dma_start3A_270, %dma_start3A_272, %dma_start3A_273] : memref<8x128x16xf32, #tpu.memory_space<vmem>> -> memref<1x128x16xf32, #tpu.memory_space<vmem>>
      %dma_start3A_275 = tpu.memref_squeeze %dma_start3A_274 : memref<1x128x16xf32, #tpu.memory_space<vmem>> -> memref<128x16xf32, #tpu.memory_space<vmem>>
      %dma_start3A_276 = arith.constant 0 : i32
      %dma_start3A_277 = tpu.memref_slice %arg8[%dma_start3A_271, %dma_start3A_276] : memref<8x128xi32, #tpu.memory_space<vmem>> -> memref<1x128xi32, #tpu.memory_space<vmem>>
      %dma_start3A_278 = tpu.memref_squeeze %dma_start3A_277 : memref<1x128xi32, #tpu.memory_space<vmem>> -> memref<128xi32, #tpu.memory_space<vmem>>
      %dma_start3A_279 = arith.constant 0 : i32
      %dma_start3A_280 = arith.constant 0 : i32
      %dma_start3A_281 = tpu.memref_slice %arg6[%dma_start3A_279, %dma_start3A_280] : memref<100352x16xf32, #tpu.memory_space<vmem_shared>> -> memref<100352x16xf32, #tpu.memory_space<vmem_shared>>
      tpu.enqueue_indirect_dma source(%dma_start3A_275 : memref<128x16xf32, #tpu.memory_space<vmem>>) target(%dma_start3A_281 : memref<100352x16xf32, #tpu.memory_space<vmem_shared>>) offsets(%dma_start3A_278 : memref<128xi32, #tpu.memory_space<vmem>>) semaphore(%arg15 : memref<!tpu.dma_semaphore, #tpu.memory_space<semaphore_mem>>) {add = true}
      %dma_start3A_282 = arith.constant 2 : i32
      %dma_start3A_283 = arith.constant 0 : i32
      %dma_start3A_284 = tpu.memref_slice %arg8[%dma_start3A_282, %dma_start3A_283] : memref<8x128xi32, #tpu.memory_space<vmem>> -> memref<1x128xi32, #tpu.memory_space<vmem>>
      %dma_start3A_285 = tpu.memref_squeeze %dma_start3A_284 : memref<1x128xi32, #tpu.memory_space<vmem>> -> memref<128xi32, #tpu.memory_space<vmem>>
      %dma_start3A_286 = arith.constant 0 : i32
      %dma_start3A_287 = tpu.memref_slice %arg16[%dma_start3A_286] : memref<100352xf32, #tpu.memory_space<vmem_shared>> -> memref<100352xf32, #tpu.memory_space<vmem_shared>>
      tpu.enqueue_indirect_dma source(%arg18 : memref<128xf32, #tpu.memory_space<vmem>>) target(%dma_start3A_287 : memref<100352xf32, #tpu.memory_space<vmem_shared>>) offsets(%dma_start3A_285 : memref<128xi32, #tpu.memory_space<vmem>>) semaphore(%arg15 : memref<!tpu.dma_semaphore, #tpu.memory_space<semaphore_mem>>) {add = true}
      %dma_start3A_288 = arith.constant 3 : i32
      %dma_start3A_289 = arith.constant 3 : i32
      %dma_start3A_290 = arith.constant 0 : i32
      %dma_start3A_291 = arith.constant 0 : i32
      %dma_start3A_292 = tpu.memref_slice %arg11[%dma_start3A_288, %dma_start3A_290, %dma_start3A_291] : memref<8x128x16xf32, #tpu.memory_space<vmem>> -> memref<1x128x16xf32, #tpu.memory_space<vmem>>
      %dma_start3A_293 = tpu.memref_squeeze %dma_start3A_292 : memref<1x128x16xf32, #tpu.memory_space<vmem>> -> memref<128x16xf32, #tpu.memory_space<vmem>>
      %dma_start3A_294 = arith.constant 0 : i32
      %dma_start3A_295 = tpu.memref_slice %arg8[%dma_start3A_289, %dma_start3A_294] : memref<8x128xi32, #tpu.memory_space<vmem>> -> memref<1x128xi32, #tpu.memory_space<vmem>>
      %dma_start3A_296 = tpu.memref_squeeze %dma_start3A_295 : memref<1x128xi32, #tpu.memory_space<vmem>> -> memref<128xi32, #tpu.memory_space<vmem>>
      %dma_start3A_297 = arith.constant 0 : i32
      %dma_start3A_298 = arith.constant 0 : i32
      %dma_start3A_299 = tpu.memref_slice %arg6[%dma_start3A_297, %dma_start3A_298] : memref<100352x16xf32, #tpu.memory_space<vmem_shared>> -> memref<100352x16xf32, #tpu.memory_space<vmem_shared>>
      tpu.enqueue_indirect_dma source(%dma_start3A_293 : memref<128x16xf32, #tpu.memory_space<vmem>>) target(%dma_start3A_299 : memref<100352x16xf32, #tpu.memory_space<vmem_shared>>) offsets(%dma_start3A_296 : memref<128xi32, #tpu.memory_space<vmem>>) semaphore(%arg15 : memref<!tpu.dma_semaphore, #tpu.memory_space<semaphore_mem>>) {add = true}
      %dma_start3A_300 = arith.constant 3 : i32
      %dma_start3A_301 = arith.constant 0 : i32
      %dma_start3A_302 = tpu.memref_slice %arg8[%dma_start3A_300, %dma_start3A_301] : memref<8x128xi32, #tpu.memory_space<vmem>> -> memref<1x128xi32, #tpu.memory_space<vmem>>
      %dma_start3A_303 = tpu.memref_squeeze %dma_start3A_302 : memref<1x128xi32, #tpu.memory_space<vmem>> -> memref<128xi32, #tpu.memory_space<vmem>>
      %dma_start3A_304 = arith.constant 0 : i32
      %dma_start3A_305 = tpu.memref_slice %arg16[%dma_start3A_304] : memref<100352xf32, #tpu.memory_space<vmem_shared>> -> memref<100352xf32, #tpu.memory_space<vmem_shared>>
      tpu.enqueue_indirect_dma source(%arg18 : memref<128xf32, #tpu.memory_space<vmem>>) target(%dma_start3A_305 : memref<100352xf32, #tpu.memory_space<vmem_shared>>) offsets(%dma_start3A_303 : memref<128xi32, #tpu.memory_space<vmem>>) semaphore(%arg15 : memref<!tpu.dma_semaphore, #tpu.memory_space<semaphore_mem>>) {add = true}
      %dma_wait3A_306 = arith.constant 4 : i32
      %dma_wait3A_307 = arith.constant 4 : i32
      %dma_wait3A_308 = arith.constant 0 : i32
      %dma_wait3A_309 = arith.constant 0 : i32
      %dma_wait3A_310 = tpu.memref_slice %arg11[%dma_wait3A_307, %dma_wait3A_308, %dma_wait3A_309] : memref<8x128x16xf32, #tpu.memory_space<vmem>> -> memref<1x128x16xf32, #tpu.memory_space<vmem>>
      %dma_wait3A_311 = tpu.memref_squeeze %dma_wait3A_310 : memref<1x128x16xf32, #tpu.memory_space<vmem>> -> memref<128x16xf32, #tpu.memory_space<vmem>>
      %dma_wait3A_312 = arith.constant 0 : i32
      %dma_wait3A_313 = tpu.memref_slice %arg7[%dma_wait3A_306, %dma_wait3A_312] : memref<8x128xi32, #tpu.memory_space<vmem>> -> memref<1x128xi32, #tpu.memory_space<vmem>>
      %dma_wait3A_314 = tpu.memref_squeeze %dma_wait3A_313 : memref<1x128xi32, #tpu.memory_space<vmem>> -> memref<128xi32, #tpu.memory_space<vmem>>
      %dma_wait3A_315 = arith.constant 0 : i32
      %dma_wait3A_316 = arith.constant 0 : i32
      %dma_wait3A_317 = tpu.memref_slice %arg3[%dma_wait3A_315, %dma_wait3A_316] : memref<100000x16xf32, #tpu.memory_space<hbm>> -> memref<100000x16xf32, #tpu.memory_space<hbm>>
      tpu.wait_indirect_dma semaphore(%arg14 : memref<!tpu.dma_semaphore, #tpu.memory_space<semaphore_mem>>) src(%dma_wait3A_317 : memref<100000x16xf32, #tpu.memory_space<hbm>>) dst(%dma_wait3A_311 : memref<128x16xf32, #tpu.memory_space<vmem>>)
      %dma_wait3A_318 = arith.constant 5 : i32
      %dma_wait3A_319 = arith.constant 5 : i32
      %dma_wait3A_320 = arith.constant 0 : i32
      %dma_wait3A_321 = arith.constant 0 : i32
      %dma_wait3A_322 = tpu.memref_slice %arg11[%dma_wait3A_319, %dma_wait3A_320, %dma_wait3A_321] : memref<8x128x16xf32, #tpu.memory_space<vmem>> -> memref<1x128x16xf32, #tpu.memory_space<vmem>>
      %dma_wait3A_323 = tpu.memref_squeeze %dma_wait3A_322 : memref<1x128x16xf32, #tpu.memory_space<vmem>> -> memref<128x16xf32, #tpu.memory_space<vmem>>
      %dma_wait3A_324 = arith.constant 0 : i32
      %dma_wait3A_325 = tpu.memref_slice %arg7[%dma_wait3A_318, %dma_wait3A_324] : memref<8x128xi32, #tpu.memory_space<vmem>> -> memref<1x128xi32, #tpu.memory_space<vmem>>
      %dma_wait3A_326 = tpu.memref_squeeze %dma_wait3A_325 : memref<1x128xi32, #tpu.memory_space<vmem>> -> memref<128xi32, #tpu.memory_space<vmem>>
      %dma_wait3A_327 = arith.constant 0 : i32
      %dma_wait3A_328 = arith.constant 0 : i32
      %dma_wait3A_329 = tpu.memref_slice %arg3[%dma_wait3A_327, %dma_wait3A_328] : memref<100000x16xf32, #tpu.memory_space<hbm>> -> memref<100000x16xf32, #tpu.memory_space<hbm>>
      tpu.wait_indirect_dma semaphore(%arg14 : memref<!tpu.dma_semaphore, #tpu.memory_space<semaphore_mem>>) src(%dma_wait3A_329 : memref<100000x16xf32, #tpu.memory_space<hbm>>) dst(%dma_wait3A_323 : memref<128x16xf32, #tpu.memory_space<vmem>>)
      %dma_wait3A_330 = arith.constant 6 : i32
      %dma_wait3A_331 = arith.constant 6 : i32
      %dma_wait3A_332 = arith.constant 0 : i32
      %dma_wait3A_333 = arith.constant 0 : i32
      %dma_wait3A_334 = tpu.memref_slice %arg11[%dma_wait3A_331, %dma_wait3A_332, %dma_wait3A_333] : memref<8x128x16xf32, #tpu.memory_space<vmem>> -> memref<1x128x16xf32, #tpu.memory_space<vmem>>
      %dma_wait3A_335 = tpu.memref_squeeze %dma_wait3A_334 : memref<1x128x16xf32, #tpu.memory_space<vmem>> -> memref<128x16xf32, #tpu.memory_space<vmem>>
      %dma_wait3A_336 = arith.constant 0 : i32
      %dma_wait3A_337 = tpu.memref_slice %arg7[%dma_wait3A_330, %dma_wait3A_336] : memref<8x128xi32, #tpu.memory_space<vmem>> -> memref<1x128xi32, #tpu.memory_space<vmem>>
      %dma_wait3A_338 = tpu.memref_squeeze %dma_wait3A_337 : memref<1x128xi32, #tpu.memory_space<vmem>> -> memref<128xi32, #tpu.memory_space<vmem>>
      %dma_wait3A_339 = arith.constant 0 : i32
      %dma_wait3A_340 = arith.constant 0 : i32
      %dma_wait3A_341 = tpu.memref_slice %arg3[%dma_wait3A_339, %dma_wait3A_340] : memref<100000x16xf32, #tpu.memory_space<hbm>> -> memref<100000x16xf32, #tpu.memory_space<hbm>>
      tpu.wait_indirect_dma semaphore(%arg14 : memref<!tpu.dma_semaphore, #tpu.memory_space<semaphore_mem>>) src(%dma_wait3A_341 : memref<100000x16xf32, #tpu.memory_space<hbm>>) dst(%dma_wait3A_335 : memref<128x16xf32, #tpu.memory_space<vmem>>)
      %dma_wait3A_342 = arith.constant 7 : i32
      %dma_wait3A_343 = arith.constant 7 : i32
      %dma_wait3A_344 = arith.constant 0 : i32
      %dma_wait3A_345 = arith.constant 0 : i32
      %dma_wait3A_346 = tpu.memref_slice %arg11[%dma_wait3A_343, %dma_wait3A_344, %dma_wait3A_345] : memref<8x128x16xf32, #tpu.memory_space<vmem>> -> memref<1x128x16xf32, #tpu.memory_space<vmem>>
      %dma_wait3A_347 = tpu.memref_squeeze %dma_wait3A_346 : memref<1x128x16xf32, #tpu.memory_space<vmem>> -> memref<128x16xf32, #tpu.memory_space<vmem>>
      %dma_wait3A_348 = arith.constant 0 : i32
      %dma_wait3A_349 = tpu.memref_slice %arg7[%dma_wait3A_342, %dma_wait3A_348] : memref<8x128xi32, #tpu.memory_space<vmem>> -> memref<1x128xi32, #tpu.memory_space<vmem>>
      %dma_wait3A_350 = tpu.memref_squeeze %dma_wait3A_349 : memref<1x128xi32, #tpu.memory_space<vmem>> -> memref<128xi32, #tpu.memory_space<vmem>>
      %dma_wait3A_351 = arith.constant 0 : i32
      %dma_wait3A_352 = arith.constant 0 : i32
      %dma_wait3A_353 = tpu.memref_slice %arg3[%dma_wait3A_351, %dma_wait3A_352] : memref<100000x16xf32, #tpu.memory_space<hbm>> -> memref<100000x16xf32, #tpu.memory_space<hbm>>
      tpu.wait_indirect_dma semaphore(%arg14 : memref<!tpu.dma_semaphore, #tpu.memory_space<semaphore_mem>>) src(%dma_wait3A_353 : memref<100000x16xf32, #tpu.memory_space<hbm>>) dst(%dma_wait3A_347 : memref<128x16xf32, #tpu.memory_space<vmem>>)
      %dma_start3A_354 = arith.constant 4 : i32
      %dma_start3A_355 = arith.constant 4 : i32
      %dma_start3A_356 = arith.constant 0 : i32
      %dma_start3A_357 = arith.constant 0 : i32
      %dma_start3A_358 = tpu.memref_slice %arg11[%dma_start3A_354, %dma_start3A_356, %dma_start3A_357] : memref<8x128x16xf32, #tpu.memory_space<vmem>> -> memref<1x128x16xf32, #tpu.memory_space<vmem>>
      %dma_start3A_359 = tpu.memref_squeeze %dma_start3A_358 : memref<1x128x16xf32, #tpu.memory_space<vmem>> -> memref<128x16xf32, #tpu.memory_space<vmem>>
      %dma_start3A_360 = arith.constant 0 : i32
      %dma_start3A_361 = tpu.memref_slice %arg8[%dma_start3A_355, %dma_start3A_360] : memref<8x128xi32, #tpu.memory_space<vmem>> -> memref<1x128xi32, #tpu.memory_space<vmem>>
      %dma_start3A_362 = tpu.memref_squeeze %dma_start3A_361 : memref<1x128xi32, #tpu.memory_space<vmem>> -> memref<128xi32, #tpu.memory_space<vmem>>
      %dma_start3A_363 = arith.constant 0 : i32
      %dma_start3A_364 = arith.constant 0 : i32
      %dma_start3A_365 = tpu.memref_slice %arg6[%dma_start3A_363, %dma_start3A_364] : memref<100352x16xf32, #tpu.memory_space<vmem_shared>> -> memref<100352x16xf32, #tpu.memory_space<vmem_shared>>
      tpu.enqueue_indirect_dma source(%dma_start3A_359 : memref<128x16xf32, #tpu.memory_space<vmem>>) target(%dma_start3A_365 : memref<100352x16xf32, #tpu.memory_space<vmem_shared>>) offsets(%dma_start3A_362 : memref<128xi32, #tpu.memory_space<vmem>>) semaphore(%arg15 : memref<!tpu.dma_semaphore, #tpu.memory_space<semaphore_mem>>) {add = true}
      %dma_start3A_366 = arith.constant 4 : i32
      %dma_start3A_367 = arith.constant 0 : i32
      %dma_start3A_368 = tpu.memref_slice %arg8[%dma_start3A_366, %dma_start3A_367] : memref<8x128xi32, #tpu.memory_space<vmem>> -> memref<1x128xi32, #tpu.memory_space<vmem>>
      %dma_start3A_369 = tpu.memref_squeeze %dma_start3A_368 : memref<1x128xi32, #tpu.memory_space<vmem>> -> memref<128xi32, #tpu.memory_space<vmem>>
      %dma_start3A_370 = arith.constant 0 : i32
      %dma_start3A_371 = tpu.memref_slice %arg16[%dma_start3A_370] : memref<100352xf32, #tpu.memory_space<vmem_shared>> -> memref<100352xf32, #tpu.memory_space<vmem_shared>>
      tpu.enqueue_indirect_dma source(%arg18 : memref<128xf32, #tpu.memory_space<vmem>>) target(%dma_start3A_371 : memref<100352xf32, #tpu.memory_space<vmem_shared>>) offsets(%dma_start3A_369 : memref<128xi32, #tpu.memory_space<vmem>>) semaphore(%arg15 : memref<!tpu.dma_semaphore, #tpu.memory_space<semaphore_mem>>) {add = true}
      %dma_start3A_372 = arith.constant 5 : i32
      %dma_start3A_373 = arith.constant 5 : i32
      %dma_start3A_374 = arith.constant 0 : i32
      %dma_start3A_375 = arith.constant 0 : i32
      %dma_start3A_376 = tpu.memref_slice %arg11[%dma_start3A_372, %dma_start3A_374, %dma_start3A_375] : memref<8x128x16xf32, #tpu.memory_space<vmem>> -> memref<1x128x16xf32, #tpu.memory_space<vmem>>
      %dma_start3A_377 = tpu.memref_squeeze %dma_start3A_376 : memref<1x128x16xf32, #tpu.memory_space<vmem>> -> memref<128x16xf32, #tpu.memory_space<vmem>>
      %dma_start3A_378 = arith.constant 0 : i32
      %dma_start3A_379 = tpu.memref_slice %arg8[%dma_start3A_373, %dma_start3A_378] : memref<8x128xi32, #tpu.memory_space<vmem>> -> memref<1x128xi32, #tpu.memory_space<vmem>>
      %dma_start3A_380 = tpu.memref_squeeze %dma_start3A_379 : memref<1x128xi32, #tpu.memory_space<vmem>> -> memref<128xi32, #tpu.memory_space<vmem>>
      %dma_start3A_381 = arith.constant 0 : i32
      %dma_start3A_382 = arith.constant 0 : i32
      %dma_start3A_383 = tpu.memref_slice %arg6[%dma_start3A_381, %dma_start3A_382] : memref<100352x16xf32, #tpu.memory_space<vmem_shared>> -> memref<100352x16xf32, #tpu.memory_space<vmem_shared>>
      tpu.enqueue_indirect_dma source(%dma_start3A_377 : memref<128x16xf32, #tpu.memory_space<vmem>>) target(%dma_start3A_383 : memref<100352x16xf32, #tpu.memory_space<vmem_shared>>) offsets(%dma_start3A_380 : memref<128xi32, #tpu.memory_space<vmem>>) semaphore(%arg15 : memref<!tpu.dma_semaphore, #tpu.memory_space<semaphore_mem>>) {add = true}
      %dma_start3A_384 = arith.constant 5 : i32
      %dma_start3A_385 = arith.constant 0 : i32
      %dma_start3A_386 = tpu.memref_slice %arg8[%dma_start3A_384, %dma_start3A_385] : memref<8x128xi32, #tpu.memory_space<vmem>> -> memref<1x128xi32, #tpu.memory_space<vmem>>
      %dma_start3A_387 = tpu.memref_squeeze %dma_start3A_386 : memref<1x128xi32, #tpu.memory_space<vmem>> -> memref<128xi32, #tpu.memory_space<vmem>>
      %dma_start3A_388 = arith.constant 0 : i32
      %dma_start3A_389 = tpu.memref_slice %arg16[%dma_start3A_388] : memref<100352xf32, #tpu.memory_space<vmem_shared>> -> memref<100352xf32, #tpu.memory_space<vmem_shared>>
      tpu.enqueue_indirect_dma source(%arg18 : memref<128xf32, #tpu.memory_space<vmem>>) target(%dma_start3A_389 : memref<100352xf32, #tpu.memory_space<vmem_shared>>) offsets(%dma_start3A_387 : memref<128xi32, #tpu.memory_space<vmem>>) semaphore(%arg15 : memref<!tpu.dma_semaphore, #tpu.memory_space<semaphore_mem>>) {add = true}
      %dma_start3A_390 = arith.constant 6 : i32
      %dma_start3A_391 = arith.constant 6 : i32
      %dma_start3A_392 = arith.constant 0 : i32
      %dma_start3A_393 = arith.constant 0 : i32
      %dma_start3A_394 = tpu.memref_slice %arg11[%dma_start3A_390, %dma_start3A_392, %dma_start3A_393] : memref<8x128x16xf32, #tpu.memory_space<vmem>> -> memref<1x128x16xf32, #tpu.memory_space<vmem>>
      %dma_start3A_395 = tpu.memref_squeeze %dma_start3A_394 : memref<1x128x16xf32, #tpu.memory_space<vmem>> -> memref<128x16xf32, #tpu.memory_space<vmem>>
      %dma_start3A_396 = arith.constant 0 : i32
      %dma_start3A_397 = tpu.memref_slice %arg8[%dma_start3A_391, %dma_start3A_396] : memref<8x128xi32, #tpu.memory_space<vmem>> -> memref<1x128xi32, #tpu.memory_space<vmem>>
      %dma_start3A_398 = tpu.memref_squeeze %dma_start3A_397 : memref<1x128xi32, #tpu.memory_space<vmem>> -> memref<128xi32, #tpu.memory_space<vmem>>
      %dma_start3A_399 = arith.constant 0 : i32
      %dma_start3A_400 = arith.constant 0 : i32
      %dma_start3A_401 = tpu.memref_slice %arg6[%dma_start3A_399, %dma_start3A_400] : memref<100352x16xf32, #tpu.memory_space<vmem_shared>> -> memref<100352x16xf32, #tpu.memory_space<vmem_shared>>
      tpu.enqueue_indirect_dma source(%dma_start3A_395 : memref<128x16xf32, #tpu.memory_space<vmem>>) target(%dma_start3A_401 : memref<100352x16xf32, #tpu.memory_space<vmem_shared>>) offsets(%dma_start3A_398 : memref<128xi32, #tpu.memory_space<vmem>>) semaphore(%arg15 : memref<!tpu.dma_semaphore, #tpu.memory_space<semaphore_mem>>) {add = true}
      %dma_start3A_402 = arith.constant 6 : i32
      %dma_start3A_403 = arith.constant 0 : i32
      %dma_start3A_404 = tpu.memref_slice %arg8[%dma_start3A_402, %dma_start3A_403] : memref<8x128xi32, #tpu.memory_space<vmem>> -> memref<1x128xi32, #tpu.memory_space<vmem>>
      %dma_start3A_405 = tpu.memref_squeeze %dma_start3A_404 : memref<1x128xi32, #tpu.memory_space<vmem>> -> memref<128xi32, #tpu.memory_space<vmem>>
      %dma_start3A_406 = arith.constant 0 : i32
      %dma_start3A_407 = tpu.memref_slice %arg16[%dma_start3A_406] : memref<100352xf32, #tpu.memory_space<vmem_shared>> -> memref<100352xf32, #tpu.memory_space<vmem_shared>>
      tpu.enqueue_indirect_dma source(%arg18 : memref<128xf32, #tpu.memory_space<vmem>>) target(%dma_start3A_407 : memref<100352xf32, #tpu.memory_space<vmem_shared>>) offsets(%dma_start3A_405 : memref<128xi32, #tpu.memory_space<vmem>>) semaphore(%arg15 : memref<!tpu.dma_semaphore, #tpu.memory_space<semaphore_mem>>) {add = true}
      %dma_start3A_408 = arith.constant 7 : i32
      %dma_start3A_409 = arith.constant 7 : i32
      %dma_start3A_410 = arith.constant 0 : i32
      %dma_start3A_411 = arith.constant 0 : i32
      %dma_start3A_412 = tpu.memref_slice %arg11[%dma_start3A_408, %dma_start3A_410, %dma_start3A_411] : memref<8x128x16xf32, #tpu.memory_space<vmem>> -> memref<1x128x16xf32, #tpu.memory_space<vmem>>
      %dma_start3A_413 = tpu.memref_squeeze %dma_start3A_412 : memref<1x128x16xf32, #tpu.memory_space<vmem>> -> memref<128x16xf32, #tpu.memory_space<vmem>>
      %dma_start3A_414 = arith.constant 0 : i32
      %dma_start3A_415 = tpu.memref_slice %arg8[%dma_start3A_409, %dma_start3A_414] : memref<8x128xi32, #tpu.memory_space<vmem>> -> memref<1x128xi32, #tpu.memory_space<vmem>>
      %dma_start3A_416 = tpu.memref_squeeze %dma_start3A_415 : memref<1x128xi32, #tpu.memory_space<vmem>> -> memref<128xi32, #tpu.memory_space<vmem>>
      %dma_start3A_417 = arith.constant 0 : i32
      %dma_start3A_418 = arith.constant 0 : i32
      %dma_start3A_419 = tpu.memref_slice %arg6[%dma_start3A_417, %dma_start3A_418] : memref<100352x16xf32, #tpu.memory_space<vmem_shared>> -> memref<100352x16xf32, #tpu.memory_space<vmem_shared>>
      tpu.enqueue_indirect_dma source(%dma_start3A_413 : memref<128x16xf32, #tpu.memory_space<vmem>>) target(%dma_start3A_419 : memref<100352x16xf32, #tpu.memory_space<vmem_shared>>) offsets(%dma_start3A_416 : memref<128xi32, #tpu.memory_space<vmem>>) semaphore(%arg15 : memref<!tpu.dma_semaphore, #tpu.memory_space<semaphore_mem>>) {add = true}
      %dma_start3A_420 = arith.constant 7 : i32
      %dma_start3A_421 = arith.constant 0 : i32
      %dma_start3A_422 = tpu.memref_slice %arg8[%dma_start3A_420, %dma_start3A_421] : memref<8x128xi32, #tpu.memory_space<vmem>> -> memref<1x128xi32, #tpu.memory_space<vmem>>
      %dma_start3A_423 = tpu.memref_squeeze %dma_start3A_422 : memref<1x128xi32, #tpu.memory_space<vmem>> -> memref<128xi32, #tpu.memory_space<vmem>>
      %dma_start3A_424 = arith.constant 0 : i32
      %dma_start3A_425 = tpu.memref_slice %arg16[%dma_start3A_424] : memref<100352xf32, #tpu.memory_space<vmem_shared>> -> memref<100352xf32, #tpu.memory_space<vmem_shared>>
      tpu.enqueue_indirect_dma source(%arg18 : memref<128xf32, #tpu.memory_space<vmem>>) target(%dma_start3A_425 : memref<100352xf32, #tpu.memory_space<vmem_shared>>) offsets(%dma_start3A_423 : memref<128xi32, #tpu.memory_space<vmem>>) semaphore(%arg15 : memref<!tpu.dma_semaphore, #tpu.memory_space<semaphore_mem>>) {add = true}
      %dma_wait3A_426 = arith.constant 0 : i32
      %dma_wait3A_427 = arith.constant 0 : i32
      %dma_wait3A_428 = arith.constant 0 : i32
      %dma_wait3A_429 = arith.constant 0 : i32
      %dma_wait3A_430 = tpu.memref_slice %arg11[%dma_wait3A_426, %dma_wait3A_428, %dma_wait3A_429] : memref<8x128x16xf32, #tpu.memory_space<vmem>> -> memref<1x128x16xf32, #tpu.memory_space<vmem>>
      %dma_wait3A_431 = tpu.memref_squeeze %dma_wait3A_430 : memref<1x128x16xf32, #tpu.memory_space<vmem>> -> memref<128x16xf32, #tpu.memory_space<vmem>>
      %dma_wait3A_432 = arith.constant 0 : i32
      %dma_wait3A_433 = tpu.memref_slice %arg8[%dma_wait3A_427, %dma_wait3A_432] : memref<8x128xi32, #tpu.memory_space<vmem>> -> memref<1x128xi32, #tpu.memory_space<vmem>>
      %dma_wait3A_434 = tpu.memref_squeeze %dma_wait3A_433 : memref<1x128xi32, #tpu.memory_space<vmem>> -> memref<128xi32, #tpu.memory_space<vmem>>
      %dma_wait3A_435 = arith.constant 0 : i32
      %dma_wait3A_436 = arith.constant 0 : i32
      %dma_wait3A_437 = tpu.memref_slice %arg6[%dma_wait3A_435, %dma_wait3A_436] : memref<100352x16xf32, #tpu.memory_space<vmem_shared>> -> memref<100352x16xf32, #tpu.memory_space<vmem_shared>>
      tpu.wait_indirect_dma semaphore(%arg15 : memref<!tpu.dma_semaphore, #tpu.memory_space<semaphore_mem>>) src(%dma_wait3A_431 : memref<128x16xf32, #tpu.memory_space<vmem>>) dst(%dma_wait3A_437 : memref<100352x16xf32, #tpu.memory_space<vmem_shared>>)
      %dma_wait3A_438 = arith.constant 0 : i32
      %dma_wait3A_439 = arith.constant 0 : i32
      %dma_wait3A_440 = tpu.memref_slice %arg8[%dma_wait3A_438, %dma_wait3A_439] : memref<8x128xi32, #tpu.memory_space<vmem>> -> memref<1x128xi32, #tpu.memory_space<vmem>>
      %dma_wait3A_441 = tpu.memref_squeeze %dma_wait3A_440 : memref<1x128xi32, #tpu.memory_space<vmem>> -> memref<128xi32, #tpu.memory_space<vmem>>
      %dma_wait3A_442 = arith.constant 0 : i32
      %dma_wait3A_443 = tpu.memref_slice %arg16[%dma_wait3A_442] : memref<100352xf32, #tpu.memory_space<vmem_shared>> -> memref<100352xf32, #tpu.memory_space<vmem_shared>>
      tpu.wait_indirect_dma semaphore(%arg15 : memref<!tpu.dma_semaphore, #tpu.memory_space<semaphore_mem>>) src(%arg18 : memref<128xf32, #tpu.memory_space<vmem>>) dst(%dma_wait3A_443 : memref<100352xf32, #tpu.memory_space<vmem_shared>>)
      %dma_wait3A_444 = arith.constant 1 : i32
      %dma_wait3A_445 = arith.constant 1 : i32
      %dma_wait3A_446 = arith.constant 0 : i32
      %dma_wait3A_447 = arith.constant 0 : i32
      %dma_wait3A_448 = tpu.memref_slice %arg11[%dma_wait3A_444, %dma_wait3A_446, %dma_wait3A_447] : memref<8x128x16xf32, #tpu.memory_space<vmem>> -> memref<1x128x16xf32, #tpu.memory_space<vmem>>
      %dma_wait3A_449 = tpu.memref_squeeze %dma_wait3A_448 : memref<1x128x16xf32, #tpu.memory_space<vmem>> -> memref<128x16xf32, #tpu.memory_space<vmem>>
      %dma_wait3A_450 = arith.constant 0 : i32
      %dma_wait3A_451 = tpu.memref_slice %arg8[%dma_wait3A_445, %dma_wait3A_450] : memref<8x128xi32, #tpu.memory_space<vmem>> -> memref<1x128xi32, #tpu.memory_space<vmem>>
      %dma_wait3A_452 = tpu.memref_squeeze %dma_wait3A_451 : memref<1x128xi32, #tpu.memory_space<vmem>> -> memref<128xi32, #tpu.memory_space<vmem>>
      %dma_wait3A_453 = arith.constant 0 : i32
      %dma_wait3A_454 = arith.constant 0 : i32
      %dma_wait3A_455 = tpu.memref_slice %arg6[%dma_wait3A_453, %dma_wait3A_454] : memref<100352x16xf32, #tpu.memory_space<vmem_shared>> -> memref<100352x16xf32, #tpu.memory_space<vmem_shared>>
      tpu.wait_indirect_dma semaphore(%arg15 : memref<!tpu.dma_semaphore, #tpu.memory_space<semaphore_mem>>) src(%dma_wait3A_449 : memref<128x16xf32, #tpu.memory_space<vmem>>) dst(%dma_wait3A_455 : memref<100352x16xf32, #tpu.memory_space<vmem_shared>>)
      %dma_wait3A_456 = arith.constant 1 : i32
      %dma_wait3A_457 = arith.constant 0 : i32
      %dma_wait3A_458 = tpu.memref_slice %arg8[%dma_wait3A_456, %dma_wait3A_457] : memref<8x128xi32, #tpu.memory_space<vmem>> -> memref<1x128xi32, #tpu.memory_space<vmem>>
      %dma_wait3A_459 = tpu.memref_squeeze %dma_wait3A_458 : memref<1x128xi32, #tpu.memory_space<vmem>> -> memref<128xi32, #tpu.memory_space<vmem>>
      %dma_wait3A_460 = arith.constant 0 : i32
      %dma_wait3A_461 = tpu.memref_slice %arg16[%dma_wait3A_460] : memref<100352xf32, #tpu.memory_space<vmem_shared>> -> memref<100352xf32, #tpu.memory_space<vmem_shared>>
      tpu.wait_indirect_dma semaphore(%arg15 : memref<!tpu.dma_semaphore, #tpu.memory_space<semaphore_mem>>) src(%arg18 : memref<128xf32, #tpu.memory_space<vmem>>) dst(%dma_wait3A_461 : memref<100352xf32, #tpu.memory_space<vmem_shared>>)
      %dma_wait3A_462 = arith.constant 2 : i32
      %dma_wait3A_463 = arith.constant 2 : i32
      %dma_wait3A_464 = arith.constant 0 : i32
      %dma_wait3A_465 = arith.constant 0 : i32
      %dma_wait3A_466 = tpu.memref_slice %arg11[%dma_wait3A_462, %dma_wait3A_464, %dma_wait3A_465] : memref<8x128x16xf32, #tpu.memory_space<vmem>> -> memref<1x128x16xf32, #tpu.memory_space<vmem>>
      %dma_wait3A_467 = tpu.memref_squeeze %dma_wait3A_466 : memref<1x128x16xf32, #tpu.memory_space<vmem>> -> memref<128x16xf32, #tpu.memory_space<vmem>>
      %dma_wait3A_468 = arith.constant 0 : i32
      %dma_wait3A_469 = tpu.memref_slice %arg8[%dma_wait3A_463, %dma_wait3A_468] : memref<8x128xi32, #tpu.memory_space<vmem>> -> memref<1x128xi32, #tpu.memory_space<vmem>>
      %dma_wait3A_470 = tpu.memref_squeeze %dma_wait3A_469 : memref<1x128xi32, #tpu.memory_space<vmem>> -> memref<128xi32, #tpu.memory_space<vmem>>
      %dma_wait3A_471 = arith.constant 0 : i32
      %dma_wait3A_472 = arith.constant 0 : i32
      %dma_wait3A_473 = tpu.memref_slice %arg6[%dma_wait3A_471, %dma_wait3A_472] : memref<100352x16xf32, #tpu.memory_space<vmem_shared>> -> memref<100352x16xf32, #tpu.memory_space<vmem_shared>>
      tpu.wait_indirect_dma semaphore(%arg15 : memref<!tpu.dma_semaphore, #tpu.memory_space<semaphore_mem>>) src(%dma_wait3A_467 : memref<128x16xf32, #tpu.memory_space<vmem>>) dst(%dma_wait3A_473 : memref<100352x16xf32, #tpu.memory_space<vmem_shared>>)
      %dma_wait3A_474 = arith.constant 2 : i32
      %dma_wait3A_475 = arith.constant 0 : i32
      %dma_wait3A_476 = tpu.memref_slice %arg8[%dma_wait3A_474, %dma_wait3A_475] : memref<8x128xi32, #tpu.memory_space<vmem>> -> memref<1x128xi32, #tpu.memory_space<vmem>>
      %dma_wait3A_477 = tpu.memref_squeeze %dma_wait3A_476 : memref<1x128xi32, #tpu.memory_space<vmem>> -> memref<128xi32, #tpu.memory_space<vmem>>
      %dma_wait3A_478 = arith.constant 0 : i32
      %dma_wait3A_479 = tpu.memref_slice %arg16[%dma_wait3A_478] : memref<100352xf32, #tpu.memory_space<vmem_shared>> -> memref<100352xf32, #tpu.memory_space<vmem_shared>>
      tpu.wait_indirect_dma semaphore(%arg15 : memref<!tpu.dma_semaphore, #tpu.memory_space<semaphore_mem>>) src(%arg18 : memref<128xf32, #tpu.memory_space<vmem>>) dst(%dma_wait3A_479 : memref<100352xf32, #tpu.memory_space<vmem_shared>>)
      %dma_wait3A_480 = arith.constant 3 : i32
      %dma_wait3A_481 = arith.constant 3 : i32
      %dma_wait3A_482 = arith.constant 0 : i32
      %dma_wait3A_483 = arith.constant 0 : i32
      %dma_wait3A_484 = tpu.memref_slice %arg11[%dma_wait3A_480, %dma_wait3A_482, %dma_wait3A_483] : memref<8x128x16xf32, #tpu.memory_space<vmem>> -> memref<1x128x16xf32, #tpu.memory_space<vmem>>
      %dma_wait3A_485 = tpu.memref_squeeze %dma_wait3A_484 : memref<1x128x16xf32, #tpu.memory_space<vmem>> -> memref<128x16xf32, #tpu.memory_space<vmem>>
      %dma_wait3A_486 = arith.constant 0 : i32
      %dma_wait3A_487 = tpu.memref_slice %arg8[%dma_wait3A_481, %dma_wait3A_486] : memref<8x128xi32, #tpu.memory_space<vmem>> -> memref<1x128xi32, #tpu.memory_space<vmem>>
      %dma_wait3A_488 = tpu.memref_squeeze %dma_wait3A_487 : memref<1x128xi32, #tpu.memory_space<vmem>> -> memref<128xi32, #tpu.memory_space<vmem>>
      %dma_wait3A_489 = arith.constant 0 : i32
      %dma_wait3A_490 = arith.constant 0 : i32
      %dma_wait3A_491 = tpu.memref_slice %arg6[%dma_wait3A_489, %dma_wait3A_490] : memref<100352x16xf32, #tpu.memory_space<vmem_shared>> -> memref<100352x16xf32, #tpu.memory_space<vmem_shared>>
      tpu.wait_indirect_dma semaphore(%arg15 : memref<!tpu.dma_semaphore, #tpu.memory_space<semaphore_mem>>) src(%dma_wait3A_485 : memref<128x16xf32, #tpu.memory_space<vmem>>) dst(%dma_wait3A_491 : memref<100352x16xf32, #tpu.memory_space<vmem_shared>>)
      %dma_wait3A_492 = arith.constant 3 : i32
      %dma_wait3A_493 = arith.constant 0 : i32
      %dma_wait3A_494 = tpu.memref_slice %arg8[%dma_wait3A_492, %dma_wait3A_493] : memref<8x128xi32, #tpu.memory_space<vmem>> -> memref<1x128xi32, #tpu.memory_space<vmem>>
      %dma_wait3A_495 = tpu.memref_squeeze %dma_wait3A_494 : memref<1x128xi32, #tpu.memory_space<vmem>> -> memref<128xi32, #tpu.memory_space<vmem>>
      %dma_wait3A_496 = arith.constant 0 : i32
      %dma_wait3A_497 = tpu.memref_slice %arg16[%dma_wait3A_496] : memref<100352xf32, #tpu.memory_space<vmem_shared>> -> memref<100352xf32, #tpu.memory_space<vmem_shared>>
      tpu.wait_indirect_dma semaphore(%arg15 : memref<!tpu.dma_semaphore, #tpu.memory_space<semaphore_mem>>) src(%arg18 : memref<128xf32, #tpu.memory_space<vmem>>) dst(%dma_wait3A_497 : memref<100352xf32, #tpu.memory_space<vmem_shared>>)
      %dma_wait3A_498 = arith.constant 4 : i32
      %dma_wait3A_499 = arith.constant 4 : i32
      %dma_wait3A_500 = arith.constant 0 : i32
      %dma_wait3A_501 = arith.constant 0 : i32
      %dma_wait3A_502 = tpu.memref_slice %arg11[%dma_wait3A_498, %dma_wait3A_500, %dma_wait3A_501] : memref<8x128x16xf32, #tpu.memory_space<vmem>> -> memref<1x128x16xf32, #tpu.memory_space<vmem>>
      %dma_wait3A_503 = tpu.memref_squeeze %dma_wait3A_502 : memref<1x128x16xf32, #tpu.memory_space<vmem>> -> memref<128x16xf32, #tpu.memory_space<vmem>>
      %dma_wait3A_504 = arith.constant 0 : i32
      %dma_wait3A_505 = tpu.memref_slice %arg8[%dma_wait3A_499, %dma_wait3A_504] : memref<8x128xi32, #tpu.memory_space<vmem>> -> memref<1x128xi32, #tpu.memory_space<vmem>>
      %dma_wait3A_506 = tpu.memref_squeeze %dma_wait3A_505 : memref<1x128xi32, #tpu.memory_space<vmem>> -> memref<128xi32, #tpu.memory_space<vmem>>
      %dma_wait3A_507 = arith.constant 0 : i32
      %dma_wait3A_508 = arith.constant 0 : i32
      %dma_wait3A_509 = tpu.memref_slice %arg6[%dma_wait3A_507, %dma_wait3A_508] : memref<100352x16xf32, #tpu.memory_space<vmem_shared>> -> memref<100352x16xf32, #tpu.memory_space<vmem_shared>>
      tpu.wait_indirect_dma semaphore(%arg15 : memref<!tpu.dma_semaphore, #tpu.memory_space<semaphore_mem>>) src(%dma_wait3A_503 : memref<128x16xf32, #tpu.memory_space<vmem>>) dst(%dma_wait3A_509 : memref<100352x16xf32, #tpu.memory_space<vmem_shared>>)
      %dma_wait3A_510 = arith.constant 4 : i32
      %dma_wait3A_511 = arith.constant 0 : i32
      %dma_wait3A_512 = tpu.memref_slice %arg8[%dma_wait3A_510, %dma_wait3A_511] : memref<8x128xi32, #tpu.memory_space<vmem>> -> memref<1x128xi32, #tpu.memory_space<vmem>>
      %dma_wait3A_513 = tpu.memref_squeeze %dma_wait3A_512 : memref<1x128xi32, #tpu.memory_space<vmem>> -> memref<128xi32, #tpu.memory_space<vmem>>
      %dma_wait3A_514 = arith.constant 0 : i32
      %dma_wait3A_515 = tpu.memref_slice %arg16[%dma_wait3A_514] : memref<100352xf32, #tpu.memory_space<vmem_shared>> -> memref<100352xf32, #tpu.memory_space<vmem_shared>>
      tpu.wait_indirect_dma semaphore(%arg15 : memref<!tpu.dma_semaphore, #tpu.memory_space<semaphore_mem>>) src(%arg18 : memref<128xf32, #tpu.memory_space<vmem>>) dst(%dma_wait3A_515 : memref<100352xf32, #tpu.memory_space<vmem_shared>>)
      %dma_wait3A_516 = arith.constant 5 : i32
      %dma_wait3A_517 = arith.constant 5 : i32
      %dma_wait3A_518 = arith.constant 0 : i32
      %dma_wait3A_519 = arith.constant 0 : i32
      %dma_wait3A_520 = tpu.memref_slice %arg11[%dma_wait3A_516, %dma_wait3A_518, %dma_wait3A_519] : memref<8x128x16xf32, #tpu.memory_space<vmem>> -> memref<1x128x16xf32, #tpu.memory_space<vmem>>
      %dma_wait3A_521 = tpu.memref_squeeze %dma_wait3A_520 : memref<1x128x16xf32, #tpu.memory_space<vmem>> -> memref<128x16xf32, #tpu.memory_space<vmem>>
      %dma_wait3A_522 = arith.constant 0 : i32
      %dma_wait3A_523 = tpu.memref_slice %arg8[%dma_wait3A_517, %dma_wait3A_522] : memref<8x128xi32, #tpu.memory_space<vmem>> -> memref<1x128xi32, #tpu.memory_space<vmem>>
      %dma_wait3A_524 = tpu.memref_squeeze %dma_wait3A_523 : memref<1x128xi32, #tpu.memory_space<vmem>> -> memref<128xi32, #tpu.memory_space<vmem>>
      %dma_wait3A_525 = arith.constant 0 : i32
      %dma_wait3A_526 = arith.constant 0 : i32
      %dma_wait3A_527 = tpu.memref_slice %arg6[%dma_wait3A_525, %dma_wait3A_526] : memref<100352x16xf32, #tpu.memory_space<vmem_shared>> -> memref<100352x16xf32, #tpu.memory_space<vmem_shared>>
      tpu.wait_indirect_dma semaphore(%arg15 : memref<!tpu.dma_semaphore, #tpu.memory_space<semaphore_mem>>) src(%dma_wait3A_521 : memref<128x16xf32, #tpu.memory_space<vmem>>) dst(%dma_wait3A_527 : memref<100352x16xf32, #tpu.memory_space<vmem_shared>>)
      %dma_wait3A_528 = arith.constant 5 : i32
      %dma_wait3A_529 = arith.constant 0 : i32
      %dma_wait3A_530 = tpu.memref_slice %arg8[%dma_wait3A_528, %dma_wait3A_529] : memref<8x128xi32, #tpu.memory_space<vmem>> -> memref<1x128xi32, #tpu.memory_space<vmem>>
      %dma_wait3A_531 = tpu.memref_squeeze %dma_wait3A_530 : memref<1x128xi32, #tpu.memory_space<vmem>> -> memref<128xi32, #tpu.memory_space<vmem>>
      %dma_wait3A_532 = arith.constant 0 : i32
      %dma_wait3A_533 = tpu.memref_slice %arg16[%dma_wait3A_532] : memref<100352xf32, #tpu.memory_space<vmem_shared>> -> memref<100352xf32, #tpu.memory_space<vmem_shared>>
      tpu.wait_indirect_dma semaphore(%arg15 : memref<!tpu.dma_semaphore, #tpu.memory_space<semaphore_mem>>) src(%arg18 : memref<128xf32, #tpu.memory_space<vmem>>) dst(%dma_wait3A_533 : memref<100352xf32, #tpu.memory_space<vmem_shared>>)
      %dma_wait3A_534 = arith.constant 6 : i32
      %dma_wait3A_535 = arith.constant 6 : i32
      %dma_wait3A_536 = arith.constant 0 : i32
      %dma_wait3A_537 = arith.constant 0 : i32
      %dma_wait3A_538 = tpu.memref_slice %arg11[%dma_wait3A_534, %dma_wait3A_536, %dma_wait3A_537] : memref<8x128x16xf32, #tpu.memory_space<vmem>> -> memref<1x128x16xf32, #tpu.memory_space<vmem>>
      %dma_wait3A_539 = tpu.memref_squeeze %dma_wait3A_538 : memref<1x128x16xf32, #tpu.memory_space<vmem>> -> memref<128x16xf32, #tpu.memory_space<vmem>>
      %dma_wait3A_540 = arith.constant 0 : i32
      %dma_wait3A_541 = tpu.memref_slice %arg8[%dma_wait3A_535, %dma_wait3A_540] : memref<8x128xi32, #tpu.memory_space<vmem>> -> memref<1x128xi32, #tpu.memory_space<vmem>>
      %dma_wait3A_542 = tpu.memref_squeeze %dma_wait3A_541 : memref<1x128xi32, #tpu.memory_space<vmem>> -> memref<128xi32, #tpu.memory_space<vmem>>
      %dma_wait3A_543 = arith.constant 0 : i32
      %dma_wait3A_544 = arith.constant 0 : i32
      %dma_wait3A_545 = tpu.memref_slice %arg6[%dma_wait3A_543, %dma_wait3A_544] : memref<100352x16xf32, #tpu.memory_space<vmem_shared>> -> memref<100352x16xf32, #tpu.memory_space<vmem_shared>>
      tpu.wait_indirect_dma semaphore(%arg15 : memref<!tpu.dma_semaphore, #tpu.memory_space<semaphore_mem>>) src(%dma_wait3A_539 : memref<128x16xf32, #tpu.memory_space<vmem>>) dst(%dma_wait3A_545 : memref<100352x16xf32, #tpu.memory_space<vmem_shared>>)
      %dma_wait3A_546 = arith.constant 6 : i32
      %dma_wait3A_547 = arith.constant 0 : i32
      %dma_wait3A_548 = tpu.memref_slice %arg8[%dma_wait3A_546, %dma_wait3A_547] : memref<8x128xi32, #tpu.memory_space<vmem>> -> memref<1x128xi32, #tpu.memory_space<vmem>>
      %dma_wait3A_549 = tpu.memref_squeeze %dma_wait3A_548 : memref<1x128xi32, #tpu.memory_space<vmem>> -> memref<128xi32, #tpu.memory_space<vmem>>
      %dma_wait3A_550 = arith.constant 0 : i32
      %dma_wait3A_551 = tpu.memref_slice %arg16[%dma_wait3A_550] : memref<100352xf32, #tpu.memory_space<vmem_shared>> -> memref<100352xf32, #tpu.memory_space<vmem_shared>>
      tpu.wait_indirect_dma semaphore(%arg15 : memref<!tpu.dma_semaphore, #tpu.memory_space<semaphore_mem>>) src(%arg18 : memref<128xf32, #tpu.memory_space<vmem>>) dst(%dma_wait3A_551 : memref<100352xf32, #tpu.memory_space<vmem_shared>>)
      %dma_wait3A_552 = arith.constant 7 : i32
      %dma_wait3A_553 = arith.constant 7 : i32
      %dma_wait3A_554 = arith.constant 0 : i32
      %dma_wait3A_555 = arith.constant 0 : i32
      %dma_wait3A_556 = tpu.memref_slice %arg11[%dma_wait3A_552, %dma_wait3A_554, %dma_wait3A_555] : memref<8x128x16xf32, #tpu.memory_space<vmem>> -> memref<1x128x16xf32, #tpu.memory_space<vmem>>
      %dma_wait3A_557 = tpu.memref_squeeze %dma_wait3A_556 : memref<1x128x16xf32, #tpu.memory_space<vmem>> -> memref<128x16xf32, #tpu.memory_space<vmem>>
      %dma_wait3A_558 = arith.constant 0 : i32
      %dma_wait3A_559 = tpu.memref_slice %arg8[%dma_wait3A_553, %dma_wait3A_558] : memref<8x128xi32, #tpu.memory_space<vmem>> -> memref<1x128xi32, #tpu.memory_space<vmem>>
      %dma_wait3A_560 = tpu.memref_squeeze %dma_wait3A_559 : memref<1x128xi32, #tpu.memory_space<vmem>> -> memref<128xi32, #tpu.memory_space<vmem>>
      %dma_wait3A_561 = arith.constant 0 : i32
      %dma_wait3A_562 = arith.constant 0 : i32
      %dma_wait3A_563 = tpu.memref_slice %arg6[%dma_wait3A_561, %dma_wait3A_562] : memref<100352x16xf32, #tpu.memory_space<vmem_shared>> -> memref<100352x16xf32, #tpu.memory_space<vmem_shared>>
      tpu.wait_indirect_dma semaphore(%arg15 : memref<!tpu.dma_semaphore, #tpu.memory_space<semaphore_mem>>) src(%dma_wait3A_557 : memref<128x16xf32, #tpu.memory_space<vmem>>) dst(%dma_wait3A_563 : memref<100352x16xf32, #tpu.memory_space<vmem_shared>>)
      %dma_wait3A_564 = arith.constant 7 : i32
      %dma_wait3A_565 = arith.constant 0 : i32
      %dma_wait3A_566 = tpu.memref_slice %arg8[%dma_wait3A_564, %dma_wait3A_565] : memref<8x128xi32, #tpu.memory_space<vmem>> -> memref<1x128xi32, #tpu.memory_space<vmem>>
      %dma_wait3A_567 = tpu.memref_squeeze %dma_wait3A_566 : memref<1x128xi32, #tpu.memory_space<vmem>> -> memref<128xi32, #tpu.memory_space<vmem>>
      %dma_wait3A_568 = arith.constant 0 : i32
      %dma_wait3A_569 = tpu.memref_slice %arg16[%dma_wait3A_568] : memref<100352xf32, #tpu.memory_space<vmem_shared>> -> memref<100352xf32, #tpu.memory_space<vmem_shared>>
      tpu.wait_indirect_dma semaphore(%arg15 : memref<!tpu.dma_semaphore, #tpu.memory_space<semaphore_mem>>) src(%arg18 : memref<128xf32, #tpu.memory_space<vmem>>) dst(%dma_wait3A_569 : memref<100352xf32, #tpu.memory_space<vmem_shared>>)
    }
    %while3A_54 = arith.constant 1 : i32
    scf.for %while3A_58 = %while3A_52 to %while3A_48 step %while3A_54  : i32 {
      %mul3A_59 = arith.constant 32 : i32
      %mul3A_60 = arith.muli %while3A_58, %mul3A_59 : i32
      %add3A_61 = arith.addi %mul3A_60, %add3A : i32
      %mul3A_62 = arith.constant 8 : i32
      %mul3A_63 = arith.muli %add3A_61, %mul3A_62 : i32
      %dma_start3A = arith.constant 0 : i32
      %dma_start3A_64 = arith.constant 0 : i32
      %dma_start3A_65 = tpu.memref_slice %arg2[%dma_start3A, %mul3A_63, %dma_start3A_64] : memref<2x12500x128xi32, #tpu.memory_space<hbm>> -> memref<1x8x128xi32, #tpu.memory_space<hbm>>
      %dma_start3A_66 = tpu.memref_squeeze %dma_start3A_65 : memref<1x8x128xi32, #tpu.memory_space<hbm>> -> memref<8x128xi32, #tpu.memory_space<hbm>>
      %dma_start3A_67 = arith.constant 0 : i32
      %dma_start3A_68 = tpu.memref_slice %arg2[%dma_start3A, %mul3A_63, %dma_start3A_67] : memref<2x12500x128xi32, #tpu.memory_space<hbm>> -> memref<1x8x128xi32, #tpu.memory_space<hbm>>
      %dma_start3A_69 = tpu.memref_squeeze %dma_start3A_68 : memref<1x8x128xi32, #tpu.memory_space<hbm>> -> memref<8x128xi32, #tpu.memory_space<hbm>>
      tpu.enqueue_dma source(%dma_start3A_69 : memref<8x128xi32, #tpu.memory_space<hbm>>) target(%arg7 : memref<8x128xi32, #tpu.memory_space<vmem>>) target_semaphore(%arg13 : memref<!tpu.dma_semaphore, #tpu.memory_space<semaphore_mem>>)
      %dma_start3A_70 = arith.constant 1 : i32
      %dma_start3A_71 = arith.constant 0 : i32
      %dma_start3A_72 = tpu.memref_slice %arg2[%dma_start3A_70, %mul3A_63, %dma_start3A_71] : memref<2x12500x128xi32, #tpu.memory_space<hbm>> -> memref<1x8x128xi32, #tpu.memory_space<hbm>>
      %dma_start3A_73 = tpu.memref_squeeze %dma_start3A_72 : memref<1x8x128xi32, #tpu.memory_space<hbm>> -> memref<8x128xi32, #tpu.memory_space<hbm>>
      %dma_start3A_74 = arith.constant 0 : i32
      %dma_start3A_75 = tpu.memref_slice %arg2[%dma_start3A_70, %mul3A_63, %dma_start3A_74] : memref<2x12500x128xi32, #tpu.memory_space<hbm>> -> memref<1x8x128xi32, #tpu.memory_space<hbm>>
      %dma_start3A_76 = tpu.memref_squeeze %dma_start3A_75 : memref<1x8x128xi32, #tpu.memory_space<hbm>> -> memref<8x128xi32, #tpu.memory_space<hbm>>
      tpu.enqueue_dma source(%dma_start3A_76 : memref<8x128xi32, #tpu.memory_space<hbm>>) target(%arg8 : memref<8x128xi32, #tpu.memory_space<vmem>>) target_semaphore(%arg14 : memref<!tpu.dma_semaphore, #tpu.memory_space<semaphore_mem>>)
      %dma_wait3A = arith.constant 0 : i32
      %dma_wait3A_77 = arith.constant 0 : i32
      %dma_wait3A_78 = tpu.memref_slice %arg2[%dma_wait3A, %mul3A_63, %dma_wait3A_77] : memref<2x12500x128xi32, #tpu.memory_space<hbm>> -> memref<1x8x128xi32, #tpu.memory_space<hbm>>
      %dma_wait3A_79 = tpu.memref_squeeze %dma_wait3A_78 : memref<1x8x128xi32, #tpu.memory_space<hbm>> -> memref<8x128xi32, #tpu.memory_space<hbm>>
      %dma_wait3A_80 = arith.constant 0 : i32
      %dma_wait3A_81 = tpu.memref_slice %arg2[%dma_wait3A, %mul3A_63, %dma_wait3A_80] : memref<2x12500x128xi32, #tpu.memory_space<hbm>> -> memref<1x8x128xi32, #tpu.memory_space<hbm>>
      %dma_wait3A_82 = tpu.memref_squeeze %dma_wait3A_81 : memref<1x8x128xi32, #tpu.memory_space<hbm>> -> memref<8x128xi32, #tpu.memory_space<hbm>>
      tpu.wait_dma2 semaphore(%arg13 : memref<!tpu.dma_semaphore, #tpu.memory_space<semaphore_mem>>) src(%dma_wait3A_82 : memref<8x128xi32, #tpu.memory_space<hbm>>) dst(%arg7 : memref<8x128xi32, #tpu.memory_space<vmem>>)
      %dma_wait3A_83 = arith.constant 1 : i32
      %dma_wait3A_84 = arith.constant 0 : i32
      %dma_wait3A_85 = tpu.memref_slice %arg2[%dma_wait3A_83, %mul3A_63, %dma_wait3A_84] : memref<2x12500x128xi32, #tpu.memory_space<hbm>> -> memref<1x8x128xi32, #tpu.memory_space<hbm>>
      %dma_wait3A_86 = tpu.memref_squeeze %dma_wait3A_85 : memref<1x8x128xi32, #tpu.memory_space<hbm>> -> memref<8x128xi32, #tpu.memory_space<hbm>>
      %dma_wait3A_87 = arith.constant 0 : i32
      %dma_wait3A_88 = tpu.memref_slice %arg2[%dma_wait3A_83, %mul3A_63, %dma_wait3A_87] : memref<2x12500x128xi32, #tpu.memory_space<hbm>> -> memref<1x8x128xi32, #tpu.memory_space<hbm>>
      %dma_wait3A_89 = tpu.memref_squeeze %dma_wait3A_88 : memref<1x8x128xi32, #tpu.memory_space<hbm>> -> memref<8x128xi32, #tpu.memory_space<hbm>>
      tpu.wait_dma2 semaphore(%arg14 : memref<!tpu.dma_semaphore, #tpu.memory_space<semaphore_mem>>) src(%dma_wait3A_89 : memref<8x128xi32, #tpu.memory_space<hbm>>) dst(%arg8 : memref<8x128xi32, #tpu.memory_space<vmem>>)
      %dma_start3A_90 = arith.constant 0 : i32
      %dma_start3A_91 = arith.constant 0 : i32
      %dma_start3A_92 = arith.constant 0 : i32
      %dma_start3A_93 = arith.constant 0 : i32
      %dma_start3A_94 = tpu.memref_slice %arg11[%dma_start3A_91, %dma_start3A_92, %dma_start3A_93] : memref<8x128x16xf32, #tpu.memory_space<vmem>> -> memref<1x128x16xf32, #tpu.memory_space<vmem>>
      %dma_start3A_95 = tpu.memref_squeeze %dma_start3A_94 : memref<1x128x16xf32, #tpu.memory_space<vmem>> -> memref<128x16xf32, #tpu.memory_space<vmem>>
      %dma_start3A_96 = arith.constant 0 : i32
      %dma_start3A_97 = tpu.memref_slice %arg7[%dma_start3A_90, %dma_start3A_96] : memref<8x128xi32, #tpu.memory_space<vmem>> -> memref<1x128xi32, #tpu.memory_space<vmem>>
      %dma_start3A_98 = tpu.memref_squeeze %dma_start3A_97 : memref<1x128xi32, #tpu.memory_space<vmem>> -> memref<128xi32, #tpu.memory_space<vmem>>
      %dma_start3A_99 = arith.constant 0 : i32
      %dma_start3A_100 = arith.constant 0 : i32
      %dma_start3A_101 = tpu.memref_slice %arg3[%dma_start3A_99, %dma_start3A_100] : memref<100000x16xf32, #tpu.memory_space<hbm>> -> memref<100000x16xf32, #tpu.memory_space<hbm>>
      tpu.enqueue_indirect_dma source(%dma_start3A_101 : memref<100000x16xf32, #tpu.memory_space<hbm>>) target(%dma_start3A_95 : memref<128x16xf32, #tpu.memory_space<vmem>>) offsets(%dma_start3A_98 : memref<128xi32, #tpu.memory_space<vmem>>) semaphore(%arg13 : memref<!tpu.dma_semaphore, #tpu.memory_space<semaphore_mem>>)
      %dma_start3A_102 = arith.constant 1 : i32
      %dma_start3A_103 = arith.constant 1 : i32
      %dma_start3A_104 = arith.constant 0 : i32
      %dma_start3A_105 = arith.constant 0 : i32
      %dma_start3A_106 = tpu.memref_slice %arg11[%dma_start3A_103, %dma_start3A_104, %dma_start3A_105] : memref<8x128x16xf32, #tpu.memory_space<vmem>> -> memref<1x128x16xf32, #tpu.memory_space<vmem>>
      %dma_start3A_107 = tpu.memref_squeeze %dma_start3A_106 : memref<1x128x16xf32, #tpu.memory_space<vmem>> -> memref<128x16xf32, #tpu.memory_space<vmem>>
      %dma_start3A_108 = arith.constant 0 : i32
      %dma_start3A_109 = tpu.memref_slice %arg7[%dma_start3A_102, %dma_start3A_108] : memref<8x128xi32, #tpu.memory_space<vmem>> -> memref<1x128xi32, #tpu.memory_space<vmem>>
      %dma_start3A_110 = tpu.memref_squeeze %dma_start3A_109 : memref<1x128xi32, #tpu.memory_space<vmem>> -> memref<128xi32, #tpu.memory_space<vmem>>
      %dma_start3A_111 = arith.constant 0 : i32
      %dma_start3A_112 = arith.constant 0 : i32
      %dma_start3A_113 = tpu.memref_slice %arg3[%dma_start3A_111, %dma_start3A_112] : memref<100000x16xf32, #tpu.memory_space<hbm>> -> memref<100000x16xf32, #tpu.memory_space<hbm>>
      tpu.enqueue_indirect_dma source(%dma_start3A_113 : memref<100000x16xf32, #tpu.memory_space<hbm>>) target(%dma_start3A_107 : memref<128x16xf32, #tpu.memory_space<vmem>>) offsets(%dma_start3A_110 : memref<128xi32, #tpu.memory_space<vmem>>) semaphore(%arg13 : memref<!tpu.dma_semaphore, #tpu.memory_space<semaphore_mem>>)
      %dma_start3A_114 = arith.constant 2 : i32
      %dma_start3A_115 = arith.constant 2 : i32
      %dma_start3A_116 = arith.constant 0 : i32
      %dma_start3A_117 = arith.constant 0 : i32
      %dma_start3A_118 = tpu.memref_slice %arg11[%dma_start3A_115, %dma_start3A_116, %dma_start3A_117] : memref<8x128x16xf32, #tpu.memory_space<vmem>> -> memref<1x128x16xf32, #tpu.memory_space<vmem>>
      %dma_start3A_119 = tpu.memref_squeeze %dma_start3A_118 : memref<1x128x16xf32, #tpu.memory_space<vmem>> -> memref<128x16xf32, #tpu.memory_space<vmem>>
      %dma_start3A_120 = arith.constant 0 : i32
      %dma_start3A_121 = tpu.memref_slice %arg7[%dma_start3A_114, %dma_start3A_120] : memref<8x128xi32, #tpu.memory_space<vmem>> -> memref<1x128xi32, #tpu.memory_space<vmem>>
      %dma_start3A_122 = tpu.memref_squeeze %dma_start3A_121 : memref<1x128xi32, #tpu.memory_space<vmem>> -> memref<128xi32, #tpu.memory_space<vmem>>
      %dma_start3A_123 = arith.constant 0 : i32
      %dma_start3A_124 = arith.constant 0 : i32
      %dma_start3A_125 = tpu.memref_slice %arg3[%dma_start3A_123, %dma_start3A_124] : memref<100000x16xf32, #tpu.memory_space<hbm>> -> memref<100000x16xf32, #tpu.memory_space<hbm>>
      tpu.enqueue_indirect_dma source(%dma_start3A_125 : memref<100000x16xf32, #tpu.memory_space<hbm>>) target(%dma_start3A_119 : memref<128x16xf32, #tpu.memory_space<vmem>>) offsets(%dma_start3A_122 : memref<128xi32, #tpu.memory_space<vmem>>) semaphore(%arg13 : memref<!tpu.dma_semaphore, #tpu.memory_space<semaphore_mem>>)
      %dma_start3A_126 = arith.constant 3 : i32
      %dma_start3A_127 = arith.constant 3 : i32
      %dma_start3A_128 = arith.constant 0 : i32
      %dma_start3A_129 = arith.constant 0 : i32
      %dma_start3A_130 = tpu.memref_slice %arg11[%dma_start3A_127, %dma_start3A_128, %dma_start3A_129] : memref<8x128x16xf32, #tpu.memory_space<vmem>> -> memref<1x128x16xf32, #tpu.memory_space<vmem>>
      %dma_start3A_131 = tpu.memref_squeeze %dma_start3A_130 : memref<1x128x16xf32, #tpu.memory_space<vmem>> -> memref<128x16xf32, #tpu.memory_space<vmem>>
      %dma_start3A_132 = arith.constant 0 : i32
      %dma_start3A_133 = tpu.memref_slice %arg7[%dma_start3A_126, %dma_start3A_132] : memref<8x128xi32, #tpu.memory_space<vmem>> -> memref<1x128xi32, #tpu.memory_space<vmem>>
      %dma_start3A_134 = tpu.memref_squeeze %dma_start3A_133 : memref<1x128xi32, #tpu.memory_space<vmem>> -> memref<128xi32, #tpu.memory_space<vmem>>
      %dma_start3A_135 = arith.constant 0 : i32
      %dma_start3A_136 = arith.constant 0 : i32
      %dma_start3A_137 = tpu.memref_slice %arg3[%dma_start3A_135, %dma_start3A_136] : memref<100000x16xf32, #tpu.memory_space<hbm>> -> memref<100000x16xf32, #tpu.memory_space<hbm>>
      tpu.enqueue_indirect_dma source(%dma_start3A_137 : memref<100000x16xf32, #tpu.memory_space<hbm>>) target(%dma_start3A_131 : memref<128x16xf32, #tpu.memory_space<vmem>>) offsets(%dma_start3A_134 : memref<128xi32, #tpu.memory_space<vmem>>) semaphore(%arg13 : memref<!tpu.dma_semaphore, #tpu.memory_space<semaphore_mem>>)
      %dma_start3A_138 = arith.constant 4 : i32
      %dma_start3A_139 = arith.constant 4 : i32
      %dma_start3A_140 = arith.constant 0 : i32
      %dma_start3A_141 = arith.constant 0 : i32
      %dma_start3A_142 = tpu.memref_slice %arg11[%dma_start3A_139, %dma_start3A_140, %dma_start3A_141] : memref<8x128x16xf32, #tpu.memory_space<vmem>> -> memref<1x128x16xf32, #tpu.memory_space<vmem>>
      %dma_start3A_143 = tpu.memref_squeeze %dma_start3A_142 : memref<1x128x16xf32, #tpu.memory_space<vmem>> -> memref<128x16xf32, #tpu.memory_space<vmem>>
      %dma_start3A_144 = arith.constant 0 : i32
      %dma_start3A_145 = tpu.memref_slice %arg7[%dma_start3A_138, %dma_start3A_144] : memref<8x128xi32, #tpu.memory_space<vmem>> -> memref<1x128xi32, #tpu.memory_space<vmem>>
      %dma_start3A_146 = tpu.memref_squeeze %dma_start3A_145 : memref<1x128xi32, #tpu.memory_space<vmem>> -> memref<128xi32, #tpu.memory_space<vmem>>
      %dma_start3A_147 = arith.constant 0 : i32
      %dma_start3A_148 = arith.constant 0 : i32
      %dma_start3A_149 = tpu.memref_slice %arg3[%dma_start3A_147, %dma_start3A_148] : memref<100000x16xf32, #tpu.memory_space<hbm>> -> memref<100000x16xf32, #tpu.memory_space<hbm>>
      tpu.enqueue_indirect_dma source(%dma_start3A_149 : memref<100000x16xf32, #tpu.memory_space<hbm>>) target(%dma_start3A_143 : memref<128x16xf32, #tpu.memory_space<vmem>>) offsets(%dma_start3A_146 : memref<128xi32, #tpu.memory_space<vmem>>) semaphore(%arg14 : memref<!tpu.dma_semaphore, #tpu.memory_space<semaphore_mem>>)
      %dma_start3A_150 = arith.constant 5 : i32
      %dma_start3A_151 = arith.constant 5 : i32
      %dma_start3A_152 = arith.constant 0 : i32
      %dma_start3A_153 = arith.constant 0 : i32
      %dma_start3A_154 = tpu.memref_slice %arg11[%dma_start3A_151, %dma_start3A_152, %dma_start3A_153] : memref<8x128x16xf32, #tpu.memory_space<vmem>> -> memref<1x128x16xf32, #tpu.memory_space<vmem>>
      %dma_start3A_155 = tpu.memref_squeeze %dma_start3A_154 : memref<1x128x16xf32, #tpu.memory_space<vmem>> -> memref<128x16xf32, #tpu.memory_space<vmem>>
      %dma_start3A_156 = arith.constant 0 : i32
      %dma_start3A_157 = tpu.memref_slice %arg7[%dma_start3A_150, %dma_start3A_156] : memref<8x128xi32, #tpu.memory_space<vmem>> -> memref<1x128xi32, #tpu.memory_space<vmem>>
      %dma_start3A_158 = tpu.memref_squeeze %dma_start3A_157 : memref<1x128xi32, #tpu.memory_space<vmem>> -> memref<128xi32, #tpu.memory_space<vmem>>
      %dma_start3A_159 = arith.constant 0 : i32
      %dma_start3A_160 = arith.constant 0 : i32
      %dma_start3A_161 = tpu.memref_slice %arg3[%dma_start3A_159, %dma_start3A_160] : memref<100000x16xf32, #tpu.memory_space<hbm>> -> memref<100000x16xf32, #tpu.memory_space<hbm>>
      tpu.enqueue_indirect_dma source(%dma_start3A_161 : memref<100000x16xf32, #tpu.memory_space<hbm>>) target(%dma_start3A_155 : memref<128x16xf32, #tpu.memory_space<vmem>>) offsets(%dma_start3A_158 : memref<128xi32, #tpu.memory_space<vmem>>) semaphore(%arg14 : memref<!tpu.dma_semaphore, #tpu.memory_space<semaphore_mem>>)
      %dma_start3A_162 = arith.constant 6 : i32
      %dma_start3A_163 = arith.constant 6 : i32
      %dma_start3A_164 = arith.constant 0 : i32
      %dma_start3A_165 = arith.constant 0 : i32
      %dma_start3A_166 = tpu.memref_slice %arg11[%dma_start3A_163, %dma_start3A_164, %dma_start3A_165] : memref<8x128x16xf32, #tpu.memory_space<vmem>> -> memref<1x128x16xf32, #tpu.memory_space<vmem>>
      %dma_start3A_167 = tpu.memref_squeeze %dma_start3A_166 : memref<1x128x16xf32, #tpu.memory_space<vmem>> -> memref<128x16xf32, #tpu.memory_space<vmem>>
      %dma_start3A_168 = arith.constant 0 : i32
      %dma_start3A_169 = tpu.memref_slice %arg7[%dma_start3A_162, %dma_start3A_168] : memref<8x128xi32, #tpu.memory_space<vmem>> -> memref<1x128xi32, #tpu.memory_space<vmem>>
      %dma_start3A_170 = tpu.memref_squeeze %dma_start3A_169 : memref<1x128xi32, #tpu.memory_space<vmem>> -> memref<128xi32, #tpu.memory_space<vmem>>
      %dma_start3A_171 = arith.constant 0 : i32
      %dma_start3A_172 = arith.constant 0 : i32
      %dma_start3A_173 = tpu.memref_slice %arg3[%dma_start3A_171, %dma_start3A_172] : memref<100000x16xf32, #tpu.memory_space<hbm>> -> memref<100000x16xf32, #tpu.memory_space<hbm>>
      tpu.enqueue_indirect_dma source(%dma_start3A_173 : memref<100000x16xf32, #tpu.memory_space<hbm>>) target(%dma_start3A_167 : memref<128x16xf32, #tpu.memory_space<vmem>>) offsets(%dma_start3A_170 : memref<128xi32, #tpu.memory_space<vmem>>) semaphore(%arg14 : memref<!tpu.dma_semaphore, #tpu.memory_space<semaphore_mem>>)
      %dma_start3A_174 = arith.constant 7 : i32
      %dma_start3A_175 = arith.constant 7 : i32
      %dma_start3A_176 = arith.constant 0 : i32
      %dma_start3A_177 = arith.constant 0 : i32
      %dma_start3A_178 = tpu.memref_slice %arg11[%dma_start3A_175, %dma_start3A_176, %dma_start3A_177] : memref<8x128x16xf32, #tpu.memory_space<vmem>> -> memref<1x128x16xf32, #tpu.memory_space<vmem>>
      %dma_start3A_179 = tpu.memref_squeeze %dma_start3A_178 : memref<1x128x16xf32, #tpu.memory_space<vmem>> -> memref<128x16xf32, #tpu.memory_space<vmem>>
      %dma_start3A_180 = arith.constant 0 : i32
      %dma_start3A_181 = tpu.memref_slice %arg7[%dma_start3A_174, %dma_start3A_180] : memref<8x128xi32, #tpu.memory_space<vmem>> -> memref<1x128xi32, #tpu.memory_space<vmem>>
      %dma_start3A_182 = tpu.memref_squeeze %dma_start3A_181 : memref<1x128xi32, #tpu.memory_space<vmem>> -> memref<128xi32, #tpu.memory_space<vmem>>
      %dma_start3A_183 = arith.constant 0 : i32
      %dma_start3A_184 = arith.constant 0 : i32
      %dma_start3A_185 = tpu.memref_slice %arg3[%dma_start3A_183, %dma_start3A_184] : memref<100000x16xf32, #tpu.memory_space<hbm>> -> memref<100000x16xf32, #tpu.memory_space<hbm>>
      tpu.enqueue_indirect_dma source(%dma_start3A_185 : memref<100000x16xf32, #tpu.memory_space<hbm>>) target(%dma_start3A_179 : memref<128x16xf32, #tpu.memory_space<vmem>>) offsets(%dma_start3A_182 : memref<128xi32, #tpu.memory_space<vmem>>) semaphore(%arg14 : memref<!tpu.dma_semaphore, #tpu.memory_space<semaphore_mem>>)
      %dma_wait3A_186 = arith.constant 0 : i32
      %dma_wait3A_187 = arith.constant 0 : i32
      %dma_wait3A_188 = arith.constant 0 : i32
      %dma_wait3A_189 = arith.constant 0 : i32
      %dma_wait3A_190 = tpu.memref_slice %arg11[%dma_wait3A_187, %dma_wait3A_188, %dma_wait3A_189] : memref<8x128x16xf32, #tpu.memory_space<vmem>> -> memref<1x128x16xf32, #tpu.memory_space<vmem>>
      %dma_wait3A_191 = tpu.memref_squeeze %dma_wait3A_190 : memref<1x128x16xf32, #tpu.memory_space<vmem>> -> memref<128x16xf32, #tpu.memory_space<vmem>>
      %dma_wait3A_192 = arith.constant 0 : i32
      %dma_wait3A_193 = tpu.memref_slice %arg7[%dma_wait3A_186, %dma_wait3A_192] : memref<8x128xi32, #tpu.memory_space<vmem>> -> memref<1x128xi32, #tpu.memory_space<vmem>>
      %dma_wait3A_194 = tpu.memref_squeeze %dma_wait3A_193 : memref<1x128xi32, #tpu.memory_space<vmem>> -> memref<128xi32, #tpu.memory_space<vmem>>
      %dma_wait3A_195 = arith.constant 0 : i32
      %dma_wait3A_196 = arith.constant 0 : i32
      %dma_wait3A_197 = tpu.memref_slice %arg3[%dma_wait3A_195, %dma_wait3A_196] : memref<100000x16xf32, #tpu.memory_space<hbm>> -> memref<100000x16xf32, #tpu.memory_space<hbm>>
      tpu.wait_indirect_dma semaphore(%arg13 : memref<!tpu.dma_semaphore, #tpu.memory_space<semaphore_mem>>) src(%dma_wait3A_197 : memref<100000x16xf32, #tpu.memory_space<hbm>>) dst(%dma_wait3A_191 : memref<128x16xf32, #tpu.memory_space<vmem>>)
      %dma_wait3A_198 = arith.constant 1 : i32
      %dma_wait3A_199 = arith.constant 1 : i32
      %dma_wait3A_200 = arith.constant 0 : i32
      %dma_wait3A_201 = arith.constant 0 : i32
      %dma_wait3A_202 = tpu.memref_slice %arg11[%dma_wait3A_199, %dma_wait3A_200, %dma_wait3A_201] : memref<8x128x16xf32, #tpu.memory_space<vmem>> -> memref<1x128x16xf32, #tpu.memory_space<vmem>>
      %dma_wait3A_203 = tpu.memref_squeeze %dma_wait3A_202 : memref<1x128x16xf32, #tpu.memory_space<vmem>> -> memref<128x16xf32, #tpu.memory_space<vmem>>
      %dma_wait3A_204 = arith.constant 0 : i32
      %dma_wait3A_205 = tpu.memref_slice %arg7[%dma_wait3A_198, %dma_wait3A_204] : memref<8x128xi32, #tpu.memory_space<vmem>> -> memref<1x128xi32, #tpu.memory_space<vmem>>
      %dma_wait3A_206 = tpu.memref_squeeze %dma_wait3A_205 : memref<1x128xi32, #tpu.memory_space<vmem>> -> memref<128xi32, #tpu.memory_space<vmem>>
      %dma_wait3A_207 = arith.constant 0 : i32
      %dma_wait3A_208 = arith.constant 0 : i32
      %dma_wait3A_209 = tpu.memref_slice %arg3[%dma_wait3A_207, %dma_wait3A_208] : memref<100000x16xf32, #tpu.memory_space<hbm>> -> memref<100000x16xf32, #tpu.memory_space<hbm>>
      tpu.wait_indirect_dma semaphore(%arg13 : memref<!tpu.dma_semaphore, #tpu.memory_space<semaphore_mem>>) src(%dma_wait3A_209 : memref<100000x16xf32, #tpu.memory_space<hbm>>) dst(%dma_wait3A_203 : memref<128x16xf32, #tpu.memory_space<vmem>>)
      %dma_wait3A_210 = arith.constant 2 : i32
      %dma_wait3A_211 = arith.constant 2 : i32
      %dma_wait3A_212 = arith.constant 0 : i32
      %dma_wait3A_213 = arith.constant 0 : i32
      %dma_wait3A_214 = tpu.memref_slice %arg11[%dma_wait3A_211, %dma_wait3A_212, %dma_wait3A_213] : memref<8x128x16xf32, #tpu.memory_space<vmem>> -> memref<1x128x16xf32, #tpu.memory_space<vmem>>
      %dma_wait3A_215 = tpu.memref_squeeze %dma_wait3A_214 : memref<1x128x16xf32, #tpu.memory_space<vmem>> -> memref<128x16xf32, #tpu.memory_space<vmem>>
      %dma_wait3A_216 = arith.constant 0 : i32
      %dma_wait3A_217 = tpu.memref_slice %arg7[%dma_wait3A_210, %dma_wait3A_216] : memref<8x128xi32, #tpu.memory_space<vmem>> -> memref<1x128xi32, #tpu.memory_space<vmem>>
      %dma_wait3A_218 = tpu.memref_squeeze %dma_wait3A_217 : memref<1x128xi32, #tpu.memory_space<vmem>> -> memref<128xi32, #tpu.memory_space<vmem>>
      %dma_wait3A_219 = arith.constant 0 : i32
      %dma_wait3A_220 = arith.constant 0 : i32
      %dma_wait3A_221 = tpu.memref_slice %arg3[%dma_wait3A_219, %dma_wait3A_220] : memref<100000x16xf32, #tpu.memory_space<hbm>> -> memref<100000x16xf32, #tpu.memory_space<hbm>>
      tpu.wait_indirect_dma semaphore(%arg13 : memref<!tpu.dma_semaphore, #tpu.memory_space<semaphore_mem>>) src(%dma_wait3A_221 : memref<100000x16xf32, #tpu.memory_space<hbm>>) dst(%dma_wait3A_215 : memref<128x16xf32, #tpu.memory_space<vmem>>)
      %dma_wait3A_222 = arith.constant 3 : i32
      %dma_wait3A_223 = arith.constant 3 : i32
      %dma_wait3A_224 = arith.constant 0 : i32
      %dma_wait3A_225 = arith.constant 0 : i32
      %dma_wait3A_226 = tpu.memref_slice %arg11[%dma_wait3A_223, %dma_wait3A_224, %dma_wait3A_225] : memref<8x128x16xf32, #tpu.memory_space<vmem>> -> memref<1x128x16xf32, #tpu.memory_space<vmem>>
      %dma_wait3A_227 = tpu.memref_squeeze %dma_wait3A_226 : memref<1x128x16xf32, #tpu.memory_space<vmem>> -> memref<128x16xf32, #tpu.memory_space<vmem>>
      %dma_wait3A_228 = arith.constant 0 : i32
      %dma_wait3A_229 = tpu.memref_slice %arg7[%dma_wait3A_222, %dma_wait3A_228] : memref<8x128xi32, #tpu.memory_space<vmem>> -> memref<1x128xi32, #tpu.memory_space<vmem>>
      %dma_wait3A_230 = tpu.memref_squeeze %dma_wait3A_229 : memref<1x128xi32, #tpu.memory_space<vmem>> -> memref<128xi32, #tpu.memory_space<vmem>>
      %dma_wait3A_231 = arith.constant 0 : i32
      %dma_wait3A_232 = arith.constant 0 : i32
      %dma_wait3A_233 = tpu.memref_slice %arg3[%dma_wait3A_231, %dma_wait3A_232] : memref<100000x16xf32, #tpu.memory_space<hbm>> -> memref<100000x16xf32, #tpu.memory_space<hbm>>
      tpu.wait_indirect_dma semaphore(%arg13 : memref<!tpu.dma_semaphore, #tpu.memory_space<semaphore_mem>>) src(%dma_wait3A_233 : memref<100000x16xf32, #tpu.memory_space<hbm>>) dst(%dma_wait3A_227 : memref<128x16xf32, #tpu.memory_space<vmem>>)
      %dma_start3A_234 = arith.constant 0 : i32
      %dma_start3A_235 = arith.constant 0 : i32
      %dma_start3A_236 = arith.constant 0 : i32
      %dma_start3A_237 = arith.constant 0 : i32
      %dma_start3A_238 = tpu.memref_slice %arg11[%dma_start3A_234, %dma_start3A_236, %dma_start3A_237] : memref<8x128x16xf32, #tpu.memory_space<vmem>> -> memref<1x128x16xf32, #tpu.memory_space<vmem>>
      %dma_start3A_239 = tpu.memref_squeeze %dma_start3A_238 : memref<1x128x16xf32, #tpu.memory_space<vmem>> -> memref<128x16xf32, #tpu.memory_space<vmem>>
      %dma_start3A_240 = arith.constant 0 : i32
      %dma_start3A_241 = tpu.memref_slice %arg8[%dma_start3A_235, %dma_start3A_240] : memref<8x128xi32, #tpu.memory_space<vmem>> -> memref<1x128xi32, #tpu.memory_space<vmem>>
      %dma_start3A_242 = tpu.memref_squeeze %dma_start3A_241 : memref<1x128xi32, #tpu.memory_space<vmem>> -> memref<128xi32, #tpu.memory_space<vmem>>
      %dma_start3A_243 = arith.constant 0 : i32
      %dma_start3A_244 = arith.constant 0 : i32
      %dma_start3A_245 = tpu.memref_slice %arg6[%dma_start3A_243, %dma_start3A_244] : memref<100352x16xf32, #tpu.memory_space<vmem_shared>> -> memref<100352x16xf32, #tpu.memory_space<vmem_shared>>
      tpu.enqueue_indirect_dma source(%dma_start3A_239 : memref<128x16xf32, #tpu.memory_space<vmem>>) target(%dma_start3A_245 : memref<100352x16xf32, #tpu.memory_space<vmem_shared>>) offsets(%dma_start3A_242 : memref<128xi32, #tpu.memory_space<vmem>>) semaphore(%arg15 : memref<!tpu.dma_semaphore, #tpu.memory_space<semaphore_mem>>) {add = true}
      %dma_start3A_246 = arith.constant 0 : i32
      %dma_start3A_247 = arith.constant 0 : i32
      %dma_start3A_248 = tpu.memref_slice %arg8[%dma_start3A_246, %dma_start3A_247] : memref<8x128xi32, #tpu.memory_space<vmem>> -> memref<1x128xi32, #tpu.memory_space<vmem>>
      %dma_start3A_249 = tpu.memref_squeeze %dma_start3A_248 : memref<1x128xi32, #tpu.memory_space<vmem>> -> memref<128xi32, #tpu.memory_space<vmem>>
      %dma_start3A_250 = arith.constant 0 : i32
      %dma_start3A_251 = tpu.memref_slice %arg16[%dma_start3A_250] : memref<100352xf32, #tpu.memory_space<vmem_shared>> -> memref<100352xf32, #tpu.memory_space<vmem_shared>>
      tpu.enqueue_indirect_dma source(%arg18 : memref<128xf32, #tpu.memory_space<vmem>>) target(%dma_start3A_251 : memref<100352xf32, #tpu.memory_space<vmem_shared>>) offsets(%dma_start3A_249 : memref<128xi32, #tpu.memory_space<vmem>>) semaphore(%arg15 : memref<!tpu.dma_semaphore, #tpu.memory_space<semaphore_mem>>) {add = true}
      %dma_start3A_252 = arith.constant 1 : i32
      %dma_start3A_253 = arith.constant 1 : i32
      %dma_start3A_254 = arith.constant 0 : i32
      %dma_start3A_255 = arith.constant 0 : i32
      %dma_start3A_256 = tpu.memref_slice %arg11[%dma_start3A_252, %dma_start3A_254, %dma_start3A_255] : memref<8x128x16xf32, #tpu.memory_space<vmem>> -> memref<1x128x16xf32, #tpu.memory_space<vmem>>
      %dma_start3A_257 = tpu.memref_squeeze %dma_start3A_256 : memref<1x128x16xf32, #tpu.memory_space<vmem>> -> memref<128x16xf32, #tpu.memory_space<vmem>>
      %dma_start3A_258 = arith.constant 0 : i32
      %dma_start3A_259 = tpu.memref_slice %arg8[%dma_start3A_253, %dma_start3A_258] : memref<8x128xi32, #tpu.memory_space<vmem>> -> memref<1x128xi32, #tpu.memory_space<vmem>>
      %dma_start3A_260 = tpu.memref_squeeze %dma_start3A_259 : memref<1x128xi32, #tpu.memory_space<vmem>> -> memref<128xi32, #tpu.memory_space<vmem>>
      %dma_start3A_261 = arith.constant 0 : i32
      %dma_start3A_262 = arith.constant 0 : i32
      %dma_start3A_263 = tpu.memref_slice %arg6[%dma_start3A_261, %dma_start3A_262] : memref<100352x16xf32, #tpu.memory_space<vmem_shared>> -> memref<100352x16xf32, #tpu.memory_space<vmem_shared>>
      tpu.enqueue_indirect_dma source(%dma_start3A_257 : memref<128x16xf32, #tpu.memory_space<vmem>>) target(%dma_start3A_263 : memref<100352x16xf32, #tpu.memory_space<vmem_shared>>) offsets(%dma_start3A_260 : memref<128xi32, #tpu.memory_space<vmem>>) semaphore(%arg15 : memref<!tpu.dma_semaphore, #tpu.memory_space<semaphore_mem>>) {add = true}
      %dma_start3A_264 = arith.constant 1 : i32
      %dma_start3A_265 = arith.constant 0 : i32
      %dma_start3A_266 = tpu.memref_slice %arg8[%dma_start3A_264, %dma_start3A_265] : memref<8x128xi32, #tpu.memory_space<vmem>> -> memref<1x128xi32, #tpu.memory_space<vmem>>
      %dma_start3A_267 = tpu.memref_squeeze %dma_start3A_266 : memref<1x128xi32, #tpu.memory_space<vmem>> -> memref<128xi32, #tpu.memory_space<vmem>>
      %dma_start3A_268 = arith.constant 0 : i32
      %dma_start3A_269 = tpu.memref_slice %arg16[%dma_start3A_268] : memref<100352xf32, #tpu.memory_space<vmem_shared>> -> memref<100352xf32, #tpu.memory_space<vmem_shared>>
      tpu.enqueue_indirect_dma source(%arg18 : memref<128xf32, #tpu.memory_space<vmem>>) target(%dma_start3A_269 : memref<100352xf32, #tpu.memory_space<vmem_shared>>) offsets(%dma_start3A_267 : memref<128xi32, #tpu.memory_space<vmem>>) semaphore(%arg15 : memref<!tpu.dma_semaphore, #tpu.memory_space<semaphore_mem>>) {add = true}
      %dma_start3A_270 = arith.constant 2 : i32
      %dma_start3A_271 = arith.constant 2 : i32
      %dma_start3A_272 = arith.constant 0 : i32
      %dma_start3A_273 = arith.constant 0 : i32
      %dma_start3A_274 = tpu.memref_slice %arg11[%dma_start3A_270, %dma_start3A_272, %dma_start3A_273] : memref<8x128x16xf32, #tpu.memory_space<vmem>> -> memref<1x128x16xf32, #tpu.memory_space<vmem>>
      %dma_start3A_275 = tpu.memref_squeeze %dma_start3A_274 : memref<1x128x16xf32, #tpu.memory_space<vmem>> -> memref<128x16xf32, #tpu.memory_space<vmem>>
      %dma_start3A_276 = arith.constant 0 : i32
      %dma_start3A_277 = tpu.memref_slice %arg8[%dma_start3A_271, %dma_start3A_276] : memref<8x128xi32, #tpu.memory_space<vmem>> -> memref<1x128xi32, #tpu.memory_space<vmem>>
      %dma_start3A_278 = tpu.memref_squeeze %dma_start3A_277 : memref<1x128xi32, #tpu.memory_space<vmem>> -> memref<128xi32, #tpu.memory_space<vmem>>
      %dma_start3A_279 = arith.constant 0 : i32
      %dma_start3A_280 = arith.constant 0 : i32
      %dma_start3A_281 = tpu.memref_slice %arg6[%dma_start3A_279, %dma_start3A_280] : memref<100352x16xf32, #tpu.memory_space<vmem_shared>> -> memref<100352x16xf32, #tpu.memory_space<vmem_shared>>
      tpu.enqueue_indirect_dma source(%dma_start3A_275 : memref<128x16xf32, #tpu.memory_space<vmem>>) target(%dma_start3A_281 : memref<100352x16xf32, #tpu.memory_space<vmem_shared>>) offsets(%dma_start3A_278 : memref<128xi32, #tpu.memory_space<vmem>>) semaphore(%arg15 : memref<!tpu.dma_semaphore, #tpu.memory_space<semaphore_mem>>) {add = true}
      %dma_start3A_282 = arith.constant 2 : i32
      %dma_start3A_283 = arith.constant 0 : i32
      %dma_start3A_284 = tpu.memref_slice %arg8[%dma_start3A_282, %dma_start3A_283] : memref<8x128xi32, #tpu.memory_space<vmem>> -> memref<1x128xi32, #tpu.memory_space<vmem>>
      %dma_start3A_285 = tpu.memref_squeeze %dma_start3A_284 : memref<1x128xi32, #tpu.memory_space<vmem>> -> memref<128xi32, #tpu.memory_space<vmem>>
      %dma_start3A_286 = arith.constant 0 : i32
      %dma_start3A_287 = tpu.memref_slice %arg16[%dma_start3A_286] : memref<100352xf32, #tpu.memory_space<vmem_shared>> -> memref<100352xf32, #tpu.memory_space<vmem_shared>>
      tpu.enqueue_indirect_dma source(%arg18 : memref<128xf32, #tpu.memory_space<vmem>>) target(%dma_start3A_287 : memref<100352xf32, #tpu.memory_space<vmem_shared>>) offsets(%dma_start3A_285 : memref<128xi32, #tpu.memory_space<vmem>>) semaphore(%arg15 : memref<!tpu.dma_semaphore, #tpu.memory_space<semaphore_mem>>) {add = true}
      %dma_start3A_288 = arith.constant 3 : i32
      %dma_start3A_289 = arith.constant 3 : i32
      %dma_start3A_290 = arith.constant 0 : i32
      %dma_start3A_291 = arith.constant 0 : i32
      %dma_start3A_292 = tpu.memref_slice %arg11[%dma_start3A_288, %dma_start3A_290, %dma_start3A_291] : memref<8x128x16xf32, #tpu.memory_space<vmem>> -> memref<1x128x16xf32, #tpu.memory_space<vmem>>
      %dma_start3A_293 = tpu.memref_squeeze %dma_start3A_292 : memref<1x128x16xf32, #tpu.memory_space<vmem>> -> memref<128x16xf32, #tpu.memory_space<vmem>>
      %dma_start3A_294 = arith.constant 0 : i32
      %dma_start3A_295 = tpu.memref_slice %arg8[%dma_start3A_289, %dma_start3A_294] : memref<8x128xi32, #tpu.memory_space<vmem>> -> memref<1x128xi32, #tpu.memory_space<vmem>>
      %dma_start3A_296 = tpu.memref_squeeze %dma_start3A_295 : memref<1x128xi32, #tpu.memory_space<vmem>> -> memref<128xi32, #tpu.memory_space<vmem>>
      %dma_start3A_297 = arith.constant 0 : i32
      %dma_start3A_298 = arith.constant 0 : i32
      %dma_start3A_299 = tpu.memref_slice %arg6[%dma_start3A_297, %dma_start3A_298] : memref<100352x16xf32, #tpu.memory_space<vmem_shared>> -> memref<100352x16xf32, #tpu.memory_space<vmem_shared>>
      tpu.enqueue_indirect_dma source(%dma_start3A_293 : memref<128x16xf32, #tpu.memory_space<vmem>>) target(%dma_start3A_299 : memref<100352x16xf32, #tpu.memory_space<vmem_shared>>) offsets(%dma_start3A_296 : memref<128xi32, #tpu.memory_space<vmem>>) semaphore(%arg15 : memref<!tpu.dma_semaphore, #tpu.memory_space<semaphore_mem>>) {add = true}
      %dma_start3A_300 = arith.constant 3 : i32
      %dma_start3A_301 = arith.constant 0 : i32
      %dma_start3A_302 = tpu.memref_slice %arg8[%dma_start3A_300, %dma_start3A_301] : memref<8x128xi32, #tpu.memory_space<vmem>> -> memref<1x128xi32, #tpu.memory_space<vmem>>
      %dma_start3A_303 = tpu.memref_squeeze %dma_start3A_302 : memref<1x128xi32, #tpu.memory_space<vmem>> -> memref<128xi32, #tpu.memory_space<vmem>>
      %dma_start3A_304 = arith.constant 0 : i32
      %dma_start3A_305 = tpu.memref_slice %arg16[%dma_start3A_304] : memref<100352xf32, #tpu.memory_space<vmem_shared>> -> memref<100352xf32, #tpu.memory_space<vmem_shared>>
      tpu.enqueue_indirect_dma source(%arg18 : memref<128xf32, #tpu.memory_space<vmem>>) target(%dma_start3A_305 : memref<100352xf32, #tpu.memory_space<vmem_shared>>) offsets(%dma_start3A_303 : memref<128xi32, #tpu.memory_space<vmem>>) semaphore(%arg15 : memref<!tpu.dma_semaphore, #tpu.memory_space<semaphore_mem>>) {add = true}
      %dma_wait3A_306 = arith.constant 4 : i32
      %dma_wait3A_307 = arith.constant 4 : i32
      %dma_wait3A_308 = arith.constant 0 : i32
      %dma_wait3A_309 = arith.constant 0 : i32
      %dma_wait3A_310 = tpu.memref_slice %arg11[%dma_wait3A_307, %dma_wait3A_308, %dma_wait3A_309] : memref<8x128x16xf32, #tpu.memory_space<vmem>> -> memref<1x128x16xf32, #tpu.memory_space<vmem>>
      %dma_wait3A_311 = tpu.memref_squeeze %dma_wait3A_310 : memref<1x128x16xf32, #tpu.memory_space<vmem>> -> memref<128x16xf32, #tpu.memory_space<vmem>>
      %dma_wait3A_312 = arith.constant 0 : i32
      %dma_wait3A_313 = tpu.memref_slice %arg7[%dma_wait3A_306, %dma_wait3A_312] : memref<8x128xi32, #tpu.memory_space<vmem>> -> memref<1x128xi32, #tpu.memory_space<vmem>>
      %dma_wait3A_314 = tpu.memref_squeeze %dma_wait3A_313 : memref<1x128xi32, #tpu.memory_space<vmem>> -> memref<128xi32, #tpu.memory_space<vmem>>
      %dma_wait3A_315 = arith.constant 0 : i32
      %dma_wait3A_316 = arith.constant 0 : i32
      %dma_wait3A_317 = tpu.memref_slice %arg3[%dma_wait3A_315, %dma_wait3A_316] : memref<100000x16xf32, #tpu.memory_space<hbm>> -> memref<100000x16xf32, #tpu.memory_space<hbm>>
      tpu.wait_indirect_dma semaphore(%arg14 : memref<!tpu.dma_semaphore, #tpu.memory_space<semaphore_mem>>) src(%dma_wait3A_317 : memref<100000x16xf32, #tpu.memory_space<hbm>>) dst(%dma_wait3A_311 : memref<128x16xf32, #tpu.memory_space<vmem>>)
      %dma_wait3A_318 = arith.constant 5 : i32
      %dma_wait3A_319 = arith.constant 5 : i32
      %dma_wait3A_320 = arith.constant 0 : i32
      %dma_wait3A_321 = arith.constant 0 : i32
      %dma_wait3A_322 = tpu.memref_slice %arg11[%dma_wait3A_319, %dma_wait3A_320, %dma_wait3A_321] : memref<8x128x16xf32, #tpu.memory_space<vmem>> -> memref<1x128x16xf32, #tpu.memory_space<vmem>>
      %dma_wait3A_323 = tpu.memref_squeeze %dma_wait3A_322 : memref<1x128x16xf32, #tpu.memory_space<vmem>> -> memref<128x16xf32, #tpu.memory_space<vmem>>
      %dma_wait3A_324 = arith.constant 0 : i32
      %dma_wait3A_325 = tpu.memref_slice %arg7[%dma_wait3A_318, %dma_wait3A_324] : memref<8x128xi32, #tpu.memory_space<vmem>> -> memref<1x128xi32, #tpu.memory_space<vmem>>
      %dma_wait3A_326 = tpu.memref_squeeze %dma_wait3A_325 : memref<1x128xi32, #tpu.memory_space<vmem>> -> memref<128xi32, #tpu.memory_space<vmem>>
      %dma_wait3A_327 = arith.constant 0 : i32
      %dma_wait3A_328 = arith.constant 0 : i32
      %dma_wait3A_329 = tpu.memref_slice %arg3[%dma_wait3A_327, %dma_wait3A_328] : memref<100000x16xf32, #tpu.memory_space<hbm>> -> memref<100000x16xf32, #tpu.memory_space<hbm>>
      tpu.wait_indirect_dma semaphore(%arg14 : memref<!tpu.dma_semaphore, #tpu.memory_space<semaphore_mem>>) src(%dma_wait3A_329 : memref<100000x16xf32, #tpu.memory_space<hbm>>) dst(%dma_wait3A_323 : memref<128x16xf32, #tpu.memory_space<vmem>>)
      %dma_wait3A_330 = arith.constant 6 : i32
      %dma_wait3A_331 = arith.constant 6 : i32
      %dma_wait3A_332 = arith.constant 0 : i32
      %dma_wait3A_333 = arith.constant 0 : i32
      %dma_wait3A_334 = tpu.memref_slice %arg11[%dma_wait3A_331, %dma_wait3A_332, %dma_wait3A_333] : memref<8x128x16xf32, #tpu.memory_space<vmem>> -> memref<1x128x16xf32, #tpu.memory_space<vmem>>
      %dma_wait3A_335 = tpu.memref_squeeze %dma_wait3A_334 : memref<1x128x16xf32, #tpu.memory_space<vmem>> -> memref<128x16xf32, #tpu.memory_space<vmem>>
      %dma_wait3A_336 = arith.constant 0 : i32
      %dma_wait3A_337 = tpu.memref_slice %arg7[%dma_wait3A_330, %dma_wait3A_336] : memref<8x128xi32, #tpu.memory_space<vmem>> -> memref<1x128xi32, #tpu.memory_space<vmem>>
      %dma_wait3A_338 = tpu.memref_squeeze %dma_wait3A_337 : memref<1x128xi32, #tpu.memory_space<vmem>> -> memref<128xi32, #tpu.memory_space<vmem>>
      %dma_wait3A_339 = arith.constant 0 : i32
      %dma_wait3A_340 = arith.constant 0 : i32
      %dma_wait3A_341 = tpu.memref_slice %arg3[%dma_wait3A_339, %dma_wait3A_340] : memref<100000x16xf32, #tpu.memory_space<hbm>> -> memref<100000x16xf32, #tpu.memory_space<hbm>>
      tpu.wait_indirect_dma semaphore(%arg14 : memref<!tpu.dma_semaphore, #tpu.memory_space<semaphore_mem>>) src(%dma_wait3A_341 : memref<100000x16xf32, #tpu.memory_space<hbm>>) dst(%dma_wait3A_335 : memref<128x16xf32, #tpu.memory_space<vmem>>)
      %dma_wait3A_342 = arith.constant 7 : i32
      %dma_wait3A_343 = arith.constant 7 : i32
      %dma_wait3A_344 = arith.constant 0 : i32
      %dma_wait3A_345 = arith.constant 0 : i32
      %dma_wait3A_346 = tpu.memref_slice %arg11[%dma_wait3A_343, %dma_wait3A_344, %dma_wait3A_345] : memref<8x128x16xf32, #tpu.memory_space<vmem>> -> memref<1x128x16xf32, #tpu.memory_space<vmem>>
      %dma_wait3A_347 = tpu.memref_squeeze %dma_wait3A_346 : memref<1x128x16xf32, #tpu.memory_space<vmem>> -> memref<128x16xf32, #tpu.memory_space<vmem>>
      %dma_wait3A_348 = arith.constant 0 : i32
      %dma_wait3A_349 = tpu.memref_slice %arg7[%dma_wait3A_342, %dma_wait3A_348] : memref<8x128xi32, #tpu.memory_space<vmem>> -> memref<1x128xi32, #tpu.memory_space<vmem>>
      %dma_wait3A_350 = tpu.memref_squeeze %dma_wait3A_349 : memref<1x128xi32, #tpu.memory_space<vmem>> -> memref<128xi32, #tpu.memory_space<vmem>>
      %dma_wait3A_351 = arith.constant 0 : i32
      %dma_wait3A_352 = arith.constant 0 : i32
      %dma_wait3A_353 = tpu.memref_slice %arg3[%dma_wait3A_351, %dma_wait3A_352] : memref<100000x16xf32, #tpu.memory_space<hbm>> -> memref<100000x16xf32, #tpu.memory_space<hbm>>
      tpu.wait_indirect_dma semaphore(%arg14 : memref<!tpu.dma_semaphore, #tpu.memory_space<semaphore_mem>>) src(%dma_wait3A_353 : memref<100000x16xf32, #tpu.memory_space<hbm>>) dst(%dma_wait3A_347 : memref<128x16xf32, #tpu.memory_space<vmem>>)
      %dma_start3A_354 = arith.constant 4 : i32
      %dma_start3A_355 = arith.constant 4 : i32
      %dma_start3A_356 = arith.constant 0 : i32
      %dma_start3A_357 = arith.constant 0 : i32
      %dma_start3A_358 = tpu.memref_slice %arg11[%dma_start3A_354, %dma_start3A_356, %dma_start3A_357] : memref<8x128x16xf32, #tpu.memory_space<vmem>> -> memref<1x128x16xf32, #tpu.memory_space<vmem>>
      %dma_start3A_359 = tpu.memref_squeeze %dma_start3A_358 : memref<1x128x16xf32, #tpu.memory_space<vmem>> -> memref<128x16xf32, #tpu.memory_space<vmem>>
      %dma_start3A_360 = arith.constant 0 : i32
      %dma_start3A_361 = tpu.memref_slice %arg8[%dma_start3A_355, %dma_start3A_360] : memref<8x128xi32, #tpu.memory_space<vmem>> -> memref<1x128xi32, #tpu.memory_space<vmem>>
      %dma_start3A_362 = tpu.memref_squeeze %dma_start3A_361 : memref<1x128xi32, #tpu.memory_space<vmem>> -> memref<128xi32, #tpu.memory_space<vmem>>
      %dma_start3A_363 = arith.constant 0 : i32
      %dma_start3A_364 = arith.constant 0 : i32
      %dma_start3A_365 = tpu.memref_slice %arg6[%dma_start3A_363, %dma_start3A_364] : memref<100352x16xf32, #tpu.memory_space<vmem_shared>> -> memref<100352x16xf32, #tpu.memory_space<vmem_shared>>
      tpu.enqueue_indirect_dma source(%dma_start3A_359 : memref<128x16xf32, #tpu.memory_space<vmem>>) target(%dma_start3A_365 : memref<100352x16xf32, #tpu.memory_space<vmem_shared>>) offsets(%dma_start3A_362 : memref<128xi32, #tpu.memory_space<vmem>>) semaphore(%arg15 : memref<!tpu.dma_semaphore, #tpu.memory_space<semaphore_mem>>) {add = true}
      %dma_start3A_366 = arith.constant 4 : i32
      %dma_start3A_367 = arith.constant 0 : i32
      %dma_start3A_368 = tpu.memref_slice %arg8[%dma_start3A_366, %dma_start3A_367] : memref<8x128xi32, #tpu.memory_space<vmem>> -> memref<1x128xi32, #tpu.memory_space<vmem>>
      %dma_start3A_369 = tpu.memref_squeeze %dma_start3A_368 : memref<1x128xi32, #tpu.memory_space<vmem>> -> memref<128xi32, #tpu.memory_space<vmem>>
      %dma_start3A_370 = arith.constant 0 : i32
      %dma_start3A_371 = tpu.memref_slice %arg16[%dma_start3A_370] : memref<100352xf32, #tpu.memory_space<vmem_shared>> -> memref<100352xf32, #tpu.memory_space<vmem_shared>>
      tpu.enqueue_indirect_dma source(%arg18 : memref<128xf32, #tpu.memory_space<vmem>>) target(%dma_start3A_371 : memref<100352xf32, #tpu.memory_space<vmem_shared>>) offsets(%dma_start3A_369 : memref<128xi32, #tpu.memory_space<vmem>>) semaphore(%arg15 : memref<!tpu.dma_semaphore, #tpu.memory_space<semaphore_mem>>) {add = true}
      %dma_start3A_372 = arith.constant 5 : i32
      %dma_start3A_373 = arith.constant 5 : i32
      %dma_start3A_374 = arith.constant 0 : i32
      %dma_start3A_375 = arith.constant 0 : i32
      %dma_start3A_376 = tpu.memref_slice %arg11[%dma_start3A_372, %dma_start3A_374, %dma_start3A_375] : memref<8x128x16xf32, #tpu.memory_space<vmem>> -> memref<1x128x16xf32, #tpu.memory_space<vmem>>
      %dma_start3A_377 = tpu.memref_squeeze %dma_start3A_376 : memref<1x128x16xf32, #tpu.memory_space<vmem>> -> memref<128x16xf32, #tpu.memory_space<vmem>>
      %dma_start3A_378 = arith.constant 0 : i32
      %dma_start3A_379 = tpu.memref_slice %arg8[%dma_start3A_373, %dma_start3A_378] : memref<8x128xi32, #tpu.memory_space<vmem>> -> memref<1x128xi32, #tpu.memory_space<vmem>>
      %dma_start3A_380 = tpu.memref_squeeze %dma_start3A_379 : memref<1x128xi32, #tpu.memory_space<vmem>> -> memref<128xi32, #tpu.memory_space<vmem>>
      %dma_start3A_381 = arith.constant 0 : i32
      %dma_start3A_382 = arith.constant 0 : i32
      %dma_start3A_383 = tpu.memref_slice %arg6[%dma_start3A_381, %dma_start3A_382] : memref<100352x16xf32, #tpu.memory_space<vmem_shared>> -> memref<100352x16xf32, #tpu.memory_space<vmem_shared>>
      tpu.enqueue_indirect_dma source(%dma_start3A_377 : memref<128x16xf32, #tpu.memory_space<vmem>>) target(%dma_start3A_383 : memref<100352x16xf32, #tpu.memory_space<vmem_shared>>) offsets(%dma_start3A_380 : memref<128xi32, #tpu.memory_space<vmem>>) semaphore(%arg15 : memref<!tpu.dma_semaphore, #tpu.memory_space<semaphore_mem>>) {add = true}
      %dma_start3A_384 = arith.constant 5 : i32
      %dma_start3A_385 = arith.constant 0 : i32
      %dma_start3A_386 = tpu.memref_slice %arg8[%dma_start3A_384, %dma_start3A_385] : memref<8x128xi32, #tpu.memory_space<vmem>> -> memref<1x128xi32, #tpu.memory_space<vmem>>
      %dma_start3A_387 = tpu.memref_squeeze %dma_start3A_386 : memref<1x128xi32, #tpu.memory_space<vmem>> -> memref<128xi32, #tpu.memory_space<vmem>>
      %dma_start3A_388 = arith.constant 0 : i32
      %dma_start3A_389 = tpu.memref_slice %arg16[%dma_start3A_388] : memref<100352xf32, #tpu.memory_space<vmem_shared>> -> memref<100352xf32, #tpu.memory_space<vmem_shared>>
      tpu.enqueue_indirect_dma source(%arg18 : memref<128xf32, #tpu.memory_space<vmem>>) target(%dma_start3A_389 : memref<100352xf32, #tpu.memory_space<vmem_shared>>) offsets(%dma_start3A_387 : memref<128xi32, #tpu.memory_space<vmem>>) semaphore(%arg15 : memref<!tpu.dma_semaphore, #tpu.memory_space<semaphore_mem>>) {add = true}
      %dma_start3A_390 = arith.constant 6 : i32
      %dma_start3A_391 = arith.constant 6 : i32
      %dma_start3A_392 = arith.constant 0 : i32
      %dma_start3A_393 = arith.constant 0 : i32
      %dma_start3A_394 = tpu.memref_slice %arg11[%dma_start3A_390, %dma_start3A_392, %dma_start3A_393] : memref<8x128x16xf32, #tpu.memory_space<vmem>> -> memref<1x128x16xf32, #tpu.memory_space<vmem>>
      %dma_start3A_395 = tpu.memref_squeeze %dma_start3A_394 : memref<1x128x16xf32, #tpu.memory_space<vmem>> -> memref<128x16xf32, #tpu.memory_space<vmem>>
      %dma_start3A_396 = arith.constant 0 : i32
      %dma_start3A_397 = tpu.memref_slice %arg8[%dma_start3A_391, %dma_start3A_396] : memref<8x128xi32, #tpu.memory_space<vmem>> -> memref<1x128xi32, #tpu.memory_space<vmem>>
      %dma_start3A_398 = tpu.memref_squeeze %dma_start3A_397 : memref<1x128xi32, #tpu.memory_space<vmem>> -> memref<128xi32, #tpu.memory_space<vmem>>
      %dma_start3A_399 = arith.constant 0 : i32
      %dma_start3A_400 = arith.constant 0 : i32
      %dma_start3A_401 = tpu.memref_slice %arg6[%dma_start3A_399, %dma_start3A_400] : memref<100352x16xf32, #tpu.memory_space<vmem_shared>> -> memref<100352x16xf32, #tpu.memory_space<vmem_shared>>
      tpu.enqueue_indirect_dma source(%dma_start3A_395 : memref<128x16xf32, #tpu.memory_space<vmem>>) target(%dma_start3A_401 : memref<100352x16xf32, #tpu.memory_space<vmem_shared>>) offsets(%dma_start3A_398 : memref<128xi32, #tpu.memory_space<vmem>>) semaphore(%arg15 : memref<!tpu.dma_semaphore, #tpu.memory_space<semaphore_mem>>) {add = true}
      %dma_start3A_402 = arith.constant 6 : i32
      %dma_start3A_403 = arith.constant 0 : i32
      %dma_start3A_404 = tpu.memref_slice %arg8[%dma_start3A_402, %dma_start3A_403] : memref<8x128xi32, #tpu.memory_space<vmem>> -> memref<1x128xi32, #tpu.memory_space<vmem>>
      %dma_start3A_405 = tpu.memref_squeeze %dma_start3A_404 : memref<1x128xi32, #tpu.memory_space<vmem>> -> memref<128xi32, #tpu.memory_space<vmem>>
      %dma_start3A_406 = arith.constant 0 : i32
      %dma_start3A_407 = tpu.memref_slice %arg16[%dma_start3A_406] : memref<100352xf32, #tpu.memory_space<vmem_shared>> -> memref<100352xf32, #tpu.memory_space<vmem_shared>>
      tpu.enqueue_indirect_dma source(%arg18 : memref<128xf32, #tpu.memory_space<vmem>>) target(%dma_start3A_407 : memref<100352xf32, #tpu.memory_space<vmem_shared>>) offsets(%dma_start3A_405 : memref<128xi32, #tpu.memory_space<vmem>>) semaphore(%arg15 : memref<!tpu.dma_semaphore, #tpu.memory_space<semaphore_mem>>) {add = true}
      %dma_start3A_408 = arith.constant 7 : i32
      %dma_start3A_409 = arith.constant 7 : i32
      %dma_start3A_410 = arith.constant 0 : i32
      %dma_start3A_411 = arith.constant 0 : i32
      %dma_start3A_412 = tpu.memref_slice %arg11[%dma_start3A_408, %dma_start3A_410, %dma_start3A_411] : memref<8x128x16xf32, #tpu.memory_space<vmem>> -> memref<1x128x16xf32, #tpu.memory_space<vmem>>
      %dma_start3A_413 = tpu.memref_squeeze %dma_start3A_412 : memref<1x128x16xf32, #tpu.memory_space<vmem>> -> memref<128x16xf32, #tpu.memory_space<vmem>>
      %dma_start3A_414 = arith.constant 0 : i32
      %dma_start3A_415 = tpu.memref_slice %arg8[%dma_start3A_409, %dma_start3A_414] : memref<8x128xi32, #tpu.memory_space<vmem>> -> memref<1x128xi32, #tpu.memory_space<vmem>>
      %dma_start3A_416 = tpu.memref_squeeze %dma_start3A_415 : memref<1x128xi32, #tpu.memory_space<vmem>> -> memref<128xi32, #tpu.memory_space<vmem>>
      %dma_start3A_417 = arith.constant 0 : i32
      %dma_start3A_418 = arith.constant 0 : i32
      %dma_start3A_419 = tpu.memref_slice %arg6[%dma_start3A_417, %dma_start3A_418] : memref<100352x16xf32, #tpu.memory_space<vmem_shared>> -> memref<100352x16xf32, #tpu.memory_space<vmem_shared>>
      tpu.enqueue_indirect_dma source(%dma_start3A_413 : memref<128x16xf32, #tpu.memory_space<vmem>>) target(%dma_start3A_419 : memref<100352x16xf32, #tpu.memory_space<vmem_shared>>) offsets(%dma_start3A_416 : memref<128xi32, #tpu.memory_space<vmem>>) semaphore(%arg15 : memref<!tpu.dma_semaphore, #tpu.memory_space<semaphore_mem>>) {add = true}
      %dma_start3A_420 = arith.constant 7 : i32
      %dma_start3A_421 = arith.constant 0 : i32
      %dma_start3A_422 = tpu.memref_slice %arg8[%dma_start3A_420, %dma_start3A_421] : memref<8x128xi32, #tpu.memory_space<vmem>> -> memref<1x128xi32, #tpu.memory_space<vmem>>
      %dma_start3A_423 = tpu.memref_squeeze %dma_start3A_422 : memref<1x128xi32, #tpu.memory_space<vmem>> -> memref<128xi32, #tpu.memory_space<vmem>>
      %dma_start3A_424 = arith.constant 0 : i32
      %dma_start3A_425 = tpu.memref_slice %arg16[%dma_start3A_424] : memref<100352xf32, #tpu.memory_space<vmem_shared>> -> memref<100352xf32, #tpu.memory_space<vmem_shared>>
      tpu.enqueue_indirect_dma source(%arg18 : memref<128xf32, #tpu.memory_space<vmem>>) target(%dma_start3A_425 : memref<100352xf32, #tpu.memory_space<vmem_shared>>) offsets(%dma_start3A_423 : memref<128xi32, #tpu.memory_space<vmem>>) semaphore(%arg15 : memref<!tpu.dma_semaphore, #tpu.memory_space<semaphore_mem>>) {add = true}
      %dma_wait3A_426 = arith.constant 0 : i32
      %dma_wait3A_427 = arith.constant 0 : i32
      %dma_wait3A_428 = arith.constant 0 : i32
      %dma_wait3A_429 = arith.constant 0 : i32
      %dma_wait3A_430 = tpu.memref_slice %arg11[%dma_wait3A_426, %dma_wait3A_428, %dma_wait3A_429] : memref<8x128x16xf32, #tpu.memory_space<vmem>> -> memref<1x128x16xf32, #tpu.memory_space<vmem>>
      %dma_wait3A_431 = tpu.memref_squeeze %dma_wait3A_430 : memref<1x128x16xf32, #tpu.memory_space<vmem>> -> memref<128x16xf32, #tpu.memory_space<vmem>>
      %dma_wait3A_432 = arith.constant 0 : i32
      %dma_wait3A_433 = tpu.memref_slice %arg8[%dma_wait3A_427, %dma_wait3A_432] : memref<8x128xi32, #tpu.memory_space<vmem>> -> memref<1x128xi32, #tpu.memory_space<vmem>>
      %dma_wait3A_434 = tpu.memref_squeeze %dma_wait3A_433 : memref<1x128xi32, #tpu.memory_space<vmem>> -> memref<128xi32, #tpu.memory_space<vmem>>
      %dma_wait3A_435 = arith.constant 0 : i32
      %dma_wait3A_436 = arith.constant 0 : i32
      %dma_wait3A_437 = tpu.memref_slice %arg6[%dma_wait3A_435, %dma_wait3A_436] : memref<100352x16xf32, #tpu.memory_space<vmem_shared>> -> memref<100352x16xf32, #tpu.memory_space<vmem_shared>>
      tpu.wait_indirect_dma semaphore(%arg15 : memref<!tpu.dma_semaphore, #tpu.memory_space<semaphore_mem>>) src(%dma_wait3A_431 : memref<128x16xf32, #tpu.memory_space<vmem>>) dst(%dma_wait3A_437 : memref<100352x16xf32, #tpu.memory_space<vmem_shared>>)
      %dma_wait3A_438 = arith.constant 0 : i32
      %dma_wait3A_439 = arith.constant 0 : i32
      %dma_wait3A_440 = tpu.memref_slice %arg8[%dma_wait3A_438, %dma_wait3A_439] : memref<8x128xi32, #tpu.memory_space<vmem>> -> memref<1x128xi32, #tpu.memory_space<vmem>>
      %dma_wait3A_441 = tpu.memref_squeeze %dma_wait3A_440 : memref<1x128xi32, #tpu.memory_space<vmem>> -> memref<128xi32, #tpu.memory_space<vmem>>
      %dma_wait3A_442 = arith.constant 0 : i32
      %dma_wait3A_443 = tpu.memref_slice %arg16[%dma_wait3A_442] : memref<100352xf32, #tpu.memory_space<vmem_shared>> -> memref<100352xf32, #tpu.memory_space<vmem_shared>>
      tpu.wait_indirect_dma semaphore(%arg15 : memref<!tpu.dma_semaphore, #tpu.memory_space<semaphore_mem>>) src(%arg18 : memref<128xf32, #tpu.memory_space<vmem>>) dst(%dma_wait3A_443 : memref<100352xf32, #tpu.memory_space<vmem_shared>>)
      %dma_wait3A_444 = arith.constant 1 : i32
      %dma_wait3A_445 = arith.constant 1 : i32
      %dma_wait3A_446 = arith.constant 0 : i32
      %dma_wait3A_447 = arith.constant 0 : i32
      %dma_wait3A_448 = tpu.memref_slice %arg11[%dma_wait3A_444, %dma_wait3A_446, %dma_wait3A_447] : memref<8x128x16xf32, #tpu.memory_space<vmem>> -> memref<1x128x16xf32, #tpu.memory_space<vmem>>
      %dma_wait3A_449 = tpu.memref_squeeze %dma_wait3A_448 : memref<1x128x16xf32, #tpu.memory_space<vmem>> -> memref<128x16xf32, #tpu.memory_space<vmem>>
      %dma_wait3A_450 = arith.constant 0 : i32
      %dma_wait3A_451 = tpu.memref_slice %arg8[%dma_wait3A_445, %dma_wait3A_450] : memref<8x128xi32, #tpu.memory_space<vmem>> -> memref<1x128xi32, #tpu.memory_space<vmem>>
      %dma_wait3A_452 = tpu.memref_squeeze %dma_wait3A_451 : memref<1x128xi32, #tpu.memory_space<vmem>> -> memref<128xi32, #tpu.memory_space<vmem>>
      %dma_wait3A_453 = arith.constant 0 : i32
      %dma_wait3A_454 = arith.constant 0 : i32
      %dma_wait3A_455 = tpu.memref_slice %arg6[%dma_wait3A_453, %dma_wait3A_454] : memref<100352x16xf32, #tpu.memory_space<vmem_shared>> -> memref<100352x16xf32, #tpu.memory_space<vmem_shared>>
      tpu.wait_indirect_dma semaphore(%arg15 : memref<!tpu.dma_semaphore, #tpu.memory_space<semaphore_mem>>) src(%dma_wait3A_449 : memref<128x16xf32, #tpu.memory_space<vmem>>) dst(%dma_wait3A_455 : memref<100352x16xf32, #tpu.memory_space<vmem_shared>>)
      %dma_wait3A_456 = arith.constant 1 : i32
      %dma_wait3A_457 = arith.constant 0 : i32
      %dma_wait3A_458 = tpu.memref_slice %arg8[%dma_wait3A_456, %dma_wait3A_457] : memref<8x128xi32, #tpu.memory_space<vmem>> -> memref<1x128xi32, #tpu.memory_space<vmem>>
      %dma_wait3A_459 = tpu.memref_squeeze %dma_wait3A_458 : memref<1x128xi32, #tpu.memory_space<vmem>> -> memref<128xi32, #tpu.memory_space<vmem>>
      %dma_wait3A_460 = arith.constant 0 : i32
      %dma_wait3A_461 = tpu.memref_slice %arg16[%dma_wait3A_460] : memref<100352xf32, #tpu.memory_space<vmem_shared>> -> memref<100352xf32, #tpu.memory_space<vmem_shared>>
      tpu.wait_indirect_dma semaphore(%arg15 : memref<!tpu.dma_semaphore, #tpu.memory_space<semaphore_mem>>) src(%arg18 : memref<128xf32, #tpu.memory_space<vmem>>) dst(%dma_wait3A_461 : memref<100352xf32, #tpu.memory_space<vmem_shared>>)
      %dma_wait3A_462 = arith.constant 2 : i32
      %dma_wait3A_463 = arith.constant 2 : i32
      %dma_wait3A_464 = arith.constant 0 : i32
      %dma_wait3A_465 = arith.constant 0 : i32
      %dma_wait3A_466 = tpu.memref_slice %arg11[%dma_wait3A_462, %dma_wait3A_464, %dma_wait3A_465] : memref<8x128x16xf32, #tpu.memory_space<vmem>> -> memref<1x128x16xf32, #tpu.memory_space<vmem>>
      %dma_wait3A_467 = tpu.memref_squeeze %dma_wait3A_466 : memref<1x128x16xf32, #tpu.memory_space<vmem>> -> memref<128x16xf32, #tpu.memory_space<vmem>>
      %dma_wait3A_468 = arith.constant 0 : i32
      %dma_wait3A_469 = tpu.memref_slice %arg8[%dma_wait3A_463, %dma_wait3A_468] : memref<8x128xi32, #tpu.memory_space<vmem>> -> memref<1x128xi32, #tpu.memory_space<vmem>>
      %dma_wait3A_470 = tpu.memref_squeeze %dma_wait3A_469 : memref<1x128xi32, #tpu.memory_space<vmem>> -> memref<128xi32, #tpu.memory_space<vmem>>
      %dma_wait3A_471 = arith.constant 0 : i32
      %dma_wait3A_472 = arith.constant 0 : i32
      %dma_wait3A_473 = tpu.memref_slice %arg6[%dma_wait3A_471, %dma_wait3A_472] : memref<100352x16xf32, #tpu.memory_space<vmem_shared>> -> memref<100352x16xf32, #tpu.memory_space<vmem_shared>>
      tpu.wait_indirect_dma semaphore(%arg15 : memref<!tpu.dma_semaphore, #tpu.memory_space<semaphore_mem>>) src(%dma_wait3A_467 : memref<128x16xf32, #tpu.memory_space<vmem>>) dst(%dma_wait3A_473 : memref<100352x16xf32, #tpu.memory_space<vmem_shared>>)
      %dma_wait3A_474 = arith.constant 2 : i32
      %dma_wait3A_475 = arith.constant 0 : i32
      %dma_wait3A_476 = tpu.memref_slice %arg8[%dma_wait3A_474, %dma_wait3A_475] : memref<8x128xi32, #tpu.memory_space<vmem>> -> memref<1x128xi32, #tpu.memory_space<vmem>>
      %dma_wait3A_477 = tpu.memref_squeeze %dma_wait3A_476 : memref<1x128xi32, #tpu.memory_space<vmem>> -> memref<128xi32, #tpu.memory_space<vmem>>
      %dma_wait3A_478 = arith.constant 0 : i32
      %dma_wait3A_479 = tpu.memref_slice %arg16[%dma_wait3A_478] : memref<100352xf32, #tpu.memory_space<vmem_shared>> -> memref<100352xf32, #tpu.memory_space<vmem_shared>>
      tpu.wait_indirect_dma semaphore(%arg15 : memref<!tpu.dma_semaphore, #tpu.memory_space<semaphore_mem>>) src(%arg18 : memref<128xf32, #tpu.memory_space<vmem>>) dst(%dma_wait3A_479 : memref<100352xf32, #tpu.memory_space<vmem_shared>>)
      %dma_wait3A_480 = arith.constant 3 : i32
      %dma_wait3A_481 = arith.constant 3 : i32
      %dma_wait3A_482 = arith.constant 0 : i32
      %dma_wait3A_483 = arith.constant 0 : i32
      %dma_wait3A_484 = tpu.memref_slice %arg11[%dma_wait3A_480, %dma_wait3A_482, %dma_wait3A_483] : memref<8x128x16xf32, #tpu.memory_space<vmem>> -> memref<1x128x16xf32, #tpu.memory_space<vmem>>
      %dma_wait3A_485 = tpu.memref_squeeze %dma_wait3A_484 : memref<1x128x16xf32, #tpu.memory_space<vmem>> -> memref<128x16xf32, #tpu.memory_space<vmem>>
      %dma_wait3A_486 = arith.constant 0 : i32
      %dma_wait3A_487 = tpu.memref_slice %arg8[%dma_wait3A_481, %dma_wait3A_486] : memref<8x128xi32, #tpu.memory_space<vmem>> -> memref<1x128xi32, #tpu.memory_space<vmem>>
      %dma_wait3A_488 = tpu.memref_squeeze %dma_wait3A_487 : memref<1x128xi32, #tpu.memory_space<vmem>> -> memref<128xi32, #tpu.memory_space<vmem>>
      %dma_wait3A_489 = arith.constant 0 : i32
      %dma_wait3A_490 = arith.constant 0 : i32
      %dma_wait3A_491 = tpu.memref_slice %arg6[%dma_wait3A_489, %dma_wait3A_490] : memref<100352x16xf32, #tpu.memory_space<vmem_shared>> -> memref<100352x16xf32, #tpu.memory_space<vmem_shared>>
      tpu.wait_indirect_dma semaphore(%arg15 : memref<!tpu.dma_semaphore, #tpu.memory_space<semaphore_mem>>) src(%dma_wait3A_485 : memref<128x16xf32, #tpu.memory_space<vmem>>) dst(%dma_wait3A_491 : memref<100352x16xf32, #tpu.memory_space<vmem_shared>>)
      %dma_wait3A_492 = arith.constant 3 : i32
      %dma_wait3A_493 = arith.constant 0 : i32
      %dma_wait3A_494 = tpu.memref_slice %arg8[%dma_wait3A_492, %dma_wait3A_493] : memref<8x128xi32, #tpu.memory_space<vmem>> -> memref<1x128xi32, #tpu.memory_space<vmem>>
      %dma_wait3A_495 = tpu.memref_squeeze %dma_wait3A_494 : memref<1x128xi32, #tpu.memory_space<vmem>> -> memref<128xi32, #tpu.memory_space<vmem>>
      %dma_wait3A_496 = arith.constant 0 : i32
      %dma_wait3A_497 = tpu.memref_slice %arg16[%dma_wait3A_496] : memref<100352xf32, #tpu.memory_space<vmem_shared>> -> memref<100352xf32, #tpu.memory_space<vmem_shared>>
      tpu.wait_indirect_dma semaphore(%arg15 : memref<!tpu.dma_semaphore, #tpu.memory_space<semaphore_mem>>) src(%arg18 : memref<128xf32, #tpu.memory_space<vmem>>) dst(%dma_wait3A_497 : memref<100352xf32, #tpu.memory_space<vmem_shared>>)
      %dma_wait3A_498 = arith.constant 4 : i32
      %dma_wait3A_499 = arith.constant 4 : i32
      %dma_wait3A_500 = arith.constant 0 : i32
      %dma_wait3A_501 = arith.constant 0 : i32
      %dma_wait3A_502 = tpu.memref_slice %arg11[%dma_wait3A_498, %dma_wait3A_500, %dma_wait3A_501] : memref<8x128x16xf32, #tpu.memory_space<vmem>> -> memref<1x128x16xf32, #tpu.memory_space<vmem>>
      %dma_wait3A_503 = tpu.memref_squeeze %dma_wait3A_502 : memref<1x128x16xf32, #tpu.memory_space<vmem>> -> memref<128x16xf32, #tpu.memory_space<vmem>>
      %dma_wait3A_504 = arith.constant 0 : i32
      %dma_wait3A_505 = tpu.memref_slice %arg8[%dma_wait3A_499, %dma_wait3A_504] : memref<8x128xi32, #tpu.memory_space<vmem>> -> memref<1x128xi32, #tpu.memory_space<vmem>>
      %dma_wait3A_506 = tpu.memref_squeeze %dma_wait3A_505 : memref<1x128xi32, #tpu.memory_space<vmem>> -> memref<128xi32, #tpu.memory_space<vmem>>
      %dma_wait3A_507 = arith.constant 0 : i32
      %dma_wait3A_508 = arith.constant 0 : i32
      %dma_wait3A_509 = tpu.memref_slice %arg6[%dma_wait3A_507, %dma_wait3A_508] : memref<100352x16xf32, #tpu.memory_space<vmem_shared>> -> memref<100352x16xf32, #tpu.memory_space<vmem_shared>>
      tpu.wait_indirect_dma semaphore(%arg15 : memref<!tpu.dma_semaphore, #tpu.memory_space<semaphore_mem>>) src(%dma_wait3A_503 : memref<128x16xf32, #tpu.memory_space<vmem>>) dst(%dma_wait3A_509 : memref<100352x16xf32, #tpu.memory_space<vmem_shared>>)
      %dma_wait3A_510 = arith.constant 4 : i32
      %dma_wait3A_511 = arith.constant 0 : i32
      %dma_wait3A_512 = tpu.memref_slice %arg8[%dma_wait3A_510, %dma_wait3A_511] : memref<8x128xi32, #tpu.memory_space<vmem>> -> memref<1x128xi32, #tpu.memory_space<vmem>>
      %dma_wait3A_513 = tpu.memref_squeeze %dma_wait3A_512 : memref<1x128xi32, #tpu.memory_space<vmem>> -> memref<128xi32, #tpu.memory_space<vmem>>
      %dma_wait3A_514 = arith.constant 0 : i32
      %dma_wait3A_515 = tpu.memref_slice %arg16[%dma_wait3A_514] : memref<100352xf32, #tpu.memory_space<vmem_shared>> -> memref<100352xf32, #tpu.memory_space<vmem_shared>>
      tpu.wait_indirect_dma semaphore(%arg15 : memref<!tpu.dma_semaphore, #tpu.memory_space<semaphore_mem>>) src(%arg18 : memref<128xf32, #tpu.memory_space<vmem>>) dst(%dma_wait3A_515 : memref<100352xf32, #tpu.memory_space<vmem_shared>>)
      %dma_wait3A_516 = arith.constant 5 : i32
      %dma_wait3A_517 = arith.constant 5 : i32
      %dma_wait3A_518 = arith.constant 0 : i32
      %dma_wait3A_519 = arith.constant 0 : i32
      %dma_wait3A_520 = tpu.memref_slice %arg11[%dma_wait3A_516, %dma_wait3A_518, %dma_wait3A_519] : memref<8x128x16xf32, #tpu.memory_space<vmem>> -> memref<1x128x16xf32, #tpu.memory_space<vmem>>
      %dma_wait3A_521 = tpu.memref_squeeze %dma_wait3A_520 : memref<1x128x16xf32, #tpu.memory_space<vmem>> -> memref<128x16xf32, #tpu.memory_space<vmem>>
      %dma_wait3A_522 = arith.constant 0 : i32
      %dma_wait3A_523 = tpu.memref_slice %arg8[%dma_wait3A_517, %dma_wait3A_522] : memref<8x128xi32, #tpu.memory_space<vmem>> -> memref<1x128xi32, #tpu.memory_space<vmem>>
      %dma_wait3A_524 = tpu.memref_squeeze %dma_wait3A_523 : memref<1x128xi32, #tpu.memory_space<vmem>> -> memref<128xi32, #tpu.memory_space<vmem>>
      %dma_wait3A_525 = arith.constant 0 : i32
      %dma_wait3A_526 = arith.constant 0 : i32
      %dma_wait3A_527 = tpu.memref_slice %arg6[%dma_wait3A_525, %dma_wait3A_526] : memref<100352x16xf32, #tpu.memory_space<vmem_shared>> -> memref<100352x16xf32, #tpu.memory_space<vmem_shared>>
      tpu.wait_indirect_dma semaphore(%arg15 : memref<!tpu.dma_semaphore, #tpu.memory_space<semaphore_mem>>) src(%dma_wait3A_521 : memref<128x16xf32, #tpu.memory_space<vmem>>) dst(%dma_wait3A_527 : memref<100352x16xf32, #tpu.memory_space<vmem_shared>>)
      %dma_wait3A_528 = arith.constant 5 : i32
      %dma_wait3A_529 = arith.constant 0 : i32
      %dma_wait3A_530 = tpu.memref_slice %arg8[%dma_wait3A_528, %dma_wait3A_529] : memref<8x128xi32, #tpu.memory_space<vmem>> -> memref<1x128xi32, #tpu.memory_space<vmem>>
      %dma_wait3A_531 = tpu.memref_squeeze %dma_wait3A_530 : memref<1x128xi32, #tpu.memory_space<vmem>> -> memref<128xi32, #tpu.memory_space<vmem>>
      %dma_wait3A_532 = arith.constant 0 : i32
      %dma_wait3A_533 = tpu.memref_slice %arg16[%dma_wait3A_532] : memref<100352xf32, #tpu.memory_space<vmem_shared>> -> memref<100352xf32, #tpu.memory_space<vmem_shared>>
      tpu.wait_indirect_dma semaphore(%arg15 : memref<!tpu.dma_semaphore, #tpu.memory_space<semaphore_mem>>) src(%arg18 : memref<128xf32, #tpu.memory_space<vmem>>) dst(%dma_wait3A_533 : memref<100352xf32, #tpu.memory_space<vmem_shared>>)
      %dma_wait3A_534 = arith.constant 6 : i32
      %dma_wait3A_535 = arith.constant 6 : i32
      %dma_wait3A_536 = arith.constant 0 : i32
      %dma_wait3A_537 = arith.constant 0 : i32
      %dma_wait3A_538 = tpu.memref_slice %arg11[%dma_wait3A_534, %dma_wait3A_536, %dma_wait3A_537] : memref<8x128x16xf32, #tpu.memory_space<vmem>> -> memref<1x128x16xf32, #tpu.memory_space<vmem>>
      %dma_wait3A_539 = tpu.memref_squeeze %dma_wait3A_538 : memref<1x128x16xf32, #tpu.memory_space<vmem>> -> memref<128x16xf32, #tpu.memory_space<vmem>>
      %dma_wait3A_540 = arith.constant 0 : i32
      %dma_wait3A_541 = tpu.memref_slice %arg8[%dma_wait3A_535, %dma_wait3A_540] : memref<8x128xi32, #tpu.memory_space<vmem>> -> memref<1x128xi32, #tpu.memory_space<vmem>>
      %dma_wait3A_542 = tpu.memref_squeeze %dma_wait3A_541 : memref<1x128xi32, #tpu.memory_space<vmem>> -> memref<128xi32, #tpu.memory_space<vmem>>
      %dma_wait3A_543 = arith.constant 0 : i32
      %dma_wait3A_544 = arith.constant 0 : i32
      %dma_wait3A_545 = tpu.memref_slice %arg6[%dma_wait3A_543, %dma_wait3A_544] : memref<100352x16xf32, #tpu.memory_space<vmem_shared>> -> memref<100352x16xf32, #tpu.memory_space<vmem_shared>>
      tpu.wait_indirect_dma semaphore(%arg15 : memref<!tpu.dma_semaphore, #tpu.memory_space<semaphore_mem>>) src(%dma_wait3A_539 : memref<128x16xf32, #tpu.memory_space<vmem>>) dst(%dma_wait3A_545 : memref<100352x16xf32, #tpu.memory_space<vmem_shared>>)
      %dma_wait3A_546 = arith.constant 6 : i32
      %dma_wait3A_547 = arith.constant 0 : i32
      %dma_wait3A_548 = tpu.memref_slice %arg8[%dma_wait3A_546, %dma_wait3A_547] : memref<8x128xi32, #tpu.memory_space<vmem>> -> memref<1x128xi32, #tpu.memory_space<vmem>>
      %dma_wait3A_549 = tpu.memref_squeeze %dma_wait3A_548 : memref<1x128xi32, #tpu.memory_space<vmem>> -> memref<128xi32, #tpu.memory_space<vmem>>
      %dma_wait3A_550 = arith.constant 0 : i32
      %dma_wait3A_551 = tpu.memref_slice %arg16[%dma_wait3A_550] : memref<100352xf32, #tpu.memory_space<vmem_shared>> -> memref<100352xf32, #tpu.memory_space<vmem_shared>>
      tpu.wait_indirect_dma semaphore(%arg15 : memref<!tpu.dma_semaphore, #tpu.memory_space<semaphore_mem>>) src(%arg18 : memref<128xf32, #tpu.memory_space<vmem>>) dst(%dma_wait3A_551 : memref<100352xf32, #tpu.memory_space<vmem_shared>>)
      %dma_wait3A_552 = arith.constant 7 : i32
      %dma_wait3A_553 = arith.constant 7 : i32
      %dma_wait3A_554 = arith.constant 0 : i32
      %dma_wait3A_555 = arith.constant 0 : i32
      %dma_wait3A_556 = tpu.memref_slice %arg11[%dma_wait3A_552, %dma_wait3A_554, %dma_wait3A_555] : memref<8x128x16xf32, #tpu.memory_space<vmem>> -> memref<1x128x16xf32, #tpu.memory_space<vmem>>
      %dma_wait3A_557 = tpu.memref_squeeze %dma_wait3A_556 : memref<1x128x16xf32, #tpu.memory_space<vmem>> -> memref<128x16xf32, #tpu.memory_space<vmem>>
      %dma_wait3A_558 = arith.constant 0 : i32
      %dma_wait3A_559 = tpu.memref_slice %arg8[%dma_wait3A_553, %dma_wait3A_558] : memref<8x128xi32, #tpu.memory_space<vmem>> -> memref<1x128xi32, #tpu.memory_space<vmem>>
      %dma_wait3A_560 = tpu.memref_squeeze %dma_wait3A_559 : memref<1x128xi32, #tpu.memory_space<vmem>> -> memref<128xi32, #tpu.memory_space<vmem>>
      %dma_wait3A_561 = arith.constant 0 : i32
      %dma_wait3A_562 = arith.constant 0 : i32
      %dma_wait3A_563 = tpu.memref_slice %arg6[%dma_wait3A_561, %dma_wait3A_562] : memref<100352x16xf32, #tpu.memory_space<vmem_shared>> -> memref<100352x16xf32, #tpu.memory_space<vmem_shared>>
      tpu.wait_indirect_dma semaphore(%arg15 : memref<!tpu.dma_semaphore, #tpu.memory_space<semaphore_mem>>) src(%dma_wait3A_557 : memref<128x16xf32, #tpu.memory_space<vmem>>) dst(%dma_wait3A_563 : memref<100352x16xf32, #tpu.memory_space<vmem_shared>>)
      %dma_wait3A_564 = arith.constant 7 : i32
      %dma_wait3A_565 = arith.constant 0 : i32
      %dma_wait3A_566 = tpu.memref_slice %arg8[%dma_wait3A_564, %dma_wait3A_565] : memref<8x128xi32, #tpu.memory_space<vmem>> -> memref<1x128xi32, #tpu.memory_space<vmem>>
      %dma_wait3A_567 = tpu.memref_squeeze %dma_wait3A_566 : memref<1x128xi32, #tpu.memory_space<vmem>> -> memref<128xi32, #tpu.memory_space<vmem>>
      %dma_wait3A_568 = arith.constant 0 : i32
      %dma_wait3A_569 = tpu.memref_slice %arg16[%dma_wait3A_568] : memref<100352xf32, #tpu.memory_space<vmem_shared>> -> memref<100352xf32, #tpu.memory_space<vmem_shared>>
      tpu.wait_indirect_dma semaphore(%arg15 : memref<!tpu.dma_semaphore, #tpu.memory_space<semaphore_mem>>) src(%arg18 : memref<128xf32, #tpu.memory_space<vmem>>) dst(%dma_wait3A_569 : memref<100352xf32, #tpu.memory_space<vmem_shared>>)
    }
    %eq3A = arith.constant 31 : i32
    %eq3A_55 = arith.cmpi eq, %add3A, %eq3A : i32
    %convert_element_type3A = arith.extui %eq3A_55 : i1 to i32
    %cond3A = arith.constant 0 : i32
    %cond3A_56 = arith.cmpi ne, %convert_element_type3A, %cond3A : i32
    scf.if %cond3A_56 {
      %run_scoped3A = arith.constant 0 : i32
      "tpu.region"() ({
        %run_scoped3A_165 = tpu.sem_alloc : memref<!tpu.dma_semaphore, #tpu.memory_space<semaphore_mem>>
        %dma_start3A_166 = arith.constant 12496 : i32
        %dma_start3A_167 = arith.constant 0 : i32
        %dma_start3A_168 = tpu.memref_slice %arg2[%run_scoped3A, %dma_start3A_166, %dma_start3A_167] : memref<2x12500x128xi32, #tpu.memory_space<hbm>> -> memref<1x4x128xi32, #tpu.memory_space<hbm>>
        %dma_start3A_169 = tpu.memref_squeeze %dma_start3A_168 : memref<1x4x128xi32, #tpu.memory_space<hbm>> -> memref<4x128xi32, #tpu.memory_space<hbm>>
        %dma_start3A_170 = arith.constant 12496 : i32
        %dma_start3A_171 = arith.constant 0 : i32
        %dma_start3A_172 = tpu.memref_slice %arg2[%run_scoped3A, %dma_start3A_170, %dma_start3A_171] : memref<2x12500x128xi32, #tpu.memory_space<hbm>> -> memref<1x4x128xi32, #tpu.memory_space<hbm>>
        %dma_start3A_173 = tpu.memref_squeeze %dma_start3A_172 : memref<1x4x128xi32, #tpu.memory_space<hbm>> -> memref<4x128xi32, #tpu.memory_space<hbm>>
        tpu.enqueue_dma source(%dma_start3A_173 : memref<4x128xi32, #tpu.memory_space<hbm>>) target(%arg9 : memref<4x128xi32, #tpu.memory_space<vmem>>) target_semaphore(%run_scoped3A_165 : memref<!tpu.dma_semaphore, #tpu.memory_space<semaphore_mem>>)
        %dma_wait3A_174 = arith.constant 12496 : i32
        %dma_wait3A_175 = arith.constant 0 : i32
        %dma_wait3A_176 = tpu.memref_slice %arg2[%run_scoped3A, %dma_wait3A_174, %dma_wait3A_175] : memref<2x12500x128xi32, #tpu.memory_space<hbm>> -> memref<1x4x128xi32, #tpu.memory_space<hbm>>
        %dma_wait3A_177 = tpu.memref_squeeze %dma_wait3A_176 : memref<1x4x128xi32, #tpu.memory_space<hbm>> -> memref<4x128xi32, #tpu.memory_space<hbm>>
        %dma_wait3A_178 = arith.constant 12496 : i32
        %dma_wait3A_179 = arith.constant 0 : i32
        %dma_wait3A_180 = tpu.memref_slice %arg2[%run_scoped3A, %dma_wait3A_178, %dma_wait3A_179] : memref<2x12500x128xi32, #tpu.memory_space<hbm>> -> memref<1x4x128xi32, #tpu.memory_space<hbm>>
        %dma_wait3A_181 = tpu.memref_squeeze %dma_wait3A_180 : memref<1x4x128xi32, #tpu.memory_space<hbm>> -> memref<4x128xi32, #tpu.memory_space<hbm>>
        tpu.wait_dma2 semaphore(%run_scoped3A_165 : memref<!tpu.dma_semaphore, #tpu.memory_space<semaphore_mem>>) src(%dma_wait3A_181 : memref<4x128xi32, #tpu.memory_space<hbm>>) dst(%arg9 : memref<4x128xi32, #tpu.memory_space<vmem>>)
        tpu.yield
      }) : () -> ()
      %run_scoped3A_58 = arith.constant 1 : i32
      "tpu.region"() ({
        %run_scoped3A_165 = tpu.sem_alloc : memref<!tpu.dma_semaphore, #tpu.memory_space<semaphore_mem>>
        %dma_start3A_166 = arith.constant 12496 : i32
        %dma_start3A_167 = arith.constant 0 : i32
        %dma_start3A_168 = tpu.memref_slice %arg2[%run_scoped3A_58, %dma_start3A_166, %dma_start3A_167] : memref<2x12500x128xi32, #tpu.memory_space<hbm>> -> memref<1x4x128xi32, #tpu.memory_space<hbm>>
        %dma_start3A_169 = tpu.memref_squeeze %dma_start3A_168 : memref<1x4x128xi32, #tpu.memory_space<hbm>> -> memref<4x128xi32, #tpu.memory_space<hbm>>
        %dma_start3A_170 = arith.constant 12496 : i32
        %dma_start3A_171 = arith.constant 0 : i32
        %dma_start3A_172 = tpu.memref_slice %arg2[%run_scoped3A_58, %dma_start3A_170, %dma_start3A_171] : memref<2x12500x128xi32, #tpu.memory_space<hbm>> -> memref<1x4x128xi32, #tpu.memory_space<hbm>>
        %dma_start3A_173 = tpu.memref_squeeze %dma_start3A_172 : memref<1x4x128xi32, #tpu.memory_space<hbm>> -> memref<4x128xi32, #tpu.memory_space<hbm>>
        tpu.enqueue_dma source(%dma_start3A_173 : memref<4x128xi32, #tpu.memory_space<hbm>>) target(%arg10 : memref<4x128xi32, #tpu.memory_space<vmem>>) target_semaphore(%run_scoped3A_165 : memref<!tpu.dma_semaphore, #tpu.memory_space<semaphore_mem>>)
        %dma_wait3A_174 = arith.constant 12496 : i32
        %dma_wait3A_175 = arith.constant 0 : i32
        %dma_wait3A_176 = tpu.memref_slice %arg2[%run_scoped3A_58, %dma_wait3A_174, %dma_wait3A_175] : memref<2x12500x128xi32, #tpu.memory_space<hbm>> -> memref<1x4x128xi32, #tpu.memory_space<hbm>>
        %dma_wait3A_177 = tpu.memref_squeeze %dma_wait3A_176 : memref<1x4x128xi32, #tpu.memory_space<hbm>> -> memref<4x128xi32, #tpu.memory_space<hbm>>
        %dma_wait3A_178 = arith.constant 12496 : i32
        %dma_wait3A_179 = arith.constant 0 : i32
        %dma_wait3A_180 = tpu.memref_slice %arg2[%run_scoped3A_58, %dma_wait3A_178, %dma_wait3A_179] : memref<2x12500x128xi32, #tpu.memory_space<hbm>> -> memref<1x4x128xi32, #tpu.memory_space<hbm>>
        %dma_wait3A_181 = tpu.memref_squeeze %dma_wait3A_180 : memref<1x4x128xi32, #tpu.memory_space<hbm>> -> memref<4x128xi32, #tpu.memory_space<hbm>>
        tpu.wait_dma2 semaphore(%run_scoped3A_165 : memref<!tpu.dma_semaphore, #tpu.memory_space<semaphore_mem>>) src(%dma_wait3A_181 : memref<4x128xi32, #tpu.memory_space<hbm>>) dst(%arg10 : memref<4x128xi32, #tpu.memory_space<vmem>>)
        tpu.yield
      }) : () -> ()
      %dma_start3A = arith.constant 0 : i32
      %dma_start3A_59 = arith.constant 0 : i32
      %dma_start3A_60 = arith.constant 0 : i32
      %dma_start3A_61 = arith.constant 0 : i32
      %dma_start3A_62 = tpu.memref_slice %arg11[%dma_start3A_59, %dma_start3A_60, %dma_start3A_61] : memref<8x128x16xf32, #tpu.memory_space<vmem>> -> memref<1x128x16xf32, #tpu.memory_space<vmem>>
      %dma_start3A_63 = tpu.memref_squeeze %dma_start3A_62 : memref<1x128x16xf32, #tpu.memory_space<vmem>> -> memref<128x16xf32, #tpu.memory_space<vmem>>
      %dma_start3A_64 = arith.constant 0 : i32
      %dma_start3A_65 = tpu.memref_slice %arg9[%dma_start3A, %dma_start3A_64] : memref<4x128xi32, #tpu.memory_space<vmem>> -> memref<1x128xi32, #tpu.memory_space<vmem>>
      %dma_start3A_66 = tpu.memref_squeeze %dma_start3A_65 : memref<1x128xi32, #tpu.memory_space<vmem>> -> memref<128xi32, #tpu.memory_space<vmem>>
      %dma_start3A_67 = arith.constant 0 : i32
      %dma_start3A_68 = arith.constant 0 : i32
      %dma_start3A_69 = tpu.memref_slice %arg3[%dma_start3A_67, %dma_start3A_68] : memref<100000x16xf32, #tpu.memory_space<hbm>> -> memref<100000x16xf32, #tpu.memory_space<hbm>>
      tpu.enqueue_indirect_dma source(%dma_start3A_69 : memref<100000x16xf32, #tpu.memory_space<hbm>>) target(%dma_start3A_63 : memref<128x16xf32, #tpu.memory_space<vmem>>) offsets(%dma_start3A_66 : memref<128xi32, #tpu.memory_space<vmem>>) semaphore(%arg13 : memref<!tpu.dma_semaphore, #tpu.memory_space<semaphore_mem>>)
      %dma_start3A_70 = arith.constant 1 : i32
      %dma_start3A_71 = arith.constant 1 : i32
      %dma_start3A_72 = arith.constant 0 : i32
      %dma_start3A_73 = arith.constant 0 : i32
      %dma_start3A_74 = tpu.memref_slice %arg11[%dma_start3A_71, %dma_start3A_72, %dma_start3A_73] : memref<8x128x16xf32, #tpu.memory_space<vmem>> -> memref<1x128x16xf32, #tpu.memory_space<vmem>>
      %dma_start3A_75 = tpu.memref_squeeze %dma_start3A_74 : memref<1x128x16xf32, #tpu.memory_space<vmem>> -> memref<128x16xf32, #tpu.memory_space<vmem>>
      %dma_start3A_76 = arith.constant 0 : i32
      %dma_start3A_77 = tpu.memref_slice %arg9[%dma_start3A_70, %dma_start3A_76] : memref<4x128xi32, #tpu.memory_space<vmem>> -> memref<1x128xi32, #tpu.memory_space<vmem>>
      %dma_start3A_78 = tpu.memref_squeeze %dma_start3A_77 : memref<1x128xi32, #tpu.memory_space<vmem>> -> memref<128xi32, #tpu.memory_space<vmem>>
      %dma_start3A_79 = arith.constant 0 : i32
      %dma_start3A_80 = arith.constant 0 : i32
      %dma_start3A_81 = tpu.memref_slice %arg3[%dma_start3A_79, %dma_start3A_80] : memref<100000x16xf32, #tpu.memory_space<hbm>> -> memref<100000x16xf32, #tpu.memory_space<hbm>>
      tpu.enqueue_indirect_dma source(%dma_start3A_81 : memref<100000x16xf32, #tpu.memory_space<hbm>>) target(%dma_start3A_75 : memref<128x16xf32, #tpu.memory_space<vmem>>) offsets(%dma_start3A_78 : memref<128xi32, #tpu.memory_space<vmem>>) semaphore(%arg13 : memref<!tpu.dma_semaphore, #tpu.memory_space<semaphore_mem>>)
      %dma_start3A_82 = arith.constant 2 : i32
      %dma_start3A_83 = arith.constant 2 : i32
      %dma_start3A_84 = arith.constant 0 : i32
      %dma_start3A_85 = arith.constant 0 : i32
      %dma_start3A_86 = tpu.memref_slice %arg11[%dma_start3A_83, %dma_start3A_84, %dma_start3A_85] : memref<8x128x16xf32, #tpu.memory_space<vmem>> -> memref<1x128x16xf32, #tpu.memory_space<vmem>>
      %dma_start3A_87 = tpu.memref_squeeze %dma_start3A_86 : memref<1x128x16xf32, #tpu.memory_space<vmem>> -> memref<128x16xf32, #tpu.memory_space<vmem>>
      %dma_start3A_88 = arith.constant 0 : i32
      %dma_start3A_89 = tpu.memref_slice %arg9[%dma_start3A_82, %dma_start3A_88] : memref<4x128xi32, #tpu.memory_space<vmem>> -> memref<1x128xi32, #tpu.memory_space<vmem>>
      %dma_start3A_90 = tpu.memref_squeeze %dma_start3A_89 : memref<1x128xi32, #tpu.memory_space<vmem>> -> memref<128xi32, #tpu.memory_space<vmem>>
      %dma_start3A_91 = arith.constant 0 : i32
      %dma_start3A_92 = arith.constant 0 : i32
      %dma_start3A_93 = tpu.memref_slice %arg3[%dma_start3A_91, %dma_start3A_92] : memref<100000x16xf32, #tpu.memory_space<hbm>> -> memref<100000x16xf32, #tpu.memory_space<hbm>>
      tpu.enqueue_indirect_dma source(%dma_start3A_93 : memref<100000x16xf32, #tpu.memory_space<hbm>>) target(%dma_start3A_87 : memref<128x16xf32, #tpu.memory_space<vmem>>) offsets(%dma_start3A_90 : memref<128xi32, #tpu.memory_space<vmem>>) semaphore(%arg13 : memref<!tpu.dma_semaphore, #tpu.memory_space<semaphore_mem>>)
      %dma_start3A_94 = arith.constant 3 : i32
      %dma_start3A_95 = arith.constant 3 : i32
      %dma_start3A_96 = arith.constant 0 : i32
      %dma_start3A_97 = arith.constant 0 : i32
      %dma_start3A_98 = tpu.memref_slice %arg11[%dma_start3A_95, %dma_start3A_96, %dma_start3A_97] : memref<8x128x16xf32, #tpu.memory_space<vmem>> -> memref<1x128x16xf32, #tpu.memory_space<vmem>>
      %dma_start3A_99 = tpu.memref_squeeze %dma_start3A_98 : memref<1x128x16xf32, #tpu.memory_space<vmem>> -> memref<128x16xf32, #tpu.memory_space<vmem>>
      %dma_start3A_100 = arith.constant 0 : i32
      %dma_start3A_101 = tpu.memref_slice %arg9[%dma_start3A_94, %dma_start3A_100] : memref<4x128xi32, #tpu.memory_space<vmem>> -> memref<1x128xi32, #tpu.memory_space<vmem>>
      %dma_start3A_102 = tpu.memref_squeeze %dma_start3A_101 : memref<1x128xi32, #tpu.memory_space<vmem>> -> memref<128xi32, #tpu.memory_space<vmem>>
      %dma_start3A_103 = arith.constant 0 : i32
      %dma_start3A_104 = arith.constant 0 : i32
      %dma_start3A_105 = tpu.memref_slice %arg3[%dma_start3A_103, %dma_start3A_104] : memref<100000x16xf32, #tpu.memory_space<hbm>> -> memref<100000x16xf32, #tpu.memory_space<hbm>>
      tpu.enqueue_indirect_dma source(%dma_start3A_105 : memref<100000x16xf32, #tpu.memory_space<hbm>>) target(%dma_start3A_99 : memref<128x16xf32, #tpu.memory_space<vmem>>) offsets(%dma_start3A_102 : memref<128xi32, #tpu.memory_space<vmem>>) semaphore(%arg13 : memref<!tpu.dma_semaphore, #tpu.memory_space<semaphore_mem>>)
      %dma_wait3A = arith.constant 0 : i32
      %dma_wait3A_106 = arith.constant 0 : i32
      %dma_wait3A_107 = arith.constant 0 : i32
      %dma_wait3A_108 = arith.constant 0 : i32
      %dma_wait3A_109 = tpu.memref_slice %arg11[%dma_wait3A_106, %dma_wait3A_107, %dma_wait3A_108] : memref<8x128x16xf32, #tpu.memory_space<vmem>> -> memref<1x128x16xf32, #tpu.memory_space<vmem>>
      %dma_wait3A_110 = tpu.memref_squeeze %dma_wait3A_109 : memref<1x128x16xf32, #tpu.memory_space<vmem>> -> memref<128x16xf32, #tpu.memory_space<vmem>>
      %dma_wait3A_111 = arith.constant 0 : i32
      %dma_wait3A_112 = tpu.memref_slice %arg9[%dma_wait3A, %dma_wait3A_111] : memref<4x128xi32, #tpu.memory_space<vmem>> -> memref<1x128xi32, #tpu.memory_space<vmem>>
      %dma_wait3A_113 = tpu.memref_squeeze %dma_wait3A_112 : memref<1x128xi32, #tpu.memory_space<vmem>> -> memref<128xi32, #tpu.memory_space<vmem>>
      %dma_wait3A_114 = arith.constant 0 : i32
      %dma_wait3A_115 = arith.constant 0 : i32
      %dma_wait3A_116 = tpu.memref_slice %arg3[%dma_wait3A_114, %dma_wait3A_115] : memref<100000x16xf32, #tpu.memory_space<hbm>> -> memref<100000x16xf32, #tpu.memory_space<hbm>>
      tpu.wait_indirect_dma semaphore(%arg13 : memref<!tpu.dma_semaphore, #tpu.memory_space<semaphore_mem>>) src(%dma_wait3A_116 : memref<100000x16xf32, #tpu.memory_space<hbm>>) dst(%dma_wait3A_110 : memref<128x16xf32, #tpu.memory_space<vmem>>)
      %dma_wait3A_117 = arith.constant 1 : i32
      %dma_wait3A_118 = arith.constant 1 : i32
      %dma_wait3A_119 = arith.constant 0 : i32
      %dma_wait3A_120 = arith.constant 0 : i32
      %dma_wait3A_121 = tpu.memref_slice %arg11[%dma_wait3A_118, %dma_wait3A_119, %dma_wait3A_120] : memref<8x128x16xf32, #tpu.memory_space<vmem>> -> memref<1x128x16xf32, #tpu.memory_space<vmem>>
      %dma_wait3A_122 = tpu.memref_squeeze %dma_wait3A_121 : memref<1x128x16xf32, #tpu.memory_space<vmem>> -> memref<128x16xf32, #tpu.memory_space<vmem>>
      %dma_wait3A_123 = arith.constant 0 : i32
      %dma_wait3A_124 = tpu.memref_slice %arg9[%dma_wait3A_117, %dma_wait3A_123] : memref<4x128xi32, #tpu.memory_space<vmem>> -> memref<1x128xi32, #tpu.memory_space<vmem>>
      %dma_wait3A_125 = tpu.memref_squeeze %dma_wait3A_124 : memref<1x128xi32, #tpu.memory_space<vmem>> -> memref<128xi32, #tpu.memory_space<vmem>>
      %dma_wait3A_126 = arith.constant 0 : i32
      %dma_wait3A_127 = arith.constant 0 : i32
      %dma_wait3A_128 = tpu.memref_slice %arg3[%dma_wait3A_126, %dma_wait3A_127] : memref<100000x16xf32, #tpu.memory_space<hbm>> -> memref<100000x16xf32, #tpu.memory_space<hbm>>
      tpu.wait_indirect_dma semaphore(%arg13 : memref<!tpu.dma_semaphore, #tpu.memory_space<semaphore_mem>>) src(%dma_wait3A_128 : memref<100000x16xf32, #tpu.memory_space<hbm>>) dst(%dma_wait3A_122 : memref<128x16xf32, #tpu.memory_space<vmem>>)
      %dma_wait3A_129 = arith.constant 2 : i32
      %dma_wait3A_130 = arith.constant 2 : i32
      %dma_wait3A_131 = arith.constant 0 : i32
      %dma_wait3A_132 = arith.constant 0 : i32
      %dma_wait3A_133 = tpu.memref_slice %arg11[%dma_wait3A_130, %dma_wait3A_131, %dma_wait3A_132] : memref<8x128x16xf32, #tpu.memory_space<vmem>> -> memref<1x128x16xf32, #tpu.memory_space<vmem>>
      %dma_wait3A_134 = tpu.memref_squeeze %dma_wait3A_133 : memref<1x128x16xf32, #tpu.memory_space<vmem>> -> memref<128x16xf32, #tpu.memory_space<vmem>>
      %dma_wait3A_135 = arith.constant 0 : i32
      %dma_wait3A_136 = tpu.memref_slice %arg9[%dma_wait3A_129, %dma_wait3A_135] : memref<4x128xi32, #tpu.memory_space<vmem>> -> memref<1x128xi32, #tpu.memory_space<vmem>>
      %dma_wait3A_137 = tpu.memref_squeeze %dma_wait3A_136 : memref<1x128xi32, #tpu.memory_space<vmem>> -> memref<128xi32, #tpu.memory_space<vmem>>
      %dma_wait3A_138 = arith.constant 0 : i32
      %dma_wait3A_139 = arith.constant 0 : i32
      %dma_wait3A_140 = tpu.memref_slice %arg3[%dma_wait3A_138, %dma_wait3A_139] : memref<100000x16xf32, #tpu.memory_space<hbm>> -> memref<100000x16xf32, #tpu.memory_space<hbm>>
      tpu.wait_indirect_dma semaphore(%arg13 : memref<!tpu.dma_semaphore, #tpu.memory_space<semaphore_mem>>) src(%dma_wait3A_140 : memref<100000x16xf32, #tpu.memory_space<hbm>>) dst(%dma_wait3A_134 : memref<128x16xf32, #tpu.memory_space<vmem>>)
      %dma_wait3A_141 = arith.constant 3 : i32
      %dma_wait3A_142 = arith.constant 3 : i32
      %dma_wait3A_143 = arith.constant 0 : i32
      %dma_wait3A_144 = arith.constant 0 : i32
      %dma_wait3A_145 = tpu.memref_slice %arg11[%dma_wait3A_142, %dma_wait3A_143, %dma_wait3A_144] : memref<8x128x16xf32, #tpu.memory_space<vmem>> -> memref<1x128x16xf32, #tpu.memory_space<vmem>>
      %dma_wait3A_146 = tpu.memref_squeeze %dma_wait3A_145 : memref<1x128x16xf32, #tpu.memory_space<vmem>> -> memref<128x16xf32, #tpu.memory_space<vmem>>
      %dma_wait3A_147 = arith.constant 0 : i32
      %dma_wait3A_148 = tpu.memref_slice %arg9[%dma_wait3A_141, %dma_wait3A_147] : memref<4x128xi32, #tpu.memory_space<vmem>> -> memref<1x128xi32, #tpu.memory_space<vmem>>
      %dma_wait3A_149 = tpu.memref_squeeze %dma_wait3A_148 : memref<1x128xi32, #tpu.memory_space<vmem>> -> memref<128xi32, #tpu.memory_space<vmem>>
      %dma_wait3A_150 = arith.constant 0 : i32
      %dma_wait3A_151 = arith.constant 0 : i32
      %dma_wait3A_152 = tpu.memref_slice %arg3[%dma_wait3A_150, %dma_wait3A_151] : memref<100000x16xf32, #tpu.memory_space<hbm>> -> memref<100000x16xf32, #tpu.memory_space<hbm>>
      tpu.wait_indirect_dma semaphore(%arg13 : memref<!tpu.dma_semaphore, #tpu.memory_space<semaphore_mem>>) src(%dma_wait3A_152 : memref<100000x16xf32, #tpu.memory_space<hbm>>) dst(%dma_wait3A_146 : memref<128x16xf32, #tpu.memory_space<vmem>>)
      %run_scoped3A_153 = arith.constant 0 : i32
      %run_scoped3A_154 = arith.constant 0 : i32
      "tpu.region"() ({
        %run_scoped3A_165 = tpu.sem_alloc : memref<!tpu.dma_semaphore, #tpu.memory_space<semaphore_mem>>
        %dma_start3A_166 = arith.constant 0 : i32
        %dma_start3A_167 = arith.constant 0 : i32
        %dma_start3A_168 = tpu.memref_slice %arg11[%run_scoped3A_153, %dma_start3A_166, %dma_start3A_167] : memref<8x128x16xf32, #tpu.memory_space<vmem>> -> memref<1x128x16xf32, #tpu.memory_space<vmem>>
        %dma_start3A_169 = tpu.memref_squeeze %dma_start3A_168 : memref<1x128x16xf32, #tpu.memory_space<vmem>> -> memref<128x16xf32, #tpu.memory_space<vmem>>
        %dma_start3A_170 = arith.constant 0 : i32
        %dma_start3A_171 = tpu.memref_slice %arg10[%run_scoped3A_154, %dma_start3A_170] : memref<4x128xi32, #tpu.memory_space<vmem>> -> memref<1x128xi32, #tpu.memory_space<vmem>>
        %dma_start3A_172 = tpu.memref_squeeze %dma_start3A_171 : memref<1x128xi32, #tpu.memory_space<vmem>> -> memref<128xi32, #tpu.memory_space<vmem>>
        %dma_start3A_173 = arith.constant 0 : i32
        %dma_start3A_174 = arith.constant 0 : i32
        %dma_start3A_175 = tpu.memref_slice %arg6[%dma_start3A_173, %dma_start3A_174] : memref<100352x16xf32, #tpu.memory_space<vmem_shared>> -> memref<100352x16xf32, #tpu.memory_space<vmem_shared>>
        tpu.enqueue_indirect_dma source(%dma_start3A_169 : memref<128x16xf32, #tpu.memory_space<vmem>>) target(%dma_start3A_175 : memref<100352x16xf32, #tpu.memory_space<vmem_shared>>) offsets(%dma_start3A_172 : memref<128xi32, #tpu.memory_space<vmem>>) semaphore(%run_scoped3A_165 : memref<!tpu.dma_semaphore, #tpu.memory_space<semaphore_mem>>) {add = true}
        %dma_wait3A_176 = arith.constant 0 : i32
        %dma_wait3A_177 = arith.constant 0 : i32
        %dma_wait3A_178 = tpu.memref_slice %arg11[%run_scoped3A_153, %dma_wait3A_176, %dma_wait3A_177] : memref<8x128x16xf32, #tpu.memory_space<vmem>> -> memref<1x128x16xf32, #tpu.memory_space<vmem>>
        %dma_wait3A_179 = tpu.memref_squeeze %dma_wait3A_178 : memref<1x128x16xf32, #tpu.memory_space<vmem>> -> memref<128x16xf32, #tpu.memory_space<vmem>>
        %dma_wait3A_180 = arith.constant 0 : i32
        %dma_wait3A_181 = tpu.memref_slice %arg10[%run_scoped3A_154, %dma_wait3A_180] : memref<4x128xi32, #tpu.memory_space<vmem>> -> memref<1x128xi32, #tpu.memory_space<vmem>>
        %dma_wait3A_182 = tpu.memref_squeeze %dma_wait3A_181 : memref<1x128xi32, #tpu.memory_space<vmem>> -> memref<128xi32, #tpu.memory_space<vmem>>
        %dma_wait3A_183 = arith.constant 0 : i32
        %dma_wait3A_184 = arith.constant 0 : i32
        %dma_wait3A_185 = tpu.memref_slice %arg6[%dma_wait3A_183, %dma_wait3A_184] : memref<100352x16xf32, #tpu.memory_space<vmem_shared>> -> memref<100352x16xf32, #tpu.memory_space<vmem_shared>>
        tpu.wait_indirect_dma semaphore(%run_scoped3A_165 : memref<!tpu.dma_semaphore, #tpu.memory_space<semaphore_mem>>) src(%dma_wait3A_179 : memref<128x16xf32, #tpu.memory_space<vmem>>) dst(%dma_wait3A_185 : memref<100352x16xf32, #tpu.memory_space<vmem_shared>>)
        tpu.yield
      }) : () -> ()
      %run_scoped3A_155 = arith.constant 1 : i32
      %run_scoped3A_156 = arith.constant 1 : i32
      "tpu.region"() ({
        %run_scoped3A_165 = tpu.sem_alloc : memref<!tpu.dma_semaphore, #tpu.memory_space<semaphore_mem>>
        %dma_start3A_166 = arith.constant 0 : i32
        %dma_start3A_167 = arith.constant 0 : i32
        %dma_start3A_168 = tpu.memref_slice %arg11[%run_scoped3A_155, %dma_start3A_166, %dma_start3A_167] : memref<8x128x16xf32, #tpu.memory_space<vmem>> -> memref<1x128x16xf32, #tpu.memory_space<vmem>>
        %dma_start3A_169 = tpu.memref_squeeze %dma_start3A_168 : memref<1x128x16xf32, #tpu.memory_space<vmem>> -> memref<128x16xf32, #tpu.memory_space<vmem>>
        %dma_start3A_170 = arith.constant 0 : i32
        %dma_start3A_171 = tpu.memref_slice %arg10[%run_scoped3A_156, %dma_start3A_170] : memref<4x128xi32, #tpu.memory_space<vmem>> -> memref<1x128xi32, #tpu.memory_space<vmem>>
        %dma_start3A_172 = tpu.memref_squeeze %dma_start3A_171 : memref<1x128xi32, #tpu.memory_space<vmem>> -> memref<128xi32, #tpu.memory_space<vmem>>
        %dma_start3A_173 = arith.constant 0 : i32
        %dma_start3A_174 = arith.constant 0 : i32
        %dma_start3A_175 = tpu.memref_slice %arg6[%dma_start3A_173, %dma_start3A_174] : memref<100352x16xf32, #tpu.memory_space<vmem_shared>> -> memref<100352x16xf32, #tpu.memory_space<vmem_shared>>
        tpu.enqueue_indirect_dma source(%dma_start3A_169 : memref<128x16xf32, #tpu.memory_space<vmem>>) target(%dma_start3A_175 : memref<100352x16xf32, #tpu.memory_space<vmem_shared>>) offsets(%dma_start3A_172 : memref<128xi32, #tpu.memory_space<vmem>>) semaphore(%run_scoped3A_165 : memref<!tpu.dma_semaphore, #tpu.memory_space<semaphore_mem>>) {add = true}
        %dma_wait3A_176 = arith.constant 0 : i32
        %dma_wait3A_177 = arith.constant 0 : i32
        %dma_wait3A_178 = tpu.memref_slice %arg11[%run_scoped3A_155, %dma_wait3A_176, %dma_wait3A_177] : memref<8x128x16xf32, #tpu.memory_space<vmem>> -> memref<1x128x16xf32, #tpu.memory_space<vmem>>
        %dma_wait3A_179 = tpu.memref_squeeze %dma_wait3A_178 : memref<1x128x16xf32, #tpu.memory_space<vmem>> -> memref<128x16xf32, #tpu.memory_space<vmem>>
        %dma_wait3A_180 = arith.constant 0 : i32
        %dma_wait3A_181 = tpu.memref_slice %arg10[%run_scoped3A_156, %dma_wait3A_180] : memref<4x128xi32, #tpu.memory_space<vmem>> -> memref<1x128xi32, #tpu.memory_space<vmem>>
        %dma_wait3A_182 = tpu.memref_squeeze %dma_wait3A_181 : memref<1x128xi32, #tpu.memory_space<vmem>> -> memref<128xi32, #tpu.memory_space<vmem>>
        %dma_wait3A_183 = arith.constant 0 : i32
        %dma_wait3A_184 = arith.constant 0 : i32
        %dma_wait3A_185 = tpu.memref_slice %arg6[%dma_wait3A_183, %dma_wait3A_184] : memref<100352x16xf32, #tpu.memory_space<vmem_shared>> -> memref<100352x16xf32, #tpu.memory_space<vmem_shared>>
        tpu.wait_indirect_dma semaphore(%run_scoped3A_165 : memref<!tpu.dma_semaphore, #tpu.memory_space<semaphore_mem>>) src(%dma_wait3A_179 : memref<128x16xf32, #tpu.memory_space<vmem>>) dst(%dma_wait3A_185 : memref<100352x16xf32, #tpu.memory_space<vmem_shared>>)
        tpu.yield
      }) : () -> ()
      %run_scoped3A_157 = arith.constant 2 : i32
      %run_scoped3A_158 = arith.constant 2 : i32
      "tpu.region"() ({
        %run_scoped3A_165 = tpu.sem_alloc : memref<!tpu.dma_semaphore, #tpu.memory_space<semaphore_mem>>
        %dma_start3A_166 = arith.constant 0 : i32
        %dma_start3A_167 = arith.constant 0 : i32
        %dma_start3A_168 = tpu.memref_slice %arg11[%run_scoped3A_157, %dma_start3A_166, %dma_start3A_167] : memref<8x128x16xf32, #tpu.memory_space<vmem>> -> memref<1x128x16xf32, #tpu.memory_space<vmem>>
        %dma_start3A_169 = tpu.memref_squeeze %dma_start3A_168 : memref<1x128x16xf32, #tpu.memory_space<vmem>> -> memref<128x16xf32, #tpu.memory_space<vmem>>
        %dma_start3A_170 = arith.constant 0 : i32
        %dma_start3A_171 = tpu.memref_slice %arg10[%run_scoped3A_158, %dma_start3A_170] : memref<4x128xi32, #tpu.memory_space<vmem>> -> memref<1x128xi32, #tpu.memory_space<vmem>>
        %dma_start3A_172 = tpu.memref_squeeze %dma_start3A_171 : memref<1x128xi32, #tpu.memory_space<vmem>> -> memref<128xi32, #tpu.memory_space<vmem>>
        %dma_start3A_173 = arith.constant 0 : i32
        %dma_start3A_174 = arith.constant 0 : i32
        %dma_start3A_175 = tpu.memref_slice %arg6[%dma_start3A_173, %dma_start3A_174] : memref<100352x16xf32, #tpu.memory_space<vmem_shared>> -> memref<100352x16xf32, #tpu.memory_space<vmem_shared>>
        tpu.enqueue_indirect_dma source(%dma_start3A_169 : memref<128x16xf32, #tpu.memory_space<vmem>>) target(%dma_start3A_175 : memref<100352x16xf32, #tpu.memory_space<vmem_shared>>) offsets(%dma_start3A_172 : memref<128xi32, #tpu.memory_space<vmem>>) semaphore(%run_scoped3A_165 : memref<!tpu.dma_semaphore, #tpu.memory_space<semaphore_mem>>) {add = true}
        %dma_wait3A_176 = arith.constant 0 : i32
        %dma_wait3A_177 = arith.constant 0 : i32
        %dma_wait3A_178 = tpu.memref_slice %arg11[%run_scoped3A_157, %dma_wait3A_176, %dma_wait3A_177] : memref<8x128x16xf32, #tpu.memory_space<vmem>> -> memref<1x128x16xf32, #tpu.memory_space<vmem>>
        %dma_wait3A_179 = tpu.memref_squeeze %dma_wait3A_178 : memref<1x128x16xf32, #tpu.memory_space<vmem>> -> memref<128x16xf32, #tpu.memory_space<vmem>>
        %dma_wait3A_180 = arith.constant 0 : i32
        %dma_wait3A_181 = tpu.memref_slice %arg10[%run_scoped3A_158, %dma_wait3A_180] : memref<4x128xi32, #tpu.memory_space<vmem>> -> memref<1x128xi32, #tpu.memory_space<vmem>>
        %dma_wait3A_182 = tpu.memref_squeeze %dma_wait3A_181 : memref<1x128xi32, #tpu.memory_space<vmem>> -> memref<128xi32, #tpu.memory_space<vmem>>
        %dma_wait3A_183 = arith.constant 0 : i32
        %dma_wait3A_184 = arith.constant 0 : i32
        %dma_wait3A_185 = tpu.memref_slice %arg6[%dma_wait3A_183, %dma_wait3A_184] : memref<100352x16xf32, #tpu.memory_space<vmem_shared>> -> memref<100352x16xf32, #tpu.memory_space<vmem_shared>>
        tpu.wait_indirect_dma semaphore(%run_scoped3A_165 : memref<!tpu.dma_semaphore, #tpu.memory_space<semaphore_mem>>) src(%dma_wait3A_179 : memref<128x16xf32, #tpu.memory_space<vmem>>) dst(%dma_wait3A_185 : memref<100352x16xf32, #tpu.memory_space<vmem_shared>>)
        tpu.yield
      }) : () -> ()
      %run_scoped3A_159 = arith.constant 3 : i32
      %run_scoped3A_160 = arith.constant 3 : i32
      "tpu.region"() ({
        %run_scoped3A_165 = tpu.sem_alloc : memref<!tpu.dma_semaphore, #tpu.memory_space<semaphore_mem>>
        %dma_start3A_166 = arith.constant 0 : i32
        %dma_start3A_167 = arith.constant 0 : i32
        %dma_start3A_168 = tpu.memref_slice %arg11[%run_scoped3A_159, %dma_start3A_166, %dma_start3A_167] : memref<8x128x16xf32, #tpu.memory_space<vmem>> -> memref<1x128x16xf32, #tpu.memory_space<vmem>>
        %dma_start3A_169 = tpu.memref_squeeze %dma_start3A_168 : memref<1x128x16xf32, #tpu.memory_space<vmem>> -> memref<128x16xf32, #tpu.memory_space<vmem>>
        %dma_start3A_170 = arith.constant 0 : i32
        %dma_start3A_171 = tpu.memref_slice %arg10[%run_scoped3A_160, %dma_start3A_170] : memref<4x128xi32, #tpu.memory_space<vmem>> -> memref<1x128xi32, #tpu.memory_space<vmem>>
        %dma_start3A_172 = tpu.memref_squeeze %dma_start3A_171 : memref<1x128xi32, #tpu.memory_space<vmem>> -> memref<128xi32, #tpu.memory_space<vmem>>
        %dma_start3A_173 = arith.constant 0 : i32
        %dma_start3A_174 = arith.constant 0 : i32
        %dma_start3A_175 = tpu.memref_slice %arg6[%dma_start3A_173, %dma_start3A_174] : memref<100352x16xf32, #tpu.memory_space<vmem_shared>> -> memref<100352x16xf32, #tpu.memory_space<vmem_shared>>
        tpu.enqueue_indirect_dma source(%dma_start3A_169 : memref<128x16xf32, #tpu.memory_space<vmem>>) target(%dma_start3A_175 : memref<100352x16xf32, #tpu.memory_space<vmem_shared>>) offsets(%dma_start3A_172 : memref<128xi32, #tpu.memory_space<vmem>>) semaphore(%run_scoped3A_165 : memref<!tpu.dma_semaphore, #tpu.memory_space<semaphore_mem>>) {add = true}
        %dma_wait3A_176 = arith.constant 0 : i32
        %dma_wait3A_177 = arith.constant 0 : i32
        %dma_wait3A_178 = tpu.memref_slice %arg11[%run_scoped3A_159, %dma_wait3A_176, %dma_wait3A_177] : memref<8x128x16xf32, #tpu.memory_space<vmem>> -> memref<1x128x16xf32, #tpu.memory_space<vmem>>
        %dma_wait3A_179 = tpu.memref_squeeze %dma_wait3A_178 : memref<1x128x16xf32, #tpu.memory_space<vmem>> -> memref<128x16xf32, #tpu.memory_space<vmem>>
        %dma_wait3A_180 = arith.constant 0 : i32
        %dma_wait3A_181 = tpu.memref_slice %arg10[%run_scoped3A_160, %dma_wait3A_180] : memref<4x128xi32, #tpu.memory_space<vmem>> -> memref<1x128xi32, #tpu.memory_space<vmem>>
        %dma_wait3A_182 = tpu.memref_squeeze %dma_wait3A_181 : memref<1x128xi32, #tpu.memory_space<vmem>> -> memref<128xi32, #tpu.memory_space<vmem>>
        %dma_wait3A_183 = arith.constant 0 : i32
        %dma_wait3A_184 = arith.constant 0 : i32
        %dma_wait3A_185 = tpu.memref_slice %arg6[%dma_wait3A_183, %dma_wait3A_184] : memref<100352x16xf32, #tpu.memory_space<vmem_shared>> -> memref<100352x16xf32, #tpu.memory_space<vmem_shared>>
        tpu.wait_indirect_dma semaphore(%run_scoped3A_165 : memref<!tpu.dma_semaphore, #tpu.memory_space<semaphore_mem>>) src(%dma_wait3A_179 : memref<128x16xf32, #tpu.memory_space<vmem>>) dst(%dma_wait3A_185 : memref<100352x16xf32, #tpu.memory_space<vmem_shared>>)
        tpu.yield
      }) : () -> ()
      %run_scoped3A_161 = arith.constant 0 : i32
      "tpu.region"() ({
        %run_scoped3A_165 = tpu.sem_alloc : memref<!tpu.dma_semaphore, #tpu.memory_space<semaphore_mem>>
        %dma_start3A_166 = arith.constant 0 : i32
        %dma_start3A_167 = tpu.memref_slice %arg10[%run_scoped3A_161, %dma_start3A_166] : memref<4x128xi32, #tpu.memory_space<vmem>> -> memref<1x128xi32, #tpu.memory_space<vmem>>
        %dma_start3A_168 = tpu.memref_squeeze %dma_start3A_167 : memref<1x128xi32, #tpu.memory_space<vmem>> -> memref<128xi32, #tpu.memory_space<vmem>>
        %dma_start3A_169 = arith.constant 0 : i32
        %dma_start3A_170 = tpu.memref_slice %arg16[%dma_start3A_169] : memref<100352xf32, #tpu.memory_space<vmem_shared>> -> memref<100352xf32, #tpu.memory_space<vmem_shared>>
        tpu.enqueue_indirect_dma source(%arg18 : memref<128xf32, #tpu.memory_space<vmem>>) target(%dma_start3A_170 : memref<100352xf32, #tpu.memory_space<vmem_shared>>) offsets(%dma_start3A_168 : memref<128xi32, #tpu.memory_space<vmem>>) semaphore(%run_scoped3A_165 : memref<!tpu.dma_semaphore, #tpu.memory_space<semaphore_mem>>) {add = true}
        %dma_wait3A_171 = arith.constant 0 : i32
        %dma_wait3A_172 = tpu.memref_slice %arg10[%run_scoped3A_161, %dma_wait3A_171] : memref<4x128xi32, #tpu.memory_space<vmem>> -> memref<1x128xi32, #tpu.memory_space<vmem>>
        %dma_wait3A_173 = tpu.memref_squeeze %dma_wait3A_172 : memref<1x128xi32, #tpu.memory_space<vmem>> -> memref<128xi32, #tpu.memory_space<vmem>>
        %dma_wait3A_174 = arith.constant 0 : i32
        %dma_wait3A_175 = tpu.memref_slice %arg16[%dma_wait3A_174] : memref<100352xf32, #tpu.memory_space<vmem_shared>> -> memref<100352xf32, #tpu.memory_space<vmem_shared>>
        tpu.wait_indirect_dma semaphore(%run_scoped3A_165 : memref<!tpu.dma_semaphore, #tpu.memory_space<semaphore_mem>>) src(%arg18 : memref<128xf32, #tpu.memory_space<vmem>>) dst(%dma_wait3A_175 : memref<100352xf32, #tpu.memory_space<vmem_shared>>)
        tpu.yield
      }) : () -> ()
      %run_scoped3A_162 = arith.constant 1 : i32
      "tpu.region"() ({
        %run_scoped3A_165 = tpu.sem_alloc : memref<!tpu.dma_semaphore, #tpu.memory_space<semaphore_mem>>
        %dma_start3A_166 = arith.constant 0 : i32
        %dma_start3A_167 = tpu.memref_slice %arg10[%run_scoped3A_162, %dma_start3A_166] : memref<4x128xi32, #tpu.memory_space<vmem>> -> memref<1x128xi32, #tpu.memory_space<vmem>>
        %dma_start3A_168 = tpu.memref_squeeze %dma_start3A_167 : memref<1x128xi32, #tpu.memory_space<vmem>> -> memref<128xi32, #tpu.memory_space<vmem>>
        %dma_start3A_169 = arith.constant 0 : i32
        %dma_start3A_170 = tpu.memref_slice %arg16[%dma_start3A_169] : memref<100352xf32, #tpu.memory_space<vmem_shared>> -> memref<100352xf32, #tpu.memory_space<vmem_shared>>
        tpu.enqueue_indirect_dma source(%arg18 : memref<128xf32, #tpu.memory_space<vmem>>) target(%dma_start3A_170 : memref<100352xf32, #tpu.memory_space<vmem_shared>>) offsets(%dma_start3A_168 : memref<128xi32, #tpu.memory_space<vmem>>) semaphore(%run_scoped3A_165 : memref<!tpu.dma_semaphore, #tpu.memory_space<semaphore_mem>>) {add = true}
        %dma_wait3A_171 = arith.constant 0 : i32
        %dma_wait3A_172 = tpu.memref_slice %arg10[%run_scoped3A_162, %dma_wait3A_171] : memref<4x128xi32, #tpu.memory_space<vmem>> -> memref<1x128xi32, #tpu.memory_space<vmem>>
        %dma_wait3A_173 = tpu.memref_squeeze %dma_wait3A_172 : memref<1x128xi32, #tpu.memory_space<vmem>> -> memref<128xi32, #tpu.memory_space<vmem>>
        %dma_wait3A_174 = arith.constant 0 : i32
        %dma_wait3A_175 = tpu.memref_slice %arg16[%dma_wait3A_174] : memref<100352xf32, #tpu.memory_space<vmem_shared>> -> memref<100352xf32, #tpu.memory_space<vmem_shared>>
        tpu.wait_indirect_dma semaphore(%run_scoped3A_165 : memref<!tpu.dma_semaphore, #tpu.memory_space<semaphore_mem>>) src(%arg18 : memref<128xf32, #tpu.memory_space<vmem>>) dst(%dma_wait3A_175 : memref<100352xf32, #tpu.memory_space<vmem_shared>>)
        tpu.yield
      }) : () -> ()
      %run_scoped3A_163 = arith.constant 2 : i32
      "tpu.region"() ({
        %run_scoped3A_165 = tpu.sem_alloc : memref<!tpu.dma_semaphore, #tpu.memory_space<semaphore_mem>>
        %dma_start3A_166 = arith.constant 0 : i32
        %dma_start3A_167 = tpu.memref_slice %arg10[%run_scoped3A_163, %dma_start3A_166] : memref<4x128xi32, #tpu.memory_space<vmem>> -> memref<1x128xi32, #tpu.memory_space<vmem>>
        %dma_start3A_168 = tpu.memref_squeeze %dma_start3A_167 : memref<1x128xi32, #tpu.memory_space<vmem>> -> memref<128xi32, #tpu.memory_space<vmem>>
        %dma_start3A_169 = arith.constant 0 : i32
        %dma_start3A_170 = tpu.memref_slice %arg16[%dma_start3A_169] : memref<100352xf32, #tpu.memory_space<vmem_shared>> -> memref<100352xf32, #tpu.memory_space<vmem_shared>>
        tpu.enqueue_indirect_dma source(%arg18 : memref<128xf32, #tpu.memory_space<vmem>>) target(%dma_start3A_170 : memref<100352xf32, #tpu.memory_space<vmem_shared>>) offsets(%dma_start3A_168 : memref<128xi32, #tpu.memory_space<vmem>>) semaphore(%run_scoped3A_165 : memref<!tpu.dma_semaphore, #tpu.memory_space<semaphore_mem>>) {add = true}
        %dma_wait3A_171 = arith.constant 0 : i32
        %dma_wait3A_172 = tpu.memref_slice %arg10[%run_scoped3A_163, %dma_wait3A_171] : memref<4x128xi32, #tpu.memory_space<vmem>> -> memref<1x128xi32, #tpu.memory_space<vmem>>
        %dma_wait3A_173 = tpu.memref_squeeze %dma_wait3A_172 : memref<1x128xi32, #tpu.memory_space<vmem>> -> memref<128xi32, #tpu.memory_space<vmem>>
        %dma_wait3A_174 = arith.constant 0 : i32
        %dma_wait3A_175 = tpu.memref_slice %arg16[%dma_wait3A_174] : memref<100352xf32, #tpu.memory_space<vmem_shared>> -> memref<100352xf32, #tpu.memory_space<vmem_shared>>
        tpu.wait_indirect_dma semaphore(%run_scoped3A_165 : memref<!tpu.dma_semaphore, #tpu.memory_space<semaphore_mem>>) src(%arg18 : memref<128xf32, #tpu.memory_space<vmem>>) dst(%dma_wait3A_175 : memref<100352xf32, #tpu.memory_space<vmem_shared>>)
        tpu.yield
      }) : () -> ()
      %run_scoped3A_164 = arith.constant 3 : i32
      "tpu.region"() ({
        %run_scoped3A_165 = tpu.sem_alloc : memref<!tpu.dma_semaphore, #tpu.memory_space<semaphore_mem>>
        %dma_start3A_166 = arith.constant 0 : i32
        %dma_start3A_167 = tpu.memref_slice %arg10[%run_scoped3A_164, %dma_start3A_166] : memref<4x128xi32, #tpu.memory_space<vmem>> -> memref<1x128xi32, #tpu.memory_space<vmem>>
        %dma_start3A_168 = tpu.memref_squeeze %dma_start3A_167 : memref<1x128xi32, #tpu.memory_space<vmem>> -> memref<128xi32, #tpu.memory_space<vmem>>
        %dma_start3A_169 = arith.constant 0 : i32
        %dma_start3A_170 = tpu.memref_slice %arg16[%dma_start3A_169] : memref<100352xf32, #tpu.memory_space<vmem_shared>> -> memref<100352xf32, #tpu.memory_space<vmem_shared>>
        tpu.enqueue_indirect_dma source(%arg18 : memref<128xf32, #tpu.memory_space<vmem>>) target(%dma_start3A_170 : memref<100352xf32, #tpu.memory_space<vmem_shared>>) offsets(%dma_start3A_168 : memref<128xi32, #tpu.memory_space<vmem>>) semaphore(%run_scoped3A_165 : memref<!tpu.dma_semaphore, #tpu.memory_space<semaphore_mem>>) {add = true}
        %dma_wait3A_171 = arith.constant 0 : i32
        %dma_wait3A_172 = tpu.memref_slice %arg10[%run_scoped3A_164, %dma_wait3A_171] : memref<4x128xi32, #tpu.memory_space<vmem>> -> memref<1x128xi32, #tpu.memory_space<vmem>>
        %dma_wait3A_173 = tpu.memref_squeeze %dma_wait3A_172 : memref<1x128xi32, #tpu.memory_space<vmem>> -> memref<128xi32, #tpu.memory_space<vmem>>
        %dma_wait3A_174 = arith.constant 0 : i32
        %dma_wait3A_175 = tpu.memref_slice %arg16[%dma_wait3A_174] : memref<100352xf32, #tpu.memory_space<vmem_shared>> -> memref<100352xf32, #tpu.memory_space<vmem_shared>>
        tpu.wait_indirect_dma semaphore(%run_scoped3A_165 : memref<!tpu.dma_semaphore, #tpu.memory_space<semaphore_mem>>) src(%arg18 : memref<128xf32, #tpu.memory_space<vmem>>) dst(%dma_wait3A_175 : memref<100352xf32, #tpu.memory_space<vmem_shared>>)
        tpu.yield
      }) : () -> ()
    } else {
    }
    %barrier3A_57 = arith.constant 0 : index
    tpu.barrier barrier_id(%barrier3A_57)
    "tpu.region"() ({
      %run_scoped3A = tpu.sem_alloc : memref<!tpu.dma_semaphore, #tpu.memory_space<semaphore_mem>>
      %dma_start3A = arith.constant 0 : i32
      %dma_start3A_58 = tpu.memref_slice %arg4[%arg0, %mul3A_2, %dma_start3A] : memref<2x100352x16xf32, #tpu.memory_space<hbm>> -> memref<1x6272x16xf32, #tpu.memory_space<hbm>>
      %dma_start3A_59 = tpu.memref_squeeze %dma_start3A_58 : memref<1x6272x16xf32, #tpu.memory_space<hbm>> -> memref<6272x16xf32, #tpu.memory_space<hbm>>
      %dma_start3A_60 = arith.constant 0 : i32
      %dma_start3A_61 = tpu.memref_slice %arg6[%mul3A_2, %dma_start3A_60] : memref<100352x16xf32, #tpu.memory_space<vmem_shared>> -> memref<6272x16xf32, #tpu.memory_space<vmem_shared>>
      tpu.enqueue_dma source(%dma_start3A_61 : memref<6272x16xf32, #tpu.memory_space<vmem_shared>>) target(%dma_start3A_59 : memref<6272x16xf32, #tpu.memory_space<hbm>>) target_semaphore(%run_scoped3A : memref<!tpu.dma_semaphore, #tpu.memory_space<semaphore_mem>>)
      %dma_wait3A = arith.constant 0 : i32
      %dma_wait3A_62 = tpu.memref_slice %arg4[%arg0, %mul3A_2, %dma_wait3A] : memref<2x100352x16xf32, #tpu.memory_space<hbm>> -> memref<1x6272x16xf32, #tpu.memory_space<hbm>>
      %dma_wait3A_63 = tpu.memref_squeeze %dma_wait3A_62 : memref<1x6272x16xf32, #tpu.memory_space<hbm>> -> memref<6272x16xf32, #tpu.memory_space<hbm>>
      %dma_wait3A_64 = arith.constant 0 : i32
      %dma_wait3A_65 = tpu.memref_slice %arg6[%mul3A_2, %dma_wait3A_64] : memref<100352x16xf32, #tpu.memory_space<vmem_shared>> -> memref<6272x16xf32, #tpu.memory_space<vmem_shared>>
      tpu.wait_dma2 semaphore(%run_scoped3A : memref<!tpu.dma_semaphore, #tpu.memory_space<semaphore_mem>>) src(%dma_wait3A_65 : memref<6272x16xf32, #tpu.memory_space<vmem_shared>>) dst(%dma_wait3A_63 : memref<6272x16xf32, #tpu.memory_space<hbm>>)
      tpu.yield
    }) : () -> ()
    "tpu.region"() ({
      %run_scoped3A = tpu.sem_alloc : memref<!tpu.dma_semaphore, #tpu.memory_space<semaphore_mem>>
      %dma_start3A = tpu.memref_slice %arg5[%arg0, %mul3A_2] : memref<2x100352xf32, #tpu.memory_space<hbm>> -> memref<1x6272xf32, #tpu.memory_space<hbm>>
      %dma_start3A_58 = tpu.memref_squeeze %dma_start3A : memref<1x6272xf32, #tpu.memory_space<hbm>> -> memref<6272xf32, #tpu.memory_space<hbm>>
      %dma_start3A_59 = tpu.memref_slice %arg16[%mul3A_2] : memref<100352xf32, #tpu.memory_space<vmem_shared>> -> memref<6272xf32, #tpu.memory_space<vmem_shared>>
      tpu.enqueue_dma source(%dma_start3A_59 : memref<6272xf32, #tpu.memory_space<vmem_shared>>) target(%dma_start3A_58 : memref<6272xf32, #tpu.memory_space<hbm>>) target_semaphore(%run_scoped3A : memref<!tpu.dma_semaphore, #tpu.memory_space<semaphore_mem>>)
      %dma_wait3A = tpu.memref_slice %arg5[%arg0, %mul3A_2] : memref<2x100352xf32, #tpu.memory_space<hbm>> -> memref<1x6272xf32, #tpu.memory_space<hbm>>
      %dma_wait3A_60 = tpu.memref_squeeze %dma_wait3A : memref<1x6272xf32, #tpu.memory_space<hbm>> -> memref<6272xf32, #tpu.memory_space<hbm>>
      %dma_wait3A_61 = tpu.memref_slice %arg16[%mul3A_2] : memref<100352xf32, #tpu.memory_space<vmem_shared>> -> memref<6272xf32, #tpu.memory_space<vmem_shared>>
      tpu.wait_dma2 semaphore(%run_scoped3A : memref<!tpu.dma_semaphore, #tpu.memory_space<semaphore_mem>>) src(%dma_wait3A_61 : memref<6272xf32, #tpu.memory_space<vmem_shared>>) dst(%dma_wait3A_60 : memref<6272xf32, #tpu.memory_space<hbm>>)
      tpu.yield
    }) : () -> ()
    return
  }
}

#map = affine_map<(d0, d1) -> (0, 0, 0)>
#map1 = affine_map<(d0, d1) -> (0, 0)>
module attributes {stable_mosaic.version = 14 : i64} {
  func.func @body(%arg0: i32, %arg1: i32, %arg2: memref<2x12500x128xi32, #tpu.memory_space<hbm>>, %arg3: memref<100352x16xf32, #tpu.memory_space<hbm>>, %arg4: memref<2x100352x16xf32, #tpu.memory_space<hbm>>, %arg5: memref<100352x16xf32, #tpu.memory_space<vmem_shared>>, %arg6: memref<8x128xi32, #tpu.memory_space<vmem>>, %arg7: memref<8x128xi32, #tpu.memory_space<vmem>>, %arg8: memref<4x128xi32, #tpu.memory_space<vmem>>, %arg9: memref<4x128xi32, #tpu.memory_space<vmem>>, %arg10: memref<8x128x16xf32, #tpu.memory_space<vmem>>, %arg11: memref<98x16xf32, #tpu.memory_space<vmem>>, %arg12: memref<!tpu.dma_semaphore, #tpu.memory_space<semaphore_mem>>, %arg13: memref<!tpu.dma_semaphore, #tpu.memory_space<semaphore_mem>>, %arg14: memref<!tpu.dma_semaphore, #tpu.memory_space<semaphore_mem>>) attributes {dimension_semantics = [#tpu.dimension_semantics<core_parallel>, #tpu.dimension_semantics<subcore_parallel>], iteration_bounds = array<i64: 2, 16>, scalar_prefetch = 0 : i64, scratch_operands = 10 : i64, tpu.core_type = #tpu.core_type<sc_vector_subcore>, window_params = [{transform_indices = #map}, {transform_indices = #map1}, {transform_indices = #map}]} {
    %mul3A = arith.constant 16 : i32
    %mul3A_0 = arith.muli %arg0, %mul3A : i32
    %add3A = arith.addi %mul3A_0, %arg1 : i32
    %mul3A_1 = arith.constant 6272 : i32
    %mul3A_2 = arith.muli %arg1, %mul3A_1 : i32
    %scan3A = arith.constant 0 : i32
    %scan3A_3 = arith.constant 0 : i32
    %scan3A_4 = arith.constant 98 : i32
    %scan3A_5 = arith.addi %scan3A_3, %scan3A_4 : i32
    %scan3A_6 = arith.constant 1 : i32
    scf.for %scan3A_34 = %scan3A_3 to %scan3A_5 step %scan3A_6  : i32 {
      %broadcast_in_dim3A = arith.constant 0.000000e+00 : f32
      %broadcast_in_dim3A_35 = vector.broadcast %broadcast_in_dim3A : f32 to vector<16xf32>
      %swap3A = arith.index_cast %scan3A_34 : i32 to index
      %swap3A_36 = arith.constant 0 : index
      %swap3A_37 = tpu.vector_load %arg11[%swap3A, %swap3A_36] {strides = array<i32>} : memref<98x16xf32, #tpu.memory_space<vmem>>, vector<1x16xf32>,
      %swap3A_38 = vector.shape_cast %swap3A_37 : vector<1x16xf32> to vector<16xf32>
      %swap3A_39 = vector.shape_cast %broadcast_in_dim3A_35 : vector<16xf32> to vector<1x16xf32>
      tpu.vector_store %arg11[%swap3A, %swap3A_36], %swap3A_39 {strides = array<i32>} : memref<98x16xf32, #tpu.memory_space<vmem>>, vector<1x16xf32>,
    }
    %scan3A_7 = arith.constant 98 : i32
    %scan3A_8 = arith.constant 0 : i32
    %scan3A_9 = arith.constant 0 : i32
    %scan3A_10 = arith.constant 64 : i32
    %scan3A_11 = arith.addi %scan3A_9, %scan3A_10 : i32
    %scan3A_12 = arith.constant 1 : i32
    scf.for %scan3A_34 = %scan3A_9 to %scan3A_11 step %scan3A_12  : i32 {
      %mul3A_35 = arith.constant 98 : i32
      %mul3A_36 = arith.muli %scan3A_34, %mul3A_35 : i32
      %add3A_37 = arith.addi %mul3A_2, %mul3A_36 : i32
      %dma_start3A = arith.constant 0 : i32
      %dma_start3A_38 = tpu.memref_slice %arg5[%add3A_37, %dma_start3A] : memref<100352x16xf32, #tpu.memory_space<vmem_shared>> -> memref<98x16xf32, #tpu.memory_space<vmem_shared>>
      %dma_start3A_39 = arith.constant 0 : i32
      %dma_start3A_40 = tpu.memref_slice %arg5[%add3A_37, %dma_start3A_39] : memref<100352x16xf32, #tpu.memory_space<vmem_shared>> -> memref<98x16xf32, #tpu.memory_space<vmem_shared>>
      tpu.enqueue_dma source(%arg11 : memref<98x16xf32, #tpu.memory_space<vmem>>) target(%dma_start3A_40 : memref<98x16xf32, #tpu.memory_space<vmem_shared>>) target_semaphore(%arg12 : memref<!tpu.dma_semaphore, #tpu.memory_space<semaphore_mem>>)
    }
    %scan3A_13 = arith.constant 64 : i32
    %scan3A_14 = arith.constant 0 : i32
    %scan3A_15 = arith.constant 0 : i32
    %scan3A_16 = arith.constant 64 : i32
    %scan3A_17 = arith.addi %scan3A_15, %scan3A_16 : i32
    %scan3A_18 = arith.constant 1 : i32
    scf.for %scan3A_34 = %scan3A_15 to %scan3A_17 step %scan3A_18  : i32 {
      %mul3A_35 = arith.constant 98 : i32
      %mul3A_36 = arith.muli %scan3A_34, %mul3A_35 : i32
      %add3A_37 = arith.addi %mul3A_2, %mul3A_36 : i32
      %dma_wait3A = arith.constant 0 : i32
      %dma_wait3A_38 = tpu.memref_slice %arg5[%add3A_37, %dma_wait3A] : memref<100352x16xf32, #tpu.memory_space<vmem_shared>> -> memref<98x16xf32, #tpu.memory_space<vmem_shared>>
      %dma_wait3A_39 = arith.constant 0 : i32
      %dma_wait3A_40 = tpu.memref_slice %arg5[%add3A_37, %dma_wait3A_39] : memref<100352x16xf32, #tpu.memory_space<vmem_shared>> -> memref<98x16xf32, #tpu.memory_space<vmem_shared>>
      tpu.wait_dma2 semaphore(%arg12 : memref<!tpu.dma_semaphore, #tpu.memory_space<semaphore_mem>>) src(%arg11 : memref<98x16xf32, #tpu.memory_space<vmem>>) dst(%dma_wait3A_40 : memref<98x16xf32, #tpu.memory_space<vmem_shared>>)
    }
    %scan3A_19 = arith.constant 64 : i32
    %barrier3A = arith.constant 0 : index
    tpu.barrier barrier_id(%barrier3A)
    %lt3A = arith.constant 26 : i32
    %lt3A_20 = arith.cmpi slt, %add3A, %lt3A : i32
    %jit3A = arith.constant 49 : i32
    %jit3A_21 = arith.constant 48 : i32
    %select_n3A = arith.select %lt3A_20, %jit3A, %jit3A_21 : i32
    %while3A = arith.constant 0 : i32
    %while3A_22 = arith.constant 0 : i32
    %while3A_23 = arith.subi %select_n3A, %while3A_22 : i32
    %while3A_24 = arith.addi %while3A_22, %while3A_23 : i32
    %while3A_25 = arith.constant 1 : i32
    %while3A_26 = arith.divsi %while3A_23, %while3A_25 : i32
    %while3A_27 = arith.muli %while3A_26, %while3A_25 : i32
    %while3A_28 = arith.addi %while3A_22, %while3A_27 : i32
    %while3A_29 = arith.constant 1 : i32
    scf.for %while3A_34 = %while3A_22 to %while3A_28 step %while3A_29  : i32 {
      %mul3A_35 = arith.constant 32 : i32
      %mul3A_36 = arith.muli %while3A_34, %mul3A_35 : i32
      %add3A_37 = arith.addi %mul3A_36, %add3A : i32
      %mul3A_38 = arith.constant 8 : i32
      %mul3A_39 = arith.muli %add3A_37, %mul3A_38 : i32
      %dma_start3A = arith.constant 0 : i32
      %dma_start3A_40 = arith.constant 0 : i32
      %dma_start3A_41 = tpu.memref_slice %arg2[%dma_start3A, %mul3A_39, %dma_start3A_40] : memref<2x12500x128xi32, #tpu.memory_space<hbm>> -> memref<1x8x128xi32, #tpu.memory_space<hbm>>
      %dma_start3A_42 = tpu.memref_squeeze %dma_start3A_41 : memref<1x8x128xi32, #tpu.memory_space<hbm>> -> memref<8x128xi32, #tpu.memory_space<hbm>>
      %dma_start3A_43 = arith.constant 0 : i32
      %dma_start3A_44 = tpu.memref_slice %arg2[%dma_start3A, %mul3A_39, %dma_start3A_43] : memref<2x12500x128xi32, #tpu.memory_space<hbm>> -> memref<1x8x128xi32, #tpu.memory_space<hbm>>
      %dma_start3A_45 = tpu.memref_squeeze %dma_start3A_44 : memref<1x8x128xi32, #tpu.memory_space<hbm>> -> memref<8x128xi32, #tpu.memory_space<hbm>>
      tpu.enqueue_dma source(%dma_start3A_45 : memref<8x128xi32, #tpu.memory_space<hbm>>) target(%arg6 : memref<8x128xi32, #tpu.memory_space<vmem>>) target_semaphore(%arg12 : memref<!tpu.dma_semaphore, #tpu.memory_space<semaphore_mem>>)
      %dma_start3A_46 = arith.constant 1 : i32
      %dma_start3A_47 = arith.constant 0 : i32
      %dma_start3A_48 = tpu.memref_slice %arg2[%dma_start3A_46, %mul3A_39, %dma_start3A_47] : memref<2x12500x128xi32, #tpu.memory_space<hbm>> -> memref<1x8x128xi32, #tpu.memory_space<hbm>>
      %dma_start3A_49 = tpu.memref_squeeze %dma_start3A_48 : memref<1x8x128xi32, #tpu.memory_space<hbm>> -> memref<8x128xi32, #tpu.memory_space<hbm>>
      %dma_start3A_50 = arith.constant 0 : i32
      %dma_start3A_51 = tpu.memref_slice %arg2[%dma_start3A_46, %mul3A_39, %dma_start3A_50] : memref<2x12500x128xi32, #tpu.memory_space<hbm>> -> memref<1x8x128xi32, #tpu.memory_space<hbm>>
      %dma_start3A_52 = tpu.memref_squeeze %dma_start3A_51 : memref<1x8x128xi32, #tpu.memory_space<hbm>> -> memref<8x128xi32, #tpu.memory_space<hbm>>
      tpu.enqueue_dma source(%dma_start3A_52 : memref<8x128xi32, #tpu.memory_space<hbm>>) target(%arg7 : memref<8x128xi32, #tpu.memory_space<vmem>>) target_semaphore(%arg13 : memref<!tpu.dma_semaphore, #tpu.memory_space<semaphore_mem>>)
      %dma_wait3A = arith.constant 0 : i32
      %dma_wait3A_53 = arith.constant 0 : i32
      %dma_wait3A_54 = tpu.memref_slice %arg2[%dma_wait3A, %mul3A_39, %dma_wait3A_53] : memref<2x12500x128xi32, #tpu.memory_space<hbm>> -> memref<1x8x128xi32, #tpu.memory_space<hbm>>
      %dma_wait3A_55 = tpu.memref_squeeze %dma_wait3A_54 : memref<1x8x128xi32, #tpu.memory_space<hbm>> -> memref<8x128xi32, #tpu.memory_space<hbm>>
      %dma_wait3A_56 = arith.constant 0 : i32
      %dma_wait3A_57 = tpu.memref_slice %arg2[%dma_wait3A, %mul3A_39, %dma_wait3A_56] : memref<2x12500x128xi32, #tpu.memory_space<hbm>> -> memref<1x8x128xi32, #tpu.memory_space<hbm>>
      %dma_wait3A_58 = tpu.memref_squeeze %dma_wait3A_57 : memref<1x8x128xi32, #tpu.memory_space<hbm>> -> memref<8x128xi32, #tpu.memory_space<hbm>>
      tpu.wait_dma2 semaphore(%arg12 : memref<!tpu.dma_semaphore, #tpu.memory_space<semaphore_mem>>) src(%dma_wait3A_58 : memref<8x128xi32, #tpu.memory_space<hbm>>) dst(%arg6 : memref<8x128xi32, #tpu.memory_space<vmem>>)
      %dma_wait3A_59 = arith.constant 1 : i32
      %dma_wait3A_60 = arith.constant 0 : i32
      %dma_wait3A_61 = tpu.memref_slice %arg2[%dma_wait3A_59, %mul3A_39, %dma_wait3A_60] : memref<2x12500x128xi32, #tpu.memory_space<hbm>> -> memref<1x8x128xi32, #tpu.memory_space<hbm>>
      %dma_wait3A_62 = tpu.memref_squeeze %dma_wait3A_61 : memref<1x8x128xi32, #tpu.memory_space<hbm>> -> memref<8x128xi32, #tpu.memory_space<hbm>>
      %dma_wait3A_63 = arith.constant 0 : i32
      %dma_wait3A_64 = tpu.memref_slice %arg2[%dma_wait3A_59, %mul3A_39, %dma_wait3A_63] : memref<2x12500x128xi32, #tpu.memory_space<hbm>> -> memref<1x8x128xi32, #tpu.memory_space<hbm>>
      %dma_wait3A_65 = tpu.memref_squeeze %dma_wait3A_64 : memref<1x8x128xi32, #tpu.memory_space<hbm>> -> memref<8x128xi32, #tpu.memory_space<hbm>>
      tpu.wait_dma2 semaphore(%arg13 : memref<!tpu.dma_semaphore, #tpu.memory_space<semaphore_mem>>) src(%dma_wait3A_65 : memref<8x128xi32, #tpu.memory_space<hbm>>) dst(%arg7 : memref<8x128xi32, #tpu.memory_space<vmem>>)
      %dma_start3A_66 = arith.constant 0 : i32
      %dma_start3A_67 = arith.constant 0 : i32
      %dma_start3A_68 = arith.constant 0 : i32
      %dma_start3A_69 = arith.constant 0 : i32
      %dma_start3A_70 = tpu.memref_slice %arg10[%dma_start3A_67, %dma_start3A_68, %dma_start3A_69] : memref<8x128x16xf32, #tpu.memory_space<vmem>> -> memref<1x128x16xf32, #tpu.memory_space<vmem>>
      %dma_start3A_71 = tpu.memref_squeeze %dma_start3A_70 : memref<1x128x16xf32, #tpu.memory_space<vmem>> -> memref<128x16xf32, #tpu.memory_space<vmem>>
      %dma_start3A_72 = arith.constant 0 : i32
      %dma_start3A_73 = tpu.memref_slice %arg6[%dma_start3A_66, %dma_start3A_72] : memref<8x128xi32, #tpu.memory_space<vmem>> -> memref<1x128xi32, #tpu.memory_space<vmem>>
      %dma_start3A_74 = tpu.memref_squeeze %dma_start3A_73 : memref<1x128xi32, #tpu.memory_space<vmem>> -> memref<128xi32, #tpu.memory_space<vmem>>
      %dma_start3A_75 = arith.constant 0 : i32
      %dma_start3A_76 = arith.constant 0 : i32
      %dma_start3A_77 = tpu.memref_slice %arg3[%dma_start3A_75, %dma_start3A_76] : memref<100352x16xf32, #tpu.memory_space<hbm>> -> memref<100352x16xf32, #tpu.memory_space<hbm>>
      tpu.enqueue_indirect_dma source(%dma_start3A_77 : memref<100352x16xf32, #tpu.memory_space<hbm>>) target(%dma_start3A_71 : memref<128x16xf32, #tpu.memory_space<vmem>>) offsets(%dma_start3A_74 : memref<128xi32, #tpu.memory_space<vmem>>) semaphore(%arg12 : memref<!tpu.dma_semaphore, #tpu.memory_space<semaphore_mem>>)
      %dma_start3A_78 = arith.constant 1 : i32
      %dma_start3A_79 = arith.constant 1 : i32
      %dma_start3A_80 = arith.constant 0 : i32
      %dma_start3A_81 = arith.constant 0 : i32
      %dma_start3A_82 = tpu.memref_slice %arg10[%dma_start3A_79, %dma_start3A_80, %dma_start3A_81] : memref<8x128x16xf32, #tpu.memory_space<vmem>> -> memref<1x128x16xf32, #tpu.memory_space<vmem>>
      %dma_start3A_83 = tpu.memref_squeeze %dma_start3A_82 : memref<1x128x16xf32, #tpu.memory_space<vmem>> -> memref<128x16xf32, #tpu.memory_space<vmem>>
      %dma_start3A_84 = arith.constant 0 : i32
      %dma_start3A_85 = tpu.memref_slice %arg6[%dma_start3A_78, %dma_start3A_84] : memref<8x128xi32, #tpu.memory_space<vmem>> -> memref<1x128xi32, #tpu.memory_space<vmem>>
      %dma_start3A_86 = tpu.memref_squeeze %dma_start3A_85 : memref<1x128xi32, #tpu.memory_space<vmem>> -> memref<128xi32, #tpu.memory_space<vmem>>
      %dma_start3A_87 = arith.constant 0 : i32
      %dma_start3A_88 = arith.constant 0 : i32
      %dma_start3A_89 = tpu.memref_slice %arg3[%dma_start3A_87, %dma_start3A_88] : memref<100352x16xf32, #tpu.memory_space<hbm>> -> memref<100352x16xf32, #tpu.memory_space<hbm>>
      tpu.enqueue_indirect_dma source(%dma_start3A_89 : memref<100352x16xf32, #tpu.memory_space<hbm>>) target(%dma_start3A_83 : memref<128x16xf32, #tpu.memory_space<vmem>>) offsets(%dma_start3A_86 : memref<128xi32, #tpu.memory_space<vmem>>) semaphore(%arg12 : memref<!tpu.dma_semaphore, #tpu.memory_space<semaphore_mem>>)
      %dma_start3A_90 = arith.constant 2 : i32
      %dma_start3A_91 = arith.constant 2 : i32
      %dma_start3A_92 = arith.constant 0 : i32
      %dma_start3A_93 = arith.constant 0 : i32
      %dma_start3A_94 = tpu.memref_slice %arg10[%dma_start3A_91, %dma_start3A_92, %dma_start3A_93] : memref<8x128x16xf32, #tpu.memory_space<vmem>> -> memref<1x128x16xf32, #tpu.memory_space<vmem>>
      %dma_start3A_95 = tpu.memref_squeeze %dma_start3A_94 : memref<1x128x16xf32, #tpu.memory_space<vmem>> -> memref<128x16xf32, #tpu.memory_space<vmem>>
      %dma_start3A_96 = arith.constant 0 : i32
      %dma_start3A_97 = tpu.memref_slice %arg6[%dma_start3A_90, %dma_start3A_96] : memref<8x128xi32, #tpu.memory_space<vmem>> -> memref<1x128xi32, #tpu.memory_space<vmem>>
      %dma_start3A_98 = tpu.memref_squeeze %dma_start3A_97 : memref<1x128xi32, #tpu.memory_space<vmem>> -> memref<128xi32, #tpu.memory_space<vmem>>
      %dma_start3A_99 = arith.constant 0 : i32
      %dma_start3A_100 = arith.constant 0 : i32
      %dma_start3A_101 = tpu.memref_slice %arg3[%dma_start3A_99, %dma_start3A_100] : memref<100352x16xf32, #tpu.memory_space<hbm>> -> memref<100352x16xf32, #tpu.memory_space<hbm>>
      tpu.enqueue_indirect_dma source(%dma_start3A_101 : memref<100352x16xf32, #tpu.memory_space<hbm>>) target(%dma_start3A_95 : memref<128x16xf32, #tpu.memory_space<vmem>>) offsets(%dma_start3A_98 : memref<128xi32, #tpu.memory_space<vmem>>) semaphore(%arg12 : memref<!tpu.dma_semaphore, #tpu.memory_space<semaphore_mem>>)
      %dma_start3A_102 = arith.constant 3 : i32
      %dma_start3A_103 = arith.constant 3 : i32
      %dma_start3A_104 = arith.constant 0 : i32
      %dma_start3A_105 = arith.constant 0 : i32
      %dma_start3A_106 = tpu.memref_slice %arg10[%dma_start3A_103, %dma_start3A_104, %dma_start3A_105] : memref<8x128x16xf32, #tpu.memory_space<vmem>> -> memref<1x128x16xf32, #tpu.memory_space<vmem>>
      %dma_start3A_107 = tpu.memref_squeeze %dma_start3A_106 : memref<1x128x16xf32, #tpu.memory_space<vmem>> -> memref<128x16xf32, #tpu.memory_space<vmem>>
      %dma_start3A_108 = arith.constant 0 : i32
      %dma_start3A_109 = tpu.memref_slice %arg6[%dma_start3A_102, %dma_start3A_108] : memref<8x128xi32, #tpu.memory_space<vmem>> -> memref<1x128xi32, #tpu.memory_space<vmem>>
      %dma_start3A_110 = tpu.memref_squeeze %dma_start3A_109 : memref<1x128xi32, #tpu.memory_space<vmem>> -> memref<128xi32, #tpu.memory_space<vmem>>
      %dma_start3A_111 = arith.constant 0 : i32
      %dma_start3A_112 = arith.constant 0 : i32
      %dma_start3A_113 = tpu.memref_slice %arg3[%dma_start3A_111, %dma_start3A_112] : memref<100352x16xf32, #tpu.memory_space<hbm>> -> memref<100352x16xf32, #tpu.memory_space<hbm>>
      tpu.enqueue_indirect_dma source(%dma_start3A_113 : memref<100352x16xf32, #tpu.memory_space<hbm>>) target(%dma_start3A_107 : memref<128x16xf32, #tpu.memory_space<vmem>>) offsets(%dma_start3A_110 : memref<128xi32, #tpu.memory_space<vmem>>) semaphore(%arg12 : memref<!tpu.dma_semaphore, #tpu.memory_space<semaphore_mem>>)
      %dma_start3A_114 = arith.constant 4 : i32
      %dma_start3A_115 = arith.constant 4 : i32
      %dma_start3A_116 = arith.constant 0 : i32
      %dma_start3A_117 = arith.constant 0 : i32
      %dma_start3A_118 = tpu.memref_slice %arg10[%dma_start3A_115, %dma_start3A_116, %dma_start3A_117] : memref<8x128x16xf32, #tpu.memory_space<vmem>> -> memref<1x128x16xf32, #tpu.memory_space<vmem>>
      %dma_start3A_119 = tpu.memref_squeeze %dma_start3A_118 : memref<1x128x16xf32, #tpu.memory_space<vmem>> -> memref<128x16xf32, #tpu.memory_space<vmem>>
      %dma_start3A_120 = arith.constant 0 : i32
      %dma_start3A_121 = tpu.memref_slice %arg6[%dma_start3A_114, %dma_start3A_120] : memref<8x128xi32, #tpu.memory_space<vmem>> -> memref<1x128xi32, #tpu.memory_space<vmem>>
      %dma_start3A_122 = tpu.memref_squeeze %dma_start3A_121 : memref<1x128xi32, #tpu.memory_space<vmem>> -> memref<128xi32, #tpu.memory_space<vmem>>
      %dma_start3A_123 = arith.constant 0 : i32
      %dma_start3A_124 = arith.constant 0 : i32
      %dma_start3A_125 = tpu.memref_slice %arg3[%dma_start3A_123, %dma_start3A_124] : memref<100352x16xf32, #tpu.memory_space<hbm>> -> memref<100352x16xf32, #tpu.memory_space<hbm>>
      tpu.enqueue_indirect_dma source(%dma_start3A_125 : memref<100352x16xf32, #tpu.memory_space<hbm>>) target(%dma_start3A_119 : memref<128x16xf32, #tpu.memory_space<vmem>>) offsets(%dma_start3A_122 : memref<128xi32, #tpu.memory_space<vmem>>) semaphore(%arg13 : memref<!tpu.dma_semaphore, #tpu.memory_space<semaphore_mem>>)
      %dma_start3A_126 = arith.constant 5 : i32
      %dma_start3A_127 = arith.constant 5 : i32
      %dma_start3A_128 = arith.constant 0 : i32
      %dma_start3A_129 = arith.constant 0 : i32
      %dma_start3A_130 = tpu.memref_slice %arg10[%dma_start3A_127, %dma_start3A_128, %dma_start3A_129] : memref<8x128x16xf32, #tpu.memory_space<vmem>> -> memref<1x128x16xf32, #tpu.memory_space<vmem>>
      %dma_start3A_131 = tpu.memref_squeeze %dma_start3A_130 : memref<1x128x16xf32, #tpu.memory_space<vmem>> -> memref<128x16xf32, #tpu.memory_space<vmem>>
      %dma_start3A_132 = arith.constant 0 : i32
      %dma_start3A_133 = tpu.memref_slice %arg6[%dma_start3A_126, %dma_start3A_132] : memref<8x128xi32, #tpu.memory_space<vmem>> -> memref<1x128xi32, #tpu.memory_space<vmem>>
      %dma_start3A_134 = tpu.memref_squeeze %dma_start3A_133 : memref<1x128xi32, #tpu.memory_space<vmem>> -> memref<128xi32, #tpu.memory_space<vmem>>
      %dma_start3A_135 = arith.constant 0 : i32
      %dma_start3A_136 = arith.constant 0 : i32
      %dma_start3A_137 = tpu.memref_slice %arg3[%dma_start3A_135, %dma_start3A_136] : memref<100352x16xf32, #tpu.memory_space<hbm>> -> memref<100352x16xf32, #tpu.memory_space<hbm>>
      tpu.enqueue_indirect_dma source(%dma_start3A_137 : memref<100352x16xf32, #tpu.memory_space<hbm>>) target(%dma_start3A_131 : memref<128x16xf32, #tpu.memory_space<vmem>>) offsets(%dma_start3A_134 : memref<128xi32, #tpu.memory_space<vmem>>) semaphore(%arg13 : memref<!tpu.dma_semaphore, #tpu.memory_space<semaphore_mem>>)
      %dma_start3A_138 = arith.constant 6 : i32
      %dma_start3A_139 = arith.constant 6 : i32
      %dma_start3A_140 = arith.constant 0 : i32
      %dma_start3A_141 = arith.constant 0 : i32
      %dma_start3A_142 = tpu.memref_slice %arg10[%dma_start3A_139, %dma_start3A_140, %dma_start3A_141] : memref<8x128x16xf32, #tpu.memory_space<vmem>> -> memref<1x128x16xf32, #tpu.memory_space<vmem>>
      %dma_start3A_143 = tpu.memref_squeeze %dma_start3A_142 : memref<1x128x16xf32, #tpu.memory_space<vmem>> -> memref<128x16xf32, #tpu.memory_space<vmem>>
      %dma_start3A_144 = arith.constant 0 : i32
      %dma_start3A_145 = tpu.memref_slice %arg6[%dma_start3A_138, %dma_start3A_144] : memref<8x128xi32, #tpu.memory_space<vmem>> -> memref<1x128xi32, #tpu.memory_space<vmem>>
      %dma_start3A_146 = tpu.memref_squeeze %dma_start3A_145 : memref<1x128xi32, #tpu.memory_space<vmem>> -> memref<128xi32, #tpu.memory_space<vmem>>
      %dma_start3A_147 = arith.constant 0 : i32
      %dma_start3A_148 = arith.constant 0 : i32
      %dma_start3A_149 = tpu.memref_slice %arg3[%dma_start3A_147, %dma_start3A_148] : memref<100352x16xf32, #tpu.memory_space<hbm>> -> memref<100352x16xf32, #tpu.memory_space<hbm>>
      tpu.enqueue_indirect_dma source(%dma_start3A_149 : memref<100352x16xf32, #tpu.memory_space<hbm>>) target(%dma_start3A_143 : memref<128x16xf32, #tpu.memory_space<vmem>>) offsets(%dma_start3A_146 : memref<128xi32, #tpu.memory_space<vmem>>) semaphore(%arg13 : memref<!tpu.dma_semaphore, #tpu.memory_space<semaphore_mem>>)
      %dma_start3A_150 = arith.constant 7 : i32
      %dma_start3A_151 = arith.constant 7 : i32
      %dma_start3A_152 = arith.constant 0 : i32
      %dma_start3A_153 = arith.constant 0 : i32
      %dma_start3A_154 = tpu.memref_slice %arg10[%dma_start3A_151, %dma_start3A_152, %dma_start3A_153] : memref<8x128x16xf32, #tpu.memory_space<vmem>> -> memref<1x128x16xf32, #tpu.memory_space<vmem>>
      %dma_start3A_155 = tpu.memref_squeeze %dma_start3A_154 : memref<1x128x16xf32, #tpu.memory_space<vmem>> -> memref<128x16xf32, #tpu.memory_space<vmem>>
      %dma_start3A_156 = arith.constant 0 : i32
      %dma_start3A_157 = tpu.memref_slice %arg6[%dma_start3A_150, %dma_start3A_156] : memref<8x128xi32, #tpu.memory_space<vmem>> -> memref<1x128xi32, #tpu.memory_space<vmem>>
      %dma_start3A_158 = tpu.memref_squeeze %dma_start3A_157 : memref<1x128xi32, #tpu.memory_space<vmem>> -> memref<128xi32, #tpu.memory_space<vmem>>
      %dma_start3A_159 = arith.constant 0 : i32
      %dma_start3A_160 = arith.constant 0 : i32
      %dma_start3A_161 = tpu.memref_slice %arg3[%dma_start3A_159, %dma_start3A_160] : memref<100352x16xf32, #tpu.memory_space<hbm>> -> memref<100352x16xf32, #tpu.memory_space<hbm>>
      tpu.enqueue_indirect_dma source(%dma_start3A_161 : memref<100352x16xf32, #tpu.memory_space<hbm>>) target(%dma_start3A_155 : memref<128x16xf32, #tpu.memory_space<vmem>>) offsets(%dma_start3A_158 : memref<128xi32, #tpu.memory_space<vmem>>) semaphore(%arg13 : memref<!tpu.dma_semaphore, #tpu.memory_space<semaphore_mem>>)
      %dma_wait3A_162 = arith.constant 0 : i32
      %dma_wait3A_163 = arith.constant 0 : i32
      %dma_wait3A_164 = arith.constant 0 : i32
      %dma_wait3A_165 = arith.constant 0 : i32
      %dma_wait3A_166 = tpu.memref_slice %arg10[%dma_wait3A_163, %dma_wait3A_164, %dma_wait3A_165] : memref<8x128x16xf32, #tpu.memory_space<vmem>> -> memref<1x128x16xf32, #tpu.memory_space<vmem>>
      %dma_wait3A_167 = tpu.memref_squeeze %dma_wait3A_166 : memref<1x128x16xf32, #tpu.memory_space<vmem>> -> memref<128x16xf32, #tpu.memory_space<vmem>>
      %dma_wait3A_168 = arith.constant 0 : i32
      %dma_wait3A_169 = tpu.memref_slice %arg6[%dma_wait3A_162, %dma_wait3A_168] : memref<8x128xi32, #tpu.memory_space<vmem>> -> memref<1x128xi32, #tpu.memory_space<vmem>>
      %dma_wait3A_170 = tpu.memref_squeeze %dma_wait3A_169 : memref<1x128xi32, #tpu.memory_space<vmem>> -> memref<128xi32, #tpu.memory_space<vmem>>
      %dma_wait3A_171 = arith.constant 0 : i32
      %dma_wait3A_172 = arith.constant 0 : i32
      %dma_wait3A_173 = tpu.memref_slice %arg3[%dma_wait3A_171, %dma_wait3A_172] : memref<100352x16xf32, #tpu.memory_space<hbm>> -> memref<100352x16xf32, #tpu.memory_space<hbm>>
      tpu.wait_indirect_dma semaphore(%arg12 : memref<!tpu.dma_semaphore, #tpu.memory_space<semaphore_mem>>) src(%dma_wait3A_173 : memref<100352x16xf32, #tpu.memory_space<hbm>>) dst(%dma_wait3A_167 : memref<128x16xf32, #tpu.memory_space<vmem>>)
      %dma_wait3A_174 = arith.constant 1 : i32
      %dma_wait3A_175 = arith.constant 1 : i32
      %dma_wait3A_176 = arith.constant 0 : i32
      %dma_wait3A_177 = arith.constant 0 : i32
      %dma_wait3A_178 = tpu.memref_slice %arg10[%dma_wait3A_175, %dma_wait3A_176, %dma_wait3A_177] : memref<8x128x16xf32, #tpu.memory_space<vmem>> -> memref<1x128x16xf32, #tpu.memory_space<vmem>>
      %dma_wait3A_179 = tpu.memref_squeeze %dma_wait3A_178 : memref<1x128x16xf32, #tpu.memory_space<vmem>> -> memref<128x16xf32, #tpu.memory_space<vmem>>
      %dma_wait3A_180 = arith.constant 0 : i32
      %dma_wait3A_181 = tpu.memref_slice %arg6[%dma_wait3A_174, %dma_wait3A_180] : memref<8x128xi32, #tpu.memory_space<vmem>> -> memref<1x128xi32, #tpu.memory_space<vmem>>
      %dma_wait3A_182 = tpu.memref_squeeze %dma_wait3A_181 : memref<1x128xi32, #tpu.memory_space<vmem>> -> memref<128xi32, #tpu.memory_space<vmem>>
      %dma_wait3A_183 = arith.constant 0 : i32
      %dma_wait3A_184 = arith.constant 0 : i32
      %dma_wait3A_185 = tpu.memref_slice %arg3[%dma_wait3A_183, %dma_wait3A_184] : memref<100352x16xf32, #tpu.memory_space<hbm>> -> memref<100352x16xf32, #tpu.memory_space<hbm>>
      tpu.wait_indirect_dma semaphore(%arg12 : memref<!tpu.dma_semaphore, #tpu.memory_space<semaphore_mem>>) src(%dma_wait3A_185 : memref<100352x16xf32, #tpu.memory_space<hbm>>) dst(%dma_wait3A_179 : memref<128x16xf32, #tpu.memory_space<vmem>>)
      %dma_wait3A_186 = arith.constant 2 : i32
      %dma_wait3A_187 = arith.constant 2 : i32
      %dma_wait3A_188 = arith.constant 0 : i32
      %dma_wait3A_189 = arith.constant 0 : i32
      %dma_wait3A_190 = tpu.memref_slice %arg10[%dma_wait3A_187, %dma_wait3A_188, %dma_wait3A_189] : memref<8x128x16xf32, #tpu.memory_space<vmem>> -> memref<1x128x16xf32, #tpu.memory_space<vmem>>
      %dma_wait3A_191 = tpu.memref_squeeze %dma_wait3A_190 : memref<1x128x16xf32, #tpu.memory_space<vmem>> -> memref<128x16xf32, #tpu.memory_space<vmem>>
      %dma_wait3A_192 = arith.constant 0 : i32
      %dma_wait3A_193 = tpu.memref_slice %arg6[%dma_wait3A_186, %dma_wait3A_192] : memref<8x128xi32, #tpu.memory_space<vmem>> -> memref<1x128xi32, #tpu.memory_space<vmem>>
      %dma_wait3A_194 = tpu.memref_squeeze %dma_wait3A_193 : memref<1x128xi32, #tpu.memory_space<vmem>> -> memref<128xi32, #tpu.memory_space<vmem>>
      %dma_wait3A_195 = arith.constant 0 : i32
      %dma_wait3A_196 = arith.constant 0 : i32
      %dma_wait3A_197 = tpu.memref_slice %arg3[%dma_wait3A_195, %dma_wait3A_196] : memref<100352x16xf32, #tpu.memory_space<hbm>> -> memref<100352x16xf32, #tpu.memory_space<hbm>>
      tpu.wait_indirect_dma semaphore(%arg12 : memref<!tpu.dma_semaphore, #tpu.memory_space<semaphore_mem>>) src(%dma_wait3A_197 : memref<100352x16xf32, #tpu.memory_space<hbm>>) dst(%dma_wait3A_191 : memref<128x16xf32, #tpu.memory_space<vmem>>)
      %dma_wait3A_198 = arith.constant 3 : i32
      %dma_wait3A_199 = arith.constant 3 : i32
      %dma_wait3A_200 = arith.constant 0 : i32
      %dma_wait3A_201 = arith.constant 0 : i32
      %dma_wait3A_202 = tpu.memref_slice %arg10[%dma_wait3A_199, %dma_wait3A_200, %dma_wait3A_201] : memref<8x128x16xf32, #tpu.memory_space<vmem>> -> memref<1x128x16xf32, #tpu.memory_space<vmem>>
      %dma_wait3A_203 = tpu.memref_squeeze %dma_wait3A_202 : memref<1x128x16xf32, #tpu.memory_space<vmem>> -> memref<128x16xf32, #tpu.memory_space<vmem>>
      %dma_wait3A_204 = arith.constant 0 : i32
      %dma_wait3A_205 = tpu.memref_slice %arg6[%dma_wait3A_198, %dma_wait3A_204] : memref<8x128xi32, #tpu.memory_space<vmem>> -> memref<1x128xi32, #tpu.memory_space<vmem>>
      %dma_wait3A_206 = tpu.memref_squeeze %dma_wait3A_205 : memref<1x128xi32, #tpu.memory_space<vmem>> -> memref<128xi32, #tpu.memory_space<vmem>>
      %dma_wait3A_207 = arith.constant 0 : i32
      %dma_wait3A_208 = arith.constant 0 : i32
      %dma_wait3A_209 = tpu.memref_slice %arg3[%dma_wait3A_207, %dma_wait3A_208] : memref<100352x16xf32, #tpu.memory_space<hbm>> -> memref<100352x16xf32, #tpu.memory_space<hbm>>
      tpu.wait_indirect_dma semaphore(%arg12 : memref<!tpu.dma_semaphore, #tpu.memory_space<semaphore_mem>>) src(%dma_wait3A_209 : memref<100352x16xf32, #tpu.memory_space<hbm>>) dst(%dma_wait3A_203 : memref<128x16xf32, #tpu.memory_space<vmem>>)
      %dma_start3A_210 = arith.constant 0 : i32
      %dma_start3A_211 = arith.constant 0 : i32
      %dma_start3A_212 = arith.constant 0 : i32
      %dma_start3A_213 = arith.constant 0 : i32
      %dma_start3A_214 = tpu.memref_slice %arg10[%dma_start3A_210, %dma_start3A_212, %dma_start3A_213] : memref<8x128x16xf32, #tpu.memory_space<vmem>> -> memref<1x128x16xf32, #tpu.memory_space<vmem>>
      %dma_start3A_215 = tpu.memref_squeeze %dma_start3A_214 : memref<1x128x16xf32, #tpu.memory_space<vmem>> -> memref<128x16xf32, #tpu.memory_space<vmem>>
      %dma_start3A_216 = arith.constant 0 : i32
      %dma_start3A_217 = tpu.memref_slice %arg7[%dma_start3A_211, %dma_start3A_216] : memref<8x128xi32, #tpu.memory_space<vmem>> -> memref<1x128xi32, #tpu.memory_space<vmem>>
      %dma_start3A_218 = tpu.memref_squeeze %dma_start3A_217 : memref<1x128xi32, #tpu.memory_space<vmem>> -> memref<128xi32, #tpu.memory_space<vmem>>
      %dma_start3A_219 = arith.constant 0 : i32
      %dma_start3A_220 = arith.constant 0 : i32
      %dma_start3A_221 = tpu.memref_slice %arg5[%dma_start3A_219, %dma_start3A_220] : memref<100352x16xf32, #tpu.memory_space<vmem_shared>> -> memref<100352x16xf32, #tpu.memory_space<vmem_shared>>
      tpu.enqueue_indirect_dma source(%dma_start3A_215 : memref<128x16xf32, #tpu.memory_space<vmem>>) target(%dma_start3A_221 : memref<100352x16xf32, #tpu.memory_space<vmem_shared>>) offsets(%dma_start3A_218 : memref<128xi32, #tpu.memory_space<vmem>>) semaphore(%arg14 : memref<!tpu.dma_semaphore, #tpu.memory_space<semaphore_mem>>) {add = true}
      %dma_start3A_222 = arith.constant 1 : i32
      %dma_start3A_223 = arith.constant 1 : i32
      %dma_start3A_224 = arith.constant 0 : i32
      %dma_start3A_225 = arith.constant 0 : i32
      %dma_start3A_226 = tpu.memref_slice %arg10[%dma_start3A_222, %dma_start3A_224, %dma_start3A_225] : memref<8x128x16xf32, #tpu.memory_space<vmem>> -> memref<1x128x16xf32, #tpu.memory_space<vmem>>
      %dma_start3A_227 = tpu.memref_squeeze %dma_start3A_226 : memref<1x128x16xf32, #tpu.memory_space<vmem>> -> memref<128x16xf32, #tpu.memory_space<vmem>>
      %dma_start3A_228 = arith.constant 0 : i32
      %dma_start3A_229 = tpu.memref_slice %arg7[%dma_start3A_223, %dma_start3A_228] : memref<8x128xi32, #tpu.memory_space<vmem>> -> memref<1x128xi32, #tpu.memory_space<vmem>>
      %dma_start3A_230 = tpu.memref_squeeze %dma_start3A_229 : memref<1x128xi32, #tpu.memory_space<vmem>> -> memref<128xi32, #tpu.memory_space<vmem>>
      %dma_start3A_231 = arith.constant 0 : i32
      %dma_start3A_232 = arith.constant 0 : i32
      %dma_start3A_233 = tpu.memref_slice %arg5[%dma_start3A_231, %dma_start3A_232] : memref<100352x16xf32, #tpu.memory_space<vmem_shared>> -> memref<100352x16xf32, #tpu.memory_space<vmem_shared>>
      tpu.enqueue_indirect_dma source(%dma_start3A_227 : memref<128x16xf32, #tpu.memory_space<vmem>>) target(%dma_start3A_233 : memref<100352x16xf32, #tpu.memory_space<vmem_shared>>) offsets(%dma_start3A_230 : memref<128xi32, #tpu.memory_space<vmem>>) semaphore(%arg14 : memref<!tpu.dma_semaphore, #tpu.memory_space<semaphore_mem>>) {add = true}
      %dma_start3A_234 = arith.constant 2 : i32
      %dma_start3A_235 = arith.constant 2 : i32
      %dma_start3A_236 = arith.constant 0 : i32
      %dma_start3A_237 = arith.constant 0 : i32
      %dma_start3A_238 = tpu.memref_slice %arg10[%dma_start3A_234, %dma_start3A_236, %dma_start3A_237] : memref<8x128x16xf32, #tpu.memory_space<vmem>> -> memref<1x128x16xf32, #tpu.memory_space<vmem>>
      %dma_start3A_239 = tpu.memref_squeeze %dma_start3A_238 : memref<1x128x16xf32, #tpu.memory_space<vmem>> -> memref<128x16xf32, #tpu.memory_space<vmem>>
      %dma_start3A_240 = arith.constant 0 : i32
      %dma_start3A_241 = tpu.memref_slice %arg7[%dma_start3A_235, %dma_start3A_240] : memref<8x128xi32, #tpu.memory_space<vmem>> -> memref<1x128xi32, #tpu.memory_space<vmem>>
      %dma_start3A_242 = tpu.memref_squeeze %dma_start3A_241 : memref<1x128xi32, #tpu.memory_space<vmem>> -> memref<128xi32, #tpu.memory_space<vmem>>
      %dma_start3A_243 = arith.constant 0 : i32
      %dma_start3A_244 = arith.constant 0 : i32
      %dma_start3A_245 = tpu.memref_slice %arg5[%dma_start3A_243, %dma_start3A_244] : memref<100352x16xf32, #tpu.memory_space<vmem_shared>> -> memref<100352x16xf32, #tpu.memory_space<vmem_shared>>
      tpu.enqueue_indirect_dma source(%dma_start3A_239 : memref<128x16xf32, #tpu.memory_space<vmem>>) target(%dma_start3A_245 : memref<100352x16xf32, #tpu.memory_space<vmem_shared>>) offsets(%dma_start3A_242 : memref<128xi32, #tpu.memory_space<vmem>>) semaphore(%arg14 : memref<!tpu.dma_semaphore, #tpu.memory_space<semaphore_mem>>) {add = true}
      %dma_start3A_246 = arith.constant 3 : i32
      %dma_start3A_247 = arith.constant 3 : i32
      %dma_start3A_248 = arith.constant 0 : i32
      %dma_start3A_249 = arith.constant 0 : i32
      %dma_start3A_250 = tpu.memref_slice %arg10[%dma_start3A_246, %dma_start3A_248, %dma_start3A_249] : memref<8x128x16xf32, #tpu.memory_space<vmem>> -> memref<1x128x16xf32, #tpu.memory_space<vmem>>
      %dma_start3A_251 = tpu.memref_squeeze %dma_start3A_250 : memref<1x128x16xf32, #tpu.memory_space<vmem>> -> memref<128x16xf32, #tpu.memory_space<vmem>>
      %dma_start3A_252 = arith.constant 0 : i32
      %dma_start3A_253 = tpu.memref_slice %arg7[%dma_start3A_247, %dma_start3A_252] : memref<8x128xi32, #tpu.memory_space<vmem>> -> memref<1x128xi32, #tpu.memory_space<vmem>>
      %dma_start3A_254 = tpu.memref_squeeze %dma_start3A_253 : memref<1x128xi32, #tpu.memory_space<vmem>> -> memref<128xi32, #tpu.memory_space<vmem>>
      %dma_start3A_255 = arith.constant 0 : i32
      %dma_start3A_256 = arith.constant 0 : i32
      %dma_start3A_257 = tpu.memref_slice %arg5[%dma_start3A_255, %dma_start3A_256] : memref<100352x16xf32, #tpu.memory_space<vmem_shared>> -> memref<100352x16xf32, #tpu.memory_space<vmem_shared>>
      tpu.enqueue_indirect_dma source(%dma_start3A_251 : memref<128x16xf32, #tpu.memory_space<vmem>>) target(%dma_start3A_257 : memref<100352x16xf32, #tpu.memory_space<vmem_shared>>) offsets(%dma_start3A_254 : memref<128xi32, #tpu.memory_space<vmem>>) semaphore(%arg14 : memref<!tpu.dma_semaphore, #tpu.memory_space<semaphore_mem>>) {add = true}
      %dma_wait3A_258 = arith.constant 4 : i32
      %dma_wait3A_259 = arith.constant 4 : i32
      %dma_wait3A_260 = arith.constant 0 : i32
      %dma_wait3A_261 = arith.constant 0 : i32
      %dma_wait3A_262 = tpu.memref_slice %arg10[%dma_wait3A_259, %dma_wait3A_260, %dma_wait3A_261] : memref<8x128x16xf32, #tpu.memory_space<vmem>> -> memref<1x128x16xf32, #tpu.memory_space<vmem>>
      %dma_wait3A_263 = tpu.memref_squeeze %dma_wait3A_262 : memref<1x128x16xf32, #tpu.memory_space<vmem>> -> memref<128x16xf32, #tpu.memory_space<vmem>>
      %dma_wait3A_264 = arith.constant 0 : i32
      %dma_wait3A_265 = tpu.memref_slice %arg6[%dma_wait3A_258, %dma_wait3A_264] : memref<8x128xi32, #tpu.memory_space<vmem>> -> memref<1x128xi32, #tpu.memory_space<vmem>>
      %dma_wait3A_266 = tpu.memref_squeeze %dma_wait3A_265 : memref<1x128xi32, #tpu.memory_space<vmem>> -> memref<128xi32, #tpu.memory_space<vmem>>
      %dma_wait3A_267 = arith.constant 0 : i32
      %dma_wait3A_268 = arith.constant 0 : i32
      %dma_wait3A_269 = tpu.memref_slice %arg3[%dma_wait3A_267, %dma_wait3A_268] : memref<100352x16xf32, #tpu.memory_space<hbm>> -> memref<100352x16xf32, #tpu.memory_space<hbm>>
      tpu.wait_indirect_dma semaphore(%arg13 : memref<!tpu.dma_semaphore, #tpu.memory_space<semaphore_mem>>) src(%dma_wait3A_269 : memref<100352x16xf32, #tpu.memory_space<hbm>>) dst(%dma_wait3A_263 : memref<128x16xf32, #tpu.memory_space<vmem>>)
      %dma_wait3A_270 = arith.constant 5 : i32
      %dma_wait3A_271 = arith.constant 5 : i32
      %dma_wait3A_272 = arith.constant 0 : i32
      %dma_wait3A_273 = arith.constant 0 : i32
      %dma_wait3A_274 = tpu.memref_slice %arg10[%dma_wait3A_271, %dma_wait3A_272, %dma_wait3A_273] : memref<8x128x16xf32, #tpu.memory_space<vmem>> -> memref<1x128x16xf32, #tpu.memory_space<vmem>>
      %dma_wait3A_275 = tpu.memref_squeeze %dma_wait3A_274 : memref<1x128x16xf32, #tpu.memory_space<vmem>> -> memref<128x16xf32, #tpu.memory_space<vmem>>
      %dma_wait3A_276 = arith.constant 0 : i32
      %dma_wait3A_277 = tpu.memref_slice %arg6[%dma_wait3A_270, %dma_wait3A_276] : memref<8x128xi32, #tpu.memory_space<vmem>> -> memref<1x128xi32, #tpu.memory_space<vmem>>
      %dma_wait3A_278 = tpu.memref_squeeze %dma_wait3A_277 : memref<1x128xi32, #tpu.memory_space<vmem>> -> memref<128xi32, #tpu.memory_space<vmem>>
      %dma_wait3A_279 = arith.constant 0 : i32
      %dma_wait3A_280 = arith.constant 0 : i32
      %dma_wait3A_281 = tpu.memref_slice %arg3[%dma_wait3A_279, %dma_wait3A_280] : memref<100352x16xf32, #tpu.memory_space<hbm>> -> memref<100352x16xf32, #tpu.memory_space<hbm>>
      tpu.wait_indirect_dma semaphore(%arg13 : memref<!tpu.dma_semaphore, #tpu.memory_space<semaphore_mem>>) src(%dma_wait3A_281 : memref<100352x16xf32, #tpu.memory_space<hbm>>) dst(%dma_wait3A_275 : memref<128x16xf32, #tpu.memory_space<vmem>>)
      %dma_wait3A_282 = arith.constant 6 : i32
      %dma_wait3A_283 = arith.constant 6 : i32
      %dma_wait3A_284 = arith.constant 0 : i32
      %dma_wait3A_285 = arith.constant 0 : i32
      %dma_wait3A_286 = tpu.memref_slice %arg10[%dma_wait3A_283, %dma_wait3A_284, %dma_wait3A_285] : memref<8x128x16xf32, #tpu.memory_space<vmem>> -> memref<1x128x16xf32, #tpu.memory_space<vmem>>
      %dma_wait3A_287 = tpu.memref_squeeze %dma_wait3A_286 : memref<1x128x16xf32, #tpu.memory_space<vmem>> -> memref<128x16xf32, #tpu.memory_space<vmem>>
      %dma_wait3A_288 = arith.constant 0 : i32
      %dma_wait3A_289 = tpu.memref_slice %arg6[%dma_wait3A_282, %dma_wait3A_288] : memref<8x128xi32, #tpu.memory_space<vmem>> -> memref<1x128xi32, #tpu.memory_space<vmem>>
      %dma_wait3A_290 = tpu.memref_squeeze %dma_wait3A_289 : memref<1x128xi32, #tpu.memory_space<vmem>> -> memref<128xi32, #tpu.memory_space<vmem>>
      %dma_wait3A_291 = arith.constant 0 : i32
      %dma_wait3A_292 = arith.constant 0 : i32
      %dma_wait3A_293 = tpu.memref_slice %arg3[%dma_wait3A_291, %dma_wait3A_292] : memref<100352x16xf32, #tpu.memory_space<hbm>> -> memref<100352x16xf32, #tpu.memory_space<hbm>>
      tpu.wait_indirect_dma semaphore(%arg13 : memref<!tpu.dma_semaphore, #tpu.memory_space<semaphore_mem>>) src(%dma_wait3A_293 : memref<100352x16xf32, #tpu.memory_space<hbm>>) dst(%dma_wait3A_287 : memref<128x16xf32, #tpu.memory_space<vmem>>)
      %dma_wait3A_294 = arith.constant 7 : i32
      %dma_wait3A_295 = arith.constant 7 : i32
      %dma_wait3A_296 = arith.constant 0 : i32
      %dma_wait3A_297 = arith.constant 0 : i32
      %dma_wait3A_298 = tpu.memref_slice %arg10[%dma_wait3A_295, %dma_wait3A_296, %dma_wait3A_297] : memref<8x128x16xf32, #tpu.memory_space<vmem>> -> memref<1x128x16xf32, #tpu.memory_space<vmem>>
      %dma_wait3A_299 = tpu.memref_squeeze %dma_wait3A_298 : memref<1x128x16xf32, #tpu.memory_space<vmem>> -> memref<128x16xf32, #tpu.memory_space<vmem>>
      %dma_wait3A_300 = arith.constant 0 : i32
      %dma_wait3A_301 = tpu.memref_slice %arg6[%dma_wait3A_294, %dma_wait3A_300] : memref<8x128xi32, #tpu.memory_space<vmem>> -> memref<1x128xi32, #tpu.memory_space<vmem>>
      %dma_wait3A_302 = tpu.memref_squeeze %dma_wait3A_301 : memref<1x128xi32, #tpu.memory_space<vmem>> -> memref<128xi32, #tpu.memory_space<vmem>>
      %dma_wait3A_303 = arith.constant 0 : i32
      %dma_wait3A_304 = arith.constant 0 : i32
      %dma_wait3A_305 = tpu.memref_slice %arg3[%dma_wait3A_303, %dma_wait3A_304] : memref<100352x16xf32, #tpu.memory_space<hbm>> -> memref<100352x16xf32, #tpu.memory_space<hbm>>
      tpu.wait_indirect_dma semaphore(%arg13 : memref<!tpu.dma_semaphore, #tpu.memory_space<semaphore_mem>>) src(%dma_wait3A_305 : memref<100352x16xf32, #tpu.memory_space<hbm>>) dst(%dma_wait3A_299 : memref<128x16xf32, #tpu.memory_space<vmem>>)
      %dma_start3A_306 = arith.constant 4 : i32
      %dma_start3A_307 = arith.constant 4 : i32
      %dma_start3A_308 = arith.constant 0 : i32
      %dma_start3A_309 = arith.constant 0 : i32
      %dma_start3A_310 = tpu.memref_slice %arg10[%dma_start3A_306, %dma_start3A_308, %dma_start3A_309] : memref<8x128x16xf32, #tpu.memory_space<vmem>> -> memref<1x128x16xf32, #tpu.memory_space<vmem>>
      %dma_start3A_311 = tpu.memref_squeeze %dma_start3A_310 : memref<1x128x16xf32, #tpu.memory_space<vmem>> -> memref<128x16xf32, #tpu.memory_space<vmem>>
      %dma_start3A_312 = arith.constant 0 : i32
      %dma_start3A_313 = tpu.memref_slice %arg7[%dma_start3A_307, %dma_start3A_312] : memref<8x128xi32, #tpu.memory_space<vmem>> -> memref<1x128xi32, #tpu.memory_space<vmem>>
      %dma_start3A_314 = tpu.memref_squeeze %dma_start3A_313 : memref<1x128xi32, #tpu.memory_space<vmem>> -> memref<128xi32, #tpu.memory_space<vmem>>
      %dma_start3A_315 = arith.constant 0 : i32
      %dma_start3A_316 = arith.constant 0 : i32
      %dma_start3A_317 = tpu.memref_slice %arg5[%dma_start3A_315, %dma_start3A_316] : memref<100352x16xf32, #tpu.memory_space<vmem_shared>> -> memref<100352x16xf32, #tpu.memory_space<vmem_shared>>
      tpu.enqueue_indirect_dma source(%dma_start3A_311 : memref<128x16xf32, #tpu.memory_space<vmem>>) target(%dma_start3A_317 : memref<100352x16xf32, #tpu.memory_space<vmem_shared>>) offsets(%dma_start3A_314 : memref<128xi32, #tpu.memory_space<vmem>>) semaphore(%arg14 : memref<!tpu.dma_semaphore, #tpu.memory_space<semaphore_mem>>) {add = true}
      %dma_start3A_318 = arith.constant 5 : i32
      %dma_start3A_319 = arith.constant 5 : i32
      %dma_start3A_320 = arith.constant 0 : i32
      %dma_start3A_321 = arith.constant 0 : i32
      %dma_start3A_322 = tpu.memref_slice %arg10[%dma_start3A_318, %dma_start3A_320, %dma_start3A_321] : memref<8x128x16xf32, #tpu.memory_space<vmem>> -> memref<1x128x16xf32, #tpu.memory_space<vmem>>
      %dma_start3A_323 = tpu.memref_squeeze %dma_start3A_322 : memref<1x128x16xf32, #tpu.memory_space<vmem>> -> memref<128x16xf32, #tpu.memory_space<vmem>>
      %dma_start3A_324 = arith.constant 0 : i32
      %dma_start3A_325 = tpu.memref_slice %arg7[%dma_start3A_319, %dma_start3A_324] : memref<8x128xi32, #tpu.memory_space<vmem>> -> memref<1x128xi32, #tpu.memory_space<vmem>>
      %dma_start3A_326 = tpu.memref_squeeze %dma_start3A_325 : memref<1x128xi32, #tpu.memory_space<vmem>> -> memref<128xi32, #tpu.memory_space<vmem>>
      %dma_start3A_327 = arith.constant 0 : i32
      %dma_start3A_328 = arith.constant 0 : i32
      %dma_start3A_329 = tpu.memref_slice %arg5[%dma_start3A_327, %dma_start3A_328] : memref<100352x16xf32, #tpu.memory_space<vmem_shared>> -> memref<100352x16xf32, #tpu.memory_space<vmem_shared>>
      tpu.enqueue_indirect_dma source(%dma_start3A_323 : memref<128x16xf32, #tpu.memory_space<vmem>>) target(%dma_start3A_329 : memref<100352x16xf32, #tpu.memory_space<vmem_shared>>) offsets(%dma_start3A_326 : memref<128xi32, #tpu.memory_space<vmem>>) semaphore(%arg14 : memref<!tpu.dma_semaphore, #tpu.memory_space<semaphore_mem>>) {add = true}
      %dma_start3A_330 = arith.constant 6 : i32
      %dma_start3A_331 = arith.constant 6 : i32
      %dma_start3A_332 = arith.constant 0 : i32
      %dma_start3A_333 = arith.constant 0 : i32
      %dma_start3A_334 = tpu.memref_slice %arg10[%dma_start3A_330, %dma_start3A_332, %dma_start3A_333] : memref<8x128x16xf32, #tpu.memory_space<vmem>> -> memref<1x128x16xf32, #tpu.memory_space<vmem>>
      %dma_start3A_335 = tpu.memref_squeeze %dma_start3A_334 : memref<1x128x16xf32, #tpu.memory_space<vmem>> -> memref<128x16xf32, #tpu.memory_space<vmem>>
      %dma_start3A_336 = arith.constant 0 : i32
      %dma_start3A_337 = tpu.memref_slice %arg7[%dma_start3A_331, %dma_start3A_336] : memref<8x128xi32, #tpu.memory_space<vmem>> -> memref<1x128xi32, #tpu.memory_space<vmem>>
      %dma_start3A_338 = tpu.memref_squeeze %dma_start3A_337 : memref<1x128xi32, #tpu.memory_space<vmem>> -> memref<128xi32, #tpu.memory_space<vmem>>
      %dma_start3A_339 = arith.constant 0 : i32
      %dma_start3A_340 = arith.constant 0 : i32
      %dma_start3A_341 = tpu.memref_slice %arg5[%dma_start3A_339, %dma_start3A_340] : memref<100352x16xf32, #tpu.memory_space<vmem_shared>> -> memref<100352x16xf32, #tpu.memory_space<vmem_shared>>
      tpu.enqueue_indirect_dma source(%dma_start3A_335 : memref<128x16xf32, #tpu.memory_space<vmem>>) target(%dma_start3A_341 : memref<100352x16xf32, #tpu.memory_space<vmem_shared>>) offsets(%dma_start3A_338 : memref<128xi32, #tpu.memory_space<vmem>>) semaphore(%arg14 : memref<!tpu.dma_semaphore, #tpu.memory_space<semaphore_mem>>) {add = true}
      %dma_start3A_342 = arith.constant 7 : i32
      %dma_start3A_343 = arith.constant 7 : i32
      %dma_start3A_344 = arith.constant 0 : i32
      %dma_start3A_345 = arith.constant 0 : i32
      %dma_start3A_346 = tpu.memref_slice %arg10[%dma_start3A_342, %dma_start3A_344, %dma_start3A_345] : memref<8x128x16xf32, #tpu.memory_space<vmem>> -> memref<1x128x16xf32, #tpu.memory_space<vmem>>
      %dma_start3A_347 = tpu.memref_squeeze %dma_start3A_346 : memref<1x128x16xf32, #tpu.memory_space<vmem>> -> memref<128x16xf32, #tpu.memory_space<vmem>>
      %dma_start3A_348 = arith.constant 0 : i32
      %dma_start3A_349 = tpu.memref_slice %arg7[%dma_start3A_343, %dma_start3A_348] : memref<8x128xi32, #tpu.memory_space<vmem>> -> memref<1x128xi32, #tpu.memory_space<vmem>>
      %dma_start3A_350 = tpu.memref_squeeze %dma_start3A_349 : memref<1x128xi32, #tpu.memory_space<vmem>> -> memref<128xi32, #tpu.memory_space<vmem>>
      %dma_start3A_351 = arith.constant 0 : i32
      %dma_start3A_352 = arith.constant 0 : i32
      %dma_start3A_353 = tpu.memref_slice %arg5[%dma_start3A_351, %dma_start3A_352] : memref<100352x16xf32, #tpu.memory_space<vmem_shared>> -> memref<100352x16xf32, #tpu.memory_space<vmem_shared>>
      tpu.enqueue_indirect_dma source(%dma_start3A_347 : memref<128x16xf32, #tpu.memory_space<vmem>>) target(%dma_start3A_353 : memref<100352x16xf32, #tpu.memory_space<vmem_shared>>) offsets(%dma_start3A_350 : memref<128xi32, #tpu.memory_space<vmem>>) semaphore(%arg14 : memref<!tpu.dma_semaphore, #tpu.memory_space<semaphore_mem>>) {add = true}
      %dma_wait3A_354 = arith.constant 0 : i32
      %dma_wait3A_355 = arith.constant 0 : i32
      %dma_wait3A_356 = arith.constant 0 : i32
      %dma_wait3A_357 = arith.constant 0 : i32
      %dma_wait3A_358 = tpu.memref_slice %arg10[%dma_wait3A_354, %dma_wait3A_356, %dma_wait3A_357] : memref<8x128x16xf32, #tpu.memory_space<vmem>> -> memref<1x128x16xf32, #tpu.memory_space<vmem>>
      %dma_wait3A_359 = tpu.memref_squeeze %dma_wait3A_358 : memref<1x128x16xf32, #tpu.memory_space<vmem>> -> memref<128x16xf32, #tpu.memory_space<vmem>>
      %dma_wait3A_360 = arith.constant 0 : i32
      %dma_wait3A_361 = tpu.memref_slice %arg7[%dma_wait3A_355, %dma_wait3A_360] : memref<8x128xi32, #tpu.memory_space<vmem>> -> memref<1x128xi32, #tpu.memory_space<vmem>>
      %dma_wait3A_362 = tpu.memref_squeeze %dma_wait3A_361 : memref<1x128xi32, #tpu.memory_space<vmem>> -> memref<128xi32, #tpu.memory_space<vmem>>
      %dma_wait3A_363 = arith.constant 0 : i32
      %dma_wait3A_364 = arith.constant 0 : i32
      %dma_wait3A_365 = tpu.memref_slice %arg5[%dma_wait3A_363, %dma_wait3A_364] : memref<100352x16xf32, #tpu.memory_space<vmem_shared>> -> memref<100352x16xf32, #tpu.memory_space<vmem_shared>>
      tpu.wait_indirect_dma semaphore(%arg14 : memref<!tpu.dma_semaphore, #tpu.memory_space<semaphore_mem>>) src(%dma_wait3A_359 : memref<128x16xf32, #tpu.memory_space<vmem>>) dst(%dma_wait3A_365 : memref<100352x16xf32, #tpu.memory_space<vmem_shared>>)
      %dma_wait3A_366 = arith.constant 1 : i32
      %dma_wait3A_367 = arith.constant 1 : i32
      %dma_wait3A_368 = arith.constant 0 : i32
      %dma_wait3A_369 = arith.constant 0 : i32
      %dma_wait3A_370 = tpu.memref_slice %arg10[%dma_wait3A_366, %dma_wait3A_368, %dma_wait3A_369] : memref<8x128x16xf32, #tpu.memory_space<vmem>> -> memref<1x128x16xf32, #tpu.memory_space<vmem>>
      %dma_wait3A_371 = tpu.memref_squeeze %dma_wait3A_370 : memref<1x128x16xf32, #tpu.memory_space<vmem>> -> memref<128x16xf32, #tpu.memory_space<vmem>>
      %dma_wait3A_372 = arith.constant 0 : i32
      %dma_wait3A_373 = tpu.memref_slice %arg7[%dma_wait3A_367, %dma_wait3A_372] : memref<8x128xi32, #tpu.memory_space<vmem>> -> memref<1x128xi32, #tpu.memory_space<vmem>>
      %dma_wait3A_374 = tpu.memref_squeeze %dma_wait3A_373 : memref<1x128xi32, #tpu.memory_space<vmem>> -> memref<128xi32, #tpu.memory_space<vmem>>
      %dma_wait3A_375 = arith.constant 0 : i32
      %dma_wait3A_376 = arith.constant 0 : i32
      %dma_wait3A_377 = tpu.memref_slice %arg5[%dma_wait3A_375, %dma_wait3A_376] : memref<100352x16xf32, #tpu.memory_space<vmem_shared>> -> memref<100352x16xf32, #tpu.memory_space<vmem_shared>>
      tpu.wait_indirect_dma semaphore(%arg14 : memref<!tpu.dma_semaphore, #tpu.memory_space<semaphore_mem>>) src(%dma_wait3A_371 : memref<128x16xf32, #tpu.memory_space<vmem>>) dst(%dma_wait3A_377 : memref<100352x16xf32, #tpu.memory_space<vmem_shared>>)
      %dma_wait3A_378 = arith.constant 2 : i32
      %dma_wait3A_379 = arith.constant 2 : i32
      %dma_wait3A_380 = arith.constant 0 : i32
      %dma_wait3A_381 = arith.constant 0 : i32
      %dma_wait3A_382 = tpu.memref_slice %arg10[%dma_wait3A_378, %dma_wait3A_380, %dma_wait3A_381] : memref<8x128x16xf32, #tpu.memory_space<vmem>> -> memref<1x128x16xf32, #tpu.memory_space<vmem>>
      %dma_wait3A_383 = tpu.memref_squeeze %dma_wait3A_382 : memref<1x128x16xf32, #tpu.memory_space<vmem>> -> memref<128x16xf32, #tpu.memory_space<vmem>>
      %dma_wait3A_384 = arith.constant 0 : i32
      %dma_wait3A_385 = tpu.memref_slice %arg7[%dma_wait3A_379, %dma_wait3A_384] : memref<8x128xi32, #tpu.memory_space<vmem>> -> memref<1x128xi32, #tpu.memory_space<vmem>>
      %dma_wait3A_386 = tpu.memref_squeeze %dma_wait3A_385 : memref<1x128xi32, #tpu.memory_space<vmem>> -> memref<128xi32, #tpu.memory_space<vmem>>
      %dma_wait3A_387 = arith.constant 0 : i32
      %dma_wait3A_388 = arith.constant 0 : i32
      %dma_wait3A_389 = tpu.memref_slice %arg5[%dma_wait3A_387, %dma_wait3A_388] : memref<100352x16xf32, #tpu.memory_space<vmem_shared>> -> memref<100352x16xf32, #tpu.memory_space<vmem_shared>>
      tpu.wait_indirect_dma semaphore(%arg14 : memref<!tpu.dma_semaphore, #tpu.memory_space<semaphore_mem>>) src(%dma_wait3A_383 : memref<128x16xf32, #tpu.memory_space<vmem>>) dst(%dma_wait3A_389 : memref<100352x16xf32, #tpu.memory_space<vmem_shared>>)
      %dma_wait3A_390 = arith.constant 3 : i32
      %dma_wait3A_391 = arith.constant 3 : i32
      %dma_wait3A_392 = arith.constant 0 : i32
      %dma_wait3A_393 = arith.constant 0 : i32
      %dma_wait3A_394 = tpu.memref_slice %arg10[%dma_wait3A_390, %dma_wait3A_392, %dma_wait3A_393] : memref<8x128x16xf32, #tpu.memory_space<vmem>> -> memref<1x128x16xf32, #tpu.memory_space<vmem>>
      %dma_wait3A_395 = tpu.memref_squeeze %dma_wait3A_394 : memref<1x128x16xf32, #tpu.memory_space<vmem>> -> memref<128x16xf32, #tpu.memory_space<vmem>>
      %dma_wait3A_396 = arith.constant 0 : i32
      %dma_wait3A_397 = tpu.memref_slice %arg7[%dma_wait3A_391, %dma_wait3A_396] : memref<8x128xi32, #tpu.memory_space<vmem>> -> memref<1x128xi32, #tpu.memory_space<vmem>>
      %dma_wait3A_398 = tpu.memref_squeeze %dma_wait3A_397 : memref<1x128xi32, #tpu.memory_space<vmem>> -> memref<128xi32, #tpu.memory_space<vmem>>
      %dma_wait3A_399 = arith.constant 0 : i32
      %dma_wait3A_400 = arith.constant 0 : i32
      %dma_wait3A_401 = tpu.memref_slice %arg5[%dma_wait3A_399, %dma_wait3A_400] : memref<100352x16xf32, #tpu.memory_space<vmem_shared>> -> memref<100352x16xf32, #tpu.memory_space<vmem_shared>>
      tpu.wait_indirect_dma semaphore(%arg14 : memref<!tpu.dma_semaphore, #tpu.memory_space<semaphore_mem>>) src(%dma_wait3A_395 : memref<128x16xf32, #tpu.memory_space<vmem>>) dst(%dma_wait3A_401 : memref<100352x16xf32, #tpu.memory_space<vmem_shared>>)
      %dma_wait3A_402 = arith.constant 4 : i32
      %dma_wait3A_403 = arith.constant 4 : i32
      %dma_wait3A_404 = arith.constant 0 : i32
      %dma_wait3A_405 = arith.constant 0 : i32
      %dma_wait3A_406 = tpu.memref_slice %arg10[%dma_wait3A_402, %dma_wait3A_404, %dma_wait3A_405] : memref<8x128x16xf32, #tpu.memory_space<vmem>> -> memref<1x128x16xf32, #tpu.memory_space<vmem>>
      %dma_wait3A_407 = tpu.memref_squeeze %dma_wait3A_406 : memref<1x128x16xf32, #tpu.memory_space<vmem>> -> memref<128x16xf32, #tpu.memory_space<vmem>>
      %dma_wait3A_408 = arith.constant 0 : i32
      %dma_wait3A_409 = tpu.memref_slice %arg7[%dma_wait3A_403, %dma_wait3A_408] : memref<8x128xi32, #tpu.memory_space<vmem>> -> memref<1x128xi32, #tpu.memory_space<vmem>>
      %dma_wait3A_410 = tpu.memref_squeeze %dma_wait3A_409 : memref<1x128xi32, #tpu.memory_space<vmem>> -> memref<128xi32, #tpu.memory_space<vmem>>
      %dma_wait3A_411 = arith.constant 0 : i32
      %dma_wait3A_412 = arith.constant 0 : i32
      %dma_wait3A_413 = tpu.memref_slice %arg5[%dma_wait3A_411, %dma_wait3A_412] : memref<100352x16xf32, #tpu.memory_space<vmem_shared>> -> memref<100352x16xf32, #tpu.memory_space<vmem_shared>>
      tpu.wait_indirect_dma semaphore(%arg14 : memref<!tpu.dma_semaphore, #tpu.memory_space<semaphore_mem>>) src(%dma_wait3A_407 : memref<128x16xf32, #tpu.memory_space<vmem>>) dst(%dma_wait3A_413 : memref<100352x16xf32, #tpu.memory_space<vmem_shared>>)
      %dma_wait3A_414 = arith.constant 5 : i32
      %dma_wait3A_415 = arith.constant 5 : i32
      %dma_wait3A_416 = arith.constant 0 : i32
      %dma_wait3A_417 = arith.constant 0 : i32
      %dma_wait3A_418 = tpu.memref_slice %arg10[%dma_wait3A_414, %dma_wait3A_416, %dma_wait3A_417] : memref<8x128x16xf32, #tpu.memory_space<vmem>> -> memref<1x128x16xf32, #tpu.memory_space<vmem>>
      %dma_wait3A_419 = tpu.memref_squeeze %dma_wait3A_418 : memref<1x128x16xf32, #tpu.memory_space<vmem>> -> memref<128x16xf32, #tpu.memory_space<vmem>>
      %dma_wait3A_420 = arith.constant 0 : i32
      %dma_wait3A_421 = tpu.memref_slice %arg7[%dma_wait3A_415, %dma_wait3A_420] : memref<8x128xi32, #tpu.memory_space<vmem>> -> memref<1x128xi32, #tpu.memory_space<vmem>>
      %dma_wait3A_422 = tpu.memref_squeeze %dma_wait3A_421 : memref<1x128xi32, #tpu.memory_space<vmem>> -> memref<128xi32, #tpu.memory_space<vmem>>
      %dma_wait3A_423 = arith.constant 0 : i32
      %dma_wait3A_424 = arith.constant 0 : i32
      %dma_wait3A_425 = tpu.memref_slice %arg5[%dma_wait3A_423, %dma_wait3A_424] : memref<100352x16xf32, #tpu.memory_space<vmem_shared>> -> memref<100352x16xf32, #tpu.memory_space<vmem_shared>>
      tpu.wait_indirect_dma semaphore(%arg14 : memref<!tpu.dma_semaphore, #tpu.memory_space<semaphore_mem>>) src(%dma_wait3A_419 : memref<128x16xf32, #tpu.memory_space<vmem>>) dst(%dma_wait3A_425 : memref<100352x16xf32, #tpu.memory_space<vmem_shared>>)
      %dma_wait3A_426 = arith.constant 6 : i32
      %dma_wait3A_427 = arith.constant 6 : i32
      %dma_wait3A_428 = arith.constant 0 : i32
      %dma_wait3A_429 = arith.constant 0 : i32
      %dma_wait3A_430 = tpu.memref_slice %arg10[%dma_wait3A_426, %dma_wait3A_428, %dma_wait3A_429] : memref<8x128x16xf32, #tpu.memory_space<vmem>> -> memref<1x128x16xf32, #tpu.memory_space<vmem>>
      %dma_wait3A_431 = tpu.memref_squeeze %dma_wait3A_430 : memref<1x128x16xf32, #tpu.memory_space<vmem>> -> memref<128x16xf32, #tpu.memory_space<vmem>>
      %dma_wait3A_432 = arith.constant 0 : i32
      %dma_wait3A_433 = tpu.memref_slice %arg7[%dma_wait3A_427, %dma_wait3A_432] : memref<8x128xi32, #tpu.memory_space<vmem>> -> memref<1x128xi32, #tpu.memory_space<vmem>>
      %dma_wait3A_434 = tpu.memref_squeeze %dma_wait3A_433 : memref<1x128xi32, #tpu.memory_space<vmem>> -> memref<128xi32, #tpu.memory_space<vmem>>
      %dma_wait3A_435 = arith.constant 0 : i32
      %dma_wait3A_436 = arith.constant 0 : i32
      %dma_wait3A_437 = tpu.memref_slice %arg5[%dma_wait3A_435, %dma_wait3A_436] : memref<100352x16xf32, #tpu.memory_space<vmem_shared>> -> memref<100352x16xf32, #tpu.memory_space<vmem_shared>>
      tpu.wait_indirect_dma semaphore(%arg14 : memref<!tpu.dma_semaphore, #tpu.memory_space<semaphore_mem>>) src(%dma_wait3A_431 : memref<128x16xf32, #tpu.memory_space<vmem>>) dst(%dma_wait3A_437 : memref<100352x16xf32, #tpu.memory_space<vmem_shared>>)
      %dma_wait3A_438 = arith.constant 7 : i32
      %dma_wait3A_439 = arith.constant 7 : i32
      %dma_wait3A_440 = arith.constant 0 : i32
      %dma_wait3A_441 = arith.constant 0 : i32
      %dma_wait3A_442 = tpu.memref_slice %arg10[%dma_wait3A_438, %dma_wait3A_440, %dma_wait3A_441] : memref<8x128x16xf32, #tpu.memory_space<vmem>> -> memref<1x128x16xf32, #tpu.memory_space<vmem>>
      %dma_wait3A_443 = tpu.memref_squeeze %dma_wait3A_442 : memref<1x128x16xf32, #tpu.memory_space<vmem>> -> memref<128x16xf32, #tpu.memory_space<vmem>>
      %dma_wait3A_444 = arith.constant 0 : i32
      %dma_wait3A_445 = tpu.memref_slice %arg7[%dma_wait3A_439, %dma_wait3A_444] : memref<8x128xi32, #tpu.memory_space<vmem>> -> memref<1x128xi32, #tpu.memory_space<vmem>>
      %dma_wait3A_446 = tpu.memref_squeeze %dma_wait3A_445 : memref<1x128xi32, #tpu.memory_space<vmem>> -> memref<128xi32, #tpu.memory_space<vmem>>
      %dma_wait3A_447 = arith.constant 0 : i32
      %dma_wait3A_448 = arith.constant 0 : i32
      %dma_wait3A_449 = tpu.memref_slice %arg5[%dma_wait3A_447, %dma_wait3A_448] : memref<100352x16xf32, #tpu.memory_space<vmem_shared>> -> memref<100352x16xf32, #tpu.memory_space<vmem_shared>>
      tpu.wait_indirect_dma semaphore(%arg14 : memref<!tpu.dma_semaphore, #tpu.memory_space<semaphore_mem>>) src(%dma_wait3A_443 : memref<128x16xf32, #tpu.memory_space<vmem>>) dst(%dma_wait3A_449 : memref<100352x16xf32, #tpu.memory_space<vmem_shared>>)
    }
    %while3A_30 = arith.constant 1 : i32
    scf.for %while3A_34 = %while3A_28 to %while3A_24 step %while3A_30  : i32 {
      %mul3A_35 = arith.constant 32 : i32
      %mul3A_36 = arith.muli %while3A_34, %mul3A_35 : i32
      %add3A_37 = arith.addi %mul3A_36, %add3A : i32
      %mul3A_38 = arith.constant 8 : i32
      %mul3A_39 = arith.muli %add3A_37, %mul3A_38 : i32
      %dma_start3A = arith.constant 0 : i32
      %dma_start3A_40 = arith.constant 0 : i32
      %dma_start3A_41 = tpu.memref_slice %arg2[%dma_start3A, %mul3A_39, %dma_start3A_40] : memref<2x12500x128xi32, #tpu.memory_space<hbm>> -> memref<1x8x128xi32, #tpu.memory_space<hbm>>
      %dma_start3A_42 = tpu.memref_squeeze %dma_start3A_41 : memref<1x8x128xi32, #tpu.memory_space<hbm>> -> memref<8x128xi32, #tpu.memory_space<hbm>>
      %dma_start3A_43 = arith.constant 0 : i32
      %dma_start3A_44 = tpu.memref_slice %arg2[%dma_start3A, %mul3A_39, %dma_start3A_43] : memref<2x12500x128xi32, #tpu.memory_space<hbm>> -> memref<1x8x128xi32, #tpu.memory_space<hbm>>
      %dma_start3A_45 = tpu.memref_squeeze %dma_start3A_44 : memref<1x8x128xi32, #tpu.memory_space<hbm>> -> memref<8x128xi32, #tpu.memory_space<hbm>>
      tpu.enqueue_dma source(%dma_start3A_45 : memref<8x128xi32, #tpu.memory_space<hbm>>) target(%arg6 : memref<8x128xi32, #tpu.memory_space<vmem>>) target_semaphore(%arg12 : memref<!tpu.dma_semaphore, #tpu.memory_space<semaphore_mem>>)
      %dma_start3A_46 = arith.constant 1 : i32
      %dma_start3A_47 = arith.constant 0 : i32
      %dma_start3A_48 = tpu.memref_slice %arg2[%dma_start3A_46, %mul3A_39, %dma_start3A_47] : memref<2x12500x128xi32, #tpu.memory_space<hbm>> -> memref<1x8x128xi32, #tpu.memory_space<hbm>>
      %dma_start3A_49 = tpu.memref_squeeze %dma_start3A_48 : memref<1x8x128xi32, #tpu.memory_space<hbm>> -> memref<8x128xi32, #tpu.memory_space<hbm>>
      %dma_start3A_50 = arith.constant 0 : i32
      %dma_start3A_51 = tpu.memref_slice %arg2[%dma_start3A_46, %mul3A_39, %dma_start3A_50] : memref<2x12500x128xi32, #tpu.memory_space<hbm>> -> memref<1x8x128xi32, #tpu.memory_space<hbm>>
      %dma_start3A_52 = tpu.memref_squeeze %dma_start3A_51 : memref<1x8x128xi32, #tpu.memory_space<hbm>> -> memref<8x128xi32, #tpu.memory_space<hbm>>
      tpu.enqueue_dma source(%dma_start3A_52 : memref<8x128xi32, #tpu.memory_space<hbm>>) target(%arg7 : memref<8x128xi32, #tpu.memory_space<vmem>>) target_semaphore(%arg13 : memref<!tpu.dma_semaphore, #tpu.memory_space<semaphore_mem>>)
      %dma_wait3A = arith.constant 0 : i32
      %dma_wait3A_53 = arith.constant 0 : i32
      %dma_wait3A_54 = tpu.memref_slice %arg2[%dma_wait3A, %mul3A_39, %dma_wait3A_53] : memref<2x12500x128xi32, #tpu.memory_space<hbm>> -> memref<1x8x128xi32, #tpu.memory_space<hbm>>
      %dma_wait3A_55 = tpu.memref_squeeze %dma_wait3A_54 : memref<1x8x128xi32, #tpu.memory_space<hbm>> -> memref<8x128xi32, #tpu.memory_space<hbm>>
      %dma_wait3A_56 = arith.constant 0 : i32
      %dma_wait3A_57 = tpu.memref_slice %arg2[%dma_wait3A, %mul3A_39, %dma_wait3A_56] : memref<2x12500x128xi32, #tpu.memory_space<hbm>> -> memref<1x8x128xi32, #tpu.memory_space<hbm>>
      %dma_wait3A_58 = tpu.memref_squeeze %dma_wait3A_57 : memref<1x8x128xi32, #tpu.memory_space<hbm>> -> memref<8x128xi32, #tpu.memory_space<hbm>>
      tpu.wait_dma2 semaphore(%arg12 : memref<!tpu.dma_semaphore, #tpu.memory_space<semaphore_mem>>) src(%dma_wait3A_58 : memref<8x128xi32, #tpu.memory_space<hbm>>) dst(%arg6 : memref<8x128xi32, #tpu.memory_space<vmem>>)
      %dma_wait3A_59 = arith.constant 1 : i32
      %dma_wait3A_60 = arith.constant 0 : i32
      %dma_wait3A_61 = tpu.memref_slice %arg2[%dma_wait3A_59, %mul3A_39, %dma_wait3A_60] : memref<2x12500x128xi32, #tpu.memory_space<hbm>> -> memref<1x8x128xi32, #tpu.memory_space<hbm>>
      %dma_wait3A_62 = tpu.memref_squeeze %dma_wait3A_61 : memref<1x8x128xi32, #tpu.memory_space<hbm>> -> memref<8x128xi32, #tpu.memory_space<hbm>>
      %dma_wait3A_63 = arith.constant 0 : i32
      %dma_wait3A_64 = tpu.memref_slice %arg2[%dma_wait3A_59, %mul3A_39, %dma_wait3A_63] : memref<2x12500x128xi32, #tpu.memory_space<hbm>> -> memref<1x8x128xi32, #tpu.memory_space<hbm>>
      %dma_wait3A_65 = tpu.memref_squeeze %dma_wait3A_64 : memref<1x8x128xi32, #tpu.memory_space<hbm>> -> memref<8x128xi32, #tpu.memory_space<hbm>>
      tpu.wait_dma2 semaphore(%arg13 : memref<!tpu.dma_semaphore, #tpu.memory_space<semaphore_mem>>) src(%dma_wait3A_65 : memref<8x128xi32, #tpu.memory_space<hbm>>) dst(%arg7 : memref<8x128xi32, #tpu.memory_space<vmem>>)
      %dma_start3A_66 = arith.constant 0 : i32
      %dma_start3A_67 = arith.constant 0 : i32
      %dma_start3A_68 = arith.constant 0 : i32
      %dma_start3A_69 = arith.constant 0 : i32
      %dma_start3A_70 = tpu.memref_slice %arg10[%dma_start3A_67, %dma_start3A_68, %dma_start3A_69] : memref<8x128x16xf32, #tpu.memory_space<vmem>> -> memref<1x128x16xf32, #tpu.memory_space<vmem>>
      %dma_start3A_71 = tpu.memref_squeeze %dma_start3A_70 : memref<1x128x16xf32, #tpu.memory_space<vmem>> -> memref<128x16xf32, #tpu.memory_space<vmem>>
      %dma_start3A_72 = arith.constant 0 : i32
      %dma_start3A_73 = tpu.memref_slice %arg6[%dma_start3A_66, %dma_start3A_72] : memref<8x128xi32, #tpu.memory_space<vmem>> -> memref<1x128xi32, #tpu.memory_space<vmem>>
      %dma_start3A_74 = tpu.memref_squeeze %dma_start3A_73 : memref<1x128xi32, #tpu.memory_space<vmem>> -> memref<128xi32, #tpu.memory_space<vmem>>
      %dma_start3A_75 = arith.constant 0 : i32
      %dma_start3A_76 = arith.constant 0 : i32
      %dma_start3A_77 = tpu.memref_slice %arg3[%dma_start3A_75, %dma_start3A_76] : memref<100352x16xf32, #tpu.memory_space<hbm>> -> memref<100352x16xf32, #tpu.memory_space<hbm>>
      tpu.enqueue_indirect_dma source(%dma_start3A_77 : memref<100352x16xf32, #tpu.memory_space<hbm>>) target(%dma_start3A_71 : memref<128x16xf32, #tpu.memory_space<vmem>>) offsets(%dma_start3A_74 : memref<128xi32, #tpu.memory_space<vmem>>) semaphore(%arg12 : memref<!tpu.dma_semaphore, #tpu.memory_space<semaphore_mem>>)
      %dma_start3A_78 = arith.constant 1 : i32
      %dma_start3A_79 = arith.constant 1 : i32
      %dma_start3A_80 = arith.constant 0 : i32
      %dma_start3A_81 = arith.constant 0 : i32
      %dma_start3A_82 = tpu.memref_slice %arg10[%dma_start3A_79, %dma_start3A_80, %dma_start3A_81] : memref<8x128x16xf32, #tpu.memory_space<vmem>> -> memref<1x128x16xf32, #tpu.memory_space<vmem>>
      %dma_start3A_83 = tpu.memref_squeeze %dma_start3A_82 : memref<1x128x16xf32, #tpu.memory_space<vmem>> -> memref<128x16xf32, #tpu.memory_space<vmem>>
      %dma_start3A_84 = arith.constant 0 : i32
      %dma_start3A_85 = tpu.memref_slice %arg6[%dma_start3A_78, %dma_start3A_84] : memref<8x128xi32, #tpu.memory_space<vmem>> -> memref<1x128xi32, #tpu.memory_space<vmem>>
      %dma_start3A_86 = tpu.memref_squeeze %dma_start3A_85 : memref<1x128xi32, #tpu.memory_space<vmem>> -> memref<128xi32, #tpu.memory_space<vmem>>
      %dma_start3A_87 = arith.constant 0 : i32
      %dma_start3A_88 = arith.constant 0 : i32
      %dma_start3A_89 = tpu.memref_slice %arg3[%dma_start3A_87, %dma_start3A_88] : memref<100352x16xf32, #tpu.memory_space<hbm>> -> memref<100352x16xf32, #tpu.memory_space<hbm>>
      tpu.enqueue_indirect_dma source(%dma_start3A_89 : memref<100352x16xf32, #tpu.memory_space<hbm>>) target(%dma_start3A_83 : memref<128x16xf32, #tpu.memory_space<vmem>>) offsets(%dma_start3A_86 : memref<128xi32, #tpu.memory_space<vmem>>) semaphore(%arg12 : memref<!tpu.dma_semaphore, #tpu.memory_space<semaphore_mem>>)
      %dma_start3A_90 = arith.constant 2 : i32
      %dma_start3A_91 = arith.constant 2 : i32
      %dma_start3A_92 = arith.constant 0 : i32
      %dma_start3A_93 = arith.constant 0 : i32
      %dma_start3A_94 = tpu.memref_slice %arg10[%dma_start3A_91, %dma_start3A_92, %dma_start3A_93] : memref<8x128x16xf32, #tpu.memory_space<vmem>> -> memref<1x128x16xf32, #tpu.memory_space<vmem>>
      %dma_start3A_95 = tpu.memref_squeeze %dma_start3A_94 : memref<1x128x16xf32, #tpu.memory_space<vmem>> -> memref<128x16xf32, #tpu.memory_space<vmem>>
      %dma_start3A_96 = arith.constant 0 : i32
      %dma_start3A_97 = tpu.memref_slice %arg6[%dma_start3A_90, %dma_start3A_96] : memref<8x128xi32, #tpu.memory_space<vmem>> -> memref<1x128xi32, #tpu.memory_space<vmem>>
      %dma_start3A_98 = tpu.memref_squeeze %dma_start3A_97 : memref<1x128xi32, #tpu.memory_space<vmem>> -> memref<128xi32, #tpu.memory_space<vmem>>
      %dma_start3A_99 = arith.constant 0 : i32
      %dma_start3A_100 = arith.constant 0 : i32
      %dma_start3A_101 = tpu.memref_slice %arg3[%dma_start3A_99, %dma_start3A_100] : memref<100352x16xf32, #tpu.memory_space<hbm>> -> memref<100352x16xf32, #tpu.memory_space<hbm>>
      tpu.enqueue_indirect_dma source(%dma_start3A_101 : memref<100352x16xf32, #tpu.memory_space<hbm>>) target(%dma_start3A_95 : memref<128x16xf32, #tpu.memory_space<vmem>>) offsets(%dma_start3A_98 : memref<128xi32, #tpu.memory_space<vmem>>) semaphore(%arg12 : memref<!tpu.dma_semaphore, #tpu.memory_space<semaphore_mem>>)
      %dma_start3A_102 = arith.constant 3 : i32
      %dma_start3A_103 = arith.constant 3 : i32
      %dma_start3A_104 = arith.constant 0 : i32
      %dma_start3A_105 = arith.constant 0 : i32
      %dma_start3A_106 = tpu.memref_slice %arg10[%dma_start3A_103, %dma_start3A_104, %dma_start3A_105] : memref<8x128x16xf32, #tpu.memory_space<vmem>> -> memref<1x128x16xf32, #tpu.memory_space<vmem>>
      %dma_start3A_107 = tpu.memref_squeeze %dma_start3A_106 : memref<1x128x16xf32, #tpu.memory_space<vmem>> -> memref<128x16xf32, #tpu.memory_space<vmem>>
      %dma_start3A_108 = arith.constant 0 : i32
      %dma_start3A_109 = tpu.memref_slice %arg6[%dma_start3A_102, %dma_start3A_108] : memref<8x128xi32, #tpu.memory_space<vmem>> -> memref<1x128xi32, #tpu.memory_space<vmem>>
      %dma_start3A_110 = tpu.memref_squeeze %dma_start3A_109 : memref<1x128xi32, #tpu.memory_space<vmem>> -> memref<128xi32, #tpu.memory_space<vmem>>
      %dma_start3A_111 = arith.constant 0 : i32
      %dma_start3A_112 = arith.constant 0 : i32
      %dma_start3A_113 = tpu.memref_slice %arg3[%dma_start3A_111, %dma_start3A_112] : memref<100352x16xf32, #tpu.memory_space<hbm>> -> memref<100352x16xf32, #tpu.memory_space<hbm>>
      tpu.enqueue_indirect_dma source(%dma_start3A_113 : memref<100352x16xf32, #tpu.memory_space<hbm>>) target(%dma_start3A_107 : memref<128x16xf32, #tpu.memory_space<vmem>>) offsets(%dma_start3A_110 : memref<128xi32, #tpu.memory_space<vmem>>) semaphore(%arg12 : memref<!tpu.dma_semaphore, #tpu.memory_space<semaphore_mem>>)
      %dma_start3A_114 = arith.constant 4 : i32
      %dma_start3A_115 = arith.constant 4 : i32
      %dma_start3A_116 = arith.constant 0 : i32
      %dma_start3A_117 = arith.constant 0 : i32
      %dma_start3A_118 = tpu.memref_slice %arg10[%dma_start3A_115, %dma_start3A_116, %dma_start3A_117] : memref<8x128x16xf32, #tpu.memory_space<vmem>> -> memref<1x128x16xf32, #tpu.memory_space<vmem>>
      %dma_start3A_119 = tpu.memref_squeeze %dma_start3A_118 : memref<1x128x16xf32, #tpu.memory_space<vmem>> -> memref<128x16xf32, #tpu.memory_space<vmem>>
      %dma_start3A_120 = arith.constant 0 : i32
      %dma_start3A_121 = tpu.memref_slice %arg6[%dma_start3A_114, %dma_start3A_120] : memref<8x128xi32, #tpu.memory_space<vmem>> -> memref<1x128xi32, #tpu.memory_space<vmem>>
      %dma_start3A_122 = tpu.memref_squeeze %dma_start3A_121 : memref<1x128xi32, #tpu.memory_space<vmem>> -> memref<128xi32, #tpu.memory_space<vmem>>
      %dma_start3A_123 = arith.constant 0 : i32
      %dma_start3A_124 = arith.constant 0 : i32
      %dma_start3A_125 = tpu.memref_slice %arg3[%dma_start3A_123, %dma_start3A_124] : memref<100352x16xf32, #tpu.memory_space<hbm>> -> memref<100352x16xf32, #tpu.memory_space<hbm>>
      tpu.enqueue_indirect_dma source(%dma_start3A_125 : memref<100352x16xf32, #tpu.memory_space<hbm>>) target(%dma_start3A_119 : memref<128x16xf32, #tpu.memory_space<vmem>>) offsets(%dma_start3A_122 : memref<128xi32, #tpu.memory_space<vmem>>) semaphore(%arg13 : memref<!tpu.dma_semaphore, #tpu.memory_space<semaphore_mem>>)
      %dma_start3A_126 = arith.constant 5 : i32
      %dma_start3A_127 = arith.constant 5 : i32
      %dma_start3A_128 = arith.constant 0 : i32
      %dma_start3A_129 = arith.constant 0 : i32
      %dma_start3A_130 = tpu.memref_slice %arg10[%dma_start3A_127, %dma_start3A_128, %dma_start3A_129] : memref<8x128x16xf32, #tpu.memory_space<vmem>> -> memref<1x128x16xf32, #tpu.memory_space<vmem>>
      %dma_start3A_131 = tpu.memref_squeeze %dma_start3A_130 : memref<1x128x16xf32, #tpu.memory_space<vmem>> -> memref<128x16xf32, #tpu.memory_space<vmem>>
      %dma_start3A_132 = arith.constant 0 : i32
      %dma_start3A_133 = tpu.memref_slice %arg6[%dma_start3A_126, %dma_start3A_132] : memref<8x128xi32, #tpu.memory_space<vmem>> -> memref<1x128xi32, #tpu.memory_space<vmem>>
      %dma_start3A_134 = tpu.memref_squeeze %dma_start3A_133 : memref<1x128xi32, #tpu.memory_space<vmem>> -> memref<128xi32, #tpu.memory_space<vmem>>
      %dma_start3A_135 = arith.constant 0 : i32
      %dma_start3A_136 = arith.constant 0 : i32
      %dma_start3A_137 = tpu.memref_slice %arg3[%dma_start3A_135, %dma_start3A_136] : memref<100352x16xf32, #tpu.memory_space<hbm>> -> memref<100352x16xf32, #tpu.memory_space<hbm>>
      tpu.enqueue_indirect_dma source(%dma_start3A_137 : memref<100352x16xf32, #tpu.memory_space<hbm>>) target(%dma_start3A_131 : memref<128x16xf32, #tpu.memory_space<vmem>>) offsets(%dma_start3A_134 : memref<128xi32, #tpu.memory_space<vmem>>) semaphore(%arg13 : memref<!tpu.dma_semaphore, #tpu.memory_space<semaphore_mem>>)
      %dma_start3A_138 = arith.constant 6 : i32
      %dma_start3A_139 = arith.constant 6 : i32
      %dma_start3A_140 = arith.constant 0 : i32
      %dma_start3A_141 = arith.constant 0 : i32
      %dma_start3A_142 = tpu.memref_slice %arg10[%dma_start3A_139, %dma_start3A_140, %dma_start3A_141] : memref<8x128x16xf32, #tpu.memory_space<vmem>> -> memref<1x128x16xf32, #tpu.memory_space<vmem>>
      %dma_start3A_143 = tpu.memref_squeeze %dma_start3A_142 : memref<1x128x16xf32, #tpu.memory_space<vmem>> -> memref<128x16xf32, #tpu.memory_space<vmem>>
      %dma_start3A_144 = arith.constant 0 : i32
      %dma_start3A_145 = tpu.memref_slice %arg6[%dma_start3A_138, %dma_start3A_144] : memref<8x128xi32, #tpu.memory_space<vmem>> -> memref<1x128xi32, #tpu.memory_space<vmem>>
      %dma_start3A_146 = tpu.memref_squeeze %dma_start3A_145 : memref<1x128xi32, #tpu.memory_space<vmem>> -> memref<128xi32, #tpu.memory_space<vmem>>
      %dma_start3A_147 = arith.constant 0 : i32
      %dma_start3A_148 = arith.constant 0 : i32
      %dma_start3A_149 = tpu.memref_slice %arg3[%dma_start3A_147, %dma_start3A_148] : memref<100352x16xf32, #tpu.memory_space<hbm>> -> memref<100352x16xf32, #tpu.memory_space<hbm>>
      tpu.enqueue_indirect_dma source(%dma_start3A_149 : memref<100352x16xf32, #tpu.memory_space<hbm>>) target(%dma_start3A_143 : memref<128x16xf32, #tpu.memory_space<vmem>>) offsets(%dma_start3A_146 : memref<128xi32, #tpu.memory_space<vmem>>) semaphore(%arg13 : memref<!tpu.dma_semaphore, #tpu.memory_space<semaphore_mem>>)
      %dma_start3A_150 = arith.constant 7 : i32
      %dma_start3A_151 = arith.constant 7 : i32
      %dma_start3A_152 = arith.constant 0 : i32
      %dma_start3A_153 = arith.constant 0 : i32
      %dma_start3A_154 = tpu.memref_slice %arg10[%dma_start3A_151, %dma_start3A_152, %dma_start3A_153] : memref<8x128x16xf32, #tpu.memory_space<vmem>> -> memref<1x128x16xf32, #tpu.memory_space<vmem>>
      %dma_start3A_155 = tpu.memref_squeeze %dma_start3A_154 : memref<1x128x16xf32, #tpu.memory_space<vmem>> -> memref<128x16xf32, #tpu.memory_space<vmem>>
      %dma_start3A_156 = arith.constant 0 : i32
      %dma_start3A_157 = tpu.memref_slice %arg6[%dma_start3A_150, %dma_start3A_156] : memref<8x128xi32, #tpu.memory_space<vmem>> -> memref<1x128xi32, #tpu.memory_space<vmem>>
      %dma_start3A_158 = tpu.memref_squeeze %dma_start3A_157 : memref<1x128xi32, #tpu.memory_space<vmem>> -> memref<128xi32, #tpu.memory_space<vmem>>
      %dma_start3A_159 = arith.constant 0 : i32
      %dma_start3A_160 = arith.constant 0 : i32
      %dma_start3A_161 = tpu.memref_slice %arg3[%dma_start3A_159, %dma_start3A_160] : memref<100352x16xf32, #tpu.memory_space<hbm>> -> memref<100352x16xf32, #tpu.memory_space<hbm>>
      tpu.enqueue_indirect_dma source(%dma_start3A_161 : memref<100352x16xf32, #tpu.memory_space<hbm>>) target(%dma_start3A_155 : memref<128x16xf32, #tpu.memory_space<vmem>>) offsets(%dma_start3A_158 : memref<128xi32, #tpu.memory_space<vmem>>) semaphore(%arg13 : memref<!tpu.dma_semaphore, #tpu.memory_space<semaphore_mem>>)
      %dma_wait3A_162 = arith.constant 0 : i32
      %dma_wait3A_163 = arith.constant 0 : i32
      %dma_wait3A_164 = arith.constant 0 : i32
      %dma_wait3A_165 = arith.constant 0 : i32
      %dma_wait3A_166 = tpu.memref_slice %arg10[%dma_wait3A_163, %dma_wait3A_164, %dma_wait3A_165] : memref<8x128x16xf32, #tpu.memory_space<vmem>> -> memref<1x128x16xf32, #tpu.memory_space<vmem>>
      %dma_wait3A_167 = tpu.memref_squeeze %dma_wait3A_166 : memref<1x128x16xf32, #tpu.memory_space<vmem>> -> memref<128x16xf32, #tpu.memory_space<vmem>>
      %dma_wait3A_168 = arith.constant 0 : i32
      %dma_wait3A_169 = tpu.memref_slice %arg6[%dma_wait3A_162, %dma_wait3A_168] : memref<8x128xi32, #tpu.memory_space<vmem>> -> memref<1x128xi32, #tpu.memory_space<vmem>>
      %dma_wait3A_170 = tpu.memref_squeeze %dma_wait3A_169 : memref<1x128xi32, #tpu.memory_space<vmem>> -> memref<128xi32, #tpu.memory_space<vmem>>
      %dma_wait3A_171 = arith.constant 0 : i32
      %dma_wait3A_172 = arith.constant 0 : i32
      %dma_wait3A_173 = tpu.memref_slice %arg3[%dma_wait3A_171, %dma_wait3A_172] : memref<100352x16xf32, #tpu.memory_space<hbm>> -> memref<100352x16xf32, #tpu.memory_space<hbm>>
      tpu.wait_indirect_dma semaphore(%arg12 : memref<!tpu.dma_semaphore, #tpu.memory_space<semaphore_mem>>) src(%dma_wait3A_173 : memref<100352x16xf32, #tpu.memory_space<hbm>>) dst(%dma_wait3A_167 : memref<128x16xf32, #tpu.memory_space<vmem>>)
      %dma_wait3A_174 = arith.constant 1 : i32
      %dma_wait3A_175 = arith.constant 1 : i32
      %dma_wait3A_176 = arith.constant 0 : i32
      %dma_wait3A_177 = arith.constant 0 : i32
      %dma_wait3A_178 = tpu.memref_slice %arg10[%dma_wait3A_175, %dma_wait3A_176, %dma_wait3A_177] : memref<8x128x16xf32, #tpu.memory_space<vmem>> -> memref<1x128x16xf32, #tpu.memory_space<vmem>>
      %dma_wait3A_179 = tpu.memref_squeeze %dma_wait3A_178 : memref<1x128x16xf32, #tpu.memory_space<vmem>> -> memref<128x16xf32, #tpu.memory_space<vmem>>
      %dma_wait3A_180 = arith.constant 0 : i32
      %dma_wait3A_181 = tpu.memref_slice %arg6[%dma_wait3A_174, %dma_wait3A_180] : memref<8x128xi32, #tpu.memory_space<vmem>> -> memref<1x128xi32, #tpu.memory_space<vmem>>
      %dma_wait3A_182 = tpu.memref_squeeze %dma_wait3A_181 : memref<1x128xi32, #tpu.memory_space<vmem>> -> memref<128xi32, #tpu.memory_space<vmem>>
      %dma_wait3A_183 = arith.constant 0 : i32
      %dma_wait3A_184 = arith.constant 0 : i32
      %dma_wait3A_185 = tpu.memref_slice %arg3[%dma_wait3A_183, %dma_wait3A_184] : memref<100352x16xf32, #tpu.memory_space<hbm>> -> memref<100352x16xf32, #tpu.memory_space<hbm>>
      tpu.wait_indirect_dma semaphore(%arg12 : memref<!tpu.dma_semaphore, #tpu.memory_space<semaphore_mem>>) src(%dma_wait3A_185 : memref<100352x16xf32, #tpu.memory_space<hbm>>) dst(%dma_wait3A_179 : memref<128x16xf32, #tpu.memory_space<vmem>>)
      %dma_wait3A_186 = arith.constant 2 : i32
      %dma_wait3A_187 = arith.constant 2 : i32
      %dma_wait3A_188 = arith.constant 0 : i32
      %dma_wait3A_189 = arith.constant 0 : i32
      %dma_wait3A_190 = tpu.memref_slice %arg10[%dma_wait3A_187, %dma_wait3A_188, %dma_wait3A_189] : memref<8x128x16xf32, #tpu.memory_space<vmem>> -> memref<1x128x16xf32, #tpu.memory_space<vmem>>
      %dma_wait3A_191 = tpu.memref_squeeze %dma_wait3A_190 : memref<1x128x16xf32, #tpu.memory_space<vmem>> -> memref<128x16xf32, #tpu.memory_space<vmem>>
      %dma_wait3A_192 = arith.constant 0 : i32
      %dma_wait3A_193 = tpu.memref_slice %arg6[%dma_wait3A_186, %dma_wait3A_192] : memref<8x128xi32, #tpu.memory_space<vmem>> -> memref<1x128xi32, #tpu.memory_space<vmem>>
      %dma_wait3A_194 = tpu.memref_squeeze %dma_wait3A_193 : memref<1x128xi32, #tpu.memory_space<vmem>> -> memref<128xi32, #tpu.memory_space<vmem>>
      %dma_wait3A_195 = arith.constant 0 : i32
      %dma_wait3A_196 = arith.constant 0 : i32
      %dma_wait3A_197 = tpu.memref_slice %arg3[%dma_wait3A_195, %dma_wait3A_196] : memref<100352x16xf32, #tpu.memory_space<hbm>> -> memref<100352x16xf32, #tpu.memory_space<hbm>>
      tpu.wait_indirect_dma semaphore(%arg12 : memref<!tpu.dma_semaphore, #tpu.memory_space<semaphore_mem>>) src(%dma_wait3A_197 : memref<100352x16xf32, #tpu.memory_space<hbm>>) dst(%dma_wait3A_191 : memref<128x16xf32, #tpu.memory_space<vmem>>)
      %dma_wait3A_198 = arith.constant 3 : i32
      %dma_wait3A_199 = arith.constant 3 : i32
      %dma_wait3A_200 = arith.constant 0 : i32
      %dma_wait3A_201 = arith.constant 0 : i32
      %dma_wait3A_202 = tpu.memref_slice %arg10[%dma_wait3A_199, %dma_wait3A_200, %dma_wait3A_201] : memref<8x128x16xf32, #tpu.memory_space<vmem>> -> memref<1x128x16xf32, #tpu.memory_space<vmem>>
      %dma_wait3A_203 = tpu.memref_squeeze %dma_wait3A_202 : memref<1x128x16xf32, #tpu.memory_space<vmem>> -> memref<128x16xf32, #tpu.memory_space<vmem>>
      %dma_wait3A_204 = arith.constant 0 : i32
      %dma_wait3A_205 = tpu.memref_slice %arg6[%dma_wait3A_198, %dma_wait3A_204] : memref<8x128xi32, #tpu.memory_space<vmem>> -> memref<1x128xi32, #tpu.memory_space<vmem>>
      %dma_wait3A_206 = tpu.memref_squeeze %dma_wait3A_205 : memref<1x128xi32, #tpu.memory_space<vmem>> -> memref<128xi32, #tpu.memory_space<vmem>>
      %dma_wait3A_207 = arith.constant 0 : i32
      %dma_wait3A_208 = arith.constant 0 : i32
      %dma_wait3A_209 = tpu.memref_slice %arg3[%dma_wait3A_207, %dma_wait3A_208] : memref<100352x16xf32, #tpu.memory_space<hbm>> -> memref<100352x16xf32, #tpu.memory_space<hbm>>
      tpu.wait_indirect_dma semaphore(%arg12 : memref<!tpu.dma_semaphore, #tpu.memory_space<semaphore_mem>>) src(%dma_wait3A_209 : memref<100352x16xf32, #tpu.memory_space<hbm>>) dst(%dma_wait3A_203 : memref<128x16xf32, #tpu.memory_space<vmem>>)
      %dma_start3A_210 = arith.constant 0 : i32
      %dma_start3A_211 = arith.constant 0 : i32
      %dma_start3A_212 = arith.constant 0 : i32
      %dma_start3A_213 = arith.constant 0 : i32
      %dma_start3A_214 = tpu.memref_slice %arg10[%dma_start3A_210, %dma_start3A_212, %dma_start3A_213] : memref<8x128x16xf32, #tpu.memory_space<vmem>> -> memref<1x128x16xf32, #tpu.memory_space<vmem>>
      %dma_start3A_215 = tpu.memref_squeeze %dma_start3A_214 : memref<1x128x16xf32, #tpu.memory_space<vmem>> -> memref<128x16xf32, #tpu.memory_space<vmem>>
      %dma_start3A_216 = arith.constant 0 : i32
      %dma_start3A_217 = tpu.memref_slice %arg7[%dma_start3A_211, %dma_start3A_216] : memref<8x128xi32, #tpu.memory_space<vmem>> -> memref<1x128xi32, #tpu.memory_space<vmem>>
      %dma_start3A_218 = tpu.memref_squeeze %dma_start3A_217 : memref<1x128xi32, #tpu.memory_space<vmem>> -> memref<128xi32, #tpu.memory_space<vmem>>
      %dma_start3A_219 = arith.constant 0 : i32
      %dma_start3A_220 = arith.constant 0 : i32
      %dma_start3A_221 = tpu.memref_slice %arg5[%dma_start3A_219, %dma_start3A_220] : memref<100352x16xf32, #tpu.memory_space<vmem_shared>> -> memref<100352x16xf32, #tpu.memory_space<vmem_shared>>
      tpu.enqueue_indirect_dma source(%dma_start3A_215 : memref<128x16xf32, #tpu.memory_space<vmem>>) target(%dma_start3A_221 : memref<100352x16xf32, #tpu.memory_space<vmem_shared>>) offsets(%dma_start3A_218 : memref<128xi32, #tpu.memory_space<vmem>>) semaphore(%arg14 : memref<!tpu.dma_semaphore, #tpu.memory_space<semaphore_mem>>) {add = true}
      %dma_start3A_222 = arith.constant 1 : i32
      %dma_start3A_223 = arith.constant 1 : i32
      %dma_start3A_224 = arith.constant 0 : i32
      %dma_start3A_225 = arith.constant 0 : i32
      %dma_start3A_226 = tpu.memref_slice %arg10[%dma_start3A_222, %dma_start3A_224, %dma_start3A_225] : memref<8x128x16xf32, #tpu.memory_space<vmem>> -> memref<1x128x16xf32, #tpu.memory_space<vmem>>
      %dma_start3A_227 = tpu.memref_squeeze %dma_start3A_226 : memref<1x128x16xf32, #tpu.memory_space<vmem>> -> memref<128x16xf32, #tpu.memory_space<vmem>>
      %dma_start3A_228 = arith.constant 0 : i32
      %dma_start3A_229 = tpu.memref_slice %arg7[%dma_start3A_223, %dma_start3A_228] : memref<8x128xi32, #tpu.memory_space<vmem>> -> memref<1x128xi32, #tpu.memory_space<vmem>>
      %dma_start3A_230 = tpu.memref_squeeze %dma_start3A_229 : memref<1x128xi32, #tpu.memory_space<vmem>> -> memref<128xi32, #tpu.memory_space<vmem>>
      %dma_start3A_231 = arith.constant 0 : i32
      %dma_start3A_232 = arith.constant 0 : i32
      %dma_start3A_233 = tpu.memref_slice %arg5[%dma_start3A_231, %dma_start3A_232] : memref<100352x16xf32, #tpu.memory_space<vmem_shared>> -> memref<100352x16xf32, #tpu.memory_space<vmem_shared>>
      tpu.enqueue_indirect_dma source(%dma_start3A_227 : memref<128x16xf32, #tpu.memory_space<vmem>>) target(%dma_start3A_233 : memref<100352x16xf32, #tpu.memory_space<vmem_shared>>) offsets(%dma_start3A_230 : memref<128xi32, #tpu.memory_space<vmem>>) semaphore(%arg14 : memref<!tpu.dma_semaphore, #tpu.memory_space<semaphore_mem>>) {add = true}
      %dma_start3A_234 = arith.constant 2 : i32
      %dma_start3A_235 = arith.constant 2 : i32
      %dma_start3A_236 = arith.constant 0 : i32
      %dma_start3A_237 = arith.constant 0 : i32
      %dma_start3A_238 = tpu.memref_slice %arg10[%dma_start3A_234, %dma_start3A_236, %dma_start3A_237] : memref<8x128x16xf32, #tpu.memory_space<vmem>> -> memref<1x128x16xf32, #tpu.memory_space<vmem>>
      %dma_start3A_239 = tpu.memref_squeeze %dma_start3A_238 : memref<1x128x16xf32, #tpu.memory_space<vmem>> -> memref<128x16xf32, #tpu.memory_space<vmem>>
      %dma_start3A_240 = arith.constant 0 : i32
      %dma_start3A_241 = tpu.memref_slice %arg7[%dma_start3A_235, %dma_start3A_240] : memref<8x128xi32, #tpu.memory_space<vmem>> -> memref<1x128xi32, #tpu.memory_space<vmem>>
      %dma_start3A_242 = tpu.memref_squeeze %dma_start3A_241 : memref<1x128xi32, #tpu.memory_space<vmem>> -> memref<128xi32, #tpu.memory_space<vmem>>
      %dma_start3A_243 = arith.constant 0 : i32
      %dma_start3A_244 = arith.constant 0 : i32
      %dma_start3A_245 = tpu.memref_slice %arg5[%dma_start3A_243, %dma_start3A_244] : memref<100352x16xf32, #tpu.memory_space<vmem_shared>> -> memref<100352x16xf32, #tpu.memory_space<vmem_shared>>
      tpu.enqueue_indirect_dma source(%dma_start3A_239 : memref<128x16xf32, #tpu.memory_space<vmem>>) target(%dma_start3A_245 : memref<100352x16xf32, #tpu.memory_space<vmem_shared>>) offsets(%dma_start3A_242 : memref<128xi32, #tpu.memory_space<vmem>>) semaphore(%arg14 : memref<!tpu.dma_semaphore, #tpu.memory_space<semaphore_mem>>) {add = true}
      %dma_start3A_246 = arith.constant 3 : i32
      %dma_start3A_247 = arith.constant 3 : i32
      %dma_start3A_248 = arith.constant 0 : i32
      %dma_start3A_249 = arith.constant 0 : i32
      %dma_start3A_250 = tpu.memref_slice %arg10[%dma_start3A_246, %dma_start3A_248, %dma_start3A_249] : memref<8x128x16xf32, #tpu.memory_space<vmem>> -> memref<1x128x16xf32, #tpu.memory_space<vmem>>
      %dma_start3A_251 = tpu.memref_squeeze %dma_start3A_250 : memref<1x128x16xf32, #tpu.memory_space<vmem>> -> memref<128x16xf32, #tpu.memory_space<vmem>>
      %dma_start3A_252 = arith.constant 0 : i32
      %dma_start3A_253 = tpu.memref_slice %arg7[%dma_start3A_247, %dma_start3A_252] : memref<8x128xi32, #tpu.memory_space<vmem>> -> memref<1x128xi32, #tpu.memory_space<vmem>>
      %dma_start3A_254 = tpu.memref_squeeze %dma_start3A_253 : memref<1x128xi32, #tpu.memory_space<vmem>> -> memref<128xi32, #tpu.memory_space<vmem>>
      %dma_start3A_255 = arith.constant 0 : i32
      %dma_start3A_256 = arith.constant 0 : i32
      %dma_start3A_257 = tpu.memref_slice %arg5[%dma_start3A_255, %dma_start3A_256] : memref<100352x16xf32, #tpu.memory_space<vmem_shared>> -> memref<100352x16xf32, #tpu.memory_space<vmem_shared>>
      tpu.enqueue_indirect_dma source(%dma_start3A_251 : memref<128x16xf32, #tpu.memory_space<vmem>>) target(%dma_start3A_257 : memref<100352x16xf32, #tpu.memory_space<vmem_shared>>) offsets(%dma_start3A_254 : memref<128xi32, #tpu.memory_space<vmem>>) semaphore(%arg14 : memref<!tpu.dma_semaphore, #tpu.memory_space<semaphore_mem>>) {add = true}
      %dma_wait3A_258 = arith.constant 4 : i32
      %dma_wait3A_259 = arith.constant 4 : i32
      %dma_wait3A_260 = arith.constant 0 : i32
      %dma_wait3A_261 = arith.constant 0 : i32
      %dma_wait3A_262 = tpu.memref_slice %arg10[%dma_wait3A_259, %dma_wait3A_260, %dma_wait3A_261] : memref<8x128x16xf32, #tpu.memory_space<vmem>> -> memref<1x128x16xf32, #tpu.memory_space<vmem>>
      %dma_wait3A_263 = tpu.memref_squeeze %dma_wait3A_262 : memref<1x128x16xf32, #tpu.memory_space<vmem>> -> memref<128x16xf32, #tpu.memory_space<vmem>>
      %dma_wait3A_264 = arith.constant 0 : i32
      %dma_wait3A_265 = tpu.memref_slice %arg6[%dma_wait3A_258, %dma_wait3A_264] : memref<8x128xi32, #tpu.memory_space<vmem>> -> memref<1x128xi32, #tpu.memory_space<vmem>>
      %dma_wait3A_266 = tpu.memref_squeeze %dma_wait3A_265 : memref<1x128xi32, #tpu.memory_space<vmem>> -> memref<128xi32, #tpu.memory_space<vmem>>
      %dma_wait3A_267 = arith.constant 0 : i32
      %dma_wait3A_268 = arith.constant 0 : i32
      %dma_wait3A_269 = tpu.memref_slice %arg3[%dma_wait3A_267, %dma_wait3A_268] : memref<100352x16xf32, #tpu.memory_space<hbm>> -> memref<100352x16xf32, #tpu.memory_space<hbm>>
      tpu.wait_indirect_dma semaphore(%arg13 : memref<!tpu.dma_semaphore, #tpu.memory_space<semaphore_mem>>) src(%dma_wait3A_269 : memref<100352x16xf32, #tpu.memory_space<hbm>>) dst(%dma_wait3A_263 : memref<128x16xf32, #tpu.memory_space<vmem>>)
      %dma_wait3A_270 = arith.constant 5 : i32
      %dma_wait3A_271 = arith.constant 5 : i32
      %dma_wait3A_272 = arith.constant 0 : i32
      %dma_wait3A_273 = arith.constant 0 : i32
      %dma_wait3A_274 = tpu.memref_slice %arg10[%dma_wait3A_271, %dma_wait3A_272, %dma_wait3A_273] : memref<8x128x16xf32, #tpu.memory_space<vmem>> -> memref<1x128x16xf32, #tpu.memory_space<vmem>>
      %dma_wait3A_275 = tpu.memref_squeeze %dma_wait3A_274 : memref<1x128x16xf32, #tpu.memory_space<vmem>> -> memref<128x16xf32, #tpu.memory_space<vmem>>
      %dma_wait3A_276 = arith.constant 0 : i32
      %dma_wait3A_277 = tpu.memref_slice %arg6[%dma_wait3A_270, %dma_wait3A_276] : memref<8x128xi32, #tpu.memory_space<vmem>> -> memref<1x128xi32, #tpu.memory_space<vmem>>
      %dma_wait3A_278 = tpu.memref_squeeze %dma_wait3A_277 : memref<1x128xi32, #tpu.memory_space<vmem>> -> memref<128xi32, #tpu.memory_space<vmem>>
      %dma_wait3A_279 = arith.constant 0 : i32
      %dma_wait3A_280 = arith.constant 0 : i32
      %dma_wait3A_281 = tpu.memref_slice %arg3[%dma_wait3A_279, %dma_wait3A_280] : memref<100352x16xf32, #tpu.memory_space<hbm>> -> memref<100352x16xf32, #tpu.memory_space<hbm>>
      tpu.wait_indirect_dma semaphore(%arg13 : memref<!tpu.dma_semaphore, #tpu.memory_space<semaphore_mem>>) src(%dma_wait3A_281 : memref<100352x16xf32, #tpu.memory_space<hbm>>) dst(%dma_wait3A_275 : memref<128x16xf32, #tpu.memory_space<vmem>>)
      %dma_wait3A_282 = arith.constant 6 : i32
      %dma_wait3A_283 = arith.constant 6 : i32
      %dma_wait3A_284 = arith.constant 0 : i32
      %dma_wait3A_285 = arith.constant 0 : i32
      %dma_wait3A_286 = tpu.memref_slice %arg10[%dma_wait3A_283, %dma_wait3A_284, %dma_wait3A_285] : memref<8x128x16xf32, #tpu.memory_space<vmem>> -> memref<1x128x16xf32, #tpu.memory_space<vmem>>
      %dma_wait3A_287 = tpu.memref_squeeze %dma_wait3A_286 : memref<1x128x16xf32, #tpu.memory_space<vmem>> -> memref<128x16xf32, #tpu.memory_space<vmem>>
      %dma_wait3A_288 = arith.constant 0 : i32
      %dma_wait3A_289 = tpu.memref_slice %arg6[%dma_wait3A_282, %dma_wait3A_288] : memref<8x128xi32, #tpu.memory_space<vmem>> -> memref<1x128xi32, #tpu.memory_space<vmem>>
      %dma_wait3A_290 = tpu.memref_squeeze %dma_wait3A_289 : memref<1x128xi32, #tpu.memory_space<vmem>> -> memref<128xi32, #tpu.memory_space<vmem>>
      %dma_wait3A_291 = arith.constant 0 : i32
      %dma_wait3A_292 = arith.constant 0 : i32
      %dma_wait3A_293 = tpu.memref_slice %arg3[%dma_wait3A_291, %dma_wait3A_292] : memref<100352x16xf32, #tpu.memory_space<hbm>> -> memref<100352x16xf32, #tpu.memory_space<hbm>>
      tpu.wait_indirect_dma semaphore(%arg13 : memref<!tpu.dma_semaphore, #tpu.memory_space<semaphore_mem>>) src(%dma_wait3A_293 : memref<100352x16xf32, #tpu.memory_space<hbm>>) dst(%dma_wait3A_287 : memref<128x16xf32, #tpu.memory_space<vmem>>)
      %dma_wait3A_294 = arith.constant 7 : i32
      %dma_wait3A_295 = arith.constant 7 : i32
      %dma_wait3A_296 = arith.constant 0 : i32
      %dma_wait3A_297 = arith.constant 0 : i32
      %dma_wait3A_298 = tpu.memref_slice %arg10[%dma_wait3A_295, %dma_wait3A_296, %dma_wait3A_297] : memref<8x128x16xf32, #tpu.memory_space<vmem>> -> memref<1x128x16xf32, #tpu.memory_space<vmem>>
      %dma_wait3A_299 = tpu.memref_squeeze %dma_wait3A_298 : memref<1x128x16xf32, #tpu.memory_space<vmem>> -> memref<128x16xf32, #tpu.memory_space<vmem>>
      %dma_wait3A_300 = arith.constant 0 : i32
      %dma_wait3A_301 = tpu.memref_slice %arg6[%dma_wait3A_294, %dma_wait3A_300] : memref<8x128xi32, #tpu.memory_space<vmem>> -> memref<1x128xi32, #tpu.memory_space<vmem>>
      %dma_wait3A_302 = tpu.memref_squeeze %dma_wait3A_301 : memref<1x128xi32, #tpu.memory_space<vmem>> -> memref<128xi32, #tpu.memory_space<vmem>>
      %dma_wait3A_303 = arith.constant 0 : i32
      %dma_wait3A_304 = arith.constant 0 : i32
      %dma_wait3A_305 = tpu.memref_slice %arg3[%dma_wait3A_303, %dma_wait3A_304] : memref<100352x16xf32, #tpu.memory_space<hbm>> -> memref<100352x16xf32, #tpu.memory_space<hbm>>
      tpu.wait_indirect_dma semaphore(%arg13 : memref<!tpu.dma_semaphore, #tpu.memory_space<semaphore_mem>>) src(%dma_wait3A_305 : memref<100352x16xf32, #tpu.memory_space<hbm>>) dst(%dma_wait3A_299 : memref<128x16xf32, #tpu.memory_space<vmem>>)
      %dma_start3A_306 = arith.constant 4 : i32
      %dma_start3A_307 = arith.constant 4 : i32
      %dma_start3A_308 = arith.constant 0 : i32
      %dma_start3A_309 = arith.constant 0 : i32
      %dma_start3A_310 = tpu.memref_slice %arg10[%dma_start3A_306, %dma_start3A_308, %dma_start3A_309] : memref<8x128x16xf32, #tpu.memory_space<vmem>> -> memref<1x128x16xf32, #tpu.memory_space<vmem>>
      %dma_start3A_311 = tpu.memref_squeeze %dma_start3A_310 : memref<1x128x16xf32, #tpu.memory_space<vmem>> -> memref<128x16xf32, #tpu.memory_space<vmem>>
      %dma_start3A_312 = arith.constant 0 : i32
      %dma_start3A_313 = tpu.memref_slice %arg7[%dma_start3A_307, %dma_start3A_312] : memref<8x128xi32, #tpu.memory_space<vmem>> -> memref<1x128xi32, #tpu.memory_space<vmem>>
      %dma_start3A_314 = tpu.memref_squeeze %dma_start3A_313 : memref<1x128xi32, #tpu.memory_space<vmem>> -> memref<128xi32, #tpu.memory_space<vmem>>
      %dma_start3A_315 = arith.constant 0 : i32
      %dma_start3A_316 = arith.constant 0 : i32
      %dma_start3A_317 = tpu.memref_slice %arg5[%dma_start3A_315, %dma_start3A_316] : memref<100352x16xf32, #tpu.memory_space<vmem_shared>> -> memref<100352x16xf32, #tpu.memory_space<vmem_shared>>
      tpu.enqueue_indirect_dma source(%dma_start3A_311 : memref<128x16xf32, #tpu.memory_space<vmem>>) target(%dma_start3A_317 : memref<100352x16xf32, #tpu.memory_space<vmem_shared>>) offsets(%dma_start3A_314 : memref<128xi32, #tpu.memory_space<vmem>>) semaphore(%arg14 : memref<!tpu.dma_semaphore, #tpu.memory_space<semaphore_mem>>) {add = true}
      %dma_start3A_318 = arith.constant 5 : i32
      %dma_start3A_319 = arith.constant 5 : i32
      %dma_start3A_320 = arith.constant 0 : i32
      %dma_start3A_321 = arith.constant 0 : i32
      %dma_start3A_322 = tpu.memref_slice %arg10[%dma_start3A_318, %dma_start3A_320, %dma_start3A_321] : memref<8x128x16xf32, #tpu.memory_space<vmem>> -> memref<1x128x16xf32, #tpu.memory_space<vmem>>
      %dma_start3A_323 = tpu.memref_squeeze %dma_start3A_322 : memref<1x128x16xf32, #tpu.memory_space<vmem>> -> memref<128x16xf32, #tpu.memory_space<vmem>>
      %dma_start3A_324 = arith.constant 0 : i32
      %dma_start3A_325 = tpu.memref_slice %arg7[%dma_start3A_319, %dma_start3A_324] : memref<8x128xi32, #tpu.memory_space<vmem>> -> memref<1x128xi32, #tpu.memory_space<vmem>>
      %dma_start3A_326 = tpu.memref_squeeze %dma_start3A_325 : memref<1x128xi32, #tpu.memory_space<vmem>> -> memref<128xi32, #tpu.memory_space<vmem>>
      %dma_start3A_327 = arith.constant 0 : i32
      %dma_start3A_328 = arith.constant 0 : i32
      %dma_start3A_329 = tpu.memref_slice %arg5[%dma_start3A_327, %dma_start3A_328] : memref<100352x16xf32, #tpu.memory_space<vmem_shared>> -> memref<100352x16xf32, #tpu.memory_space<vmem_shared>>
      tpu.enqueue_indirect_dma source(%dma_start3A_323 : memref<128x16xf32, #tpu.memory_space<vmem>>) target(%dma_start3A_329 : memref<100352x16xf32, #tpu.memory_space<vmem_shared>>) offsets(%dma_start3A_326 : memref<128xi32, #tpu.memory_space<vmem>>) semaphore(%arg14 : memref<!tpu.dma_semaphore, #tpu.memory_space<semaphore_mem>>) {add = true}
      %dma_start3A_330 = arith.constant 6 : i32
      %dma_start3A_331 = arith.constant 6 : i32
      %dma_start3A_332 = arith.constant 0 : i32
      %dma_start3A_333 = arith.constant 0 : i32
      %dma_start3A_334 = tpu.memref_slice %arg10[%dma_start3A_330, %dma_start3A_332, %dma_start3A_333] : memref<8x128x16xf32, #tpu.memory_space<vmem>> -> memref<1x128x16xf32, #tpu.memory_space<vmem>>
      %dma_start3A_335 = tpu.memref_squeeze %dma_start3A_334 : memref<1x128x16xf32, #tpu.memory_space<vmem>> -> memref<128x16xf32, #tpu.memory_space<vmem>>
      %dma_start3A_336 = arith.constant 0 : i32
      %dma_start3A_337 = tpu.memref_slice %arg7[%dma_start3A_331, %dma_start3A_336] : memref<8x128xi32, #tpu.memory_space<vmem>> -> memref<1x128xi32, #tpu.memory_space<vmem>>
      %dma_start3A_338 = tpu.memref_squeeze %dma_start3A_337 : memref<1x128xi32, #tpu.memory_space<vmem>> -> memref<128xi32, #tpu.memory_space<vmem>>
      %dma_start3A_339 = arith.constant 0 : i32
      %dma_start3A_340 = arith.constant 0 : i32
      %dma_start3A_341 = tpu.memref_slice %arg5[%dma_start3A_339, %dma_start3A_340] : memref<100352x16xf32, #tpu.memory_space<vmem_shared>> -> memref<100352x16xf32, #tpu.memory_space<vmem_shared>>
      tpu.enqueue_indirect_dma source(%dma_start3A_335 : memref<128x16xf32, #tpu.memory_space<vmem>>) target(%dma_start3A_341 : memref<100352x16xf32, #tpu.memory_space<vmem_shared>>) offsets(%dma_start3A_338 : memref<128xi32, #tpu.memory_space<vmem>>) semaphore(%arg14 : memref<!tpu.dma_semaphore, #tpu.memory_space<semaphore_mem>>) {add = true}
      %dma_start3A_342 = arith.constant 7 : i32
      %dma_start3A_343 = arith.constant 7 : i32
      %dma_start3A_344 = arith.constant 0 : i32
      %dma_start3A_345 = arith.constant 0 : i32
      %dma_start3A_346 = tpu.memref_slice %arg10[%dma_start3A_342, %dma_start3A_344, %dma_start3A_345] : memref<8x128x16xf32, #tpu.memory_space<vmem>> -> memref<1x128x16xf32, #tpu.memory_space<vmem>>
      %dma_start3A_347 = tpu.memref_squeeze %dma_start3A_346 : memref<1x128x16xf32, #tpu.memory_space<vmem>> -> memref<128x16xf32, #tpu.memory_space<vmem>>
      %dma_start3A_348 = arith.constant 0 : i32
      %dma_start3A_349 = tpu.memref_slice %arg7[%dma_start3A_343, %dma_start3A_348] : memref<8x128xi32, #tpu.memory_space<vmem>> -> memref<1x128xi32, #tpu.memory_space<vmem>>
      %dma_start3A_350 = tpu.memref_squeeze %dma_start3A_349 : memref<1x128xi32, #tpu.memory_space<vmem>> -> memref<128xi32, #tpu.memory_space<vmem>>
      %dma_start3A_351 = arith.constant 0 : i32
      %dma_start3A_352 = arith.constant 0 : i32
      %dma_start3A_353 = tpu.memref_slice %arg5[%dma_start3A_351, %dma_start3A_352] : memref<100352x16xf32, #tpu.memory_space<vmem_shared>> -> memref<100352x16xf32, #tpu.memory_space<vmem_shared>>
      tpu.enqueue_indirect_dma source(%dma_start3A_347 : memref<128x16xf32, #tpu.memory_space<vmem>>) target(%dma_start3A_353 : memref<100352x16xf32, #tpu.memory_space<vmem_shared>>) offsets(%dma_start3A_350 : memref<128xi32, #tpu.memory_space<vmem>>) semaphore(%arg14 : memref<!tpu.dma_semaphore, #tpu.memory_space<semaphore_mem>>) {add = true}
      %dma_wait3A_354 = arith.constant 0 : i32
      %dma_wait3A_355 = arith.constant 0 : i32
      %dma_wait3A_356 = arith.constant 0 : i32
      %dma_wait3A_357 = arith.constant 0 : i32
      %dma_wait3A_358 = tpu.memref_slice %arg10[%dma_wait3A_354, %dma_wait3A_356, %dma_wait3A_357] : memref<8x128x16xf32, #tpu.memory_space<vmem>> -> memref<1x128x16xf32, #tpu.memory_space<vmem>>
      %dma_wait3A_359 = tpu.memref_squeeze %dma_wait3A_358 : memref<1x128x16xf32, #tpu.memory_space<vmem>> -> memref<128x16xf32, #tpu.memory_space<vmem>>
      %dma_wait3A_360 = arith.constant 0 : i32
      %dma_wait3A_361 = tpu.memref_slice %arg7[%dma_wait3A_355, %dma_wait3A_360] : memref<8x128xi32, #tpu.memory_space<vmem>> -> memref<1x128xi32, #tpu.memory_space<vmem>>
      %dma_wait3A_362 = tpu.memref_squeeze %dma_wait3A_361 : memref<1x128xi32, #tpu.memory_space<vmem>> -> memref<128xi32, #tpu.memory_space<vmem>>
      %dma_wait3A_363 = arith.constant 0 : i32
      %dma_wait3A_364 = arith.constant 0 : i32
      %dma_wait3A_365 = tpu.memref_slice %arg5[%dma_wait3A_363, %dma_wait3A_364] : memref<100352x16xf32, #tpu.memory_space<vmem_shared>> -> memref<100352x16xf32, #tpu.memory_space<vmem_shared>>
      tpu.wait_indirect_dma semaphore(%arg14 : memref<!tpu.dma_semaphore, #tpu.memory_space<semaphore_mem>>) src(%dma_wait3A_359 : memref<128x16xf32, #tpu.memory_space<vmem>>) dst(%dma_wait3A_365 : memref<100352x16xf32, #tpu.memory_space<vmem_shared>>)
      %dma_wait3A_366 = arith.constant 1 : i32
      %dma_wait3A_367 = arith.constant 1 : i32
      %dma_wait3A_368 = arith.constant 0 : i32
      %dma_wait3A_369 = arith.constant 0 : i32
      %dma_wait3A_370 = tpu.memref_slice %arg10[%dma_wait3A_366, %dma_wait3A_368, %dma_wait3A_369] : memref<8x128x16xf32, #tpu.memory_space<vmem>> -> memref<1x128x16xf32, #tpu.memory_space<vmem>>
      %dma_wait3A_371 = tpu.memref_squeeze %dma_wait3A_370 : memref<1x128x16xf32, #tpu.memory_space<vmem>> -> memref<128x16xf32, #tpu.memory_space<vmem>>
      %dma_wait3A_372 = arith.constant 0 : i32
      %dma_wait3A_373 = tpu.memref_slice %arg7[%dma_wait3A_367, %dma_wait3A_372] : memref<8x128xi32, #tpu.memory_space<vmem>> -> memref<1x128xi32, #tpu.memory_space<vmem>>
      %dma_wait3A_374 = tpu.memref_squeeze %dma_wait3A_373 : memref<1x128xi32, #tpu.memory_space<vmem>> -> memref<128xi32, #tpu.memory_space<vmem>>
      %dma_wait3A_375 = arith.constant 0 : i32
      %dma_wait3A_376 = arith.constant 0 : i32
      %dma_wait3A_377 = tpu.memref_slice %arg5[%dma_wait3A_375, %dma_wait3A_376] : memref<100352x16xf32, #tpu.memory_space<vmem_shared>> -> memref<100352x16xf32, #tpu.memory_space<vmem_shared>>
      tpu.wait_indirect_dma semaphore(%arg14 : memref<!tpu.dma_semaphore, #tpu.memory_space<semaphore_mem>>) src(%dma_wait3A_371 : memref<128x16xf32, #tpu.memory_space<vmem>>) dst(%dma_wait3A_377 : memref<100352x16xf32, #tpu.memory_space<vmem_shared>>)
      %dma_wait3A_378 = arith.constant 2 : i32
      %dma_wait3A_379 = arith.constant 2 : i32
      %dma_wait3A_380 = arith.constant 0 : i32
      %dma_wait3A_381 = arith.constant 0 : i32
      %dma_wait3A_382 = tpu.memref_slice %arg10[%dma_wait3A_378, %dma_wait3A_380, %dma_wait3A_381] : memref<8x128x16xf32, #tpu.memory_space<vmem>> -> memref<1x128x16xf32, #tpu.memory_space<vmem>>
      %dma_wait3A_383 = tpu.memref_squeeze %dma_wait3A_382 : memref<1x128x16xf32, #tpu.memory_space<vmem>> -> memref<128x16xf32, #tpu.memory_space<vmem>>
      %dma_wait3A_384 = arith.constant 0 : i32
      %dma_wait3A_385 = tpu.memref_slice %arg7[%dma_wait3A_379, %dma_wait3A_384] : memref<8x128xi32, #tpu.memory_space<vmem>> -> memref<1x128xi32, #tpu.memory_space<vmem>>
      %dma_wait3A_386 = tpu.memref_squeeze %dma_wait3A_385 : memref<1x128xi32, #tpu.memory_space<vmem>> -> memref<128xi32, #tpu.memory_space<vmem>>
      %dma_wait3A_387 = arith.constant 0 : i32
      %dma_wait3A_388 = arith.constant 0 : i32
      %dma_wait3A_389 = tpu.memref_slice %arg5[%dma_wait3A_387, %dma_wait3A_388] : memref<100352x16xf32, #tpu.memory_space<vmem_shared>> -> memref<100352x16xf32, #tpu.memory_space<vmem_shared>>
      tpu.wait_indirect_dma semaphore(%arg14 : memref<!tpu.dma_semaphore, #tpu.memory_space<semaphore_mem>>) src(%dma_wait3A_383 : memref<128x16xf32, #tpu.memory_space<vmem>>) dst(%dma_wait3A_389 : memref<100352x16xf32, #tpu.memory_space<vmem_shared>>)
      %dma_wait3A_390 = arith.constant 3 : i32
      %dma_wait3A_391 = arith.constant 3 : i32
      %dma_wait3A_392 = arith.constant 0 : i32
      %dma_wait3A_393 = arith.constant 0 : i32
      %dma_wait3A_394 = tpu.memref_slice %arg10[%dma_wait3A_390, %dma_wait3A_392, %dma_wait3A_393] : memref<8x128x16xf32, #tpu.memory_space<vmem>> -> memref<1x128x16xf32, #tpu.memory_space<vmem>>
      %dma_wait3A_395 = tpu.memref_squeeze %dma_wait3A_394 : memref<1x128x16xf32, #tpu.memory_space<vmem>> -> memref<128x16xf32, #tpu.memory_space<vmem>>
      %dma_wait3A_396 = arith.constant 0 : i32
      %dma_wait3A_397 = tpu.memref_slice %arg7[%dma_wait3A_391, %dma_wait3A_396] : memref<8x128xi32, #tpu.memory_space<vmem>> -> memref<1x128xi32, #tpu.memory_space<vmem>>
      %dma_wait3A_398 = tpu.memref_squeeze %dma_wait3A_397 : memref<1x128xi32, #tpu.memory_space<vmem>> -> memref<128xi32, #tpu.memory_space<vmem>>
      %dma_wait3A_399 = arith.constant 0 : i32
      %dma_wait3A_400 = arith.constant 0 : i32
      %dma_wait3A_401 = tpu.memref_slice %arg5[%dma_wait3A_399, %dma_wait3A_400] : memref<100352x16xf32, #tpu.memory_space<vmem_shared>> -> memref<100352x16xf32, #tpu.memory_space<vmem_shared>>
      tpu.wait_indirect_dma semaphore(%arg14 : memref<!tpu.dma_semaphore, #tpu.memory_space<semaphore_mem>>) src(%dma_wait3A_395 : memref<128x16xf32, #tpu.memory_space<vmem>>) dst(%dma_wait3A_401 : memref<100352x16xf32, #tpu.memory_space<vmem_shared>>)
      %dma_wait3A_402 = arith.constant 4 : i32
      %dma_wait3A_403 = arith.constant 4 : i32
      %dma_wait3A_404 = arith.constant 0 : i32
      %dma_wait3A_405 = arith.constant 0 : i32
      %dma_wait3A_406 = tpu.memref_slice %arg10[%dma_wait3A_402, %dma_wait3A_404, %dma_wait3A_405] : memref<8x128x16xf32, #tpu.memory_space<vmem>> -> memref<1x128x16xf32, #tpu.memory_space<vmem>>
      %dma_wait3A_407 = tpu.memref_squeeze %dma_wait3A_406 : memref<1x128x16xf32, #tpu.memory_space<vmem>> -> memref<128x16xf32, #tpu.memory_space<vmem>>
      %dma_wait3A_408 = arith.constant 0 : i32
      %dma_wait3A_409 = tpu.memref_slice %arg7[%dma_wait3A_403, %dma_wait3A_408] : memref<8x128xi32, #tpu.memory_space<vmem>> -> memref<1x128xi32, #tpu.memory_space<vmem>>
      %dma_wait3A_410 = tpu.memref_squeeze %dma_wait3A_409 : memref<1x128xi32, #tpu.memory_space<vmem>> -> memref<128xi32, #tpu.memory_space<vmem>>
      %dma_wait3A_411 = arith.constant 0 : i32
      %dma_wait3A_412 = arith.constant 0 : i32
      %dma_wait3A_413 = tpu.memref_slice %arg5[%dma_wait3A_411, %dma_wait3A_412] : memref<100352x16xf32, #tpu.memory_space<vmem_shared>> -> memref<100352x16xf32, #tpu.memory_space<vmem_shared>>
      tpu.wait_indirect_dma semaphore(%arg14 : memref<!tpu.dma_semaphore, #tpu.memory_space<semaphore_mem>>) src(%dma_wait3A_407 : memref<128x16xf32, #tpu.memory_space<vmem>>) dst(%dma_wait3A_413 : memref<100352x16xf32, #tpu.memory_space<vmem_shared>>)
      %dma_wait3A_414 = arith.constant 5 : i32
      %dma_wait3A_415 = arith.constant 5 : i32
      %dma_wait3A_416 = arith.constant 0 : i32
      %dma_wait3A_417 = arith.constant 0 : i32
      %dma_wait3A_418 = tpu.memref_slice %arg10[%dma_wait3A_414, %dma_wait3A_416, %dma_wait3A_417] : memref<8x128x16xf32, #tpu.memory_space<vmem>> -> memref<1x128x16xf32, #tpu.memory_space<vmem>>
      %dma_wait3A_419 = tpu.memref_squeeze %dma_wait3A_418 : memref<1x128x16xf32, #tpu.memory_space<vmem>> -> memref<128x16xf32, #tpu.memory_space<vmem>>
      %dma_wait3A_420 = arith.constant 0 : i32
      %dma_wait3A_421 = tpu.memref_slice %arg7[%dma_wait3A_415, %dma_wait3A_420] : memref<8x128xi32, #tpu.memory_space<vmem>> -> memref<1x128xi32, #tpu.memory_space<vmem>>
      %dma_wait3A_422 = tpu.memref_squeeze %dma_wait3A_421 : memref<1x128xi32, #tpu.memory_space<vmem>> -> memref<128xi32, #tpu.memory_space<vmem>>
      %dma_wait3A_423 = arith.constant 0 : i32
      %dma_wait3A_424 = arith.constant 0 : i32
      %dma_wait3A_425 = tpu.memref_slice %arg5[%dma_wait3A_423, %dma_wait3A_424] : memref<100352x16xf32, #tpu.memory_space<vmem_shared>> -> memref<100352x16xf32, #tpu.memory_space<vmem_shared>>
      tpu.wait_indirect_dma semaphore(%arg14 : memref<!tpu.dma_semaphore, #tpu.memory_space<semaphore_mem>>) src(%dma_wait3A_419 : memref<128x16xf32, #tpu.memory_space<vmem>>) dst(%dma_wait3A_425 : memref<100352x16xf32, #tpu.memory_space<vmem_shared>>)
      %dma_wait3A_426 = arith.constant 6 : i32
      %dma_wait3A_427 = arith.constant 6 : i32
      %dma_wait3A_428 = arith.constant 0 : i32
      %dma_wait3A_429 = arith.constant 0 : i32
      %dma_wait3A_430 = tpu.memref_slice %arg10[%dma_wait3A_426, %dma_wait3A_428, %dma_wait3A_429] : memref<8x128x16xf32, #tpu.memory_space<vmem>> -> memref<1x128x16xf32, #tpu.memory_space<vmem>>
      %dma_wait3A_431 = tpu.memref_squeeze %dma_wait3A_430 : memref<1x128x16xf32, #tpu.memory_space<vmem>> -> memref<128x16xf32, #tpu.memory_space<vmem>>
      %dma_wait3A_432 = arith.constant 0 : i32
      %dma_wait3A_433 = tpu.memref_slice %arg7[%dma_wait3A_427, %dma_wait3A_432] : memref<8x128xi32, #tpu.memory_space<vmem>> -> memref<1x128xi32, #tpu.memory_space<vmem>>
      %dma_wait3A_434 = tpu.memref_squeeze %dma_wait3A_433 : memref<1x128xi32, #tpu.memory_space<vmem>> -> memref<128xi32, #tpu.memory_space<vmem>>
      %dma_wait3A_435 = arith.constant 0 : i32
      %dma_wait3A_436 = arith.constant 0 : i32
      %dma_wait3A_437 = tpu.memref_slice %arg5[%dma_wait3A_435, %dma_wait3A_436] : memref<100352x16xf32, #tpu.memory_space<vmem_shared>> -> memref<100352x16xf32, #tpu.memory_space<vmem_shared>>
      tpu.wait_indirect_dma semaphore(%arg14 : memref<!tpu.dma_semaphore, #tpu.memory_space<semaphore_mem>>) src(%dma_wait3A_431 : memref<128x16xf32, #tpu.memory_space<vmem>>) dst(%dma_wait3A_437 : memref<100352x16xf32, #tpu.memory_space<vmem_shared>>)
      %dma_wait3A_438 = arith.constant 7 : i32
      %dma_wait3A_439 = arith.constant 7 : i32
      %dma_wait3A_440 = arith.constant 0 : i32
      %dma_wait3A_441 = arith.constant 0 : i32
      %dma_wait3A_442 = tpu.memref_slice %arg10[%dma_wait3A_438, %dma_wait3A_440, %dma_wait3A_441] : memref<8x128x16xf32, #tpu.memory_space<vmem>> -> memref<1x128x16xf32, #tpu.memory_space<vmem>>
      %dma_wait3A_443 = tpu.memref_squeeze %dma_wait3A_442 : memref<1x128x16xf32, #tpu.memory_space<vmem>> -> memref<128x16xf32, #tpu.memory_space<vmem>>
      %dma_wait3A_444 = arith.constant 0 : i32
      %dma_wait3A_445 = tpu.memref_slice %arg7[%dma_wait3A_439, %dma_wait3A_444] : memref<8x128xi32, #tpu.memory_space<vmem>> -> memref<1x128xi32, #tpu.memory_space<vmem>>
      %dma_wait3A_446 = tpu.memref_squeeze %dma_wait3A_445 : memref<1x128xi32, #tpu.memory_space<vmem>> -> memref<128xi32, #tpu.memory_space<vmem>>
      %dma_wait3A_447 = arith.constant 0 : i32
      %dma_wait3A_448 = arith.constant 0 : i32
      %dma_wait3A_449 = tpu.memref_slice %arg5[%dma_wait3A_447, %dma_wait3A_448] : memref<100352x16xf32, #tpu.memory_space<vmem_shared>> -> memref<100352x16xf32, #tpu.memory_space<vmem_shared>>
      tpu.wait_indirect_dma semaphore(%arg14 : memref<!tpu.dma_semaphore, #tpu.memory_space<semaphore_mem>>) src(%dma_wait3A_443 : memref<128x16xf32, #tpu.memory_space<vmem>>) dst(%dma_wait3A_449 : memref<100352x16xf32, #tpu.memory_space<vmem_shared>>)
    }
    %eq3A = arith.constant 31 : i32
    %eq3A_31 = arith.cmpi eq, %add3A, %eq3A : i32
    %convert_element_type3A = arith.extui %eq3A_31 : i1 to i32
    %cond3A = arith.constant 0 : i32
    %cond3A_32 = arith.cmpi ne, %convert_element_type3A, %cond3A : i32
    scf.if %cond3A_32 {
      %run_scoped3A = arith.constant 0 : i32
      "tpu.region"() ({
        %run_scoped3A_137 = tpu.sem_alloc : memref<!tpu.dma_semaphore, #tpu.memory_space<semaphore_mem>>
        %dma_start3A_138 = arith.constant 12496 : i32
        %dma_start3A_139 = arith.constant 0 : i32
        %dma_start3A_140 = tpu.memref_slice %arg2[%run_scoped3A, %dma_start3A_138, %dma_start3A_139] : memref<2x12500x128xi32, #tpu.memory_space<hbm>> -> memref<1x4x128xi32, #tpu.memory_space<hbm>>
        %dma_start3A_141 = tpu.memref_squeeze %dma_start3A_140 : memref<1x4x128xi32, #tpu.memory_space<hbm>> -> memref<4x128xi32, #tpu.memory_space<hbm>>
        %dma_start3A_142 = arith.constant 12496 : i32
        %dma_start3A_143 = arith.constant 0 : i32
        %dma_start3A_144 = tpu.memref_slice %arg2[%run_scoped3A, %dma_start3A_142, %dma_start3A_143] : memref<2x12500x128xi32, #tpu.memory_space<hbm>> -> memref<1x4x128xi32, #tpu.memory_space<hbm>>
        %dma_start3A_145 = tpu.memref_squeeze %dma_start3A_144 : memref<1x4x128xi32, #tpu.memory_space<hbm>> -> memref<4x128xi32, #tpu.memory_space<hbm>>
        tpu.enqueue_dma source(%dma_start3A_145 : memref<4x128xi32, #tpu.memory_space<hbm>>) target(%arg8 : memref<4x128xi32, #tpu.memory_space<vmem>>) target_semaphore(%run_scoped3A_137 : memref<!tpu.dma_semaphore, #tpu.memory_space<semaphore_mem>>)
        %dma_wait3A_146 = arith.constant 12496 : i32
        %dma_wait3A_147 = arith.constant 0 : i32
        %dma_wait3A_148 = tpu.memref_slice %arg2[%run_scoped3A, %dma_wait3A_146, %dma_wait3A_147] : memref<2x12500x128xi32, #tpu.memory_space<hbm>> -> memref<1x4x128xi32, #tpu.memory_space<hbm>>
        %dma_wait3A_149 = tpu.memref_squeeze %dma_wait3A_148 : memref<1x4x128xi32, #tpu.memory_space<hbm>> -> memref<4x128xi32, #tpu.memory_space<hbm>>
        %dma_wait3A_150 = arith.constant 12496 : i32
        %dma_wait3A_151 = arith.constant 0 : i32
        %dma_wait3A_152 = tpu.memref_slice %arg2[%run_scoped3A, %dma_wait3A_150, %dma_wait3A_151] : memref<2x12500x128xi32, #tpu.memory_space<hbm>> -> memref<1x4x128xi32, #tpu.memory_space<hbm>>
        %dma_wait3A_153 = tpu.memref_squeeze %dma_wait3A_152 : memref<1x4x128xi32, #tpu.memory_space<hbm>> -> memref<4x128xi32, #tpu.memory_space<hbm>>
        tpu.wait_dma2 semaphore(%run_scoped3A_137 : memref<!tpu.dma_semaphore, #tpu.memory_space<semaphore_mem>>) src(%dma_wait3A_153 : memref<4x128xi32, #tpu.memory_space<hbm>>) dst(%arg8 : memref<4x128xi32, #tpu.memory_space<vmem>>)
        tpu.yield
      }) : () -> ()
      %run_scoped3A_34 = arith.constant 1 : i32
      "tpu.region"() ({
        %run_scoped3A_137 = tpu.sem_alloc : memref<!tpu.dma_semaphore, #tpu.memory_space<semaphore_mem>>
        %dma_start3A_138 = arith.constant 12496 : i32
        %dma_start3A_139 = arith.constant 0 : i32
        %dma_start3A_140 = tpu.memref_slice %arg2[%run_scoped3A_34, %dma_start3A_138, %dma_start3A_139] : memref<2x12500x128xi32, #tpu.memory_space<hbm>> -> memref<1x4x128xi32, #tpu.memory_space<hbm>>
        %dma_start3A_141 = tpu.memref_squeeze %dma_start3A_140 : memref<1x4x128xi32, #tpu.memory_space<hbm>> -> memref<4x128xi32, #tpu.memory_space<hbm>>
        %dma_start3A_142 = arith.constant 12496 : i32
        %dma_start3A_143 = arith.constant 0 : i32
        %dma_start3A_144 = tpu.memref_slice %arg2[%run_scoped3A_34, %dma_start3A_142, %dma_start3A_143] : memref<2x12500x128xi32, #tpu.memory_space<hbm>> -> memref<1x4x128xi32, #tpu.memory_space<hbm>>
        %dma_start3A_145 = tpu.memref_squeeze %dma_start3A_144 : memref<1x4x128xi32, #tpu.memory_space<hbm>> -> memref<4x128xi32, #tpu.memory_space<hbm>>
        tpu.enqueue_dma source(%dma_start3A_145 : memref<4x128xi32, #tpu.memory_space<hbm>>) target(%arg9 : memref<4x128xi32, #tpu.memory_space<vmem>>) target_semaphore(%run_scoped3A_137 : memref<!tpu.dma_semaphore, #tpu.memory_space<semaphore_mem>>)
        %dma_wait3A_146 = arith.constant 12496 : i32
        %dma_wait3A_147 = arith.constant 0 : i32
        %dma_wait3A_148 = tpu.memref_slice %arg2[%run_scoped3A_34, %dma_wait3A_146, %dma_wait3A_147] : memref<2x12500x128xi32, #tpu.memory_space<hbm>> -> memref<1x4x128xi32, #tpu.memory_space<hbm>>
        %dma_wait3A_149 = tpu.memref_squeeze %dma_wait3A_148 : memref<1x4x128xi32, #tpu.memory_space<hbm>> -> memref<4x128xi32, #tpu.memory_space<hbm>>
        %dma_wait3A_150 = arith.constant 12496 : i32
        %dma_wait3A_151 = arith.constant 0 : i32
        %dma_wait3A_152 = tpu.memref_slice %arg2[%run_scoped3A_34, %dma_wait3A_150, %dma_wait3A_151] : memref<2x12500x128xi32, #tpu.memory_space<hbm>> -> memref<1x4x128xi32, #tpu.memory_space<hbm>>
        %dma_wait3A_153 = tpu.memref_squeeze %dma_wait3A_152 : memref<1x4x128xi32, #tpu.memory_space<hbm>> -> memref<4x128xi32, #tpu.memory_space<hbm>>
        tpu.wait_dma2 semaphore(%run_scoped3A_137 : memref<!tpu.dma_semaphore, #tpu.memory_space<semaphore_mem>>) src(%dma_wait3A_153 : memref<4x128xi32, #tpu.memory_space<hbm>>) dst(%arg9 : memref<4x128xi32, #tpu.memory_space<vmem>>)
        tpu.yield
      }) : () -> ()
      %dma_start3A = arith.constant 0 : i32
      %dma_start3A_35 = arith.constant 0 : i32
      %dma_start3A_36 = arith.constant 0 : i32
      %dma_start3A_37 = arith.constant 0 : i32
      %dma_start3A_38 = tpu.memref_slice %arg10[%dma_start3A_35, %dma_start3A_36, %dma_start3A_37] : memref<8x128x16xf32, #tpu.memory_space<vmem>> -> memref<1x128x16xf32, #tpu.memory_space<vmem>>
      %dma_start3A_39 = tpu.memref_squeeze %dma_start3A_38 : memref<1x128x16xf32, #tpu.memory_space<vmem>> -> memref<128x16xf32, #tpu.memory_space<vmem>>
      %dma_start3A_40 = arith.constant 0 : i32
      %dma_start3A_41 = tpu.memref_slice %arg8[%dma_start3A, %dma_start3A_40] : memref<4x128xi32, #tpu.memory_space<vmem>> -> memref<1x128xi32, #tpu.memory_space<vmem>>
      %dma_start3A_42 = tpu.memref_squeeze %dma_start3A_41 : memref<1x128xi32, #tpu.memory_space<vmem>> -> memref<128xi32, #tpu.memory_space<vmem>>
      %dma_start3A_43 = arith.constant 0 : i32
      %dma_start3A_44 = arith.constant 0 : i32
      %dma_start3A_45 = tpu.memref_slice %arg3[%dma_start3A_43, %dma_start3A_44] : memref<100352x16xf32, #tpu.memory_space<hbm>> -> memref<100352x16xf32, #tpu.memory_space<hbm>>
      tpu.enqueue_indirect_dma source(%dma_start3A_45 : memref<100352x16xf32, #tpu.memory_space<hbm>>) target(%dma_start3A_39 : memref<128x16xf32, #tpu.memory_space<vmem>>) offsets(%dma_start3A_42 : memref<128xi32, #tpu.memory_space<vmem>>) semaphore(%arg12 : memref<!tpu.dma_semaphore, #tpu.memory_space<semaphore_mem>>)
      %dma_start3A_46 = arith.constant 1 : i32
      %dma_start3A_47 = arith.constant 1 : i32
      %dma_start3A_48 = arith.constant 0 : i32
      %dma_start3A_49 = arith.constant 0 : i32
      %dma_start3A_50 = tpu.memref_slice %arg10[%dma_start3A_47, %dma_start3A_48, %dma_start3A_49] : memref<8x128x16xf32, #tpu.memory_space<vmem>> -> memref<1x128x16xf32, #tpu.memory_space<vmem>>
      %dma_start3A_51 = tpu.memref_squeeze %dma_start3A_50 : memref<1x128x16xf32, #tpu.memory_space<vmem>> -> memref<128x16xf32, #tpu.memory_space<vmem>>
      %dma_start3A_52 = arith.constant 0 : i32
      %dma_start3A_53 = tpu.memref_slice %arg8[%dma_start3A_46, %dma_start3A_52] : memref<4x128xi32, #tpu.memory_space<vmem>> -> memref<1x128xi32, #tpu.memory_space<vmem>>
      %dma_start3A_54 = tpu.memref_squeeze %dma_start3A_53 : memref<1x128xi32, #tpu.memory_space<vmem>> -> memref<128xi32, #tpu.memory_space<vmem>>
      %dma_start3A_55 = arith.constant 0 : i32
      %dma_start3A_56 = arith.constant 0 : i32
      %dma_start3A_57 = tpu.memref_slice %arg3[%dma_start3A_55, %dma_start3A_56] : memref<100352x16xf32, #tpu.memory_space<hbm>> -> memref<100352x16xf32, #tpu.memory_space<hbm>>
      tpu.enqueue_indirect_dma source(%dma_start3A_57 : memref<100352x16xf32, #tpu.memory_space<hbm>>) target(%dma_start3A_51 : memref<128x16xf32, #tpu.memory_space<vmem>>) offsets(%dma_start3A_54 : memref<128xi32, #tpu.memory_space<vmem>>) semaphore(%arg12 : memref<!tpu.dma_semaphore, #tpu.memory_space<semaphore_mem>>)
      %dma_start3A_58 = arith.constant 2 : i32
      %dma_start3A_59 = arith.constant 2 : i32
      %dma_start3A_60 = arith.constant 0 : i32
      %dma_start3A_61 = arith.constant 0 : i32
      %dma_start3A_62 = tpu.memref_slice %arg10[%dma_start3A_59, %dma_start3A_60, %dma_start3A_61] : memref<8x128x16xf32, #tpu.memory_space<vmem>> -> memref<1x128x16xf32, #tpu.memory_space<vmem>>
      %dma_start3A_63 = tpu.memref_squeeze %dma_start3A_62 : memref<1x128x16xf32, #tpu.memory_space<vmem>> -> memref<128x16xf32, #tpu.memory_space<vmem>>
      %dma_start3A_64 = arith.constant 0 : i32
      %dma_start3A_65 = tpu.memref_slice %arg8[%dma_start3A_58, %dma_start3A_64] : memref<4x128xi32, #tpu.memory_space<vmem>> -> memref<1x128xi32, #tpu.memory_space<vmem>>
      %dma_start3A_66 = tpu.memref_squeeze %dma_start3A_65 : memref<1x128xi32, #tpu.memory_space<vmem>> -> memref<128xi32, #tpu.memory_space<vmem>>
      %dma_start3A_67 = arith.constant 0 : i32
      %dma_start3A_68 = arith.constant 0 : i32
      %dma_start3A_69 = tpu.memref_slice %arg3[%dma_start3A_67, %dma_start3A_68] : memref<100352x16xf32, #tpu.memory_space<hbm>> -> memref<100352x16xf32, #tpu.memory_space<hbm>>
      tpu.enqueue_indirect_dma source(%dma_start3A_69 : memref<100352x16xf32, #tpu.memory_space<hbm>>) target(%dma_start3A_63 : memref<128x16xf32, #tpu.memory_space<vmem>>) offsets(%dma_start3A_66 : memref<128xi32, #tpu.memory_space<vmem>>) semaphore(%arg12 : memref<!tpu.dma_semaphore, #tpu.memory_space<semaphore_mem>>)
      %dma_start3A_70 = arith.constant 3 : i32
      %dma_start3A_71 = arith.constant 3 : i32
      %dma_start3A_72 = arith.constant 0 : i32
      %dma_start3A_73 = arith.constant 0 : i32
      %dma_start3A_74 = tpu.memref_slice %arg10[%dma_start3A_71, %dma_start3A_72, %dma_start3A_73] : memref<8x128x16xf32, #tpu.memory_space<vmem>> -> memref<1x128x16xf32, #tpu.memory_space<vmem>>
      %dma_start3A_75 = tpu.memref_squeeze %dma_start3A_74 : memref<1x128x16xf32, #tpu.memory_space<vmem>> -> memref<128x16xf32, #tpu.memory_space<vmem>>
      %dma_start3A_76 = arith.constant 0 : i32
      %dma_start3A_77 = tpu.memref_slice %arg8[%dma_start3A_70, %dma_start3A_76] : memref<4x128xi32, #tpu.memory_space<vmem>> -> memref<1x128xi32, #tpu.memory_space<vmem>>
      %dma_start3A_78 = tpu.memref_squeeze %dma_start3A_77 : memref<1x128xi32, #tpu.memory_space<vmem>> -> memref<128xi32, #tpu.memory_space<vmem>>
      %dma_start3A_79 = arith.constant 0 : i32
      %dma_start3A_80 = arith.constant 0 : i32
      %dma_start3A_81 = tpu.memref_slice %arg3[%dma_start3A_79, %dma_start3A_80] : memref<100352x16xf32, #tpu.memory_space<hbm>> -> memref<100352x16xf32, #tpu.memory_space<hbm>>
      tpu.enqueue_indirect_dma source(%dma_start3A_81 : memref<100352x16xf32, #tpu.memory_space<hbm>>) target(%dma_start3A_75 : memref<128x16xf32, #tpu.memory_space<vmem>>) offsets(%dma_start3A_78 : memref<128xi32, #tpu.memory_space<vmem>>) semaphore(%arg12 : memref<!tpu.dma_semaphore, #tpu.memory_space<semaphore_mem>>)
      %dma_wait3A = arith.constant 0 : i32
      %dma_wait3A_82 = arith.constant 0 : i32
      %dma_wait3A_83 = arith.constant 0 : i32
      %dma_wait3A_84 = arith.constant 0 : i32
      %dma_wait3A_85 = tpu.memref_slice %arg10[%dma_wait3A_82, %dma_wait3A_83, %dma_wait3A_84] : memref<8x128x16xf32, #tpu.memory_space<vmem>> -> memref<1x128x16xf32, #tpu.memory_space<vmem>>
      %dma_wait3A_86 = tpu.memref_squeeze %dma_wait3A_85 : memref<1x128x16xf32, #tpu.memory_space<vmem>> -> memref<128x16xf32, #tpu.memory_space<vmem>>
      %dma_wait3A_87 = arith.constant 0 : i32
      %dma_wait3A_88 = tpu.memref_slice %arg8[%dma_wait3A, %dma_wait3A_87] : memref<4x128xi32, #tpu.memory_space<vmem>> -> memref<1x128xi32, #tpu.memory_space<vmem>>
      %dma_wait3A_89 = tpu.memref_squeeze %dma_wait3A_88 : memref<1x128xi32, #tpu.memory_space<vmem>> -> memref<128xi32, #tpu.memory_space<vmem>>
      %dma_wait3A_90 = arith.constant 0 : i32
      %dma_wait3A_91 = arith.constant 0 : i32
      %dma_wait3A_92 = tpu.memref_slice %arg3[%dma_wait3A_90, %dma_wait3A_91] : memref<100352x16xf32, #tpu.memory_space<hbm>> -> memref<100352x16xf32, #tpu.memory_space<hbm>>
      tpu.wait_indirect_dma semaphore(%arg12 : memref<!tpu.dma_semaphore, #tpu.memory_space<semaphore_mem>>) src(%dma_wait3A_92 : memref<100352x16xf32, #tpu.memory_space<hbm>>) dst(%dma_wait3A_86 : memref<128x16xf32, #tpu.memory_space<vmem>>)
      %dma_wait3A_93 = arith.constant 1 : i32
      %dma_wait3A_94 = arith.constant 1 : i32
      %dma_wait3A_95 = arith.constant 0 : i32
      %dma_wait3A_96 = arith.constant 0 : i32
      %dma_wait3A_97 = tpu.memref_slice %arg10[%dma_wait3A_94, %dma_wait3A_95, %dma_wait3A_96] : memref<8x128x16xf32, #tpu.memory_space<vmem>> -> memref<1x128x16xf32, #tpu.memory_space<vmem>>
      %dma_wait3A_98 = tpu.memref_squeeze %dma_wait3A_97 : memref<1x128x16xf32, #tpu.memory_space<vmem>> -> memref<128x16xf32, #tpu.memory_space<vmem>>
      %dma_wait3A_99 = arith.constant 0 : i32
      %dma_wait3A_100 = tpu.memref_slice %arg8[%dma_wait3A_93, %dma_wait3A_99] : memref<4x128xi32, #tpu.memory_space<vmem>> -> memref<1x128xi32, #tpu.memory_space<vmem>>
      %dma_wait3A_101 = tpu.memref_squeeze %dma_wait3A_100 : memref<1x128xi32, #tpu.memory_space<vmem>> -> memref<128xi32, #tpu.memory_space<vmem>>
      %dma_wait3A_102 = arith.constant 0 : i32
      %dma_wait3A_103 = arith.constant 0 : i32
      %dma_wait3A_104 = tpu.memref_slice %arg3[%dma_wait3A_102, %dma_wait3A_103] : memref<100352x16xf32, #tpu.memory_space<hbm>> -> memref<100352x16xf32, #tpu.memory_space<hbm>>
      tpu.wait_indirect_dma semaphore(%arg12 : memref<!tpu.dma_semaphore, #tpu.memory_space<semaphore_mem>>) src(%dma_wait3A_104 : memref<100352x16xf32, #tpu.memory_space<hbm>>) dst(%dma_wait3A_98 : memref<128x16xf32, #tpu.memory_space<vmem>>)
      %dma_wait3A_105 = arith.constant 2 : i32
      %dma_wait3A_106 = arith.constant 2 : i32
      %dma_wait3A_107 = arith.constant 0 : i32
      %dma_wait3A_108 = arith.constant 0 : i32
      %dma_wait3A_109 = tpu.memref_slice %arg10[%dma_wait3A_106, %dma_wait3A_107, %dma_wait3A_108] : memref<8x128x16xf32, #tpu.memory_space<vmem>> -> memref<1x128x16xf32, #tpu.memory_space<vmem>>
      %dma_wait3A_110 = tpu.memref_squeeze %dma_wait3A_109 : memref<1x128x16xf32, #tpu.memory_space<vmem>> -> memref<128x16xf32, #tpu.memory_space<vmem>>
      %dma_wait3A_111 = arith.constant 0 : i32
      %dma_wait3A_112 = tpu.memref_slice %arg8[%dma_wait3A_105, %dma_wait3A_111] : memref<4x128xi32, #tpu.memory_space<vmem>> -> memref<1x128xi32, #tpu.memory_space<vmem>>
      %dma_wait3A_113 = tpu.memref_squeeze %dma_wait3A_112 : memref<1x128xi32, #tpu.memory_space<vmem>> -> memref<128xi32, #tpu.memory_space<vmem>>
      %dma_wait3A_114 = arith.constant 0 : i32
      %dma_wait3A_115 = arith.constant 0 : i32
      %dma_wait3A_116 = tpu.memref_slice %arg3[%dma_wait3A_114, %dma_wait3A_115] : memref<100352x16xf32, #tpu.memory_space<hbm>> -> memref<100352x16xf32, #tpu.memory_space<hbm>>
      tpu.wait_indirect_dma semaphore(%arg12 : memref<!tpu.dma_semaphore, #tpu.memory_space<semaphore_mem>>) src(%dma_wait3A_116 : memref<100352x16xf32, #tpu.memory_space<hbm>>) dst(%dma_wait3A_110 : memref<128x16xf32, #tpu.memory_space<vmem>>)
      %dma_wait3A_117 = arith.constant 3 : i32
      %dma_wait3A_118 = arith.constant 3 : i32
      %dma_wait3A_119 = arith.constant 0 : i32
      %dma_wait3A_120 = arith.constant 0 : i32
      %dma_wait3A_121 = tpu.memref_slice %arg10[%dma_wait3A_118, %dma_wait3A_119, %dma_wait3A_120] : memref<8x128x16xf32, #tpu.memory_space<vmem>> -> memref<1x128x16xf32, #tpu.memory_space<vmem>>
      %dma_wait3A_122 = tpu.memref_squeeze %dma_wait3A_121 : memref<1x128x16xf32, #tpu.memory_space<vmem>> -> memref<128x16xf32, #tpu.memory_space<vmem>>
      %dma_wait3A_123 = arith.constant 0 : i32
      %dma_wait3A_124 = tpu.memref_slice %arg8[%dma_wait3A_117, %dma_wait3A_123] : memref<4x128xi32, #tpu.memory_space<vmem>> -> memref<1x128xi32, #tpu.memory_space<vmem>>
      %dma_wait3A_125 = tpu.memref_squeeze %dma_wait3A_124 : memref<1x128xi32, #tpu.memory_space<vmem>> -> memref<128xi32, #tpu.memory_space<vmem>>
      %dma_wait3A_126 = arith.constant 0 : i32
      %dma_wait3A_127 = arith.constant 0 : i32
      %dma_wait3A_128 = tpu.memref_slice %arg3[%dma_wait3A_126, %dma_wait3A_127] : memref<100352x16xf32, #tpu.memory_space<hbm>> -> memref<100352x16xf32, #tpu.memory_space<hbm>>
      tpu.wait_indirect_dma semaphore(%arg12 : memref<!tpu.dma_semaphore, #tpu.memory_space<semaphore_mem>>) src(%dma_wait3A_128 : memref<100352x16xf32, #tpu.memory_space<hbm>>) dst(%dma_wait3A_122 : memref<128x16xf32, #tpu.memory_space<vmem>>)
      %run_scoped3A_129 = arith.constant 0 : i32
      %run_scoped3A_130 = arith.constant 0 : i32
      "tpu.region"() ({
        %run_scoped3A_137 = tpu.sem_alloc : memref<!tpu.dma_semaphore, #tpu.memory_space<semaphore_mem>>
        %dma_start3A_138 = arith.constant 0 : i32
        %dma_start3A_139 = arith.constant 0 : i32
        %dma_start3A_140 = tpu.memref_slice %arg10[%run_scoped3A_129, %dma_start3A_138, %dma_start3A_139] : memref<8x128x16xf32, #tpu.memory_space<vmem>> -> memref<1x128x16xf32, #tpu.memory_space<vmem>>
        %dma_start3A_141 = tpu.memref_squeeze %dma_start3A_140 : memref<1x128x16xf32, #tpu.memory_space<vmem>> -> memref<128x16xf32, #tpu.memory_space<vmem>>
        %dma_start3A_142 = arith.constant 0 : i32
        %dma_start3A_143 = tpu.memref_slice %arg9[%run_scoped3A_130, %dma_start3A_142] : memref<4x128xi32, #tpu.memory_space<vmem>> -> memref<1x128xi32, #tpu.memory_space<vmem>>
        %dma_start3A_144 = tpu.memref_squeeze %dma_start3A_143 : memref<1x128xi32, #tpu.memory_space<vmem>> -> memref<128xi32, #tpu.memory_space<vmem>>
        %dma_start3A_145 = arith.constant 0 : i32
        %dma_start3A_146 = arith.constant 0 : i32
        %dma_start3A_147 = tpu.memref_slice %arg5[%dma_start3A_145, %dma_start3A_146] : memref<100352x16xf32, #tpu.memory_space<vmem_shared>> -> memref<100352x16xf32, #tpu.memory_space<vmem_shared>>
        tpu.enqueue_indirect_dma source(%dma_start3A_141 : memref<128x16xf32, #tpu.memory_space<vmem>>) target(%dma_start3A_147 : memref<100352x16xf32, #tpu.memory_space<vmem_shared>>) offsets(%dma_start3A_144 : memref<128xi32, #tpu.memory_space<vmem>>) semaphore(%run_scoped3A_137 : memref<!tpu.dma_semaphore, #tpu.memory_space<semaphore_mem>>) {add = true}
        %dma_wait3A_148 = arith.constant 0 : i32
        %dma_wait3A_149 = arith.constant 0 : i32
        %dma_wait3A_150 = tpu.memref_slice %arg10[%run_scoped3A_129, %dma_wait3A_148, %dma_wait3A_149] : memref<8x128x16xf32, #tpu.memory_space<vmem>> -> memref<1x128x16xf32, #tpu.memory_space<vmem>>
        %dma_wait3A_151 = tpu.memref_squeeze %dma_wait3A_150 : memref<1x128x16xf32, #tpu.memory_space<vmem>> -> memref<128x16xf32, #tpu.memory_space<vmem>>
        %dma_wait3A_152 = arith.constant 0 : i32
        %dma_wait3A_153 = tpu.memref_slice %arg9[%run_scoped3A_130, %dma_wait3A_152] : memref<4x128xi32, #tpu.memory_space<vmem>> -> memref<1x128xi32, #tpu.memory_space<vmem>>
        %dma_wait3A_154 = tpu.memref_squeeze %dma_wait3A_153 : memref<1x128xi32, #tpu.memory_space<vmem>> -> memref<128xi32, #tpu.memory_space<vmem>>
        %dma_wait3A_155 = arith.constant 0 : i32
        %dma_wait3A_156 = arith.constant 0 : i32
        %dma_wait3A_157 = tpu.memref_slice %arg5[%dma_wait3A_155, %dma_wait3A_156] : memref<100352x16xf32, #tpu.memory_space<vmem_shared>> -> memref<100352x16xf32, #tpu.memory_space<vmem_shared>>
        tpu.wait_indirect_dma semaphore(%run_scoped3A_137 : memref<!tpu.dma_semaphore, #tpu.memory_space<semaphore_mem>>) src(%dma_wait3A_151 : memref<128x16xf32, #tpu.memory_space<vmem>>) dst(%dma_wait3A_157 : memref<100352x16xf32, #tpu.memory_space<vmem_shared>>)
        tpu.yield
      }) : () -> ()
      %run_scoped3A_131 = arith.constant 1 : i32
      %run_scoped3A_132 = arith.constant 1 : i32
      "tpu.region"() ({
        %run_scoped3A_137 = tpu.sem_alloc : memref<!tpu.dma_semaphore, #tpu.memory_space<semaphore_mem>>
        %dma_start3A_138 = arith.constant 0 : i32
        %dma_start3A_139 = arith.constant 0 : i32
        %dma_start3A_140 = tpu.memref_slice %arg10[%run_scoped3A_131, %dma_start3A_138, %dma_start3A_139] : memref<8x128x16xf32, #tpu.memory_space<vmem>> -> memref<1x128x16xf32, #tpu.memory_space<vmem>>
        %dma_start3A_141 = tpu.memref_squeeze %dma_start3A_140 : memref<1x128x16xf32, #tpu.memory_space<vmem>> -> memref<128x16xf32, #tpu.memory_space<vmem>>
        %dma_start3A_142 = arith.constant 0 : i32
        %dma_start3A_143 = tpu.memref_slice %arg9[%run_scoped3A_132, %dma_start3A_142] : memref<4x128xi32, #tpu.memory_space<vmem>> -> memref<1x128xi32, #tpu.memory_space<vmem>>
        %dma_start3A_144 = tpu.memref_squeeze %dma_start3A_143 : memref<1x128xi32, #tpu.memory_space<vmem>> -> memref<128xi32, #tpu.memory_space<vmem>>
        %dma_start3A_145 = arith.constant 0 : i32
        %dma_start3A_146 = arith.constant 0 : i32
        %dma_start3A_147 = tpu.memref_slice %arg5[%dma_start3A_145, %dma_start3A_146] : memref<100352x16xf32, #tpu.memory_space<vmem_shared>> -> memref<100352x16xf32, #tpu.memory_space<vmem_shared>>
        tpu.enqueue_indirect_dma source(%dma_start3A_141 : memref<128x16xf32, #tpu.memory_space<vmem>>) target(%dma_start3A_147 : memref<100352x16xf32, #tpu.memory_space<vmem_shared>>) offsets(%dma_start3A_144 : memref<128xi32, #tpu.memory_space<vmem>>) semaphore(%run_scoped3A_137 : memref<!tpu.dma_semaphore, #tpu.memory_space<semaphore_mem>>) {add = true}
        %dma_wait3A_148 = arith.constant 0 : i32
        %dma_wait3A_149 = arith.constant 0 : i32
        %dma_wait3A_150 = tpu.memref_slice %arg10[%run_scoped3A_131, %dma_wait3A_148, %dma_wait3A_149] : memref<8x128x16xf32, #tpu.memory_space<vmem>> -> memref<1x128x16xf32, #tpu.memory_space<vmem>>
        %dma_wait3A_151 = tpu.memref_squeeze %dma_wait3A_150 : memref<1x128x16xf32, #tpu.memory_space<vmem>> -> memref<128x16xf32, #tpu.memory_space<vmem>>
        %dma_wait3A_152 = arith.constant 0 : i32
        %dma_wait3A_153 = tpu.memref_slice %arg9[%run_scoped3A_132, %dma_wait3A_152] : memref<4x128xi32, #tpu.memory_space<vmem>> -> memref<1x128xi32, #tpu.memory_space<vmem>>
        %dma_wait3A_154 = tpu.memref_squeeze %dma_wait3A_153 : memref<1x128xi32, #tpu.memory_space<vmem>> -> memref<128xi32, #tpu.memory_space<vmem>>
        %dma_wait3A_155 = arith.constant 0 : i32
        %dma_wait3A_156 = arith.constant 0 : i32
        %dma_wait3A_157 = tpu.memref_slice %arg5[%dma_wait3A_155, %dma_wait3A_156] : memref<100352x16xf32, #tpu.memory_space<vmem_shared>> -> memref<100352x16xf32, #tpu.memory_space<vmem_shared>>
        tpu.wait_indirect_dma semaphore(%run_scoped3A_137 : memref<!tpu.dma_semaphore, #tpu.memory_space<semaphore_mem>>) src(%dma_wait3A_151 : memref<128x16xf32, #tpu.memory_space<vmem>>) dst(%dma_wait3A_157 : memref<100352x16xf32, #tpu.memory_space<vmem_shared>>)
        tpu.yield
      }) : () -> ()
      %run_scoped3A_133 = arith.constant 2 : i32
      %run_scoped3A_134 = arith.constant 2 : i32
      "tpu.region"() ({
        %run_scoped3A_137 = tpu.sem_alloc : memref<!tpu.dma_semaphore, #tpu.memory_space<semaphore_mem>>
        %dma_start3A_138 = arith.constant 0 : i32
        %dma_start3A_139 = arith.constant 0 : i32
        %dma_start3A_140 = tpu.memref_slice %arg10[%run_scoped3A_133, %dma_start3A_138, %dma_start3A_139] : memref<8x128x16xf32, #tpu.memory_space<vmem>> -> memref<1x128x16xf32, #tpu.memory_space<vmem>>
        %dma_start3A_141 = tpu.memref_squeeze %dma_start3A_140 : memref<1x128x16xf32, #tpu.memory_space<vmem>> -> memref<128x16xf32, #tpu.memory_space<vmem>>
        %dma_start3A_142 = arith.constant 0 : i32
        %dma_start3A_143 = tpu.memref_slice %arg9[%run_scoped3A_134, %dma_start3A_142] : memref<4x128xi32, #tpu.memory_space<vmem>> -> memref<1x128xi32, #tpu.memory_space<vmem>>
        %dma_start3A_144 = tpu.memref_squeeze %dma_start3A_143 : memref<1x128xi32, #tpu.memory_space<vmem>> -> memref<128xi32, #tpu.memory_space<vmem>>
        %dma_start3A_145 = arith.constant 0 : i32
        %dma_start3A_146 = arith.constant 0 : i32
        %dma_start3A_147 = tpu.memref_slice %arg5[%dma_start3A_145, %dma_start3A_146] : memref<100352x16xf32, #tpu.memory_space<vmem_shared>> -> memref<100352x16xf32, #tpu.memory_space<vmem_shared>>
        tpu.enqueue_indirect_dma source(%dma_start3A_141 : memref<128x16xf32, #tpu.memory_space<vmem>>) target(%dma_start3A_147 : memref<100352x16xf32, #tpu.memory_space<vmem_shared>>) offsets(%dma_start3A_144 : memref<128xi32, #tpu.memory_space<vmem>>) semaphore(%run_scoped3A_137 : memref<!tpu.dma_semaphore, #tpu.memory_space<semaphore_mem>>) {add = true}
        %dma_wait3A_148 = arith.constant 0 : i32
        %dma_wait3A_149 = arith.constant 0 : i32
        %dma_wait3A_150 = tpu.memref_slice %arg10[%run_scoped3A_133, %dma_wait3A_148, %dma_wait3A_149] : memref<8x128x16xf32, #tpu.memory_space<vmem>> -> memref<1x128x16xf32, #tpu.memory_space<vmem>>
        %dma_wait3A_151 = tpu.memref_squeeze %dma_wait3A_150 : memref<1x128x16xf32, #tpu.memory_space<vmem>> -> memref<128x16xf32, #tpu.memory_space<vmem>>
        %dma_wait3A_152 = arith.constant 0 : i32
        %dma_wait3A_153 = tpu.memref_slice %arg9[%run_scoped3A_134, %dma_wait3A_152] : memref<4x128xi32, #tpu.memory_space<vmem>> -> memref<1x128xi32, #tpu.memory_space<vmem>>
        %dma_wait3A_154 = tpu.memref_squeeze %dma_wait3A_153 : memref<1x128xi32, #tpu.memory_space<vmem>> -> memref<128xi32, #tpu.memory_space<vmem>>
        %dma_wait3A_155 = arith.constant 0 : i32
        %dma_wait3A_156 = arith.constant 0 : i32
        %dma_wait3A_157 = tpu.memref_slice %arg5[%dma_wait3A_155, %dma_wait3A_156] : memref<100352x16xf32, #tpu.memory_space<vmem_shared>> -> memref<100352x16xf32, #tpu.memory_space<vmem_shared>>
        tpu.wait_indirect_dma semaphore(%run_scoped3A_137 : memref<!tpu.dma_semaphore, #tpu.memory_space<semaphore_mem>>) src(%dma_wait3A_151 : memref<128x16xf32, #tpu.memory_space<vmem>>) dst(%dma_wait3A_157 : memref<100352x16xf32, #tpu.memory_space<vmem_shared>>)
        tpu.yield
      }) : () -> ()
      %run_scoped3A_135 = arith.constant 3 : i32
      %run_scoped3A_136 = arith.constant 3 : i32
      "tpu.region"() ({
        %run_scoped3A_137 = tpu.sem_alloc : memref<!tpu.dma_semaphore, #tpu.memory_space<semaphore_mem>>
        %dma_start3A_138 = arith.constant 0 : i32
        %dma_start3A_139 = arith.constant 0 : i32
        %dma_start3A_140 = tpu.memref_slice %arg10[%run_scoped3A_135, %dma_start3A_138, %dma_start3A_139] : memref<8x128x16xf32, #tpu.memory_space<vmem>> -> memref<1x128x16xf32, #tpu.memory_space<vmem>>
        %dma_start3A_141 = tpu.memref_squeeze %dma_start3A_140 : memref<1x128x16xf32, #tpu.memory_space<vmem>> -> memref<128x16xf32, #tpu.memory_space<vmem>>
        %dma_start3A_142 = arith.constant 0 : i32
        %dma_start3A_143 = tpu.memref_slice %arg9[%run_scoped3A_136, %dma_start3A_142] : memref<4x128xi32, #tpu.memory_space<vmem>> -> memref<1x128xi32, #tpu.memory_space<vmem>>
        %dma_start3A_144 = tpu.memref_squeeze %dma_start3A_143 : memref<1x128xi32, #tpu.memory_space<vmem>> -> memref<128xi32, #tpu.memory_space<vmem>>
        %dma_start3A_145 = arith.constant 0 : i32
        %dma_start3A_146 = arith.constant 0 : i32
        %dma_start3A_147 = tpu.memref_slice %arg5[%dma_start3A_145, %dma_start3A_146] : memref<100352x16xf32, #tpu.memory_space<vmem_shared>> -> memref<100352x16xf32, #tpu.memory_space<vmem_shared>>
        tpu.enqueue_indirect_dma source(%dma_start3A_141 : memref<128x16xf32, #tpu.memory_space<vmem>>) target(%dma_start3A_147 : memref<100352x16xf32, #tpu.memory_space<vmem_shared>>) offsets(%dma_start3A_144 : memref<128xi32, #tpu.memory_space<vmem>>) semaphore(%run_scoped3A_137 : memref<!tpu.dma_semaphore, #tpu.memory_space<semaphore_mem>>) {add = true}
        %dma_wait3A_148 = arith.constant 0 : i32
        %dma_wait3A_149 = arith.constant 0 : i32
        %dma_wait3A_150 = tpu.memref_slice %arg10[%run_scoped3A_135, %dma_wait3A_148, %dma_wait3A_149] : memref<8x128x16xf32, #tpu.memory_space<vmem>> -> memref<1x128x16xf32, #tpu.memory_space<vmem>>
        %dma_wait3A_151 = tpu.memref_squeeze %dma_wait3A_150 : memref<1x128x16xf32, #tpu.memory_space<vmem>> -> memref<128x16xf32, #tpu.memory_space<vmem>>
        %dma_wait3A_152 = arith.constant 0 : i32
        %dma_wait3A_153 = tpu.memref_slice %arg9[%run_scoped3A_136, %dma_wait3A_152] : memref<4x128xi32, #tpu.memory_space<vmem>> -> memref<1x128xi32, #tpu.memory_space<vmem>>
        %dma_wait3A_154 = tpu.memref_squeeze %dma_wait3A_153 : memref<1x128xi32, #tpu.memory_space<vmem>> -> memref<128xi32, #tpu.memory_space<vmem>>
        %dma_wait3A_155 = arith.constant 0 : i32
        %dma_wait3A_156 = arith.constant 0 : i32
        %dma_wait3A_157 = tpu.memref_slice %arg5[%dma_wait3A_155, %dma_wait3A_156] : memref<100352x16xf32, #tpu.memory_space<vmem_shared>> -> memref<100352x16xf32, #tpu.memory_space<vmem_shared>>
        tpu.wait_indirect_dma semaphore(%run_scoped3A_137 : memref<!tpu.dma_semaphore, #tpu.memory_space<semaphore_mem>>) src(%dma_wait3A_151 : memref<128x16xf32, #tpu.memory_space<vmem>>) dst(%dma_wait3A_157 : memref<100352x16xf32, #tpu.memory_space<vmem_shared>>)
        tpu.yield
      }) : () -> ()
    } else {
    }
    %barrier3A_33 = arith.constant 0 : index
    tpu.barrier barrier_id(%barrier3A_33)
    "tpu.region"() ({
      %run_scoped3A = tpu.sem_alloc : memref<!tpu.dma_semaphore, #tpu.memory_space<semaphore_mem>>
      %dma_start3A = arith.constant 0 : i32
      %dma_start3A_34 = tpu.memref_slice %arg4[%arg0, %mul3A_2, %dma_start3A] : memref<2x100352x16xf32, #tpu.memory_space<hbm>> -> memref<1x6272x16xf32, #tpu.memory_space<hbm>>
      %dma_start3A_35 = tpu.memref_squeeze %dma_start3A_34 : memref<1x6272x16xf32, #tpu.memory_space<hbm>> -> memref<6272x16xf32, #tpu.memory_space<hbm>>
      %dma_start3A_36 = arith.constant 0 : i32
      %dma_start3A_37 = tpu.memref_slice %arg5[%mul3A_2, %dma_start3A_36] : memref<100352x16xf32, #tpu.memory_space<vmem_shared>> -> memref<6272x16xf32, #tpu.memory_space<vmem_shared>>
      tpu.enqueue_dma source(%dma_start3A_37 : memref<6272x16xf32, #tpu.memory_space<vmem_shared>>) target(%dma_start3A_35 : memref<6272x16xf32, #tpu.memory_space<hbm>>) target_semaphore(%run_scoped3A : memref<!tpu.dma_semaphore, #tpu.memory_space<semaphore_mem>>)
      %dma_wait3A = arith.constant 0 : i32
      %dma_wait3A_38 = tpu.memref_slice %arg4[%arg0, %mul3A_2, %dma_wait3A] : memref<2x100352x16xf32, #tpu.memory_space<hbm>> -> memref<1x6272x16xf32, #tpu.memory_space<hbm>>
      %dma_wait3A_39 = tpu.memref_squeeze %dma_wait3A_38 : memref<1x6272x16xf32, #tpu.memory_space<hbm>> -> memref<6272x16xf32, #tpu.memory_space<hbm>>
      %dma_wait3A_40 = arith.constant 0 : i32
      %dma_wait3A_41 = tpu.memref_slice %arg5[%mul3A_2, %dma_wait3A_40] : memref<100352x16xf32, #tpu.memory_space<vmem_shared>> -> memref<6272x16xf32, #tpu.memory_space<vmem_shared>>
      tpu.wait_dma2 semaphore(%run_scoped3A : memref<!tpu.dma_semaphore, #tpu.memory_space<semaphore_mem>>) src(%dma_wait3A_41 : memref<6272x16xf32, #tpu.memory_space<vmem_shared>>) dst(%dma_wait3A_39 : memref<6272x16xf32, #tpu.memory_space<hbm>>)
      tpu.yield
    }) : () -> ()
    return
  }
}

module attributes {stable_mosaic.version = 14 : i64} {
  func.func @_tc2_body(%arg0: i32, %arg1: memref<2x256x128xf32, #tpu.memory_space<vmem>>, %arg2: memref<256x128xf32, #tpu.memory_space<vmem>>, %arg3: memref<256x128xf32, #tpu.memory_space<vmem>>, %arg4: memref<256x128xf32, #tpu.memory_space<vmem>>) attributes {dimension_semantics = [#tpu.dimension_semantics<arbitrary>], iteration_bounds = array<i64: 49>, scalar_prefetch = 0 : i64, scratch_operands = 0 : i64, tpu.core_type = #tpu.core_type<tc>, window_params = [{transform_indices = @transform_0, window_bounds = array<i64: 2, 256, 128>}, {transform_indices = @transform_1, window_bounds = array<i64: 256, 128>}, {transform_indices = @transform_2, window_bounds = array<i64: 256, 128>}, {transform_indices = @transform_3, window_bounds = array<i64: 256, 128>}]} {
    %get3A = arith.constant 0 : index
    %get3A_0 = arith.constant 0 : index
    %get3A_1 = arith.constant 0 : index
    %get3A_2 = vector.load %arg1[%get3A, %get3A_0, %get3A_1] : memref<2x256x128xf32, #tpu.memory_space<vmem>>, vector<1x256x128xf32>
    %get3A_3 = vector.shape_cast %get3A_2 : vector<1x256x128xf32> to vector<256x128xf32>
    %get3A_4 = arith.constant 1 : index
    %get3A_5 = arith.constant 0 : index
    %get3A_6 = arith.constant 0 : index
    %get3A_7 = vector.load %arg1[%get3A_4, %get3A_5, %get3A_6] : memref<2x256x128xf32, #tpu.memory_space<vmem>>, vector<1x256x128xf32>
    %get3A_8 = vector.shape_cast %get3A_7 : vector<1x256x128xf32> to vector<256x128xf32>
    %add3A = arith.addf %get3A_3, %get3A_8 : vector<256x128xf32>
    %get3A_9 = arith.constant 0 : index
    %get3A_10 = arith.constant 0 : index
    %get3A_11 = vector.load %arg2[%get3A_9, %get3A_10] : memref<256x128xf32, #tpu.memory_space<vmem>>, vector<256x128xf32>
    %mul3A = arith.mulf %add3A, %get3A_11 : vector<256x128xf32>
    %get3A_12 = arith.constant 0 : index
    %get3A_13 = arith.constant 0 : index
    %get3A_14 = vector.load %arg3[%get3A_12, %get3A_13] : memref<256x128xf32, #tpu.memory_space<vmem>>, vector<256x128xf32>
    %add3A_15 = arith.addf %mul3A, %get3A_14 : vector<256x128xf32>
    %swap3A = arith.constant 0 : index
    %swap3A_16 = arith.constant 0 : index
    %swap3A_17 = vector.load %arg4[%swap3A, %swap3A_16] : memref<256x128xf32, #tpu.memory_space<vmem>>, vector<256x128xf32>
    tpu.vector_store %arg4[%swap3A, %swap3A_16], %add3A_15 {strides = array<i32>} : memref<256x128xf32, #tpu.memory_space<vmem>>, vector<256x128xf32>,
    return
  }
  func.func @transform_0(%arg0: i32) -> (i32, i32, i32) {
    %c0_i32 = arith.constant 0 : i32
    %c0_i32_0 = arith.constant 0 : i32
    %c0_i32_1 = arith.constant 0 : i32
    return %c0_i32, %arg0, %c0_i32_0 : i32, i32, i32
  }
  func.func @transform_1(%arg0: i32) -> (i32, i32) {
    %c0_i32 = arith.constant 0 : i32
    %c0_i32_0 = arith.constant 0 : i32
    return %arg0, %c0_i32 : i32, i32
  }
  func.func @transform_2(%arg0: i32) -> (i32, i32) {
    %c0_i32 = arith.constant 0 : i32
    %c0_i32_0 = arith.constant 0 : i32
    return %arg0, %c0_i32 : i32, i32
  }
  func.func @transform_3(%arg0: i32) -> (i32, i32) {
    %c0_i32 = arith.constant 0 : i32
    %c0_i32_0 = arith.constant 0 : i32
    return %arg0, %c0_i32 : i32, i32
  }
}

module attributes {stable_mosaic.version = 14 : i64} {
  func.func @_tc1_body(%arg0: i32, %arg1: memref<2x256x128xf32, #tpu.memory_space<vmem>>, %arg2: memref<256x128xf32, #tpu.memory_space<vmem>>, %arg3: memref<256x128xf32, #tpu.memory_space<vmem>>, %arg4: memref<256x256xf32, #tpu.memory_space<vmem>>, %arg5: memref<1x256xf32, #tpu.memory_space<vmem>>, %arg6: memref<256x256xf32, #tpu.memory_space<vmem>>, %arg7: memref<1x128xf32, #tpu.memory_space<vmem>>, %arg8: memref<256x128xf32, #tpu.memory_space<vmem>>, %arg9: memref<256x128xf32, #tpu.memory_space<vmem>>) attributes {dimension_semantics = [#tpu.dimension_semantics<arbitrary>], iteration_bounds = array<i64: 49>, scalar_prefetch = 0 : i64, scratch_operands = 0 : i64, tpu.core_type = #tpu.core_type<tc>, window_params = [{transform_indices = @transform_0, window_bounds = array<i64: 2, 256, 128>}, {transform_indices = @transform_1, window_bounds = array<i64: 256, 128>}, {transform_indices = @transform_2, window_bounds = array<i64: 256, 128>}, {pipeline_mode = #tpu.pipeline_mode<synchronous>, transform_indices = @transform_3, window_bounds = array<i64: 256, 256>}, {pipeline_mode = #tpu.pipeline_mode<synchronous>, transform_indices = @transform_4, window_bounds = array<i64: 1, 256>}, {pipeline_mode = #tpu.pipeline_mode<synchronous>, transform_indices = @transform_5, window_bounds = array<i64: 256, 256>}, {pipeline_mode = #tpu.pipeline_mode<synchronous>, transform_indices = @transform_6, window_bounds = array<i64: 1, 128>}, {transform_indices = @transform_7, window_bounds = array<i64: 256, 128>}, {transform_indices = @transform_8, window_bounds = array<i64: 256, 128>}]} {
    %get3A = arith.constant 0 : index
    %get3A_0 = arith.constant 0 : index
    %get3A_1 = arith.constant 0 : index
    %get3A_2 = vector.load %arg1[%get3A, %get3A_0, %get3A_1] : memref<2x256x128xf32, #tpu.memory_space<vmem>>, vector<1x256x128xf32>
    %get3A_3 = vector.shape_cast %get3A_2 : vector<1x256x128xf32> to vector<256x128xf32>
    %get3A_4 = arith.constant 1 : index
    %get3A_5 = arith.constant 0 : index
    %get3A_6 = arith.constant 0 : index
    %get3A_7 = vector.load %arg1[%get3A_4, %get3A_5, %get3A_6] : memref<2x256x128xf32, #tpu.memory_space<vmem>>, vector<1x256x128xf32>
    %get3A_8 = vector.shape_cast %get3A_7 : vector<1x256x128xf32> to vector<256x128xf32>
    %add3A = arith.addf %get3A_3, %get3A_8 : vector<256x128xf32>
    %get3A_9 = arith.constant 0 : index
    %get3A_10 = arith.constant 0 : index
    %get3A_11 = vector.load %arg2[%get3A_9, %get3A_10] : memref<256x128xf32, #tpu.memory_space<vmem>>, vector<256x128xf32>
    %mul3A = arith.mulf %add3A, %get3A_11 : vector<256x128xf32>
    %get3A_12 = arith.constant 0 : index
    %get3A_13 = arith.constant 0 : index
    %get3A_14 = vector.load %arg3[%get3A_12, %get3A_13] : memref<256x128xf32, #tpu.memory_space<vmem>>, vector<256x128xf32>
    %concatenate3A = tpu.concatenate %mul3A, %get3A_14 in 1 : vector<256x128xf32>, vector<256x128xf32> -> vector<256x256xf32>
    %get3A_15 = arith.constant 0 : index
    %get3A_16 = arith.constant 0 : index
    %get3A_17 = vector.load %arg4[%get3A_15, %get3A_16] : memref<256x256xf32, #tpu.memory_space<vmem>>, vector<256x256xf32>
    %dot_general3A = arith.constant dense<0.000000e+00> : vector<256x256xf32>
    %dot_general3A_18 = tpu.matmul %concatenate3A, %get3A_17, %dot_general3A {dimension_numbers = #tpu.dot_dimension_numbers<[1], [0], [0], [1], [0, 0, 1, 1], [], []>, transpose_lhs_hint = false} : vector<256x256xf32>, vector<256x256xf32>, vector<256x256xf32> -> vector<256x256xf32>
    %get3A_19 = arith.constant 0 : index
    %get3A_20 = arith.constant 0 : index
    %get3A_21 = vector.load %arg5[%get3A_19, %get3A_20] : memref<1x256xf32, #tpu.memory_space<vmem>>, vector<1x256xf32>
    %add3A_22 = vector.broadcast %get3A_21 : vector<1x256xf32> to vector<256x256xf32>
    %add3A_23 = arith.addf %dot_general3A_18, %add3A_22 : vector<256x256xf32>
    %max3A = arith.constant 0.000000e+00 : f32
    %max3A_24 = vector.broadcast %max3A : f32 to vector<256x256xf32>
    %max3A_25 = arith.maximumf %add3A_23, %max3A_24 : vector<256x256xf32>
    %get3A_26 = arith.constant 0 : index
    %get3A_27 = arith.constant 0 : index
    %get3A_28 = vector.load %arg6[%get3A_26, %get3A_27] : memref<256x256xf32, #tpu.memory_space<vmem>>, vector<256x256xf32>
    %dot_general3A_29 = arith.constant dense<0.000000e+00> : vector<256x256xf32>
    %dot_general3A_30 = tpu.matmul %max3A_25, %get3A_28, %dot_general3A_29 {dimension_numbers = #tpu.dot_dimension_numbers<[1], [0], [0], [1], [0, 0, 1, 1], [], []>, transpose_lhs_hint = false} : vector<256x256xf32>, vector<256x256xf32>, vector<256x256xf32> -> vector<256x256xf32>
    %slice3A = vector.extract_strided_slice %dot_general3A_30 {offsets = [0, 0], sizes = [256, 128], strides = [1, 1]} : vector<256x256xf32> to vector<256x128xf32>
    %swap3A = arith.constant 0 : index
    %swap3A_31 = arith.constant 0 : index
    %swap3A_32 = vector.load %arg8[%swap3A, %swap3A_31] : memref<256x128xf32, #tpu.memory_space<vmem>>, vector<256x128xf32>
    tpu.vector_store %arg8[%swap3A, %swap3A_31], %slice3A {strides = array<i32>} : memref<256x128xf32, #tpu.memory_space<vmem>>, vector<256x128xf32>,
    %slice3A_33 = vector.extract_strided_slice %dot_general3A_30 {offsets = [0, 128], sizes = [256, 128], strides = [1, 1]} : vector<256x256xf32> to vector<256x128xf32>
    %get3A_34 = arith.constant 0 : index
    %get3A_35 = arith.constant 0 : index
    %get3A_36 = vector.load %arg7[%get3A_34, %get3A_35] : memref<1x128xf32, #tpu.memory_space<vmem>>, vector<1x128xf32>
    %add3A_37 = vector.broadcast %get3A_36 : vector<1x128xf32> to vector<256x128xf32>
    %add3A_38 = arith.addf %slice3A_33, %add3A_37 : vector<256x128xf32>
    %swap3A_39 = arith.constant 0 : index
    %swap3A_40 = arith.constant 0 : index
    %swap3A_41 = vector.load %arg9[%swap3A_39, %swap3A_40] : memref<256x128xf32, #tpu.memory_space<vmem>>, vector<256x128xf32>
    tpu.vector_store %arg9[%swap3A_39, %swap3A_40], %add3A_38 {strides = array<i32>} : memref<256x128xf32, #tpu.memory_space<vmem>>, vector<256x128xf32>,
    return
  }
  func.func @transform_0(%arg0: i32) -> (i32, i32, i32) {
    %c0_i32 = arith.constant 0 : i32
    %c0_i32_0 = arith.constant 0 : i32
    %c0_i32_1 = arith.constant 0 : i32
    return %c0_i32, %arg0, %c0_i32_0 : i32, i32, i32
  }
  func.func @transform_1(%arg0: i32) -> (i32, i32) {
    %c0_i32 = arith.constant 0 : i32
    %c0_i32_0 = arith.constant 0 : i32
    return %arg0, %c0_i32 : i32, i32
  }
  func.func @transform_2(%arg0: i32) -> (i32, i32) {
    %c0_i32 = arith.constant 0 : i32
    %c0_i32_0 = arith.constant 0 : i32
    return %arg0, %c0_i32 : i32, i32
  }
  func.func @transform_3(%arg0: i32) -> (i32, i32) {
    %c0_i32 = arith.constant 0 : i32
    %c0_i32_0 = arith.constant 0 : i32
    %c0_i32_1 = arith.constant 0 : i32
    return %c0_i32, %c0_i32_0 : i32, i32
  }
  func.func @transform_4(%arg0: i32) -> (i32, i32) {
    %c0_i32 = arith.constant 0 : i32
    %c0_i32_0 = arith.constant 0 : i32
    %c0_i32_1 = arith.constant 0 : i32
    return %c0_i32, %c0_i32_0 : i32, i32
  }
  func.func @transform_5(%arg0: i32) -> (i32, i32) {
    %c0_i32 = arith.constant 0 : i32
    %c0_i32_0 = arith.constant 0 : i32
    %c0_i32_1 = arith.constant 0 : i32
    return %c0_i32, %c0_i32_0 : i32, i32
  }
  func.func @transform_6(%arg0: i32) -> (i32, i32) {
    %c0_i32 = arith.constant 0 : i32
    %c0_i32_0 = arith.constant 0 : i32
    %c0_i32_1 = arith.constant 0 : i32
    return %c0_i32, %c0_i32_0 : i32, i32
  }
  func.func @transform_7(%arg0: i32) -> (i32, i32) {
    %c0_i32 = arith.constant 0 : i32
    %c0_i32_0 = arith.constant 0 : i32
    return %arg0, %c0_i32 : i32, i32
  }
  func.func @transform_8(%arg0: i32) -> (i32, i32) {
    %c0_i32 = arith.constant 0 : i32
    %c0_i32_0 = arith.constant 0 : i32
    return %arg0, %c0_i32 : i32, i32
  }
}

</mosaic_0001>

<sc_bundles>
// kernel: kernel.10.cloned.1.call-start
scs
__scs_entry_jumppad:
0x0: {  	(pc) =	sbr.rel $0x88, $3  }
0x1: {  	(tag) =	ssettag $0x0;
	lr =	simm.s32 $0x1  }
0x2: {  	[smem:$0x3F99] =	sst lr;
	_ =	strace $0xD0000000  }
0x3: {  	_ = 	snop  }
0x4: {  	_ = 	snop  }
0x5: {  	_ = 	snop  }
0x6: {  	_ = 	snop  }
0x7: {  	_ = 	snop  }
__scs_overlays_trampoline_lowered:
0x8: {  	[smem:$0x3FA8] =	sst s0  }
0x9: {  	[smem:$0x3FA9] =	sst s1  }
0xa: {  	[smem:$0x3FAA] =	sst s2  }
0xb: {  	[smem:$0x3FAB] =	sst s3  }
0xc: {  	[smem:$0x3FAC] =	sst s4  }
0xd: {  	[smem:$0x3FAD] =	sst s5  }
0xe: {  	[smem:$0x3FAE] =	sst s6  }
0xf: {  	[smem:$0x3FAF] =	sst s7  }
0x10: {  	[smem:$0x3FB0] =	sst s8  }
0x11: {  	[smem:$0x3FB1] =	sst s9;
	s0 =	simm.s32 @!p0 $0x0  }
0x12: {  	s1 =	sld [smem:$0x3F97];
	s0 =	simm.s32 @p0 $0x1  }
0x13: {  	[smem:$0x3FB2] =	sst s0;
	s0 =	simm.s32 @!p1 $0x0  }
0x14: {  	s2 =	sld [smem:$0x3F96];
	s0 =	simm.s32 @p1 $0x1  }
0x15: {  	[smem:$0x3FB3] =	sst s0;
	s0 =	simm.s32 @!p2 $0x0  }
0x16: {  	s3 =	sld [smem:$0x3FDB];
	s0 =	simm.s32 @p2 $0x1  }
0x17: {  	s4 =	simm.s32 $0x1BF5;
	[smem:$0x3FB5] =	sst s0  }
0x18: {  	s0 =	sld [smem:$0x3F98];
	_ =	swait.ge [sflag:s4], $0x0  }
0x19: {  	s7 =	sld [smem:$0x3F99]  }
0x1a: {  	s8 =	sadd.s32 $0xFFFFE003, lr  }
0x1b: {  	s9 =	sadd.s32 $0xFFFFFEF7, lr;
	s5 =	simm.s32 $0xFFFFFFFF;
	p2 =	slt.u32 s8, $0xFFFFF086  }
0x1c: {  	p1 =	slt.u32 s9, $0xF7A;
	s5 =	simm.s32 @!p2 $0x0  }
0x1d: {  	s5 =	simm.s32 @p1 $0x1;
	p0 =	seq.s32 s7, s2  }
0x1e: {  	s7 =	smul.u32 @!p0 $0xF7A, s2;
	p2 =	seq.s32 @!p0 s5, $0x0  }
0x1f: {  	s9 =	smul.u32 $0xF7A, s1;
	s8 =	simm.s32 @!p0 $0x1BF5;
	p2 =	por !p2, p0  }
0x20: {  	[sflag:s8] =	ssyncset.s32 @!p0 $0xFFFFF086;
	s6 =	sadd.s32 @!p0 s3, s7;
	s7 =	simm.s32 @!p0 $0x108  }
0x21: {  	s3 =	sadd.s32 s3, s9;
	s6 =	sadd.s32 @!p0 $0x88, s6;
	s7 =	simm.s32 @p2 $0x1082  }
0x22: {  	[simem:s7], [sflag:s8] =	dma.local @!p0 [hbm:s6], $0xF7A  }
0x23: {  	s9 =	sor.u32 $0xD0000000, s2;
	s6 =	simm.s32 $0x108;
	_ =	swait.ge @!p0 [sflag:s8], $0x0  }
0x24: {  	s3 =	sadd.s32 $0x88, s3;
	s6 =	simm.s32 @!p1 $0x1082;
	[sflag:s4] =	ssyncset.s32 $0xFFFFF086  }
0x25: {  	[simem:s6], [sflag:s4] =	dma.local [hbm:s3], $0xF7A  }
0x26: {  	[smem:$0x3F99] =	sst s1;
	(tag) =	ssettag s2;
	_ =	strace s9  }
0x27: {  	s1 =	sld [smem:$0x3FA9]  }
0x28: {  	s2 =	sld [smem:$0x3FAA]  }
0x29: {  	s4 =	sld [smem:$0x3FAC]  }
0x2a: {  	p0 =	seq.s32 s5, $0x0;
	s5 =	sld [smem:$0x3FAD]  }
0x2b: {  	s6 =	sld [smem:$0x3FAE]  }
0x2c: {  	s7 =	sld [smem:$0x3FAF]  }
0x2d: {  	s3 =	simm.s32 $0x108;
	s8 =	sld [smem:$0x3FB0]  }
0x2e: {  	s3 =	simm.s32 @!p0 $0x1082;
	s9 =	sld [smem:$0x3FB1]  }
0x2f: {  	lr =	sadd.s32 s0, s3;
	s0 =	sld [smem:$0x3FA8]  }
0x30: {  	s3 =	sld [smem:$0x3FAB]  }
0x31: {  	[smem:$0x3FB4] =	sst s10  }
0x32: {  	s10 =	sld [smem:$0x3FB2];
	_ =	sdelay $0x3  }
0x33: {  	p0 =	seq.s32 s10, $0x1;
	s10 =	sld [smem:$0x3FB4];
	_ =	sdelay $0x3  }
0x34: {  	[smem:$0x3FB4] =	sst s10  }
0x35: {  	s10 =	sld [smem:$0x3FB3];
	_ =	sdelay $0x3  }
0x36: {  	p1 =	seq.s32 s10, $0x1;
	s10 =	sld [smem:$0x3FB4];
	_ =	sdelay $0x3  }
0x37: {  	[smem:$0x3FB4] =	sst s10  }
0x38: {  	s10 =	sld [smem:$0x3FB5]  }
0x39: {  	_ = 	snop;
	(pc) =	sbr.ind lr, $3  }
0x3a: {  	_ = 	snop  }
0x3b: {  	_ = 	snop  }
0x3c: {  	p2 =	seq.s32 s10, $0x1;
	s10 =	sld [smem:$0x3FB4]  }
0x3d: {  	_ =	shalt  }
0x3e: {  	_ =	shalt  }
0x3f: {  	_ =	shalt  }
0x40: {  	_ =	shalt  }
0x41: {  	_ =	shalt  }
0x42: {  	_ =	shalt  }
0x43: {  	_ =	shalt  }
0x44: {  	_ =	shalt  }
0x45: {  	_ =	shalt  }
0x46: {  	_ =	shalt  }
0x47: {  	_ =	shalt  }
0x48: {  	_ =	shalt  }
0x49: {  	_ =	shalt  }
0x4a: {  	_ =	shalt  }
0x4b: {  	_ =	shalt  }
0x4c: {  	_ =	shalt  }
0x4d: {  	_ =	shalt  }
0x4e: {  	_ =	shalt  }
0x4f: {  	_ =	shalt  }
0x50: {  	_ =	shalt  }
0x51: {  	_ =	shalt  }
0x52: {  	_ =	shalt  }
0x53: {  	_ =	shalt  }
0x54: {  	_ =	shalt  }
0x55: {  	_ =	shalt  }
0x56: {  	_ =	shalt  }
0x57: {  	_ =	shalt  }
0x58: {  	_ =	shalt  }
0x59: {  	_ =	shalt  }
0x5a: {  	_ =	shalt  }
0x5b: {  	_ =	shalt  }
0x5c: {  	_ =	shalt  }
0x5d: {  	_ =	shalt  }
0x5e: {  	_ =	shalt  }
0x5f: {  	_ =	shalt  }
0x60: {  	_ =	shalt  }
0x61: {  	_ =	shalt  }
0x62: {  	_ =	shalt  }
0x63: {  	_ =	shalt  }
0x64: {  	_ =	shalt  }
0x65: {  	_ =	shalt  }
0x66: {  	_ =	shalt  }
0x67: {  	_ =	shalt  }
0x68: {  	_ =	shalt  }
0x69: {  	_ =	shalt  }
0x6a: {  	_ =	shalt  }
0x6b: {  	_ =	shalt  }
0x6c: {  	_ =	shalt  }
0x6d: {  	_ =	shalt  }
0x6e: {  	_ =	shalt  }
0x6f: {  	_ =	shalt  }
0x70: {  	_ =	shalt  }
0x71: {  	_ =	shalt  }
0x72: {  	_ =	shalt  }
0x73: {  	_ =	shalt  }
0x74: {  	_ =	shalt  }
0x75: {  	_ =	shalt  }
0x76: {  	_ =	shalt  }
0x77: {  	_ =	shalt  }
0x78: {  	_ =	shalt  }
0x79: {  	_ =	shalt  }
0x7a: {  	_ =	shalt  }
0x7b: {  	_ =	shalt  }
0x7c: {  	_ =	shalt  }
0x7d: {  	_ =	shalt  }
0x7e: {  	_ =	shalt  }
0x7f: {  	_ =	shalt  }
0x80: {  	_ =	shalt  }
0x81: {  	_ =	shalt  }
0x82: {  	_ =	shalt  }
0x83: {  	_ =	shalt  }
0x84: {  	_ =	shalt  }
0x85: {  	_ =	shalt  }
0x86: {  	_ =	shalt  }
0x87: {  	_ =	shalt  }
.Lfunc_end0:
.L_simem_size_0:
called_computation.1_lowered:
.L_overlay_start_0:
0x88: {  	s2 =	sld [smem:$0x3FD9]  }
0x89: {  	s3 =	sld [smem:$0x3FFE];
	_ =	sdelay $0x1  }
0x8a: {  	s1 =	srdreg.scid  }
0x8b: {  	s0 =	sand.u32 $0x1, s1  }
0x8c: {  	s16 =	sshll.u32 s0, $0xA;
	s2 =	sadd.s32 s3, s2  }
0x8d: {  	s2 =	sadd.s32 s2, s16  }
0x8e: {  	[smem:$0x3FC0] =	sst s2  }
0x8f: {  	_ = 	snop  }
0x90: {  	(tm) =	ssettm $0x1  }
0x91: {  	s17 =	sld [smem:$0x3FFB];
	_ =	sdelay $0x3  }
0x92: {  	_ =	strace s17  }
0x93: {  	s2 =	sld [smem:$0x3FFC];
	_ =	sdelay $0x3  }
0x94: {  	_ =	strace s2  }
0x95: {  	s2 =	sld [smem:$0x3FFD];
	_ =	sdelay $0x3  }
0x96: {  	_ =	strace s2  }
0x97: {  	_ =	strace $0x8FFFFFFF  }
0x98: {  	s18 =	sld [smem:$0x3FDB];
	_ =	sdelay $0x1  }
0x99: {  	s19 =	simm.s32 $_scs_section_size  }
0x9a: {  	s4 =	simm.s32 $_size__tile_overlayer_lowered;
	s5 =	simm.s32 $_tile_overlayer_lowered  }
0x9b: {  	s22 =	simm.s32 $0x1BFF;
	s21 =	sshll.u32 s5, $0x1;
	s2 =	sadd.s32 s19, s18  }
0x9c: {  	s6 =	simm.s32 $0x0;
	s20 =	sshll.u32 s4, $0x1;
	s4 =	sadd.s32 s21, s2  }
0x9d: {  	[timem:s6], [sflag:s22] =	dma.local [hbm:s4], s20  }
0x9e: {  	_ =	swait.ge [sflag:s22], s20  }
0x9f: {  	s3 =	ssub.s32 $0x0, s20;
	[sflag:s22] =	ssyncset.done $0x0  }
0xa0: {  	[sflag:s22] =	ssyncadd.s32 s3;
	_ =	sdelay $0x1  }
0xa1: {  	s23 =	simm.s32 $0x1B8B  }
0xa2: {  	_ =	swait.ge [sflag:s23], $0x1  }
0xa3: {  	[sflag:s23] =	ssyncset.done $0x0  }
0xa4: {  	s25 =	simm.s32 $0x1B8E;
	s24 =	sld [smem:$0x3FFE];
	[sflag:s23] =	ssyncadd.s32 $0xFFFFFFFF  }
0xa5: {  	s26 =	simm.s32 $execute0_lowered;
	[smem:$0x3FD2] =	sst s25  }
0xa6: {  	s4 =	sshll.u32 s26, $0x1;
	_ =	strace $0x80000049;
	[dreg:$0x1] =	wrdreg $0xFFFFFFFF  }
0xa7: {  	s28 =	simm.s32 $_size_execute0_lowered;
	s2 =	sadd.s32 s2, s4;
	[dreg:$0x0] =	wrdreg $0x0  }
0xa8: {  	s4 =	sshll.u32 s28, $0x1;
	[dreg:$0x2] =	wrdreg s2  }
0xa9: {  	[dreg:$0x3] =	wrdreg s4  }
0xaa: {  	[dreg:$0x4] =	wrdreg $0xC0  }
0xab: {  	_ =	task [dreg:s6], $0x5FFFF  }
0xac: {  	[dreg:$0x1] =	wrdreg $0xFFFFFFFF  }
0xad: {  	[dreg:$0x0] =	wrdreg $0x60  }
0xae: {  	[dreg:$0x2] =	wrdreg s24  }
0xaf: {  	[dreg:$0x3] =	wrdreg $0x9  }
0xb0: {  	_ =	task.clear_ibuf [dreg:s6], $0x4FFFF;
	_ =	strace $0x90000049  }
0xb1: {  	s29 =	simm.s32 $0x9;
	_ =	strace $0x8000004B  }
0xb2: {  	_ =	swait.ge [sflag:s29], $0x1  }
0xb3: {  	[sflag:s29] =	ssyncadd.s32 $0xFFFFFFFF  }
0xb4: {  	_ =	strace $0x9000004B  }
0xb5: {  	_ =	sfence  }
0xb6: {  	s30 =	sld [smem:$0x0];
	_ =	sdelay $0x2  }
0xb7: {  	s31 =	sshll.u32 s1, $0xD;
	s1 =	sshrl.u32 s1, $0x2  }
0xb8: {  	s3 =	sand.u32 $0x4000, s31;
	s1 =	sadd.s32 s1, s30  }
0xb9: {  	s0 =	sor.u32 s3, s0;
	s1 =	sshll.u32 s1, $0x11  }
0xba: {  	s0 =	sor.u32 s1, s0  }
0xbb: {  	s0 =	sadd.s32 $0x8F2B, s0  }
0xbc: {  	[sflag:s0] =	ssyncadd.remote.s32 $0x1  }
0xbd: {  	_ =	sfence.sel $0xFFFF  }
0xbe: {  	[dreg:$0x0] =	wrdreg $0xFFFFFFFF;
	(pc) =	sbr.abs _section_cstart, $3  }
0xbf: {  	[dreg:$0x1] =	wrdreg $0xFFFFFFFF  }
0xc0: {  	_ =	task.clear_ibuf [dreg:s6], $0x2FFFF;
	_ =	strace $0x9FFFFFFF  }
0xc1: {  	(tm) =	ssettm $0x7FFFFFFF  }
tec
execute0_lowered:
.L_overlay_start_1:
0x0: {  	(tag) =	ssettag $0x1  }
0x1: {  	s0 =	srdreg.scid  }
0x2: {  	s3 =	sand.u32 $0x1, s0  }
0x3: {  	s4 =	rddreg [dreg:$0x0];
	s0 =	stileid.u32;
	s1 =	sshll.u32 s3, $0x4  }
0x4: {  	s2 =	simm.s32 $0x0;
	s8 =	simm.s32 $0xC40;
	s5 =	sor.u32 s0, s1  }
0x5: {  	v0 =	vimm.s32 $0x0;
	s9 =	simm.s32 $0x1880;
	s10 =	simm.s32 $0x0;
	s6 =	smul.u32 $0xC40, s5  }
0x6: {  	v1 =	vimm.s32 $0x1;
	v2 =	vimm.s32 $0x2;
	v3 =	vimm.s32 $0x3;
	[smem:$0x7FF] =	sst s2;
	s3 =	ssub.s32 $0x2, s3;
	s5 =	smul.u32 $0x1880, s5  }
0x7: {  	v4 =	vimm.s32 $0x4;
	v5 =	vimm.s32 $0x5;
	v6 =	vimm.s32 $0x6;
	s1 =	rddreg [dreg:$0x1];
	_ =	strace $0x8000004A;
	s6 =	sshrl.u32 s6, $0x3  }
0x8: {  	v7 =	vimm.s32 $0x7;
	v8 =	vimm.s32 $0x8;
	v9 =	vimm.s32 $0x9;
	s31 =	sshrl.u32 s3, $0x1;
	s5 =	sadd.s32 s5, s4;
	s6 =	sadd.s32 s6, s4  }
0x9: {  	v10 =	vimm.s32 $0xA;
	v11 =	vimm.s32 $0xB;
	v12 =	vimm.s32 $0xC;
	s7 =	ssub.s32 s3, s31;
	s5 =	sadd.s32 $0x253200, s5;
	s3 =	sadd.s32 $0x1EB000, s6  }
0xa: {  	v13 =	vimm.s32 $0xD;
	v14 =	vimm.s32 $0xE;
	v15 =	vimm.s32 $0xF;
	s4 =	sadd.s32 $0x1EE100, s6;
	s6 =	smax.u32 s7, $0x1;
	s7 =	simm.s32 $0x1  }
.LBB2_1:
0xb: {  	[tilespmem:s2], [sflag:$0x1] =	stream.linear.gather [hbm4b:s3+s2], $0xC40, $0x38;
	[tilespmem:$0xDC80] =	vst v63  }
0xc: {  	_ =	swait.ge [sflag:s7], $0xC40  }
0xd: {  	[sflag:s7] =	ssyncset.done $0x0  }
0xe: {  	[sflag:s7] =	ssyncadd.s32 $0xFFFFF3C0  }
0xf: {  	[tilespmem:s8], [sflag:$0x1] =	stream.linear.gather [hbm4b:s4+s2], $0xC40, $0x38;
	[tilespmem:$0xDC80] =	vst v63  }
0x10: {  	_ =	swait.ge [sflag:s7], $0xC40  }
0x11: {  	[sflag:s7] =	ssyncset.done $0x0  }
0x12: {  	s11 =	simm.s32 $0x0;
	[sflag:s7] =	ssyncadd.s32 $0xFFFFF3C0  }
0x13: {  	v16 =	vld [tilespmem:s11+$0xC40]  }
0x14: {  	v17 =	vld [tilespmem:s11+$0x0];
	_ =	sdelay $0x4  }
0x15: {  	v16 =	vadd.f32 v16, v17;
	_ =	sdelay $0x1  }
0x16: {  	v16 =	vmax.f32 v16, $1.000000000e+00  }
0x17: {  	(erf) = vrcp.f32 v16;
	_ =	sdelay $0x8  }
0x18: {  	v16 =	vpop (erf)  }
0x19: {  	v17 =	vperm.xlane v16, v0  }
0x1a: {  	s11 =	simm.s32 $0x1900;
	v18 =	vperm.xlane v16, v1  }
0x1b: {  	v19 =	vperm.xlane v16, v2;
	[tilespmem:s11+$0xFFFFFF80] =	vst v17  }
0x1c: {  	v17 =	vperm.xlane v16, v3;
	[tilespmem:s11+$0xFFFFFF90] =	vst v18  }
0x1d: {  	v18 =	vperm.xlane v16, v4;
	[tilespmem:s11+$0xFFFFFFA0] =	vst v19  }
0x1e: {  	v19 =	vperm.xlane v16, v5;
	[tilespmem:s11+$0xFFFFFFB0] =	vst v17  }
0x1f: {  	v17 =	vperm.xlane v16, v6;
	[tilespmem:s11+$0xFFFFFFC0] =	vst v18  }
0x20: {  	v18 =	vperm.xlane v16, v7;
	[tilespmem:s11+$0xFFFFFFD0] =	vst v19  }
0x21: {  	v19 =	vperm.xlane v16, v8;
	[tilespmem:s11+$0xFFFFFFE0] =	vst v17  }
0x22: {  	v17 =	vperm.xlane v16, v9;
	[tilespmem:s11+$0xFFFFFFF0] =	vst v18  }
0x23: {  	v18 =	vperm.xlane v16, v10;
	[tilespmem:s11+$0x0] =	vst v19  }
0x24: {  	v19 =	vperm.xlane v16, v11;
	[tilespmem:s11+$0x10] =	vst v17  }
0x25: {  	v17 =	vperm.xlane v16, v12;
	[tilespmem:s11+$0x20] =	vst v18  }
0x26: {  	v18 =	vperm.xlane v16, v13;
	[tilespmem:s11+$0x30] =	vst v19  }
0x27: {  	v19 =	vperm.xlane v16, v14;
	[tilespmem:s11+$0x40] =	vst v17  }
0x28: {  	v16 =	vperm.xlane v16, v15;
	[tilespmem:s11+$0x50] =	vst v18  }
0x29: {  	[tilespmem:s11+$0x60] =	vst v19  }
0x2a: {  	s13 =	simm.s32 $0x10;
	[tilespmem:s11+$0x70] =	vst v16  }
0x2b: {  	s12 =	simm.s32 $0x80;
	v16 =	vld [tilespmem:s13+$0xC40]  }
.LBB2_2:
0x2c: {  	p0 =	sne.s32 s12, $0x30C0;
	v17 =	vld [tilespmem:s13+$0x0];
	_ =	sdelay $0x4  }
0x2d: {  	v16 =	vadd.f32 v16, v17;
	_ =	sdelay $0x1  }
0x2e: {  	v16 =	vmax.f32 v16, $1.000000000e+00  }
0x2f: {  	(erf) = vrcp.f32 v16;
	_ =	sdelay $0x8  }
0x30: {  	v16 =	vpop (erf)  }
0x31: {  	v17 =	vperm.xlane v16, v0;
	v18 =	vperm.xlane v16, v1  }
0x32: {  	s11 =	sadd.s32 $0x100, s11;
	v19 =	vperm.xlane v16, v2;
	v20 =	vperm.xlane v16, v3  }
0x33: {  	v21 =	vperm.xlane v16, v5;
	[tilespmem:s11+$0xFFFFFF80] =	vst v17;
	v17 =	vperm.xlane v16, v4  }
0x34: {  	v22 =	vperm.xlane v16, v7;
	[tilespmem:s11+$0xFFFFFF90] =	vst v18;
	v18 =	vperm.xlane v16, v6  }
0x35: {  	v23 =	vperm.xlane v16, v9;
	[tilespmem:s11+$0xFFFFFFA0] =	vst v19;
	v19 =	vperm.xlane v16, v8  }
0x36: {  	v24 =	vperm.xlane v16, v11;
	[tilespmem:s11+$0xFFFFFFB0] =	vst v20;
	v20 =	vperm.xlane v16, v10  }
0x37: {  	v25 =	vperm.xlane v16, v13;
	[tilespmem:s11+$0xFFFFFFC0] =	vst v17;
	v17 =	vperm.xlane v16, v12  }
0x38: {  	[tilespmem:s11+$0xFFFFFFD0] =	vst v21;
	v21 =	vperm.xlane v16, v14;
	v16 =	vperm.xlane v16, v15  }
0x39: {  	[tilespmem:s11+$0xFFFFFFE0] =	vst v18  }
0x3a: {  	[tilespmem:s11+$0xFFFFFFF0] =	vst v22  }
0x3b: {  	[tilespmem:s11+$0x0] =	vst v19  }
0x3c: {  	[tilespmem:s11+$0x10] =	vst v23  }
0x3d: {  	[tilespmem:s11+$0x20] =	vst v20  }
0x3e: {  	[tilespmem:s11+$0x30] =	vst v24  }
.Ltmp0:
0x3f: {  	[tilespmem:s11+$0x40] =	vst v17;
	(pc) =	sbr.rel @p0 .LBB2_2-.Ltmp0, $4  }
0x40: {  	[tilespmem:s11+$0x50] =	vst v25  }
0x41: {  	[tilespmem:s11+$0x60] =	vst v21  }
0x42: {  	s13 =	sshra.s32 s12, $0x2;
	[tilespmem:s11+$0x70] =	vst v16  }
0x43: {  	s12 =	sadd.s32 $0x40, s12;
	v16 =	vld [tilespmem:s13+$0xC40]  }
0x44: {  	v17 =	vld [tilespmem:s13+$0x0];
	_ =	sdelay $0x4  }
0x45: {  	v16 =	vadd.f32 v16, v17;
	_ =	sdelay $0x1  }
0x46: {  	v16 =	vmax.f32 v16, $1.000000000e+00  }
0x47: {  	(erf) = vrcp.f32 v16;
	_ =	sdelay $0x8  }
0x48: {  	v16 =	vpop (erf)  }
0x49: {  	v17 =	vperm.xlane v16, v0  }
0x4a: {  	s11 =	sadd.s32 $0x100, s11;
	v18 =	vperm.xlane v16, v1  }
0x4b: {  	v19 =	vperm.xlane v16, v2;
	[tilespmem:s11+$0xFFFFFF80] =	vst v17  }
0x4c: {  	v56 =	vperm.xlane v16, v4;
	[tilespmem:s11+$0xFFFFFF90] =	vst v18  }
0x4d: {  	v57 =	vperm.xlane v16, v5;
	[tilespmem:s11+$0xFFFFFFA0] =	vst v19  }
0x4e: {  	v58 =	vperm.xlane v16, v7;
	[tilespmem:s11+$0xFFFFFFC0] =	vst v56  }
0x4f: {  	v59 =	vperm.xlane v16, v8;
	[tilespmem:s11+$0xFFFFFFD0] =	vst v57  }
0x50: {  	v60 =	vperm.xlane v16, v10;
	[tilespmem:s11+$0xFFFFFFF0] =	vst v58  }
0x51: {  	v17 =	vperm.xlane v16, v3;
	[tilespmem:s11+$0x0] =	vst v59  }
0x52: {  	v61 =	vperm.xlane v16, v11;
	[tilespmem:s11+$0x20] =	vst v60  }
0x53: {  	[tilespmem:s11+$0xFFFFFFB0] =	vst v17;
	v17 =	vperm.xlane v16, v6  }
0x54: {  	v62 =	vperm.xlane v16, v13;
	[tilespmem:s11+$0x30] =	vst v61  }
0x55: {  	[tilespmem:s11+$0xFFFFFFE0] =	vst v17;
	v17 =	vperm.xlane v16, v9  }
0x56: {  	v63 =	vperm.xlane v16, v14;
	[tilespmem:s11+$0x50] =	vst v62  }
0x57: {  	[tilespmem:s11+$0x10] =	vst v17;
	v17 =	vperm.xlane v16, v12  }
0x58: {  	s10 =	sadd.s32 $0x1, s10;
	[tilespmem:s11+$0x60] =	vst v63;
	v16 =	vperm.xlane v16, v15  }
0x59: {  	p0 =	sne.s32 s10, s6;
	[tilespmem:s11+$0x40] =	vst v17  }
.Ltmp1:
0x5a: {  	[tilespmem:s11+$0x70] =	vst v16;
	(pc) =	sbr.rel @p0 .LBB2_1-.Ltmp1, $4  }
0x5b: {  	[hbm4b:s5+s2] =	stream.linear.scatter [tilespmem:s9], [sflag:$0x1], $0xC400, $0x38;
	[tilespmem:$0xDC80] =	vst v63  }
0x5c: {  	_ =	swait.ge [sflag:s7], $0xC400  }
0x5d: {  	[sflag:s7] =	ssyncset.done $0x0  }
0x5e: {  	[sflag:s7] =	ssyncadd.s32 $0xFFFF3C00  }
0x5f: {  	_ =	sfence.sel $0x180000  }
0x60: {  	[bflag:$0x0] =	sbarrier.arrive $0xFFFF  }
0x61: {  	p0 =	sne.s32 s0, $0x0;
	_ =	strace $0x9000004A  }
0x62: {  	s0 =	sadd.s32 @!p0 $0x100000, s1;
	[bflag:$0x2] =	sbarrier.arrive $0xFFFF  }
0x63: {  	[sflag:s0] =	ssyncadd.tile.s32 @!p0 $0x1;
	_ =	shalt  }
.Lfunc_end2:
_tile_overlayer_lowered:
.L_overlay_start_2:
0x64: {  	(tag) =	ssettag $0x2  }
0x65: {  	s0 =	rddreg [dreg:$0x0];
	s2 =	stileid.u32  }
0x66: {  	s1 =	rddreg [dreg:$0x1];
	p0 =	sne.s32 s2, $0x0  }
0x67: {  	s3 =	rddreg [dreg:$0x2];
	[bflag:$0x3] =	sbarrier.arrive $0xFFFF;
	s2 =	simm.s32 @!p0 $0x1C01  }
0x68: {  	[timem:s3], [sflag:s2] =	dma.local @!p0 [hbm:s0], s1  }
0x69: {  	s0 =	simm.s32 @!p0 $0x1  }
0x6a: {  	_ =	swait.ge @!p0 [sflag:s0], s1  }
0x6b: {  	s1 =	ssub.s32 @!p0 $0x0, s1;
	[sflag:s0] =	ssyncset.done @!p0 $0x0  }
0x6c: {  	[sflag:s0] =	ssyncadd.s32 @!p0 s1  }
0x6d: {  	[bflag:$0x3] =	sbarrier.arrive $0xFFFF  }
0x6e: {  	_ =	shalt  }

// kernel: kernel.13.cloned.1.call-start
scs
__scs_entry_jumppad:
0x0: {  	(pc) =	sbr.rel $0x88, $3  }
0x1: {  	(tag) =	ssettag $0x0;
	lr =	simm.s32 $0x1  }
0x2: {  	[smem:$0x3F99] =	sst lr;
	_ =	strace $0xD0000000  }
0x3: {  	_ = 	snop  }
0x4: {  	_ = 	snop  }
0x5: {  	_ = 	snop  }
0x6: {  	_ = 	snop  }
0x7: {  	_ = 	snop  }
__scs_overlays_trampoline_lowered:
0x8: {  	[smem:$0x3FA8] =	sst s0  }
0x9: {  	[smem:$0x3FA9] =	sst s1  }
0xa: {  	[smem:$0x3FAA] =	sst s2  }
0xb: {  	[smem:$0x3FAB] =	sst s3  }
0xc: {  	[smem:$0x3FAC] =	sst s4  }
0xd: {  	[smem:$0x3FAD] =	sst s5  }
0xe: {  	[smem:$0x3FAE] =	sst s6  }
0xf: {  	[smem:$0x3FAF] =	sst s7  }
0x10: {  	[smem:$0x3FB0] =	sst s8  }
0x11: {  	[smem:$0x3FB1] =	sst s9;
	s0 =	simm.s32 @!p0 $0x0  }
0x12: {  	s1 =	sld [smem:$0x3F97];
	s0 =	simm.s32 @p0 $0x1  }
0x13: {  	[smem:$0x3FB2] =	sst s0;
	s0 =	simm.s32 @!p1 $0x0  }
0x14: {  	s2 =	sld [smem:$0x3F96];
	s0 =	simm.s32 @p1 $0x1  }
0x15: {  	[smem:$0x3FB3] =	sst s0;
	s0 =	simm.s32 @!p2 $0x0  }
0x16: {  	s3 =	sld [smem:$0x3FDB];
	s0 =	simm.s32 @p2 $0x1  }
0x17: {  	s4 =	simm.s32 $0x1BF5;
	[smem:$0x3FB5] =	sst s0  }
0x18: {  	s0 =	sld [smem:$0x3F98];
	_ =	swait.ge [sflag:s4], $0x0  }
0x19: {  	s7 =	sld [smem:$0x3F99]  }
0x1a: {  	s8 =	sadd.s32 $0xFFFFE003, lr  }
0x1b: {  	s9 =	sadd.s32 $0xFFFFFEF7, lr;
	s5 =	simm.s32 $0xFFFFFFFF;
	p2 =	slt.u32 s8, $0xFFFFF086  }
0x1c: {  	p1 =	slt.u32 s9, $0xF7A;
	s5 =	simm.s32 @!p2 $0x0  }
0x1d: {  	s5 =	simm.s32 @p1 $0x1;
	p0 =	seq.s32 s7, s2  }
0x1e: {  	s7 =	smul.u32 @!p0 $0xF7A, s2;
	p2 =	seq.s32 @!p0 s5, $0x0  }
0x1f: {  	s9 =	smul.u32 $0xF7A, s1;
	s8 =	simm.s32 @!p0 $0x1BF5;
	p2 =	por !p2, p0  }
0x20: {  	[sflag:s8] =	ssyncset.s32 @!p0 $0xFFFFF086;
	s6 =	sadd.s32 @!p0 s3, s7;
	s7 =	simm.s32 @!p0 $0x108  }
0x21: {  	s3 =	sadd.s32 s3, s9;
	s6 =	sadd.s32 @!p0 $0x88, s6;
	s7 =	simm.s32 @p2 $0x1082  }
0x22: {  	[simem:s7], [sflag:s8] =	dma.local @!p0 [hbm:s6], $0xF7A  }
0x23: {  	s9 =	sor.u32 $0xD0000000, s2;
	s6 =	simm.s32 $0x108;
	_ =	swait.ge @!p0 [sflag:s8], $0x0  }
0x24: {  	s3 =	sadd.s32 $0x88, s3;
	s6 =	simm.s32 @!p1 $0x1082;
	[sflag:s4] =	ssyncset.s32 $0xFFFFF086  }
0x25: {  	[simem:s6], [sflag:s4] =	dma.local [hbm:s3], $0xF7A  }
0x26: {  	[smem:$0x3F99] =	sst s1;
	(tag) =	ssettag s2;
	_ =	strace s9  }
0x27: {  	s1 =	sld [smem:$0x3FA9]  }
0x28: {  	s2 =	sld [smem:$0x3FAA]  }
0x29: {  	s4 =	sld [smem:$0x3FAC]  }
0x2a: {  	p0 =	seq.s32 s5, $0x0;
	s5 =	sld [smem:$0x3FAD]  }
0x2b: {  	s6 =	sld [smem:$0x3FAE]  }
0x2c: {  	s7 =	sld [smem:$0x3FAF]  }
0x2d: {  	s3 =	simm.s32 $0x108;
	s8 =	sld [smem:$0x3FB0]  }
0x2e: {  	s3 =	simm.s32 @!p0 $0x1082;
	s9 =	sld [smem:$0x3FB1]  }
0x2f: {  	lr =	sadd.s32 s0, s3;
	s0 =	sld [smem:$0x3FA8]  }
0x30: {  	s3 =	sld [smem:$0x3FAB]  }
0x31: {  	[smem:$0x3FB4] =	sst s10  }
0x32: {  	s10 =	sld [smem:$0x3FB2];
	_ =	sdelay $0x3  }
0x33: {  	p0 =	seq.s32 s10, $0x1;
	s10 =	sld [smem:$0x3FB4];
	_ =	sdelay $0x3  }
0x34: {  	[smem:$0x3FB4] =	sst s10  }
0x35: {  	s10 =	sld [smem:$0x3FB3];
	_ =	sdelay $0x3  }
0x36: {  	p1 =	seq.s32 s10, $0x1;
	s10 =	sld [smem:$0x3FB4];
	_ =	sdelay $0x3  }
0x37: {  	[smem:$0x3FB4] =	sst s10  }
0x38: {  	s10 =	sld [smem:$0x3FB5]  }
0x39: {  	_ = 	snop;
	(pc) =	sbr.ind lr, $3  }
0x3a: {  	_ = 	snop  }
0x3b: {  	_ = 	snop  }
0x3c: {  	p2 =	seq.s32 s10, $0x1;
	s10 =	sld [smem:$0x3FB4]  }
0x3d: {  	_ =	shalt  }
0x3e: {  	_ =	shalt  }
0x3f: {  	_ =	shalt  }
0x40: {  	_ =	shalt  }
0x41: {  	_ =	shalt  }
0x42: {  	_ =	shalt  }
0x43: {  	_ =	shalt  }
0x44: {  	_ =	shalt  }
0x45: {  	_ =	shalt  }
0x46: {  	_ =	shalt  }
0x47: {  	_ =	shalt  }
0x48: {  	_ =	shalt  }
0x49: {  	_ =	shalt  }
0x4a: {  	_ =	shalt  }
0x4b: {  	_ =	shalt  }
0x4c: {  	_ =	shalt  }
0x4d: {  	_ =	shalt  }
0x4e: {  	_ =	shalt  }
0x4f: {  	_ =	shalt  }
0x50: {  	_ =	shalt  }
0x51: {  	_ =	shalt  }
0x52: {  	_ =	shalt  }
0x53: {  	_ =	shalt  }
0x54: {  	_ =	shalt  }
0x55: {  	_ =	shalt  }
0x56: {  	_ =	shalt  }
0x57: {  	_ =	shalt  }
0x58: {  	_ =	shalt  }
0x59: {  	_ =	shalt  }
0x5a: {  	_ =	shalt  }
0x5b: {  	_ =	shalt  }
0x5c: {  	_ =	shalt  }
0x5d: {  	_ =	shalt  }
0x5e: {  	_ =	shalt  }
0x5f: {  	_ =	shalt  }
0x60: {  	_ =	shalt  }
0x61: {  	_ =	shalt  }
0x62: {  	_ =	shalt  }
0x63: {  	_ =	shalt  }
0x64: {  	_ =	shalt  }
0x65: {  	_ =	shalt  }
0x66: {  	_ =	shalt  }
0x67: {  	_ =	shalt  }
0x68: {  	_ =	shalt  }
0x69: {  	_ =	shalt  }
0x6a: {  	_ =	shalt  }
0x6b: {  	_ =	shalt  }
0x6c: {  	_ =	shalt  }
0x6d: {  	_ =	shalt  }
0x6e: {  	_ =	shalt  }
0x6f: {  	_ =	shalt  }
0x70: {  	_ =	shalt  }
0x71: {  	_ =	shalt  }
0x72: {  	_ =	shalt  }
0x73: {  	_ =	shalt  }
0x74: {  	_ =	shalt  }
0x75: {  	_ =	shalt  }
0x76: {  	_ =	shalt  }
0x77: {  	_ =	shalt  }
0x78: {  	_ =	shalt  }
0x79: {  	_ =	shalt  }
0x7a: {  	_ =	shalt  }
0x7b: {  	_ =	shalt  }
0x7c: {  	_ =	shalt  }
0x7d: {  	_ =	shalt  }
0x7e: {  	_ =	shalt  }
0x7f: {  	_ =	shalt  }
0x80: {  	_ =	shalt  }
0x81: {  	_ =	shalt  }
0x82: {  	_ =	shalt  }
0x83: {  	_ =	shalt  }
0x84: {  	_ =	shalt  }
0x85: {  	_ =	shalt  }
0x86: {  	_ =	shalt  }
0x87: {  	_ =	shalt  }
.Lfunc_end0:
.L_simem_size_0:
called_computation.2_lowered:
.L_overlay_start_0:
0x88: {  	s2 =	sld [smem:$0x3FD9]  }
0x89: {  	s3 =	sld [smem:$0x3FFE];
	_ =	sdelay $0x1  }
0x8a: {  	s1 =	srdreg.scid  }
0x8b: {  	s0 =	sand.u32 $0x1, s1  }
0x8c: {  	s16 =	sshll.u32 s0, $0xA;
	s2 =	sadd.s32 s3, s2  }
0x8d: {  	s2 =	sadd.s32 s2, s16  }
0x8e: {  	[smem:$0x3FC0] =	sst s2  }
0x8f: {  	_ = 	snop  }
0x90: {  	(tm) =	ssettm $0x1  }
0x91: {  	s17 =	sld [smem:$0x3FFB];
	_ =	sdelay $0x3  }
0x92: {  	_ =	strace s17  }
0x93: {  	s2 =	sld [smem:$0x3FFC];
	_ =	sdelay $0x3  }
0x94: {  	_ =	strace s2  }
0x95: {  	s2 =	sld [smem:$0x3FFD];
	_ =	sdelay $0x3  }
0x96: {  	_ =	strace s2  }
0x97: {  	_ =	strace $0x8FFFFFFF  }
0x98: {  	s18 =	sld [smem:$0x3FDB];
	_ =	sdelay $0x1  }
0x99: {  	s19 =	simm.s32 $_scs_section_size  }
0x9a: {  	s4 =	simm.s32 $_size__tile_overlayer_lowered;
	s5 =	simm.s32 $_tile_overlayer_lowered  }
0x9b: {  	s22 =	simm.s32 $0x1BFF;
	s21 =	sshll.u32 s5, $0x1;
	s2 =	sadd.s32 s19, s18  }
0x9c: {  	s6 =	simm.s32 $0x0;
	s20 =	sshll.u32 s4, $0x1;
	s4 =	sadd.s32 s21, s2  }
0x9d: {  	[timem:s6], [sflag:s22] =	dma.local [hbm:s4], s20  }
0x9e: {  	_ =	swait.ge [sflag:s22], s20  }
0x9f: {  	s3 =	ssub.s32 $0x0, s20;
	[sflag:s22] =	ssyncset.done $0x0  }
0xa0: {  	[sflag:s22] =	ssyncadd.s32 s3;
	_ =	sdelay $0x1  }
0xa1: {  	s23 =	simm.s32 $0x1B8B  }
0xa2: {  	_ =	swait.ge [sflag:s23], $0x1  }
0xa3: {  	[sflag:s23] =	ssyncset.done $0x0  }
0xa4: {  	s25 =	simm.s32 $0x1B8E;
	s24 =	sld [smem:$0x3FFE];
	[sflag:s23] =	ssyncadd.s32 $0xFFFFFFFF  }
0xa5: {  	s26 =	simm.s32 $execute0_lowered;
	[smem:$0x3FD2] =	sst s25  }
0xa6: {  	s4 =	sshll.u32 s26, $0x1;
	_ =	strace $0x8000004C;
	[dreg:$0x1] =	wrdreg $0xFFFFFFFF  }
0xa7: {  	s28 =	simm.s32 $_size_execute0_lowered;
	s2 =	sadd.s32 s2, s4;
	[dreg:$0x0] =	wrdreg $0x0  }
0xa8: {  	s4 =	sshll.u32 s28, $0x1;
	[dreg:$0x2] =	wrdreg s2  }
0xa9: {  	[dreg:$0x3] =	wrdreg s4  }
0xaa: {  	[dreg:$0x4] =	wrdreg $0xC0  }
0xab: {  	_ =	task [dreg:s6], $0x5FFFF  }
0xac: {  	[dreg:$0x1] =	wrdreg $0xFFFFFFFF  }
0xad: {  	[dreg:$0x0] =	wrdreg $0x60  }
0xae: {  	[dreg:$0x2] =	wrdreg s24  }
0xaf: {  	[dreg:$0x3] =	wrdreg $0x0  }
0xb0: {  	[dreg:$0x4] =	wrdreg $0x9  }
0xb1: {  	_ =	task.clear_ibuf [dreg:s6], $0x5FFFF;
	_ =	strace $0x9000004C  }
0xb2: {  	s29 =	simm.s32 $0x9;
	_ =	strace $0x8000004E  }
0xb3: {  	_ =	swait.ge [sflag:s29], $0x1  }
0xb4: {  	[sflag:s29] =	ssyncadd.s32 $0xFFFFFFFF  }
0xb5: {  	_ =	strace $0x9000004E  }
0xb6: {  	_ =	sfence  }
0xb7: {  	s30 =	sld [smem:$0x0];
	_ =	sdelay $0x2  }
0xb8: {  	s31 =	sshll.u32 s1, $0xD;
	s1 =	sshrl.u32 s1, $0x2  }
0xb9: {  	s3 =	sand.u32 $0x4000, s31;
	s1 =	sadd.s32 s1, s30  }
0xba: {  	s0 =	sor.u32 s3, s0;
	s1 =	sshll.u32 s1, $0x11  }
0xbb: {  	s0 =	sor.u32 s1, s0  }
0xbc: {  	s0 =	sadd.s32 $0x8F2B, s0  }
0xbd: {  	[sflag:s0] =	ssyncadd.remote.s32 $0x1  }
0xbe: {  	_ =	sfence.sel $0xFFFF  }
0xbf: {  	[dreg:$0x0] =	wrdreg $0xFFFFFFFF;
	(pc) =	sbr.abs _section_cstart, $3  }
0xc0: {  	[dreg:$0x1] =	wrdreg $0xFFFFFFFF  }
0xc1: {  	_ =	task.clear_ibuf [dreg:s6], $0x2FFFF;
	_ =	strace $0x9FFFFFFF  }
0xc2: {  	(tm) =	ssettm $0x7FFFFFFF  }
0xc3: {  	_ =	shalt  }
tec
execute0_lowered:
.L_overlay_start_1:
0x0: {  	(tag) =	ssettag $0x1  }
0x1: {  	s0 =	rddreg [dreg:$0x0];
	s1 =	srdreg.scid  }
0x2: {  	s2 =	rddreg [dreg:$0x1];
	s11 =	stileid.u32  }
0x3: {  	s3 =	simm.s32 $0x0;
	s12 =	simm.s32 $0x31;
	s14 =	simm.s32 $0x1  }
0x4: {  	s15 =	simm.s32 $0x18800;
	s16 =	simm.s32 $0x18C00;
	s20 =	simm.s32 $0x18880  }
0x5: {  	s21 =	simm.s32 $0x18900;
	s22 =	simm.s32 $0x18980;
	s23 =	simm.s32 $0x18A00  }
0x6: {  	s24 =	simm.s32 $0x18A80;
	s25 =	simm.s32 $0x18B00;
	s28 =	simm.s32 $0x18B80  }
0x7: {  	s29 =	simm.s32 $0x1CC00;
	[smem:$0x7FF] =	sst s3;
	s26 =	sadd.s32 $0x33700, s0  }
0x8: {  	s30 =	simm.s32 $0x18C80;
	_ =	strace $0x8000004D;
	[dreg:$0xa] =	wrdreg s26  }
0x9: {  	s31 =	simm.s32 $0x18D00;
	s1 =	sand.u32 $0x1, s1;
	[dreg:$0x3] =	wrdreg s20  }
0xa: {  	s5 =	smul.u32 $0x18800, s11;
	s6 =	sadd.s32 $0x2A00, s0;
	[dreg:$0x4] =	wrdreg s21  }
0xb: {  	s4 =	smul.u32 $0x188000, s1;
	s8 =	sshll.u32 s1, $0x4;
	[dreg:$0x5] =	wrdreg s22  }
0xc: {  	s9 =	ssub.s32 $0x2, s1;
	s1 =	sshll.u32 s1, $0xE;
	[dreg:$0x6] =	wrdreg s23  }
0xd: {  	s20 =	simm.s32 $0x19C00;
	s21 =	simm.s32 $0x1A400;
	[dreg:$0x7] =	wrdreg s24  }
0xe: {  	s22 =	simm.s32 $0x1AC00;
	[dreg:$0x8] =	wrdreg s25;
	s23 =	simm.s32 $0x1B400  }
0xf: {  	s24 =	simm.s32 $0x1BC00;
	s8 =	sor.u32 s11, s8;
	s10 =	sshrl.u32 s9, $0x1  }
0x10: {  	s13 =	sadd.s32 s5, s2;
	s7 =	sadd.s32 s5, s4;
	s4 =	sadd.s32 $0x64600, s0  }
0x11: {  	p0 =	slt.u32 s8, $0x1A;
	s9 =	ssub.s32 s9, s10;
	s10 =	sshll.u32 s11, $0xA  }
0x12: {  	s26 =	sshrl.u32 s13, $0x3;
	s13 =	simm.s32 $0x0;
	s7 =	sshrl.u32 s7, $0x3  }
0x13: {  	s12 =	simm.s32 @!p0 $0x30;
	s17 =	smax.u32 s9, $0x1;
	p0 =	sne.s32 s8, $0x1F  }
0x14: {  	[dreg:$0x10] =	wrdreg s26;
	s26 =	simm.s32 $0x1C400;
	s8 =	simm.s32 $0x18F80  }
0x15: {  	s9 =	simm.s32 $0x3;
	s7 =	sadd.s32 s7, s0;
	[dreg:$0x9] =	wrdreg s12  }
0x16: {  	s0 =	sadd.s32 $0x64440, s0;
	s12 =	smul.u32 $0x62000, s11;
	[dreg:$0xd] =	wrdreg s17  }
0x17: {  	s17 =	simm.s32 $0x2;
	[dreg:$0xb] =	wrdreg s0;
	s7 =	sadd.s32 $0x95600, s7  }
0x18: {  	s0 =	sor.u32 s10, s1;
	s1 =	simm.s32 $0x18E00;
	[dreg:$0xc] =	wrdreg s7  }
0x19: {  	s18 =	sadd.s32 $0x186A00, s0;
	s7 =	sshrl.u32 s12, $0x2;
	s0 =	sshrl.u32 s0, $0x3  }
0x1a: {  	s12 =	simm.s32 $0x1D400;
	s5 =	sshrl.u32 s18, $0x3;
	s10 =	sadd.s32 s7, s2  }
0x1b: {  	s0 =	sadd.s32 s0, s6;
	s18 =	simm.s32 $0x80;
	s7 =	simm.s32 $0x18F00  }
0x1c: {  	[dreg:$0xe] =	wrdreg s0;
	s19 =	sadd.s32 s5, s6;
	s0 =	simm.s32 $0x18D80  }
0x1d: {  	v0 =	vimm.f32 $0.0e+00;
	s6 =	simm.s32 $0x18E80;
	[dreg:$0xf] =	wrdreg s19;
	s19 =	simm.s32 $0x19400  }
.LBB2_1:
0x1e: {  	s5 =	simm.s32 $0x0  }
.LBB2_2:
0x1f: {  	p1 =	sne.s32 s5, $0x1840  }
.Ltmp0:
0x20: {  	_ = 	snop;
	(pc) =	sbr.rel @p1 .LBB2_2-.Ltmp0, $3  }
0x21: {  	_ =	sdelay $0x1  }
0x22: {  	s11 =	sshra.s32 s5, $0x2  }
0x23: {  	s5 =	sadd.s32 $0x40, s5;
	[tilespmem:s11+$0x1D400] =	vst v0  }
0x24: {  	s5 =	simm.s32 $0x0  }
.LBB2_4:
0x25: {  	p1 =	sne.s32 s5, $0x60780  }
.Ltmp1:
0x26: {  	_ = 	snop;
	(pc) =	sbr.rel @p1 .LBB2_4-.Ltmp1, $4  }
0x27: {  	_ = 	snop  }
0x28: {  	s11 =	sshra.s32 s5, $0x2  }
0x29: {  	s5 =	sadd.s32 $0x1880, s5;
	s11 =	sadd.s32 s11, s10  }
0x2a: {  	[spmem:s11] =	stream.linear.scatter [tilespmem:s12], [sflag:$0x1], $0x620, $0x38;
	[tilespmem:$0x1DA20] =	vst v63  }
0x2b: {  	[dreg:$0x11] =	wrdreg s13  }
0x2c: {  	_ =	swait.ge [sflag:s14], $0x620  }
0x2d: {  	s5 =	simm.s32 $0x3F;
	[sflag:s14] =	ssyncset.done $0x0  }
.LBB2_6:
0x2e: {  	p1 =	sne.s32 s5, $0x1;
	s5 =	sadd.s32 $0xFFFFFFFF, s5;
	[sflag:s14] =	ssyncadd.s32 $0xFFFFF9E0  }
.Ltmp2:
0x2f: {  	(pc) =	sbr.rel @p1 .LBB2_6-.Ltmp2, $3  }
0x30: {  	_ =	sdelay $0x1  }
0x31: {  	_ =	swait.ge [sflag:s14], $0x620  }
0x32: {  	[sflag:s14] =	ssyncset.done $0x0  }
0x33: {  	[sflag:s14] =	ssyncadd.s32 $0xFFFFF9E0  }
0x34: {  	[bflag:$0x0] =	sbarrier.arrive $0xFFFF  }
0x35: {  	s12 =	rddreg [dreg:$0xe]  }
0x36: {  	[tilespmem:s15], [sflag:$0x1] =	stream.linear.gather [hbm4b:s12+s3], $0x400, $0x38;
	[tilespmem:$0x1DA20] =	vst v63  }
0x37: {  	s13 =	rddreg [dreg:$0xf]  }
0x38: {  	[tilespmem:s16], [sflag:$0x2] =	stream.linear.gather [hbm4b:s13+s3], $0x400, $0x38;
	[tilespmem:$0x1DA20] =	vst v63  }
0x39: {  	_ =	swait.ge [sflag:s14], $0x400  }
0x3a: {  	[sflag:s14] =	ssyncset.done $0x0  }
0x3b: {  	[sflag:s14] =	ssyncadd.s32 $0xFFFFFC00  }
0x3c: {  	_ =	swait.ge [sflag:s17], $0x400  }
0x3d: {  	[sflag:s17] =	ssyncset.done $0x0  }
0x3e: {  	[sflag:s17] =	ssyncadd.s32 $0xFFFFFC00  }
0x3f: {  	[tilespmem:s19], [sflag:$0x1] =	stream.indirect.gather [hbm4b:s4+s18], $0x10, s15, s18, $0xb8;
	[tilespmem:$0x1DA20] =	vst v63  }
0x40: {  	s5 =	rddreg [dreg:$0x3]  }
0x41: {  	[tilespmem:s20], [sflag:$0x1] =	stream.indirect.gather [hbm4b:s4+s18], $0x10, s5, s18, $0xb8;
	[tilespmem:$0x1DA20] =	vst v63  }
0x42: {  	s11 =	rddreg [dreg:$0x4]  }
0x43: {  	[tilespmem:s21], [sflag:$0x1] =	stream.indirect.gather [hbm4b:s4+s18], $0x10, s11, s18, $0xb8;
	[tilespmem:$0x1DA20] =	vst v63  }
0x44: {  	s5 =	rddreg [dreg:$0x5]  }
0x45: {  	[tilespmem:s22], [sflag:$0x1] =	stream.indirect.gather [hbm4b:s4+s18], $0x10, s5, s18, $0xb8;
	[tilespmem:$0x1DA20] =	vst v63  }
0x46: {  	s25 =	rddreg [dreg:$0x6]  }
0x47: {  	[tilespmem:s23], [sflag:$0x2] =	stream.indirect.gather [hbm4b:s4+s18], $0x10, s25, s18, $0xb8;
	[tilespmem:$0x1DA20] =	vst v63  }
0x48: {  	s5 =	rddreg [dreg:$0x7]  }
0x49: {  	[tilespmem:s24], [sflag:$0x2] =	stream.indirect.gather [hbm4b:s4+s18], $0x10, s5, s18, $0xb8;
	[tilespmem:$0x1DA20] =	vst v63  }
0x4a: {  	s25 =	rddreg [dreg:$0x8]  }
0x4b: {  	[tilespmem:s26], [sflag:$0x2] =	stream.indirect.gather [hbm4b:s4+s18], $0x10, s25, s18, $0xb8;
	[tilespmem:$0x1DA20] =	vst v63  }
0x4c: {  	_ = 	snop  }
0x4d: {  	[tilespmem:s29], [sflag:$0x2] =	stream.indirect.gather [hbm4b:s4+s18], $0x10, s28, s18, $0xb8;
	[tilespmem:$0x1DA20] =	vst v63  }
0x4e: {  	_ =	swait.ge [sflag:s14], $0x800  }
0x4f: {  	[sflag:s14] =	ssyncset.done $0x0  }
0x50: {  	[sflag:s14] =	ssyncadd.s32 $0xFFFFF800  }
0x51: {  	_ =	swait.ge [sflag:s14], $0x800  }
0x52: {  	[sflag:s14] =	ssyncset.done $0x0  }
0x53: {  	[sflag:s14] =	ssyncadd.s32 $0xFFFFF800  }
0x54: {  	_ =	swait.ge [sflag:s14], $0x800  }
0x55: {  	[sflag:s14] =	ssyncset.done $0x0  }
0x56: {  	[sflag:s14] =	ssyncadd.s32 $0xFFFFF800  }
0x57: {  	_ =	swait.ge [sflag:s14], $0x800  }
0x58: {  	[sflag:s14] =	ssyncset.done $0x0  }
0x59: {  	[sflag:s14] =	ssyncadd.s32 $0xFFFFF800  }
0x5a: {  	[spmem:s2] =	stream.indirect.scatter.add.f32 [tilespmem:s19], [sflag:$0x3], $0x10, s16, s18, $0xb8;
	[tilespmem:$0x1DA20] =	vst v63  }
0x5b: {  	_ = 	snop  }
0x5c: {  	[spmem:s2] =	stream.indirect.scatter.add.f32 [tilespmem:s20], [sflag:$0x3], $0x10, s30, s18, $0xb8;
	[tilespmem:$0x1DA20] =	vst v63  }
0x5d: {  	_ = 	snop  }
0x5e: {  	[spmem:s2] =	stream.indirect.scatter.add.f32 [tilespmem:s21], [sflag:$0x3], $0x10, s31, s18, $0xb8;
	[tilespmem:$0x1DA20] =	vst v63  }
0x5f: {  	_ = 	snop  }
0x60: {  	[spmem:s2] =	stream.indirect.scatter.add.f32 [tilespmem:s22], [sflag:$0x3], $0x10, s0, s18, $0xb8;
	[tilespmem:$0x1DA20] =	vst v63  }
0x61: {  	_ =	swait.ge [sflag:s17], $0x800  }
0x62: {  	[sflag:s17] =	ssyncset.done $0x0  }
0x63: {  	[sflag:s17] =	ssyncadd.s32 $0xFFFFF800  }
0x64: {  	_ =	swait.ge [sflag:s17], $0x800  }
0x65: {  	[sflag:s17] =	ssyncset.done $0x0  }
0x66: {  	[sflag:s17] =	ssyncadd.s32 $0xFFFFF800  }
0x67: {  	_ =	swait.ge [sflag:s17], $0x800  }
0x68: {  	[sflag:s17] =	ssyncset.done $0x0  }
0x69: {  	[sflag:s17] =	ssyncadd.s32 $0xFFFFF800  }
0x6a: {  	_ =	swait.ge [sflag:s17], $0x800  }
0x6b: {  	[sflag:s17] =	ssyncset.done $0x0  }
0x6c: {  	[sflag:s17] =	ssyncadd.s32 $0xFFFFF800  }
0x6d: {  	[spmem:s2] =	stream.indirect.scatter.add.f32 [tilespmem:s23], [sflag:$0x3], $0x10, s1, s18, $0xb8;
	[tilespmem:$0x1DA20] =	vst v63  }
0x6e: {  	_ = 	snop  }
0x6f: {  	[spmem:s2] =	stream.indirect.scatter.add.f32 [tilespmem:s24], [sflag:$0x3], $0x10, s6, s18, $0xb8;
	[tilespmem:$0x1DA20] =	vst v63  }
0x70: {  	_ = 	snop  }
0x71: {  	[spmem:s2] =	stream.indirect.scatter.add.f32 [tilespmem:s26], [sflag:$0x3], $0x10, s7, s18, $0xb8;
	[tilespmem:$0x1DA20] =	vst v63  }
0x72: {  	_ = 	snop  }
0x73: {  	[spmem:s2] =	stream.indirect.scatter.add.f32 [tilespmem:s29], [sflag:$0x3], $0x10, s8, s18, $0xb8;
	[tilespmem:$0x1DA20] =	vst v63  }
0x74: {  	_ =	swait.ge [sflag:s9], $0x800  }
0x75: {  	[sflag:s9] =	ssyncset.done $0x0  }
0x76: {  	[sflag:s9] =	ssyncadd.s32 $0xFFFFF800  }
0x77: {  	_ =	swait.ge [sflag:s9], $0x800  }
0x78: {  	[sflag:s9] =	ssyncset.done $0x0  }
0x79: {  	[sflag:s9] =	ssyncadd.s32 $0xFFFFF800  }
0x7a: {  	_ =	swait.ge [sflag:s9], $0x800  }
0x7b: {  	[sflag:s9] =	ssyncset.done $0x0  }
0x7c: {  	[sflag:s9] =	ssyncadd.s32 $0xFFFFF800  }
0x7d: {  	_ =	swait.ge [sflag:s9], $0x800  }
0x7e: {  	[sflag:s9] =	ssyncset.done $0x0  }
0x7f: {  	[sflag:s9] =	ssyncadd.s32 $0xFFFFF800  }
0x80: {  	_ =	swait.ge [sflag:s9], $0x800  }
0x81: {  	[sflag:s9] =	ssyncset.done $0x0  }
0x82: {  	[sflag:s9] =	ssyncadd.s32 $0xFFFFF800  }
0x83: {  	_ =	swait.ge [sflag:s9], $0x800  }
0x84: {  	[sflag:s9] =	ssyncset.done $0x0  }
0x85: {  	[sflag:s9] =	ssyncadd.s32 $0xFFFFF800  }
0x86: {  	_ =	swait.ge [sflag:s9], $0x800  }
0x87: {  	s25 =	rddreg [dreg:$0x9]  }
0x88: {  	p1 =	sne.s32 s25, $0x1  }
.Ltmp3:
0x89: {  	_ = 	snop;
	(pc) =	sbr.rel @!p1 .LBB2_9-.Ltmp3, $4  }
0x8a: {  	[sflag:s9] =	ssyncset.done $0x0  }
0x8b: {  	[sflag:s9] =	ssyncadd.s32 $0xFFFFF800  }
0x8c: {  	s11 =	smov.u32 s12;
	_ =	swait.ge [sflag:s9], $0x800  }
0x8d: {  	s12 =	smov.u32 s13;
	s5 =	sadd.s32 $0xFFFFFFFF, s25;
	[sflag:s9] =	ssyncset.done $0x0  }
.LBB2_8:
0x8e: {  	[sflag:s9] =	ssyncadd.s32 $0xFFFFF800;
	s11 =	sadd.s32 $0x1000, s11  }
0x8f: {  	[tilespmem:s15], [sflag:$0x1] =	stream.linear.gather [hbm4b:s11+s3], $0x400, $0x38;
	[tilespmem:$0x1DA20] =	vst v63  }
0x90: {  	s12 =	sadd.s32 $0x1000, s12  }
0x91: {  	[tilespmem:s16], [sflag:$0x2] =	stream.linear.gather [hbm4b:s12+s3], $0x400, $0x38;
	[tilespmem:$0x1DA20] =	vst v63  }
0x92: {  	_ =	swait.ge [sflag:s14], $0x400  }
0x93: {  	[sflag:s14] =	ssyncset.done $0x0  }
0x94: {  	[sflag:s14] =	ssyncadd.s32 $0xFFFFFC00  }
0x95: {  	_ =	swait.ge [sflag:s17], $0x400  }
0x96: {  	[sflag:s17] =	ssyncset.done $0x0  }
0x97: {  	[sflag:s17] =	ssyncadd.s32 $0xFFFFFC00  }
0x98: {  	[tilespmem:s19], [sflag:$0x1] =	stream.indirect.gather [hbm4b:s4+s18], $0x10, s15, s18, $0xb8;
	[tilespmem:$0x1DA20] =	vst v63  }
0x99: {  	s25 =	rddreg [dreg:$0x3]  }
0x9a: {  	[tilespmem:s20], [sflag:$0x1] =	stream.indirect.gather [hbm4b:s4+s18], $0x10, s25, s18, $0xb8;
	[tilespmem:$0x1DA20] =	vst v63  }
0x9b: {  	s13 =	rddreg [dreg:$0x4]  }
0x9c: {  	[tilespmem:s21], [sflag:$0x1] =	stream.indirect.gather [hbm4b:s4+s18], $0x10, s13, s18, $0xb8;
	[tilespmem:$0x1DA20] =	vst v63  }
0x9d: {  	s25 =	rddreg [dreg:$0x5]  }
0x9e: {  	[tilespmem:s22], [sflag:$0x1] =	stream.indirect.gather [hbm4b:s4+s18], $0x10, s25, s18, $0xb8;
	[tilespmem:$0x1DA20] =	vst v63  }
0x9f: {  	s13 =	rddreg [dreg:$0x6]  }
0xa0: {  	[tilespmem:s23], [sflag:$0x2] =	stream.indirect.gather [hbm4b:s4+s18], $0x10, s13, s18, $0xb8;
	[tilespmem:$0x1DA20] =	vst v63  }
0xa1: {  	s25 =	rddreg [dreg:$0x7]  }
0xa2: {  	[tilespmem:s24], [sflag:$0x2] =	stream.indirect.gather [hbm4b:s4+s18], $0x10, s25, s18, $0xb8;
	[tilespmem:$0x1DA20] =	vst v63  }
0xa3: {  	s13 =	rddreg [dreg:$0x8]  }
0xa4: {  	[tilespmem:s26], [sflag:$0x2] =	stream.indirect.gather [hbm4b:s4+s18], $0x10, s13, s18, $0xb8;
	[tilespmem:$0x1DA20] =	vst v63  }
0xa5: {  	_ = 	snop  }
0xa6: {  	[tilespmem:s29], [sflag:$0x2] =	stream.indirect.gather [hbm4b:s4+s18], $0x10, s28, s18, $0xb8;
	[tilespmem:$0x1DA20] =	vst v63  }
0xa7: {  	_ =	swait.ge [sflag:s14], $0x800  }
0xa8: {  	[sflag:s14] =	ssyncset.done $0x0  }
0xa9: {  	[sflag:s14] =	ssyncadd.s32 $0xFFFFF800  }
0xaa: {  	_ =	swait.ge [sflag:s14], $0x800  }
0xab: {  	[sflag:s14] =	ssyncset.done $0x0  }
0xac: {  	[sflag:s14] =	ssyncadd.s32 $0xFFFFF800  }
0xad: {  	_ =	swait.ge [sflag:s14], $0x800  }
0xae: {  	[sflag:s14] =	ssyncset.done $0x0  }
0xaf: {  	[sflag:s14] =	ssyncadd.s32 $0xFFFFF800  }
0xb0: {  	_ =	swait.ge [sflag:s14], $0x800  }
0xb1: {  	[sflag:s14] =	ssyncset.done $0x0  }
0xb2: {  	[sflag:s14] =	ssyncadd.s32 $0xFFFFF800  }
0xb3: {  	[spmem:s2] =	stream.indirect.scatter.add.f32 [tilespmem:s19], [sflag:$0x3], $0x10, s16, s18, $0xb8;
	[tilespmem:$0x1DA20] =	vst v63  }
0xb4: {  	_ = 	snop  }
0xb5: {  	[spmem:s2] =	stream.indirect.scatter.add.f32 [tilespmem:s20], [sflag:$0x3], $0x10, s30, s18, $0xb8;
	[tilespmem:$0x1DA20] =	vst v63  }
0xb6: {  	_ = 	snop  }
0xb7: {  	[spmem:s2] =	stream.indirect.scatter.add.f32 [tilespmem:s21], [sflag:$0x3], $0x10, s31, s18, $0xb8;
	[tilespmem:$0x1DA20] =	vst v63  }
0xb8: {  	_ = 	snop  }
0xb9: {  	[spmem:s2] =	stream.indirect.scatter.add.f32 [tilespmem:s22], [sflag:$0x3], $0x10, s0, s18, $0xb8;
	[tilespmem:$0x1DA20] =	vst v63  }
0xba: {  	_ =	swait.ge [sflag:s17], $0x800  }
0xbb: {  	[sflag:s17] =	ssyncset.done $0x0  }
0xbc: {  	[sflag:s17] =	ssyncadd.s32 $0xFFFFF800  }
0xbd: {  	_ =	swait.ge [sflag:s17], $0x800  }
0xbe: {  	[sflag:s17] =	ssyncset.done $0x0  }
0xbf: {  	[sflag:s17] =	ssyncadd.s32 $0xFFFFF800  }
0xc0: {  	_ =	swait.ge [sflag:s17], $0x800  }
0xc1: {  	[sflag:s17] =	ssyncset.done $0x0  }
0xc2: {  	[sflag:s17] =	ssyncadd.s32 $0xFFFFF800  }
0xc3: {  	_ =	swait.ge [sflag:s17], $0x800  }
0xc4: {  	[sflag:s17] =	ssyncset.done $0x0  }
0xc5: {  	[sflag:s17] =	ssyncadd.s32 $0xFFFFF800  }
0xc6: {  	[spmem:s2] =	stream.indirect.scatter.add.f32 [tilespmem:s23], [sflag:$0x3], $0x10, s1, s18, $0xb8;
	[tilespmem:$0x1DA20] =	vst v63  }
0xc7: {  	_ = 	snop  }
0xc8: {  	[spmem:s2] =	stream.indirect.scatter.add.f32 [tilespmem:s24], [sflag:$0x3], $0x10, s6, s18, $0xb8;
	[tilespmem:$0x1DA20] =	vst v63  }
0xc9: {  	_ = 	snop  }
0xca: {  	[spmem:s2] =	stream.indirect.scatter.add.f32 [tilespmem:s26], [sflag:$0x3], $0x10, s7, s18, $0xb8;
	[tilespmem:$0x1DA20] =	vst v63  }
0xcb: {  	_ = 	snop  }
0xcc: {  	[spmem:s2] =	stream.indirect.scatter.add.f32 [tilespmem:s29], [sflag:$0x3], $0x10, s8, s18, $0xb8;
	[tilespmem:$0x1DA20] =	vst v63  }
0xcd: {  	_ =	swait.ge [sflag:s9], $0x800  }
0xce: {  	[sflag:s9] =	ssyncset.done $0x0  }
0xcf: {  	[sflag:s9] =	ssyncadd.s32 $0xFFFFF800  }
0xd0: {  	_ =	swait.ge [sflag:s9], $0x800  }
0xd1: {  	[sflag:s9] =	ssyncset.done $0x0  }
0xd2: {  	[sflag:s9] =	ssyncadd.s32 $0xFFFFF800  }
0xd3: {  	_ =	swait.ge [sflag:s9], $0x800  }
0xd4: {  	[sflag:s9] =	ssyncset.done $0x0  }
0xd5: {  	[sflag:s9] =	ssyncadd.s32 $0xFFFFF800  }
0xd6: {  	_ =	swait.ge [sflag:s9], $0x800  }
0xd7: {  	[sflag:s9] =	ssyncset.done $0x0  }
0xd8: {  	[sflag:s9] =	ssyncadd.s32 $0xFFFFF800  }
0xd9: {  	_ =	swait.ge [sflag:s9], $0x800  }
0xda: {  	[sflag:s9] =	ssyncset.done $0x0  }
0xdb: {  	[sflag:s9] =	ssyncadd.s32 $0xFFFFF800  }
0xdc: {  	_ =	swait.ge [sflag:s9], $0x800  }
0xdd: {  	[sflag:s9] =	ssyncset.done $0x0  }
0xde: {  	p1 =	sne.s32 s5, $0x1;
	[sflag:s9] =	ssyncadd.s32 $0xFFFFF800  }
.Ltmp4:
0xdf: {  	_ =	swait.ge [sflag:s9], $0x800;
	(pc) =	sbr.rel @p1 .LBB2_8-.Ltmp4, $4  }
0xe0: {  	[sflag:s9] =	ssyncset.done $0x0  }
0xe1: {  	[sflag:s9] =	ssyncadd.s32 $0xFFFFF800  }
0xe2: {  	_ =	swait.ge [sflag:s9], $0x800  }
0xe3: {  	s5 =	sadd.s32 $0xFFFFFFFF, s5;
	[sflag:s9] =	ssyncset.done $0x0  }
.LBB2_9:
0xe4: {  	[sflag:s9] =	ssyncadd.s32 $0xFFFFF800  }
0xe5: {  	s5 =	simm.s32 @!p0 $0x0;
	s11 =	simm.s32 @!p0 $0x19000;
	s12 =	rddreg [dreg:$0xa]  }
0xe6: {  	[tilespmem:s11], [sflag:$0x4] =	stream.linear.gather @!p0 [hbm4b:s12+s5], $0x200, $0x38;
	[tilespmem:$0x1DA20] =	vst v63  }
0xe7: {  	s12 =	simm.s32 @!p0 $0x4  }
0xe8: {  	_ =	swait.ge @!p0 [sflag:s12], $0x200  }
0xe9: {  	[sflag:s12] =	ssyncset.done @!p0 $0x0  }
0xea: {  	s25 =	simm.s32 @!p0 $0x19200;
	s13 =	rddreg [dreg:$0xb];
	[sflag:s12] =	ssyncadd.s32 @!p0 $0xFFFFFE00  }
0xeb: {  	[tilespmem:s25], [sflag:$0x4] =	stream.linear.gather @!p0 [hbm4b:s13+s5], $0x200, $0x38;
	[tilespmem:$0x1DA20] =	vst v63  }
0xec: {  	_ =	swait.ge @!p0 [sflag:s12], $0x200  }
0xed: {  	[sflag:s12] =	ssyncset.done @!p0 $0x0  }
0xee: {  	s5 =	simm.s32 @!p0 $0x80;
	s25 =	simm.s32 @!p0 $0x19400;
	[sflag:s12] =	ssyncadd.s32 @!p0 $0xFFFFFE00  }
0xef: {  	[tilespmem:s25], [sflag:$0x1] =	stream.indirect.gather @!p0 [hbm4b:s4+s5], $0x10, s11, s5, $0xb8;
	[tilespmem:$0x1DA20] =	vst v63  }
0xf0: {  	s13 =	simm.s32 @!p0 $0x19C00;
	s11 =	simm.s32 @!p0 $0x19080  }
0xf1: {  	[tilespmem:s13], [sflag:$0x1] =	stream.indirect.gather @!p0 [hbm4b:s4+s5], $0x10, s11, s5, $0xb8;
	[tilespmem:$0x1DA20] =	vst v63  }
0xf2: {  	s11 =	simm.s32 @!p0 $0x19100;
	s13 =	simm.s32 @!p0 $0x1A400  }
0xf3: {  	[tilespmem:s13], [sflag:$0x1] =	stream.indirect.gather @!p0 [hbm4b:s4+s5], $0x10, s11, s5, $0xb8;
	[tilespmem:$0x1DA20] =	vst v63  }
0xf4: {  	s11 =	simm.s32 @!p0 $0x19180;
	s13 =	simm.s32 @!p0 $0x1AC00  }
0xf5: {  	[tilespmem:s13], [sflag:$0x1] =	stream.indirect.gather @!p0 [hbm4b:s4+s5], $0x10, s11, s5, $0xb8;
	[tilespmem:$0x1DA20] =	vst v63  }
0xf6: {  	s11 =	simm.s32 @!p0 $0x1  }
0xf7: {  	_ =	swait.ge @!p0 [sflag:s11], $0x800  }
0xf8: {  	[sflag:s11] =	ssyncset.done @!p0 $0x0  }
0xf9: {  	[sflag:s11] =	ssyncadd.s32 @!p0 $0xFFFFF800  }
0xfa: {  	_ =	swait.ge @!p0 [sflag:s11], $0x800  }
0xfb: {  	[sflag:s11] =	ssyncset.done @!p0 $0x0  }
0xfc: {  	[sflag:s11] =	ssyncadd.s32 @!p0 $0xFFFFF800  }
0xfd: {  	_ =	swait.ge @!p0 [sflag:s11], $0x800  }
0xfe: {  	[sflag:s11] =	ssyncset.done @!p0 $0x0  }
0xff: {  	[sflag:s11] =	ssyncadd.s32 @!p0 $0xFFFFF800  }
0x100: {  	_ =	swait.ge @!p0 [sflag:s11], $0x800  }
0x101: {  	[sflag:s11] =	ssyncset.done @!p0 $0x0  }
0x102: {  	[sflag:s11] =	ssyncadd.s32 @!p0 $0xFFFFF800;
	s11 =	simm.s32 @!p0 $0x19200  }
0x103: {  	[spmem:s2] =	stream.indirect.scatter.add.f32 @!p0 [tilespmem:s25], [sflag:$0x4], $0x10, s11, s5, $0xb8;
	[tilespmem:$0x1DA20] =	vst v63  }
0x104: {  	_ =	swait.ge @!p0 [sflag:s12], $0x800  }
0x105: {  	[sflag:s12] =	ssyncset.done @!p0 $0x0  }
0x106: {  	s11 =	simm.s32 @!p0 $0x19280;
	s25 =	simm.s32 @!p0 $0x19C00;
	[sflag:s12] =	ssyncadd.s32 @!p0 $0xFFFFF800  }
0x107: {  	[spmem:s2] =	stream.indirect.scatter.add.f32 @!p0 [tilespmem:s25], [sflag:$0x4], $0x10, s11, s5, $0xb8;
	[tilespmem:$0x1DA20] =	vst v63  }
0x108: {  	_ =	swait.ge @!p0 [sflag:s12], $0x800  }
0x109: {  	[sflag:s12] =	ssyncset.done @!p0 $0x0  }
0x10a: {  	s11 =	simm.s32 @!p0 $0x19300;
	s25 =	simm.s32 @!p0 $0x1A400;
	[sflag:s12] =	ssyncadd.s32 @!p0 $0xFFFFF800  }
0x10b: {  	[spmem:s2] =	stream.indirect.scatter.add.f32 @!p0 [tilespmem:s25], [sflag:$0x4], $0x10, s11, s5, $0xb8;
	[tilespmem:$0x1DA20] =	vst v63  }
0x10c: {  	_ =	swait.ge @!p0 [sflag:s12], $0x800  }
0x10d: {  	[sflag:s12] =	ssyncset.done @!p0 $0x0  }
0x10e: {  	s13 =	simm.s32 @!p0 $0x1AC00;
	s11 =	simm.s32 @!p0 $0x19380;
	[sflag:s12] =	ssyncadd.s32 @!p0 $0xFFFFF800  }
0x10f: {  	[spmem:s2] =	stream.indirect.scatter.add.f32 @!p0 [tilespmem:s13], [sflag:$0x4], $0x10, s11, s5, $0xb8;
	[tilespmem:$0x1DA20] =	vst v63  }
0x110: {  	_ =	swait.ge @!p0 [sflag:s12], $0x800  }
0x111: {  	[sflag:s12] =	ssyncset.done @!p0 $0x0  }
0x112: {  	[sflag:s12] =	ssyncadd.s32 @!p0 $0xFFFFF800  }
0x113: {  	s12 =	stileid.u32;
	[bflag:$0x0] =	sbarrier.arrive $0xFFFF  }
0x114: {  	s5 =	sshll.u32 s12, $0x6;
	s13 =	rddreg [dreg:$0xc]  }
0x115: {  	s11 =	simm.s32 $0x4;
	s5 =	sor.u32 $0x1C04, s5;
	s25 =	rddreg [dreg:$0x10]  }
0x116: {  	[hbm:s13], [sflag:s5] =	dma.local [spmem:s25], $0x3100  }
0x117: {  	_ =	swait.ge [sflag:s11], $0x3100  }
0x118: {  	s12 =	rddreg [dreg:$0x11]  }
0x119: {  	s25 =	rddreg [dreg:$0xd];
	s13 =	sadd.s32 $0x1, s12  }
0x11a: {  	p1 =	sne.s32 s13, s25  }
.Ltmp5:
0x11b: {  	_ = 	snop;
	(pc) =	sbr.rel @p1 .LBB2_1-.Ltmp5, $3  }
0x11c: {  	_ =	sdelay $0x1  }
0x11d: {  	[sflag:s11] =	ssyncset.done $0x0  }
0x11e: {  	[sflag:s11] =	ssyncadd.s32 $0xFFFFCF00;
	s12 =	simm.s32 $0x1D400  }
0x11f: {  	_ =	sfence.sel $0x180000  }
0x120: {  	[bflag:$0x0] =	sbarrier.arrive $0xFFFF  }
0x121: {  	_ =	strace $0x9000004D  }
0x122: {  	s0 =	stileid.u32;
	[bflag:$0x2] =	sbarrier.arrive $0xFFFF  }
0x123: {  	p0 =	sne.s32 s0, $0x0;
	s0 =	rddreg [dreg:$0x2]  }
0x124: {  	s0 =	sadd.s32 @!p0 $0x100000, s0  }
0x125: {  	[sflag:s0] =	ssyncadd.tile.s32 @!p0 $0x1;
	_ =	shalt  }
.Lfunc_end2:
_tile_overlayer_lowered:
.L_overlay_start_2:
0x126: {  	(tag) =	ssettag $0x2  }
0x127: {  	s0 =	rddreg [dreg:$0x0];
	s2 =	stileid.u32  }
0x128: {  	s1 =	rddreg [dreg:$0x1];
	p0 =	sne.s32 s2, $0x0  }
0x129: {  	s3 =	rddreg [dreg:$0x2];
	[bflag:$0x3] =	sbarrier.arrive $0xFFFF;
	s2 =	simm.s32 @!p0 $0x1C04  }
0x12a: {  	[timem:s3], [sflag:s2] =	dma.local @!p0 [hbm:s0], s1  }
0x12b: {  	s0 =	simm.s32 @!p0 $0x4  }
0x12c: {  	_ =	swait.ge @!p0 [sflag:s0], s1  }
0x12d: {  	s1 =	ssub.s32 @!p0 $0x0, s1;
	[sflag:s0] =	ssyncset.done @!p0 $0x0  }
0x12e: {  	[sflag:s0] =	ssyncadd.s32 @!p0 s1  }
0x12f: {  	[bflag:$0x3] =	sbarrier.arrive $0xFFFF  }
0x130: {  	_ =	shalt  }

// kernel: kernel.7.cloned.1.call-start
scs
__scs_entry_jumppad:
0x0: {  	(pc) =	sbr.rel $0x88, $3  }
0x1: {  	(tag) =	ssettag $0x0;
	lr =	simm.s32 $0x1  }
0x2: {  	[smem:$0x3F99] =	sst lr;
	_ =	strace $0xD0000000  }
0x3: {  	_ = 	snop  }
0x4: {  	_ = 	snop  }
0x5: {  	_ = 	snop  }
0x6: {  	_ = 	snop  }
0x7: {  	_ = 	snop  }
__scs_overlays_trampoline_lowered:
0x8: {  	[smem:$0x3FA8] =	sst s0  }
0x9: {  	[smem:$0x3FA9] =	sst s1  }
0xa: {  	[smem:$0x3FAA] =	sst s2  }
0xb: {  	[smem:$0x3FAB] =	sst s3  }
0xc: {  	[smem:$0x3FAC] =	sst s4  }
0xd: {  	[smem:$0x3FAD] =	sst s5  }
0xe: {  	[smem:$0x3FAE] =	sst s6  }
0xf: {  	[smem:$0x3FAF] =	sst s7  }
0x10: {  	[smem:$0x3FB0] =	sst s8  }
0x11: {  	[smem:$0x3FB1] =	sst s9;
	s0 =	simm.s32 @!p0 $0x0  }
0x12: {  	s1 =	sld [smem:$0x3F97];
	s0 =	simm.s32 @p0 $0x1  }
0x13: {  	[smem:$0x3FB2] =	sst s0;
	s0 =	simm.s32 @!p1 $0x0  }
0x14: {  	s2 =	sld [smem:$0x3F96];
	s0 =	simm.s32 @p1 $0x1  }
0x15: {  	[smem:$0x3FB3] =	sst s0;
	s0 =	simm.s32 @!p2 $0x0  }
0x16: {  	s3 =	sld [smem:$0x3FDB];
	s0 =	simm.s32 @p2 $0x1  }
0x17: {  	s4 =	simm.s32 $0x1BF5;
	[smem:$0x3FB5] =	sst s0  }
0x18: {  	s0 =	sld [smem:$0x3F98];
	_ =	swait.ge [sflag:s4], $0x0  }
0x19: {  	s7 =	sld [smem:$0x3F99]  }
0x1a: {  	s8 =	sadd.s32 $0xFFFFE003, lr  }
0x1b: {  	s9 =	sadd.s32 $0xFFFFFEF7, lr;
	s5 =	simm.s32 $0xFFFFFFFF;
	p2 =	slt.u32 s8, $0xFFFFF086  }
0x1c: {  	p1 =	slt.u32 s9, $0xF7A;
	s5 =	simm.s32 @!p2 $0x0  }
0x1d: {  	s5 =	simm.s32 @p1 $0x1;
	p0 =	seq.s32 s7, s2  }
0x1e: {  	s7 =	smul.u32 @!p0 $0xF7A, s2;
	p2 =	seq.s32 @!p0 s5, $0x0  }
0x1f: {  	s9 =	smul.u32 $0xF7A, s1;
	s8 =	simm.s32 @!p0 $0x1BF5;
	p2 =	por !p2, p0  }
0x20: {  	[sflag:s8] =	ssyncset.s32 @!p0 $0xFFFFF086;
	s6 =	sadd.s32 @!p0 s3, s7;
	s7 =	simm.s32 @!p0 $0x108  }
0x21: {  	s3 =	sadd.s32 s3, s9;
	s6 =	sadd.s32 @!p0 $0x88, s6;
	s7 =	simm.s32 @p2 $0x1082  }
0x22: {  	[simem:s7], [sflag:s8] =	dma.local @!p0 [hbm:s6], $0xF7A  }
0x23: {  	s9 =	sor.u32 $0xD0000000, s2;
	s6 =	simm.s32 $0x108;
	_ =	swait.ge @!p0 [sflag:s8], $0x0  }
0x24: {  	s3 =	sadd.s32 $0x88, s3;
	s6 =	simm.s32 @!p1 $0x1082;
	[sflag:s4] =	ssyncset.s32 $0xFFFFF086  }
0x25: {  	[simem:s6], [sflag:s4] =	dma.local [hbm:s3], $0xF7A  }
0x26: {  	[smem:$0x3F99] =	sst s1;
	(tag) =	ssettag s2;
	_ =	strace s9  }
0x27: {  	s1 =	sld [smem:$0x3FA9]  }
0x28: {  	s2 =	sld [smem:$0x3FAA]  }
0x29: {  	s4 =	sld [smem:$0x3FAC]  }
0x2a: {  	p0 =	seq.s32 s5, $0x0;
	s5 =	sld [smem:$0x3FAD]  }
0x2b: {  	s6 =	sld [smem:$0x3FAE]  }
0x2c: {  	s7 =	sld [smem:$0x3FAF]  }
0x2d: {  	s3 =	simm.s32 $0x108;
	s8 =	sld [smem:$0x3FB0]  }
0x2e: {  	s3 =	simm.s32 @!p0 $0x1082;
	s9 =	sld [smem:$0x3FB1]  }
0x2f: {  	lr =	sadd.s32 s0, s3;
	s0 =	sld [smem:$0x3FA8]  }
0x30: {  	s3 =	sld [smem:$0x3FAB]  }
0x31: {  	[smem:$0x3FB4] =	sst s10  }
0x32: {  	s10 =	sld [smem:$0x3FB2];
	_ =	sdelay $0x3  }
0x33: {  	p0 =	seq.s32 s10, $0x1;
	s10 =	sld [smem:$0x3FB4];
	_ =	sdelay $0x3  }
0x34: {  	[smem:$0x3FB4] =	sst s10  }
0x35: {  	s10 =	sld [smem:$0x3FB3];
	_ =	sdelay $0x3  }
0x36: {  	p1 =	seq.s32 s10, $0x1;
	s10 =	sld [smem:$0x3FB4];
	_ =	sdelay $0x3  }
0x37: {  	[smem:$0x3FB4] =	sst s10  }
0x38: {  	s10 =	sld [smem:$0x3FB5]  }
0x39: {  	_ = 	snop;
	(pc) =	sbr.ind lr, $3  }
0x3a: {  	_ = 	snop  }
0x3b: {  	_ = 	snop  }
0x3c: {  	p2 =	seq.s32 s10, $0x1;
	s10 =	sld [smem:$0x3FB4]  }
0x3d: {  	_ =	shalt  }
0x3e: {  	_ =	shalt  }
0x3f: {  	_ =	shalt  }
0x40: {  	_ =	shalt  }
0x41: {  	_ =	shalt  }
0x42: {  	_ =	shalt  }
0x43: {  	_ =	shalt  }
0x44: {  	_ =	shalt  }
0x45: {  	_ =	shalt  }
0x46: {  	_ =	shalt  }
0x47: {  	_ =	shalt  }
0x48: {  	_ =	shalt  }
0x49: {  	_ =	shalt  }
0x4a: {  	_ =	shalt  }
0x4b: {  	_ =	shalt  }
0x4c: {  	_ =	shalt  }
0x4d: {  	_ =	shalt  }
0x4e: {  	_ =	shalt  }
0x4f: {  	_ =	shalt  }
0x50: {  	_ =	shalt  }
0x51: {  	_ =	shalt  }
0x52: {  	_ =	shalt  }
0x53: {  	_ =	shalt  }
0x54: {  	_ =	shalt  }
0x55: {  	_ =	shalt  }
0x56: {  	_ =	shalt  }
0x57: {  	_ =	shalt  }
0x58: {  	_ =	shalt  }
0x59: {  	_ =	shalt  }
0x5a: {  	_ =	shalt  }
0x5b: {  	_ =	shalt  }
0x5c: {  	_ =	shalt  }
0x5d: {  	_ =	shalt  }
0x5e: {  	_ =	shalt  }
0x5f: {  	_ =	shalt  }
0x60: {  	_ =	shalt  }
0x61: {  	_ =	shalt  }
0x62: {  	_ =	shalt  }
0x63: {  	_ =	shalt  }
0x64: {  	_ =	shalt  }
0x65: {  	_ =	shalt  }
0x66: {  	_ =	shalt  }
0x67: {  	_ =	shalt  }
0x68: {  	_ =	shalt  }
0x69: {  	_ =	shalt  }
0x6a: {  	_ =	shalt  }
0x6b: {  	_ =	shalt  }
0x6c: {  	_ =	shalt  }
0x6d: {  	_ =	shalt  }
0x6e: {  	_ =	shalt  }
0x6f: {  	_ =	shalt  }
0x70: {  	_ =	shalt  }
0x71: {  	_ =	shalt  }
0x72: {  	_ =	shalt  }
0x73: {  	_ =	shalt  }
0x74: {  	_ =	shalt  }
0x75: {  	_ =	shalt  }
0x76: {  	_ =	shalt  }
0x77: {  	_ =	shalt  }
0x78: {  	_ =	shalt  }
0x79: {  	_ =	shalt  }
0x7a: {  	_ =	shalt  }
0x7b: {  	_ =	shalt  }
0x7c: {  	_ =	shalt  }
0x7d: {  	_ =	shalt  }
0x7e: {  	_ =	shalt  }
0x7f: {  	_ =	shalt  }
0x80: {  	_ =	shalt  }
0x81: {  	_ =	shalt  }
0x82: {  	_ =	shalt  }
0x83: {  	_ =	shalt  }
0x84: {  	_ =	shalt  }
0x85: {  	_ =	shalt  }
0x86: {  	_ =	shalt  }
0x87: {  	_ =	shalt  }
.Lfunc_end0:
.L_simem_size_0:
called_computation_lowered:
.L_overlay_start_0:
0x88: {  	s2 =	sld [smem:$0x3FD9]  }
0x89: {  	s3 =	sld [smem:$0x3FFE];
	_ =	sdelay $0x1  }
0x8a: {  	s1 =	srdreg.scid  }
0x8b: {  	s0 =	sand.u32 $0x1, s1  }
0x8c: {  	s17 =	sshll.u32 s0, $0xA;
	s2 =	sadd.s32 s3, s2  }
0x8d: {  	s2 =	sadd.s32 s2, s17  }
0x8e: {  	[smem:$0x3FC0] =	sst s2  }
0x8f: {  	_ = 	snop  }
0x90: {  	s2 =	sld [smem:$0x3FD0];
	(tm) =	ssettm $0x1  }
0x91: {  	s18 =	sld [smem:$0x3FFB];
	_ =	sdelay $0x3  }
0x92: {  	_ =	strace s18  }
0x93: {  	s3 =	sld [smem:$0x3FFC];
	_ =	sdelay $0x3  }
0x94: {  	_ =	strace s3  }
0x95: {  	s3 =	sld [smem:$0x3FFD];
	_ =	sdelay $0x3  }
0x96: {  	_ =	strace s3  }
0x97: {  	_ =	strace $0x8FFFFFFF  }
0x98: {  	s19 =	sld [smem:$0x3FDB];
	_ =	sdelay $0x1  }
0x99: {  	s4 =	simm.s32 $_scs_section_size  }
0x9a: {  	s5 =	simm.s32 $_size__tile_overlayer_lowered;
	s6 =	simm.s32 $_tile_overlayer_lowered  }
0x9b: {  	s22 =	simm.s32 $0x1BFF;
	s21 =	sshll.u32 s6, $0x1;
	s3 =	sadd.s32 s4, s19  }
0x9c: {  	s7 =	simm.s32 $0x0;
	s20 =	sshll.u32 s5, $0x1;
	s5 =	sadd.s32 s21, s3  }
0x9d: {  	[timem:s7], [sflag:s22] =	dma.local [hbm:s5], s20  }
0x9e: {  	_ =	swait.ge [sflag:s22], s20  }
0x9f: {  	s4 =	ssub.s32 $0x0, s20;
	[sflag:s22] =	ssyncset.done $0x0  }
0xa0: {  	[sflag:s22] =	ssyncadd.s32 s4;
	_ =	sdelay $0x1  }
0xa1: {  	s23 =	simm.s32 $0x1B8B  }
0xa2: {  	_ =	swait.ge [sflag:s23], $0x1  }
0xa3: {  	[sflag:s23] =	ssyncset.done $0x0  }
0xa4: {  	s25 =	simm.s32 $0x1B8E;
	s24 =	sld [smem:$0x3FFE];
	[sflag:s23] =	ssyncadd.s32 $0xFFFFFFFF  }
0xa5: {  	s26 =	simm.s32 $execute0_lowered;
	[smem:$0x3FD2] =	sst s25  }
0xa6: {  	s5 =	sshll.u32 s26, $0x1;
	_ =	strace $0x80000046;
	[dreg:$0x1] =	wrdreg $0xFFFFFFFF  }
0xa7: {  	s28 =	simm.s32 $_size_execute0_lowered;
	s3 =	sadd.s32 s3, s5;
	[dreg:$0x0] =	wrdreg $0x0  }
0xa8: {  	s5 =	sshll.u32 s28, $0x1;
	[dreg:$0x2] =	wrdreg s3  }
0xa9: {  	[dreg:$0x3] =	wrdreg s5  }
0xaa: {  	[dreg:$0x4] =	wrdreg $0xC0  }
0xab: {  	_ =	task [dreg:s7], $0x5FFFF  }
0xac: {  	[dreg:$0x1] =	wrdreg $0xFFFFFFFF  }
0xad: {  	[dreg:$0x0] =	wrdreg $0x60  }
0xae: {  	[dreg:$0x2] =	wrdreg s24  }
0xaf: {  	[dreg:$0x3] =	wrdreg s2  }
0xb0: {  	[dreg:$0x4] =	wrdreg $0x0  }
0xb1: {  	[dreg:$0x5] =	wrdreg $0x1DA200  }
0xb2: {  	[dreg:$0x6] =	wrdreg $0x9  }
0xb3: {  	_ =	task.clear_ibuf [dreg:s7], $0x7FFFF;
	_ =	strace $0x90000046  }
0xb4: {  	s29 =	simm.s32 $0x9;
	_ =	strace $0x80000048  }
0xb5: {  	_ =	swait.ge [sflag:s29], $0x1  }
0xb6: {  	[sflag:s29] =	ssyncadd.s32 $0xFFFFFFFF  }
0xb7: {  	_ =	strace $0x90000048  }
0xb8: {  	_ =	sfence  }
0xb9: {  	s30 =	sld [smem:$0x0];
	_ =	sdelay $0x2  }
0xba: {  	s31 =	sshll.u32 s1, $0xD;
	s1 =	sshrl.u32 s1, $0x2  }
0xbb: {  	s3 =	sand.u32 $0x4000, s31;
	s1 =	sadd.s32 s1, s30  }
0xbc: {  	s0 =	sor.u32 s3, s0;
	s1 =	sshll.u32 s1, $0x11  }
0xbd: {  	s0 =	sor.u32 s1, s0  }
0xbe: {  	s0 =	sadd.s32 $0x8F2B, s0  }
0xbf: {  	[sflag:s0] =	ssyncadd.remote.s32 $0x1  }
0xc0: {  	_ =	sfence.sel $0xFFFF  }
0xc1: {  	[dreg:$0x0] =	wrdreg $0xFFFFFFFF;
	(pc) =	sbr.abs _section_cstart, $3  }
0xc2: {  	[dreg:$0x1] =	wrdreg $0xFFFFFFFF  }
0xc3: {  	_ =	task.clear_ibuf [dreg:s7], $0x2FFFF;
	_ =	strace $0x9FFFFFFF  }
0xc4: {  	(tm) =	ssettm $0x7FFFFFFF  }
0xc5: {  	_ =	shalt  }
tec
execute0_lowered:
.L_overlay_start_1:
0x0: {  	(tag) =	ssettag $0x1  }
0x1: {  	s0 =	rddreg [dreg:$0x0]  }
0x2: {  	s1 =	rddreg [dreg:$0x1];
	s2 =	srdreg.scid  }
0x3: {  	s3 =	rddreg [dreg:$0x2];
	s14 =	stileid.u32  }
0x4: {  	s4 =	rddreg [dreg:$0x3];
	s5 =	simm.s32 $0x0;
	s18 =	simm.s32 $0x18880  }
0x5: {  	s19 =	simm.s32 $0x18900;
	s28 =	simm.s32 $0x2;
	s7 =	smul.u32 $0x18800, s14  }
0x6: {  	s29 =	simm.s32 $0x18800;
	s30 =	simm.s32 $0x18C00;
	s8 =	smul.u32 $0x1880, s14  }
0x7: {  	s31 =	simm.s32 $0x80;
	s2 =	sand.u32 $0x1, s2;
	s26 =	smul.u32 $0x62000, s14  }
0x8: {  	[smem:$0x7FF] =	sst s5;
	s10 =	sadd.s32 $0x2A00, s0;
	s6 =	smul.u32 $0x188000, s2  }
0x9: {  	s21 =	sadd.s32 $0x33700, s0;
	s17 =	sshll.u32 s14, $0xA;
	s9 =	smul.u32 $0x18800, s2  }
0xa: {  	_ =	strace $0x80000047;
	s11 =	ssub.s32 $0x2, s2;
	[dreg:$0xe] =	wrdreg s21  }
0xb: {  	s13 =	sshll.u32 s2, $0x4;
	s2 =	sshll.u32 s2, $0xE;
	[dreg:$0x5] =	wrdreg s18  }
0xc: {  	[dreg:$0x6] =	wrdreg s19;
	s21 =	simm.s32 $0x18980;
	s18 =	simm.s32 $0x18E00  }
0xd: {  	s19 =	simm.s32 $0x3;
	s12 =	sshrl.u32 s11, $0x1;
	s2 =	sor.u32 s17, s2  }
0xe: {  	[dreg:$0x7] =	wrdreg s21;
	s17 =	simm.s32 $0x18D80;
	s21 =	simm.s32 $0x18E80  }
0xf: {  	s6 =	sadd.s32 s7, s6;
	s9 =	sadd.s32 s8, s9;
	s11 =	ssub.s32 s11, s12  }
0x10: {  	s12 =	sor.u32 s14, s13;
	s13 =	sadd.s32 s8, s4;
	s8 =	simm.s32 $0x31  }
0x11: {  	s20 =	sshrl.u32 s2, $0x3;
	s2 =	sadd.s32 $0x186A00, s2;
	s14 =	simm.s32 $0x1F5B0  }
0x12: {  	s6 =	sshrl.u32 s6, $0x3;
	s9 =	sshrl.u32 s9, $0x3;
	p0 =	slt.u32 s12, $0x1A  }
0x13: {  	s24 =	smax.u32 s11, $0x1;
	s25 =	sadd.s32 $0x310, s13;
	[dreg:$0xc] =	wrdreg s13  }
0x14: {  	s11 =	sadd.s32 $0xC40, s13;
	s15 =	sadd.s32 $0xF50, s13;
	[dreg:$0x12] =	wrdreg s24  }
0x15: {  	s16 =	sadd.s32 $0x1260, s13;
	s2 =	sshrl.u32 s2, $0x3;
	[dreg:$0x13] =	wrdreg s25  }
0x16: {  	s6 =	sadd.s32 s6, s0;
	s9 =	sadd.s32 s9, s0;
	[dreg:$0x16] =	wrdreg s11  }
0x17: {  	s8 =	simm.s32 @!p0 $0x30;
	s0 =	sadd.s32 $0x64440, s0;
	[dreg:$0x17] =	wrdreg s15  }
0x18: {  	[dreg:$0x18] =	wrdreg s16;
	s24 =	simm.s32 $0x18B00;
	s2 =	sadd.s32 s2, s10  }
0x19: {  	s25 =	simm.s32 $0x18B80;
	p0 =	sne.s32 s12, $0x1F;
	[dreg:$0xd] =	wrdreg s8  }
0x1a: {  	s11 =	simm.s32 $0x1BC00;
	s12 =	simm.s32 $0x1C400;
	[dreg:$0xf] =	wrdreg s0  }
0x1b: {  	s15 =	simm.s32 $0x18C80;
	s16 =	simm.s32 $0x18D00;
	[dreg:$0x1a] =	wrdreg s2  }
0x1c: {  	s22 =	sadd.s32 $0x1F1200, s6;
	s0 =	sadd.s32 s7, s3;
	[dreg:$0xa] =	wrdreg s24  }
0x1d: {  	s23 =	sadd.s32 $0x1EB000, s9;
	s8 =	sadd.s32 $0x620, s13;
	[dreg:$0xb] =	wrdreg s25  }
0x1e: {  	s9 =	sadd.s32 $0x930, s13;
	s6 =	sshrl.u32 s26, $0x2;
	[dreg:$0x10] =	wrdreg s22  }
0x1f: {  	s26 =	sadd.s32 $0x1570, s13;
	s24 =	simm.s32 $0x1;
	[dreg:$0x11] =	wrdreg s23  }
0x20: {  	s2 =	simm.s32 $0x19400;
	s13 =	simm.s32 $0x1CC00;
	[dreg:$0x14] =	wrdreg s8  }
0x21: {  	s25 =	simm.s32 $0x18F00;
	s7 =	simm.s32 $0x18F80;
	[dreg:$0x15] =	wrdreg s9  }
0x22: {  	s8 =	sadd.s32 s20, s10;
	s22 =	simm.s32 $0x18A00;
	[dreg:$0x1b] =	wrdreg s26  }
.Ltmp0:
0x23: {  	s23 =	simm.s32 $0x18A80;
	[dreg:$0x19] =	wrdreg s8;
	(pc) =	sbr.rel .LBB2_1-.Ltmp0, $4  }
0x24: {  	s26 =	simm.s32 $0x1D400;
	s0 =	sshrl.u32 s0, $0x3;
	[dreg:$0x8] =	wrdreg s22  }
0x25: {  	s9 =	simm.s32 $0x1A400;
	s10 =	simm.s32 $0x1B400;
	[dreg:$0x9] =	wrdreg s23  }
0x26: {  	s23 =	sadd.s32 s6, s3;
	[dreg:$0x1d] =	wrdreg s0;
	s8 =	simm.s32 $0x19C00  }
0x27: {  	v0 =	vimm.f32 $0.0e+00;
	v1 =	vimm.f32 $1.000000000e+00;
	s0 =	simm.s32 $0x1AC00;
	s6 =	simm.s32 $0x0;
	[dreg:$0x1c] =	wrdreg s23  }
.LBB2_11:
0x28: {  	s6 =	stileid.u32;
	[bflag:$0x0] =	sbarrier.arrive $0xFFFF  }
0x29: {  	s6 =	sshll.u32 s6, $0x6;
	s20 =	rddreg [dreg:$0x10]  }
0x2a: {  	s22 =	rddreg [dreg:$0x1d];
	s6 =	sor.u32 $0x1C04, s6  }
0x2b: {  	[hbm:s20], [sflag:s6] =	dma.local [spmem:s22], $0x3100  }
0x2c: {  	s22 =	simm.s32 $0x4  }
0x2d: {  	_ =	swait.ge [sflag:s22], $0x3100  }
0x2e: {  	[sflag:s22] =	ssyncset.done $0x0;
	s23 =	rddreg [dreg:$0xc]  }
0x2f: {  	[sflag:s22] =	ssyncadd.s32 $0xFFFFCF00;
	s20 =	sshrl.u32 s23, $0x3;
	s23 =	rddreg [dreg:$0x11]  }
0x30: {  	[hbm:s23], [sflag:s6] =	dma.local [spmem:s20], $0x310  }
0x31: {  	_ =	swait.ge [sflag:s22], $0x310  }
0x32: {  	s6 =	rddreg [dreg:$0x1e]  }
0x33: {  	s23 =	rddreg [dreg:$0x12];
	s20 =	sadd.s32 $0x1, s6  }
0x34: {  	p1 =	sne.s32 s20, s23  }
.Ltmp1:
0x35: {  	_ = 	snop;
	(pc) =	sbr.rel @!p1 .LBB2_12-.Ltmp1, $3  }
0x36: {  	_ =	sdelay $0x1  }
0x37: {  	[sflag:s22] =	ssyncset.done $0x0  }
0x38: {  	[sflag:s22] =	ssyncadd.s32 $0xFFFFFCF0;
	s23 =	rddreg [dreg:$0x1c];
	s6 =	smov.u32 s20  }
.LBB2_1:
0x39: {  	[dreg:$0x1e] =	wrdreg s6;
	s6 =	simm.s32 $0x0  }
.LBB2_2:
0x3a: {  	p1 =	sne.s32 s6, $0x1840  }
.Ltmp2:
0x3b: {  	_ = 	snop;
	(pc) =	sbr.rel @p1 .LBB2_2-.Ltmp2, $3  }
0x3c: {  	_ =	sdelay $0x1  }
0x3d: {  	s20 =	sshra.s32 s6, $0x2  }
0x3e: {  	s6 =	sadd.s32 $0x40, s6;
	[tilespmem:s20+$0x1D400] =	vst v0  }
0x3f: {  	s6 =	simm.s32 $0x0  }
.LBB2_4:
0x40: {  	p1 =	sne.s32 s6, $0x60780  }
.Ltmp3:
0x41: {  	_ = 	snop;
	(pc) =	sbr.rel @p1 .LBB2_4-.Ltmp3, $4  }
0x42: {  	_ = 	snop  }
0x43: {  	s20 =	sshra.s32 s6, $0x2  }
0x44: {  	s6 =	sadd.s32 $0x1880, s6;
	s20 =	sadd.s32 s20, s23  }
0x45: {  	[spmem:s20] =	stream.linear.scatter [tilespmem:s26], [sflag:$0x1], $0x620, $0x38;
	[tilespmem:$0x1F630] =	vst v63  }
0x46: {  	_ =	swait.ge [sflag:s24], $0x620  }
0x47: {  	s6 =	simm.s32 $0x3F;
	[sflag:s24] =	ssyncset.done $0x0  }
.LBB2_6:
0x48: {  	p1 =	sne.s32 s6, $0x1;
	s6 =	sadd.s32 $0xFFFFFFFF, s6;
	[sflag:s24] =	ssyncadd.s32 $0xFFFFF9E0  }
.Ltmp4:
0x49: {  	(pc) =	sbr.rel @p1 .LBB2_6-.Ltmp4, $3  }
0x4a: {  	_ =	sdelay $0x1  }
0x4b: {  	_ =	swait.ge [sflag:s24], $0x620  }
0x4c: {  	[sflag:s24] =	ssyncset.done $0x0  }
0x4d: {  	[sflag:s24] =	ssyncadd.s32 $0xFFFFF9E0  }
0x4e: {  	[tilespmem:$0x1F2A0] =	vst v0  }
0x4f: {  	[tilespmem:$0x1F2B0] =	vst v0  }
0x50: {  	[tilespmem:$0x1F2C0] =	vst v0  }
0x51: {  	[tilespmem:$0x1F2D0] =	vst v0  }
0x52: {  	[tilespmem:$0x1F2E0] =	vst v0  }
0x53: {  	[tilespmem:$0x1F2F0] =	vst v0  }
0x54: {  	[tilespmem:$0x1F300] =	vst v0  }
0x55: {  	[tilespmem:$0x1F310] =	vst v0  }
0x56: {  	[tilespmem:$0x1F320] =	vst v0  }
0x57: {  	[tilespmem:$0x1F330] =	vst v0  }
0x58: {  	[tilespmem:$0x1F340] =	vst v0  }
0x59: {  	[tilespmem:$0x1F350] =	vst v0  }
0x5a: {  	[tilespmem:$0x1F360] =	vst v0  }
0x5b: {  	[tilespmem:$0x1F370] =	vst v0  }
0x5c: {  	[tilespmem:$0x1F380] =	vst v0  }
0x5d: {  	[tilespmem:$0x1F390] =	vst v0  }
0x5e: {  	[tilespmem:$0x1F3A0] =	vst v0  }
0x5f: {  	[tilespmem:$0x1F3B0] =	vst v0  }
0x60: {  	[tilespmem:$0x1F3C0] =	vst v0  }
0x61: {  	[tilespmem:$0x1F3D0] =	vst v0  }
0x62: {  	[tilespmem:$0x1F3E0] =	vst v0  }
0x63: {  	[tilespmem:$0x1F3F0] =	vst v0  }
0x64: {  	[tilespmem:$0x1F400] =	vst v0  }
0x65: {  	[tilespmem:$0x1F410] =	vst v0  }
0x66: {  	[tilespmem:$0x1F420] =	vst v0  }
0x67: {  	[tilespmem:$0x1F430] =	vst v0  }
0x68: {  	[tilespmem:$0x1F440] =	vst v0  }
0x69: {  	[tilespmem:$0x1F450] =	vst v0  }
0x6a: {  	[tilespmem:$0x1F460] =	vst v0  }
0x6b: {  	[tilespmem:$0x1F470] =	vst v0  }
0x6c: {  	[tilespmem:$0x1F480] =	vst v0  }
0x6d: {  	[tilespmem:$0x1F490] =	vst v0  }
0x6e: {  	[tilespmem:$0x1F4A0] =	vst v0  }
0x6f: {  	[tilespmem:$0x1F4B0] =	vst v0  }
0x70: {  	[tilespmem:$0x1F4C0] =	vst v0  }
0x71: {  	[tilespmem:$0x1F4D0] =	vst v0  }
0x72: {  	[tilespmem:$0x1F4E0] =	vst v0  }
0x73: {  	[tilespmem:$0x1F4F0] =	vst v0  }
0x74: {  	[tilespmem:$0x1F500] =	vst v0  }
0x75: {  	[tilespmem:$0x1F510] =	vst v0  }
0x76: {  	[tilespmem:$0x1F520] =	vst v0  }
0x77: {  	[tilespmem:$0x1F530] =	vst v0  }
0x78: {  	[tilespmem:$0x1F540] =	vst v0  }
0x79: {  	[tilespmem:$0x1F550] =	vst v0  }
0x7a: {  	[tilespmem:$0x1F560] =	vst v0  }
0x7b: {  	[tilespmem:$0x1F570] =	vst v0  }
0x7c: {  	[tilespmem:$0x1F580] =	vst v0  }
0x7d: {  	[tilespmem:$0x1F590] =	vst v0  }
0x7e: {  	s6 =	rddreg [dreg:$0xc];
	s20 =	simm.s32 $0x1F2A0;
	[tilespmem:$0x1F5A0] =	vst v0  }
0x7f: {  	[spmem:s6] =	stream.linear.scatter [tilespmem:s20], [sflag:$0x2], $0x310, $0x38;
	[tilespmem:$0x1F630] =	vst v63  }
0x80: {  	s23 =	rddreg [dreg:$0x13]  }
0x81: {  	[spmem:s23] =	stream.linear.scatter [tilespmem:s20], [sflag:$0x2], $0x310, $0x38;
	[tilespmem:$0x1F630] =	vst v63  }
0x82: {  	s26 =	rddreg [dreg:$0x14]  }
0x83: {  	[spmem:s26] =	stream.linear.scatter [tilespmem:s20], [sflag:$0x2], $0x310, $0x38;
	[tilespmem:$0x1F630] =	vst v63  }
0x84: {  	s22 =	rddreg [dreg:$0x15]  }
0x85: {  	[spmem:s22] =	stream.linear.scatter [tilespmem:s20], [sflag:$0x2], $0x310, $0x38;
	[tilespmem:$0x1F630] =	vst v63  }
0x86: {  	s23 =	rddreg [dreg:$0x16]  }
0x87: {  	[spmem:s23] =	stream.linear.scatter [tilespmem:s20], [sflag:$0x2], $0x310, $0x38;
	[tilespmem:$0x1F630] =	vst v63  }
0x88: {  	s26 =	rddreg [dreg:$0x17]  }
0x89: {  	[spmem:s26] =	stream.linear.scatter [tilespmem:s20], [sflag:$0x2], $0x310, $0x38;
	[tilespmem:$0x1F630] =	vst v63  }
0x8a: {  	s22 =	rddreg [dreg:$0x18]  }
0x8b: {  	[spmem:s22] =	stream.linear.scatter [tilespmem:s20], [sflag:$0x2], $0x310, $0x38;
	[tilespmem:$0x1F630] =	vst v63  }
0x8c: {  	s23 =	rddreg [dreg:$0x1b]  }
0x8d: {  	[spmem:s23] =	stream.linear.scatter [tilespmem:s20], [sflag:$0x2], $0x310, $0x38;
	[tilespmem:$0x1F630] =	vst v63  }
0x8e: {  	_ =	swait.ge [sflag:s28], $0x310  }
0x8f: {  	[sflag:s28] =	ssyncset.done $0x0  }
0x90: {  	[sflag:s28] =	ssyncadd.s32 $0xFFFFFCF0  }
0x91: {  	_ =	swait.ge [sflag:s28], $0x310  }
0x92: {  	[sflag:s28] =	ssyncset.done $0x0  }
0x93: {  	[sflag:s28] =	ssyncadd.s32 $0xFFFFFCF0  }
0x94: {  	_ =	swait.ge [sflag:s28], $0x310  }
0x95: {  	[sflag:s28] =	ssyncset.done $0x0  }
0x96: {  	[sflag:s28] =	ssyncadd.s32 $0xFFFFFCF0  }
0x97: {  	_ =	swait.ge [sflag:s28], $0x310  }
0x98: {  	[sflag:s28] =	ssyncset.done $0x0  }
0x99: {  	[sflag:s28] =	ssyncadd.s32 $0xFFFFFCF0  }
0x9a: {  	_ =	swait.ge [sflag:s28], $0x310  }
0x9b: {  	[sflag:s28] =	ssyncset.done $0x0  }
0x9c: {  	[sflag:s28] =	ssyncadd.s32 $0xFFFFFCF0  }
0x9d: {  	_ =	swait.ge [sflag:s28], $0x310  }
0x9e: {  	[sflag:s28] =	ssyncset.done $0x0  }
0x9f: {  	[sflag:s28] =	ssyncadd.s32 $0xFFFFFCF0  }
0xa0: {  	_ =	swait.ge [sflag:s28], $0x310  }
0xa1: {  	[sflag:s28] =	ssyncset.done $0x0  }
0xa2: {  	[sflag:s28] =	ssyncadd.s32 $0xFFFFFCF0  }
0xa3: {  	_ =	swait.ge [sflag:s28], $0x310  }
0xa4: {  	[sflag:s28] =	ssyncset.done $0x0  }
0xa5: {  	[sflag:s28] =	ssyncadd.s32 $0xFFFFFCF0  }
0xa6: {  	[tilespmem:$0x1F5B0] =	vst v1  }
0xa7: {  	[tilespmem:$0x1F5C0] =	vst v1  }
0xa8: {  	[tilespmem:$0x1F5D0] =	vst v1  }
0xa9: {  	[tilespmem:$0x1F5E0] =	vst v1  }
0xaa: {  	[tilespmem:$0x1F5F0] =	vst v1  }
0xab: {  	[tilespmem:$0x1F600] =	vst v1  }
0xac: {  	[tilespmem:$0x1F610] =	vst v1  }
0xad: {  	[tilespmem:$0x1F620] =	vst v1  }
0xae: {  	[bflag:$0x0] =	sbarrier.arrive $0xFFFF  }
0xaf: {  	s22 =	rddreg [dreg:$0x19]  }
0xb0: {  	[tilespmem:s29], [sflag:$0x1] =	stream.linear.gather [hbm4b:s22+s5], $0x400, $0x38;
	[tilespmem:$0x1F630] =	vst v63  }
0xb1: {  	s23 =	rddreg [dreg:$0x1a]  }
0xb2: {  	[tilespmem:s30], [sflag:$0x2] =	stream.linear.gather [hbm4b:s23+s5], $0x400, $0x38;
	[tilespmem:$0x1F630] =	vst v63  }
0xb3: {  	_ =	swait.ge [sflag:s24], $0x400  }
0xb4: {  	[sflag:s24] =	ssyncset.done $0x0  }
0xb5: {  	[sflag:s24] =	ssyncadd.s32 $0xFFFFFC00  }
0xb6: {  	_ =	swait.ge [sflag:s28], $0x400  }
0xb7: {  	[sflag:s28] =	ssyncset.done $0x0  }
0xb8: {  	[sflag:s28] =	ssyncadd.s32 $0xFFFFFC00  }
0xb9: {  	[tilespmem:s2], [sflag:$0x1] =	stream.indirect.gather [hbm4b:s1+s31], $0x10, s29, s31, $0xb8;
	[tilespmem:$0x1F630] =	vst v63  }
0xba: {  	s26 =	rddreg [dreg:$0x5]  }
0xbb: {  	[tilespmem:s8], [sflag:$0x1] =	stream.indirect.gather [hbm4b:s1+s31], $0x10, s26, s31, $0xb8;
	[tilespmem:$0x1F630] =	vst v63  }
0xbc: {  	s20 =	rddreg [dreg:$0x6]  }
0xbd: {  	[tilespmem:s9], [sflag:$0x1] =	stream.indirect.gather [hbm4b:s1+s31], $0x10, s20, s31, $0xb8;
	[tilespmem:$0x1F630] =	vst v63  }
0xbe: {  	s26 =	rddreg [dreg:$0x7]  }
0xbf: {  	[tilespmem:s0], [sflag:$0x1] =	stream.indirect.gather [hbm4b:s1+s31], $0x10, s26, s31, $0xb8;
	[tilespmem:$0x1F630] =	vst v63  }
0xc0: {  	s20 =	rddreg [dreg:$0x8]  }
0xc1: {  	[tilespmem:s10], [sflag:$0x2] =	stream.indirect.gather [hbm4b:s1+s31], $0x10, s20, s31, $0xb8;
	[tilespmem:$0x1F630] =	vst v63  }
0xc2: {  	s26 =	rddreg [dreg:$0x9]  }
0xc3: {  	[tilespmem:s11], [sflag:$0x2] =	stream.indirect.gather [hbm4b:s1+s31], $0x10, s26, s31, $0xb8;
	[tilespmem:$0x1F630] =	vst v63  }
0xc4: {  	s20 =	rddreg [dreg:$0xa]  }
0xc5: {  	[tilespmem:s12], [sflag:$0x2] =	stream.indirect.gather [hbm4b:s1+s31], $0x10, s20, s31, $0xb8;
	[tilespmem:$0x1F630] =	vst v63  }
0xc6: {  	s26 =	rddreg [dreg:$0xb]  }
0xc7: {  	[tilespmem:s13], [sflag:$0x2] =	stream.indirect.gather [hbm4b:s1+s31], $0x10, s26, s31, $0xb8;
	[tilespmem:$0x1F630] =	vst v63  }
0xc8: {  	_ =	swait.ge [sflag:s24], $0x800  }
0xc9: {  	[sflag:s24] =	ssyncset.done $0x0  }
0xca: {  	[sflag:s24] =	ssyncadd.s32 $0xFFFFF800  }
0xcb: {  	_ =	swait.ge [sflag:s24], $0x800  }
0xcc: {  	[sflag:s24] =	ssyncset.done $0x0  }
0xcd: {  	[sflag:s24] =	ssyncadd.s32 $0xFFFFF800  }
0xce: {  	_ =	swait.ge [sflag:s24], $0x800  }
0xcf: {  	[sflag:s24] =	ssyncset.done $0x0  }
0xd0: {  	[sflag:s24] =	ssyncadd.s32 $0xFFFFF800  }
0xd1: {  	_ =	swait.ge [sflag:s24], $0x800  }
0xd2: {  	[sflag:s24] =	ssyncset.done $0x0  }
0xd3: {  	[sflag:s24] =	ssyncadd.s32 $0xFFFFF800  }
0xd4: {  	[spmem:s3] =	stream.indirect.scatter.add.f32 [tilespmem:s2], [sflag:$0x3], $0x10, s30, s31, $0xb8;
	[tilespmem:$0x1F630] =	vst v63  }
0xd5: {  	_ = 	snop  }
0xd6: {  	[spmem:s4] =	stream.indirect.scatter.add.f32 [tilespmem:s14], [sflag:$0x3], $0x1, s30, s31, $0xb8;
	[tilespmem:$0x1F630] =	vst v63  }
0xd7: {  	_ = 	snop  }
0xd8: {  	[spmem:s3] =	stream.indirect.scatter.add.f32 [tilespmem:s8], [sflag:$0x3], $0x10, s15, s31, $0xb8;
	[tilespmem:$0x1F630] =	vst v63  }
0xd9: {  	_ = 	snop  }
0xda: {  	[spmem:s4] =	stream.indirect.scatter.add.f32 [tilespmem:s14], [sflag:$0x3], $0x1, s15, s31, $0xb8;
	[tilespmem:$0x1F630] =	vst v63  }
0xdb: {  	_ = 	snop  }
0xdc: {  	[spmem:s3] =	stream.indirect.scatter.add.f32 [tilespmem:s9], [sflag:$0x3], $0x10, s16, s31, $0xb8;
	[tilespmem:$0x1F630] =	vst v63  }
0xdd: {  	_ = 	snop  }
0xde: {  	[spmem:s4] =	stream.indirect.scatter.add.f32 [tilespmem:s14], [sflag:$0x3], $0x1, s16, s31, $0xb8;
	[tilespmem:$0x1F630] =	vst v63  }
0xdf: {  	_ = 	snop  }
0xe0: {  	[spmem:s3] =	stream.indirect.scatter.add.f32 [tilespmem:s0], [sflag:$0x3], $0x10, s17, s31, $0xb8;
	[tilespmem:$0x1F630] =	vst v63  }
0xe1: {  	_ = 	snop  }
0xe2: {  	[spmem:s4] =	stream.indirect.scatter.add.f32 [tilespmem:s14], [sflag:$0x3], $0x1, s17, s31, $0xb8;
	[tilespmem:$0x1F630] =	vst v63  }
0xe3: {  	_ =	swait.ge [sflag:s28], $0x800  }
0xe4: {  	[sflag:s28] =	ssyncset.done $0x0  }
0xe5: {  	[sflag:s28] =	ssyncadd.s32 $0xFFFFF800  }
0xe6: {  	_ =	swait.ge [sflag:s28], $0x800  }
0xe7: {  	[sflag:s28] =	ssyncset.done $0x0  }
0xe8: {  	[sflag:s28] =	ssyncadd.s32 $0xFFFFF800  }
0xe9: {  	_ =	swait.ge [sflag:s28], $0x800  }
0xea: {  	[sflag:s28] =	ssyncset.done $0x0  }
0xeb: {  	[sflag:s28] =	ssyncadd.s32 $0xFFFFF800  }
0xec: {  	_ =	swait.ge [sflag:s28], $0x800  }
0xed: {  	[sflag:s28] =	ssyncset.done $0x0  }
0xee: {  	[sflag:s28] =	ssyncadd.s32 $0xFFFFF800  }
0xef: {  	[spmem:s3] =	stream.indirect.scatter.add.f32 [tilespmem:s10], [sflag:$0x3], $0x10, s18, s31, $0xb8;
	[tilespmem:$0x1F630] =	vst v63  }
0xf0: {  	_ = 	snop  }
0xf1: {  	[spmem:s4] =	stream.indirect.scatter.add.f32 [tilespmem:s14], [sflag:$0x3], $0x1, s18, s31, $0xb8;
	[tilespmem:$0x1F630] =	vst v63  }
0xf2: {  	_ = 	snop  }
0xf3: {  	[spmem:s3] =	stream.indirect.scatter.add.f32 [tilespmem:s11], [sflag:$0x3], $0x10, s21, s31, $0xb8;
	[tilespmem:$0x1F630] =	vst v63  }
0xf4: {  	_ = 	snop  }
0xf5: {  	[spmem:s4] =	stream.indirect.scatter.add.f32 [tilespmem:s14], [sflag:$0x3], $0x1, s21, s31, $0xb8;
	[tilespmem:$0x1F630] =	vst v63  }
0xf6: {  	_ = 	snop  }
0xf7: {  	[spmem:s3] =	stream.indirect.scatter.add.f32 [tilespmem:s12], [sflag:$0x3], $0x10, s25, s31, $0xb8;
	[tilespmem:$0x1F630] =	vst v63  }
0xf8: {  	_ = 	snop  }
0xf9: {  	[spmem:s4] =	stream.indirect.scatter.add.f32 [tilespmem:s14], [sflag:$0x3], $0x1, s25, s31, $0xb8;
	[tilespmem:$0x1F630] =	vst v63  }
0xfa: {  	_ = 	snop  }
0xfb: {  	[spmem:s3] =	stream.indirect.scatter.add.f32 [tilespmem:s13], [sflag:$0x3], $0x10, s7, s31, $0xb8;
	[tilespmem:$0x1F630] =	vst v63  }
0xfc: {  	_ = 	snop  }
0xfd: {  	[spmem:s4] =	stream.indirect.scatter.add.f32 [tilespmem:s14], [sflag:$0x3], $0x1, s7, s31, $0xb8;
	[tilespmem:$0x1F630] =	vst v63  }
0xfe: {  	_ =	swait.ge [sflag:s19], $0x800  }
0xff: {  	[sflag:s19] =	ssyncset.done $0x0  }
0x100: {  	[sflag:s19] =	ssyncadd.s32 $0xFFFFF800  }
0x101: {  	_ =	swait.ge [sflag:s19], $0x80  }
0x102: {  	[sflag:s19] =	ssyncset.done $0x0  }
0x103: {  	[sflag:s19] =	ssyncadd.s32 $0xFFFFFF80  }
0x104: {  	_ =	swait.ge [sflag:s19], $0x800  }
0x105: {  	[sflag:s19] =	ssyncset.done $0x0  }
0x106: {  	[sflag:s19] =	ssyncadd.s32 $0xFFFFF800  }
0x107: {  	_ =	swait.ge [sflag:s19], $0x80  }
0x108: {  	[sflag:s19] =	ssyncset.done $0x0  }
0x109: {  	[sflag:s19] =	ssyncadd.s32 $0xFFFFFF80  }
0x10a: {  	_ =	swait.ge [sflag:s19], $0x800  }
0x10b: {  	[sflag:s19] =	ssyncset.done $0x0  }
0x10c: {  	[sflag:s19] =	ssyncadd.s32 $0xFFFFF800  }
0x10d: {  	_ =	swait.ge [sflag:s19], $0x80  }
0x10e: {  	[sflag:s19] =	ssyncset.done $0x0  }
0x10f: {  	[sflag:s19] =	ssyncadd.s32 $0xFFFFFF80  }
0x110: {  	_ =	swait.ge [sflag:s19], $0x800  }
0x111: {  	[sflag:s19] =	ssyncset.done $0x0  }
0x112: {  	[sflag:s19] =	ssyncadd.s32 $0xFFFFF800  }
0x113: {  	_ =	swait.ge [sflag:s19], $0x80  }
0x114: {  	[sflag:s19] =	ssyncset.done $0x0  }
0x115: {  	[sflag:s19] =	ssyncadd.s32 $0xFFFFFF80  }
0x116: {  	_ =	swait.ge [sflag:s19], $0x800  }
0x117: {  	[sflag:s19] =	ssyncset.done $0x0  }
0x118: {  	[sflag:s19] =	ssyncadd.s32 $0xFFFFF800  }
0x119: {  	_ =	swait.ge [sflag:s19], $0x80  }
0x11a: {  	[sflag:s19] =	ssyncset.done $0x0  }
0x11b: {  	[sflag:s19] =	ssyncadd.s32 $0xFFFFFF80  }
0x11c: {  	_ =	swait.ge [sflag:s19], $0x800  }
0x11d: {  	[sflag:s19] =	ssyncset.done $0x0  }
0x11e: {  	[sflag:s19] =	ssyncadd.s32 $0xFFFFF800  }
0x11f: {  	_ =	swait.ge [sflag:s19], $0x80  }
0x120: {  	[sflag:s19] =	ssyncset.done $0x0  }
0x121: {  	[sflag:s19] =	ssyncadd.s32 $0xFFFFFF80  }
0x122: {  	_ =	swait.ge [sflag:s19], $0x800  }
0x123: {  	[sflag:s19] =	ssyncset.done $0x0  }
0x124: {  	[sflag:s19] =	ssyncadd.s32 $0xFFFFF800  }
0x125: {  	_ =	swait.ge [sflag:s19], $0x80  }
0x126: {  	[sflag:s19] =	ssyncset.done $0x0  }
0x127: {  	[sflag:s19] =	ssyncadd.s32 $0xFFFFFF80  }
0x128: {  	_ =	swait.ge [sflag:s19], $0x800  }
0x129: {  	s26 =	rddreg [dreg:$0xd]  }
0x12a: {  	p1 =	sne.s32 s26, $0x1  }
.Ltmp5:
0x12b: {  	_ = 	snop;
	(pc) =	sbr.rel @!p1 .LBB2_9-.Ltmp5, $4  }
0x12c: {  	[sflag:s19] =	ssyncset.done $0x0  }
0x12d: {  	[sflag:s19] =	ssyncadd.s32 $0xFFFFF800  }
0x12e: {  	s6 =	smov.u32 s22;
	_ =	swait.ge [sflag:s19], $0x80  }
0x12f: {  	s20 =	smov.u32 s23;
	s26 =	sadd.s32 $0xFFFFFFFF, s26;
	[sflag:s19] =	ssyncset.done $0x0  }
.LBB2_8:
0x130: {  	[sflag:s19] =	ssyncadd.s32 $0xFFFFFF80;
	s6 =	sadd.s32 $0x1000, s6  }
0x131: {  	[tilespmem:s29], [sflag:$0x1] =	stream.linear.gather [hbm4b:s6+s5], $0x400, $0x38;
	[tilespmem:$0x1F630] =	vst v63  }
0x132: {  	s20 =	sadd.s32 $0x1000, s20  }
0x133: {  	[tilespmem:s30], [sflag:$0x2] =	stream.linear.gather [hbm4b:s20+s5], $0x400, $0x38;
	[tilespmem:$0x1F630] =	vst v63  }
0x134: {  	_ =	swait.ge [sflag:s24], $0x400  }
0x135: {  	[sflag:s24] =	ssyncset.done $0x0  }
0x136: {  	[sflag:s24] =	ssyncadd.s32 $0xFFFFFC00  }
0x137: {  	_ =	swait.ge [sflag:s28], $0x400  }
0x138: {  	[sflag:s28] =	ssyncset.done $0x0  }
0x139: {  	[sflag:s28] =	ssyncadd.s32 $0xFFFFFC00  }
0x13a: {  	[tilespmem:s2], [sflag:$0x1] =	stream.indirect.gather [hbm4b:s1+s31], $0x10, s29, s31, $0xb8;
	[tilespmem:$0x1F630] =	vst v63  }
0x13b: {  	s23 =	rddreg [dreg:$0x5]  }
0x13c: {  	[tilespmem:s8], [sflag:$0x1] =	stream.indirect.gather [hbm4b:s1+s31], $0x10, s23, s31, $0xb8;
	[tilespmem:$0x1F630] =	vst v63  }
0x13d: {  	s22 =	rddreg [dreg:$0x6]  }
0x13e: {  	[tilespmem:s9], [sflag:$0x1] =	stream.indirect.gather [hbm4b:s1+s31], $0x10, s22, s31, $0xb8;
	[tilespmem:$0x1F630] =	vst v63  }
0x13f: {  	s23 =	rddreg [dreg:$0x7]  }
0x140: {  	[tilespmem:s0], [sflag:$0x1] =	stream.indirect.gather [hbm4b:s1+s31], $0x10, s23, s31, $0xb8;
	[tilespmem:$0x1F630] =	vst v63  }
0x141: {  	s22 =	rddreg [dreg:$0x8]  }
0x142: {  	[tilespmem:s10], [sflag:$0x2] =	stream.indirect.gather [hbm4b:s1+s31], $0x10, s22, s31, $0xb8;
	[tilespmem:$0x1F630] =	vst v63  }
0x143: {  	s23 =	rddreg [dreg:$0x9]  }
0x144: {  	[tilespmem:s11], [sflag:$0x2] =	stream.indirect.gather [hbm4b:s1+s31], $0x10, s23, s31, $0xb8;
	[tilespmem:$0x1F630] =	vst v63  }
0x145: {  	s22 =	rddreg [dreg:$0xa]  }
0x146: {  	[tilespmem:s12], [sflag:$0x2] =	stream.indirect.gather [hbm4b:s1+s31], $0x10, s22, s31, $0xb8;
	[tilespmem:$0x1F630] =	vst v63  }
0x147: {  	s23 =	rddreg [dreg:$0xb]  }
0x148: {  	[tilespmem:s13], [sflag:$0x2] =	stream.indirect.gather [hbm4b:s1+s31], $0x10, s23, s31, $0xb8;
	[tilespmem:$0x1F630] =	vst v63  }
0x149: {  	_ =	swait.ge [sflag:s24], $0x800  }
0x14a: {  	[sflag:s24] =	ssyncset.done $0x0  }
0x14b: {  	[sflag:s24] =	ssyncadd.s32 $0xFFFFF800  }
0x14c: {  	_ =	swait.ge [sflag:s24], $0x800  }
0x14d: {  	[sflag:s24] =	ssyncset.done $0x0  }
0x14e: {  	[sflag:s24] =	ssyncadd.s32 $0xFFFFF800  }
0x14f: {  	_ =	swait.ge [sflag:s24], $0x800  }
0x150: {  	[sflag:s24] =	ssyncset.done $0x0  }
0x151: {  	[sflag:s24] =	ssyncadd.s32 $0xFFFFF800  }
0x152: {  	_ =	swait.ge [sflag:s24], $0x800  }
0x153: {  	[sflag:s24] =	ssyncset.done $0x0  }
0x154: {  	[sflag:s24] =	ssyncadd.s32 $0xFFFFF800  }
0x155: {  	[spmem:s3] =	stream.indirect.scatter.add.f32 [tilespmem:s2], [sflag:$0x3], $0x10, s30, s31, $0xb8;
	[tilespmem:$0x1F630] =	vst v63  }
0x156: {  	_ = 	snop  }
0x157: {  	[spmem:s4] =	stream.indirect.scatter.add.f32 [tilespmem:s14], [sflag:$0x3], $0x1, s30, s31, $0xb8;
	[tilespmem:$0x1F630] =	vst v63  }
0x158: {  	_ = 	snop  }
0x159: {  	[spmem:s3] =	stream.indirect.scatter.add.f32 [tilespmem:s8], [sflag:$0x3], $0x10, s15, s31, $0xb8;
	[tilespmem:$0x1F630] =	vst v63  }
0x15a: {  	_ = 	snop  }
0x15b: {  	[spmem:s4] =	stream.indirect.scatter.add.f32 [tilespmem:s14], [sflag:$0x3], $0x1, s15, s31, $0xb8;
	[tilespmem:$0x1F630] =	vst v63  }
0x15c: {  	_ = 	snop  }
0x15d: {  	[spmem:s3] =	stream.indirect.scatter.add.f32 [tilespmem:s9], [sflag:$0x3], $0x10, s16, s31, $0xb8;
	[tilespmem:$0x1F630] =	vst v63  }
0x15e: {  	_ = 	snop  }
0x15f: {  	[spmem:s4] =	stream.indirect.scatter.add.f32 [tilespmem:s14], [sflag:$0x3], $0x1, s16, s31, $0xb8;
	[tilespmem:$0x1F630] =	vst v63  }
0x160: {  	_ = 	snop  }
0x161: {  	[spmem:s3] =	stream.indirect.scatter.add.f32 [tilespmem:s0], [sflag:$0x3], $0x10, s17, s31, $0xb8;
	[tilespmem:$0x1F630] =	vst v63  }
0x162: {  	_ = 	snop  }
0x163: {  	[spmem:s4] =	stream.indirect.scatter.add.f32 [tilespmem:s14], [sflag:$0x3], $0x1, s17, s31, $0xb8;
	[tilespmem:$0x1F630] =	vst v63  }
0x164: {  	_ =	swait.ge [sflag:s28], $0x800  }
0x165: {  	[sflag:s28] =	ssyncset.done $0x0  }
0x166: {  	[sflag:s28] =	ssyncadd.s32 $0xFFFFF800  }
0x167: {  	_ =	swait.ge [sflag:s28], $0x800  }
0x168: {  	[sflag:s28] =	ssyncset.done $0x0  }
0x169: {  	[sflag:s28] =	ssyncadd.s32 $0xFFFFF800  }
0x16a: {  	_ =	swait.ge [sflag:s28], $0x800  }
0x16b: {  	[sflag:s28] =	ssyncset.done $0x0  }
0x16c: {  	[sflag:s28] =	ssyncadd.s32 $0xFFFFF800  }
0x16d: {  	_ =	swait.ge [sflag:s28], $0x800  }
0x16e: {  	[sflag:s28] =	ssyncset.done $0x0  }
0x16f: {  	[sflag:s28] =	ssyncadd.s32 $0xFFFFF800  }
0x170: {  	[spmem:s3] =	stream.indirect.scatter.add.f32 [tilespmem:s10], [sflag:$0x3], $0x10, s18, s31, $0xb8;
	[tilespmem:$0x1F630] =	vst v63  }
0x171: {  	_ = 	snop  }
0x172: {  	[spmem:s4] =	stream.indirect.scatter.add.f32 [tilespmem:s14], [sflag:$0x3], $0x1, s18, s31, $0xb8;
	[tilespmem:$0x1F630] =	vst v63  }
0x173: {  	_ = 	snop  }
0x174: {  	[spmem:s3] =	stream.indirect.scatter.add.f32 [tilespmem:s11], [sflag:$0x3], $0x10, s21, s31, $0xb8;
	[tilespmem:$0x1F630] =	vst v63  }
0x175: {  	_ = 	snop  }
0x176: {  	[spmem:s4] =	stream.indirect.scatter.add.f32 [tilespmem:s14], [sflag:$0x3], $0x1, s21, s31, $0xb8;
	[tilespmem:$0x1F630] =	vst v63  }
0x177: {  	_ = 	snop  }
0x178: {  	[spmem:s3] =	stream.indirect.scatter.add.f32 [tilespmem:s12], [sflag:$0x3], $0x10, s25, s31, $0xb8;
	[tilespmem:$0x1F630] =	vst v63  }
0x179: {  	_ = 	snop  }
0x17a: {  	[spmem:s4] =	stream.indirect.scatter.add.f32 [tilespmem:s14], [sflag:$0x3], $0x1, s25, s31, $0xb8;
	[tilespmem:$0x1F630] =	vst v63  }
0x17b: {  	_ = 	snop  }
0x17c: {  	[spmem:s3] =	stream.indirect.scatter.add.f32 [tilespmem:s13], [sflag:$0x3], $0x10, s7, s31, $0xb8;
	[tilespmem:$0x1F630] =	vst v63  }
0x17d: {  	_ = 	snop  }
0x17e: {  	[spmem:s4] =	stream.indirect.scatter.add.f32 [tilespmem:s14], [sflag:$0x3], $0x1, s7, s31, $0xb8;
	[tilespmem:$0x1F630] =	vst v63  }
0x17f: {  	_ =	swait.ge [sflag:s19], $0x800  }
0x180: {  	[sflag:s19] =	ssyncset.done $0x0  }
0x181: {  	[sflag:s19] =	ssyncadd.s32 $0xFFFFF800  }
0x182: {  	_ =	swait.ge [sflag:s19], $0x80  }
0x183: {  	[sflag:s19] =	ssyncset.done $0x0  }
0x184: {  	[sflag:s19] =	ssyncadd.s32 $0xFFFFFF80  }
0x185: {  	_ =	swait.ge [sflag:s19], $0x800  }
0x186: {  	[sflag:s19] =	ssyncset.done $0x0  }
0x187: {  	[sflag:s19] =	ssyncadd.s32 $0xFFFFF800  }
0x188: {  	_ =	swait.ge [sflag:s19], $0x80  }
0x189: {  	[sflag:s19] =	ssyncset.done $0x0  }
0x18a: {  	[sflag:s19] =	ssyncadd.s32 $0xFFFFFF80  }
0x18b: {  	_ =	swait.ge [sflag:s19], $0x800  }
0x18c: {  	[sflag:s19] =	ssyncset.done $0x0  }
0x18d: {  	[sflag:s19] =	ssyncadd.s32 $0xFFFFF800  }
0x18e: {  	_ =	swait.ge [sflag:s19], $0x80  }
0x18f: {  	[sflag:s19] =	ssyncset.done $0x0  }
0x190: {  	[sflag:s19] =	ssyncadd.s32 $0xFFFFFF80  }
0x191: {  	_ =	swait.ge [sflag:s19], $0x800  }
0x192: {  	[sflag:s19] =	ssyncset.done $0x0  }
0x193: {  	[sflag:s19] =	ssyncadd.s32 $0xFFFFF800  }
0x194: {  	_ =	swait.ge [sflag:s19], $0x80  }
0x195: {  	[sflag:s19] =	ssyncset.done $0x0  }
0x196: {  	[sflag:s19] =	ssyncadd.s32 $0xFFFFFF80  }
0x197: {  	_ =	swait.ge [sflag:s19], $0x800  }
0x198: {  	[sflag:s19] =	ssyncset.done $0x0  }
0x199: {  	[sflag:s19] =	ssyncadd.s32 $0xFFFFF800  }
0x19a: {  	_ =	swait.ge [sflag:s19], $0x80  }
0x19b: {  	[sflag:s19] =	ssyncset.done $0x0  }
0x19c: {  	[sflag:s19] =	ssyncadd.s32 $0xFFFFFF80  }
0x19d: {  	_ =	swait.ge [sflag:s19], $0x800  }
0x19e: {  	[sflag:s19] =	ssyncset.done $0x0  }
0x19f: {  	[sflag:s19] =	ssyncadd.s32 $0xFFFFF800  }
0x1a0: {  	_ =	swait.ge [sflag:s19], $0x80  }
0x1a1: {  	[sflag:s19] =	ssyncset.done $0x0  }
0x1a2: {  	[sflag:s19] =	ssyncadd.s32 $0xFFFFFF80  }
0x1a3: {  	_ =	swait.ge [sflag:s19], $0x800  }
0x1a4: {  	[sflag:s19] =	ssyncset.done $0x0  }
0x1a5: {  	[sflag:s19] =	ssyncadd.s32 $0xFFFFF800  }
0x1a6: {  	_ =	swait.ge [sflag:s19], $0x80  }
0x1a7: {  	[sflag:s19] =	ssyncset.done $0x0  }
0x1a8: {  	p1 =	sne.s32 s26, $0x1;
	[sflag:s19] =	ssyncadd.s32 $0xFFFFFF80  }
.Ltmp6:
0x1a9: {  	_ =	swait.ge [sflag:s19], $0x800;
	(pc) =	sbr.rel @p1 .LBB2_8-.Ltmp6, $4  }
0x1aa: {  	[sflag:s19] =	ssyncset.done $0x0  }
0x1ab: {  	[sflag:s19] =	ssyncadd.s32 $0xFFFFF800  }
0x1ac: {  	_ =	swait.ge [sflag:s19], $0x80  }
0x1ad: {  	s26 =	sadd.s32 $0xFFFFFFFF, s26;
	[sflag:s19] =	ssyncset.done $0x0  }
.LBB2_9:
.Ltmp7:
0x1ae: {  	(pc) =	sbr.rel @p0 .LBB2_11-.Ltmp7, $2  }
0x1af: {  	_ =	sdelay $0x2  }
0x1b0: {  	[sflag:s19] =	ssyncadd.s32 $0xFFFFFF80;
	s26 =	simm.s32 $0x1D400  }
0x1b1: {  	s6 =	rddreg [dreg:$0xe];
	s20 =	simm.s32 $0x19000;
	s22 =	simm.s32 $0x4  }
0x1b2: {  	[tilespmem:s20], [sflag:$0x4] =	stream.linear.gather [hbm4b:s6+s5], $0x200, $0x38;
	[tilespmem:$0x1F630] =	vst v63  }
0x1b3: {  	_ =	swait.ge [sflag:s22], $0x200  }
0x1b4: {  	[sflag:s22] =	ssyncset.done $0x0  }
0x1b5: {  	s23 =	simm.s32 $0x19200;
	s6 =	rddreg [dreg:$0xf];
	[sflag:s22] =	ssyncadd.s32 $0xFFFFFE00  }
0x1b6: {  	[tilespmem:s23], [sflag:$0x4] =	stream.linear.gather [hbm4b:s6+s5], $0x200, $0x38;
	[tilespmem:$0x1F630] =	vst v63  }
0x1b7: {  	_ =	swait.ge [sflag:s22], $0x200  }
0x1b8: {  	[sflag:s22] =	ssyncset.done $0x0  }
0x1b9: {  	[sflag:s22] =	ssyncadd.s32 $0xFFFFFE00  }
0x1ba: {  	[tilespmem:s2], [sflag:$0x1] =	stream.indirect.gather [hbm4b:s1+s31], $0x10, s20, s31, $0xb8;
	[tilespmem:$0x1F630] =	vst v63  }
0x1bb: {  	s20 =	simm.s32 $0x19080  }
0x1bc: {  	[tilespmem:s8], [sflag:$0x1] =	stream.indirect.gather [hbm4b:s1+s31], $0x10, s20, s31, $0xb8;
	[tilespmem:$0x1F630] =	vst v63  }
0x1bd: {  	s20 =	simm.s32 $0x19100  }
0x1be: {  	[tilespmem:s9], [sflag:$0x1] =	stream.indirect.gather [hbm4b:s1+s31], $0x10, s20, s31, $0xb8;
	[tilespmem:$0x1F630] =	vst v63  }
0x1bf: {  	s20 =	simm.s32 $0x19180  }
0x1c0: {  	[tilespmem:s0], [sflag:$0x1] =	stream.indirect.gather [hbm4b:s1+s31], $0x10, s20, s31, $0xb8;
	[tilespmem:$0x1F630] =	vst v63  }
0x1c1: {  	_ =	swait.ge [sflag:s24], $0x800  }
0x1c2: {  	[sflag:s24] =	ssyncset.done $0x0  }
0x1c3: {  	[sflag:s24] =	ssyncadd.s32 $0xFFFFF800  }
0x1c4: {  	_ =	swait.ge [sflag:s24], $0x800  }
0x1c5: {  	[sflag:s24] =	ssyncset.done $0x0  }
0x1c6: {  	[sflag:s24] =	ssyncadd.s32 $0xFFFFF800  }
0x1c7: {  	_ =	swait.ge [sflag:s24], $0x800  }
0x1c8: {  	[sflag:s24] =	ssyncset.done $0x0  }
0x1c9: {  	[sflag:s24] =	ssyncadd.s32 $0xFFFFF800  }
0x1ca: {  	_ =	swait.ge [sflag:s24], $0x800  }
0x1cb: {  	[sflag:s24] =	ssyncset.done $0x0  }
0x1cc: {  	s23 =	simm.s32 $0x19200;
	[sflag:s24] =	ssyncadd.s32 $0xFFFFF800  }
0x1cd: {  	[spmem:s3] =	stream.indirect.scatter.add.f32 [tilespmem:s2], [sflag:$0x4], $0x10, s23, s31, $0xb8;
	[tilespmem:$0x1F630] =	vst v63  }
0x1ce: {  	_ =	swait.ge [sflag:s22], $0x800  }
0x1cf: {  	[sflag:s22] =	ssyncset.done $0x0  }
0x1d0: {  	s23 =	simm.s32 $0x19280;
	[sflag:s22] =	ssyncadd.s32 $0xFFFFF800  }
0x1d1: {  	[spmem:s3] =	stream.indirect.scatter.add.f32 [tilespmem:s8], [sflag:$0x4], $0x10, s23, s31, $0xb8;
	[tilespmem:$0x1F630] =	vst v63  }
0x1d2: {  	_ =	swait.ge [sflag:s22], $0x800  }
0x1d3: {  	[sflag:s22] =	ssyncset.done $0x0  }
0x1d4: {  	s20 =	simm.s32 $0x19300;
	[sflag:s22] =	ssyncadd.s32 $0xFFFFF800  }
0x1d5: {  	[spmem:s3] =	stream.indirect.scatter.add.f32 [tilespmem:s9], [sflag:$0x4], $0x10, s20, s31, $0xb8;
	[tilespmem:$0x1F630] =	vst v63  }
0x1d6: {  	_ =	swait.ge [sflag:s22], $0x800  }
0x1d7: {  	[sflag:s22] =	ssyncset.done $0x0  }
0x1d8: {  	s23 =	simm.s32 $0x19380;
	[sflag:s22] =	ssyncadd.s32 $0xFFFFF800  }
0x1d9: {  	[spmem:s3] =	stream.indirect.scatter.add.f32 [tilespmem:s0], [sflag:$0x4], $0x10, s23, s31, $0xb8;
	[tilespmem:$0x1F630] =	vst v63  }
0x1da: {  	_ =	swait.ge [sflag:s22], $0x800  }
0x1db: {  	[sflag:s22] =	ssyncset.done $0x0  }
0x1dc: {  	s6 =	simm.s32 $0x19200;
	[sflag:s22] =	ssyncadd.s32 $0xFFFFF800  }
0x1dd: {  	[spmem:s4] =	stream.indirect.scatter.add.f32 [tilespmem:s14], [sflag:$0x4], $0x1, s6, s31, $0xb8;
	[tilespmem:$0x1F630] =	vst v63  }
0x1de: {  	_ =	swait.ge [sflag:s22], $0x80  }
0x1df: {  	[sflag:s22] =	ssyncset.done $0x0  }
0x1e0: {  	s6 =	simm.s32 $0x19280;
	[sflag:s22] =	ssyncadd.s32 $0xFFFFFF80  }
0x1e1: {  	[spmem:s4] =	stream.indirect.scatter.add.f32 [tilespmem:s14], [sflag:$0x4], $0x1, s6, s31, $0xb8;
	[tilespmem:$0x1F630] =	vst v63  }
0x1e2: {  	_ =	swait.ge [sflag:s22], $0x80  }
0x1e3: {  	[sflag:s22] =	ssyncset.done $0x0  }
0x1e4: {  	[sflag:s22] =	ssyncadd.s32 $0xFFFFFF80  }
0x1e5: {  	[spmem:s4] =	stream.indirect.scatter.add.f32 [tilespmem:s14], [sflag:$0x4], $0x1, s20, s31, $0xb8;
	[tilespmem:$0x1F630] =	vst v63  }
0x1e6: {  	_ =	swait.ge [sflag:s22], $0x80  }
0x1e7: {  	[sflag:s22] =	ssyncset.done $0x0  }
.Ltmp8:
0x1e8: {  	[sflag:s22] =	ssyncadd.s32 $0xFFFFFF80;
	(pc) =	sbr.rel .LBB2_11-.Ltmp8, $4  }
0x1e9: {  	[spmem:s4] =	stream.indirect.scatter.add.f32 [tilespmem:s14], [sflag:$0x4], $0x1, s23, s31, $0xb8;
	[tilespmem:$0x1F630] =	vst v63  }
0x1ea: {  	_ =	swait.ge [sflag:s22], $0x80  }
0x1eb: {  	[sflag:s22] =	ssyncset.done $0x0  }
0x1ec: {  	[sflag:s22] =	ssyncadd.s32 $0xFFFFFF80  }
.LBB2_12:
0x1ed: {  	_ =	sfence.sel $0x180000  }
0x1ee: {  	[bflag:$0x0] =	sbarrier.arrive $0xFFFF  }
0x1ef: {  	_ =	strace $0x90000047  }
0x1f0: {  	s0 =	stileid.u32;
	[bflag:$0x2] =	sbarrier.arrive $0xFFFF  }
0x1f1: {  	p0 =	sne.s32 s0, $0x0;
	s0 =	rddreg [dreg:$0x4]  }
0x1f2: {  	s0 =	sadd.s32 @!p0 $0x100000, s0  }
0x1f3: {  	[sflag:s0] =	ssyncadd.tile.s32 @!p0 $0x1;
	_ =	shalt  }
.Lfunc_end2:
_tile_overlayer_lowered:
.L_overlay_start_2:
0x1f4: {  	(tag) =	ssettag $0x2  }
0x1f5: {  	s0 =	rddreg [dreg:$0x0];
	s2 =	stileid.u32  }
0x1f6: {  	s1 =	rddreg [dreg:$0x1];
	p0 =	sne.s32 s2, $0x0  }
0x1f7: {  	s3 =	rddreg [dreg:$0x2];
	[bflag:$0x3] =	sbarrier.arrive $0xFFFF;
	s2 =	simm.s32 @!p0 $0x1C04  }
0x1f8: {  	[timem:s3], [sflag:s2] =	dma.local @!p0 [hbm:s0], s1  }
0x1f9: {  	s0 =	simm.s32 @!p0 $0x4  }
0x1fa: {  	_ =	swait.ge @!p0 [sflag:s0], s1  }
0x1fb: {  	s1 =	ssub.s32 @!p0 $0x0, s1;
	[sflag:s0] =	ssyncset.done @!p0 $0x0  }
0x1fc: {  	[sflag:s0] =	ssyncadd.s32 @!p0 s1  }
0x1fd: {  	[bflag:$0x3] =	sbarrier.arrive $0xFFFF  }
0x1fe: {  	_ =	shalt  }

</sc_bundles>
